<compile_context>
chip_gen: v7x
topology: tpu7x:2x2x1
jax: 0.10.2.dev20260603
libtpu: 0.0.44.dev20260713+nightly
codegen_flags: <defaults>
</compile_context>

<pallas_src>
import functools

import jax
import jax.numpy as jnp
from jax import lax
from jax.experimental import pallas as pl
from jax.experimental.pallas import tpu as pltpu
from jax.experimental.pallas import tpu_sc as plsc

N = 10000
E = 320000
D = 128

NC = 2
NS = 16
NW = NC * NS

BATCH = 128
NROWS = E // BATCH
NPAD = 10240
ROWS_PER_TILE = NPAD // NS
NB = 80
EPW = NB * BATCH
EPAD = EPW * NW

A_HI = 24
A_CUT = A_HI * 80
A_TAIL = A_CUT + (NW - A_HI) * 72

_MESH = plsc.VectorSubcoreMesh(
    core_axis_name="c", subcore_axis_name="s", num_cores=NC, num_subcores=NS
)


@functools.partial(
    pl.kernel,
    out_type=jax.ShapeDtypeStruct((NC, NPAD), jnp.float32),
    mesh=_MESH,
    scratch_types=[
        pltpu.VMEM((80, BATCH), jnp.int32),
        pltpu.VMEM((8, BATCH), jnp.int32),
        pltpu.VMEM((BATCH,), jnp.float32),
        pltpu.VMEM((ROWS_PER_TILE,), jnp.float32),
        pltpu.VMEM_SHARED((NPAD,), jnp.float32),
        pltpu.SemaphoreType.DMA,
    ],
)
def _sc_deg(ei_hbm, lv_hbm, deg_out_hbm, idx_v, lv_v, ones_v, degbuf_v,
            deg_sh, sem):
    cid = lax.axis_index("c")
    sid = lax.axis_index("s")
    wid = cid * NS + sid
    base = jnp.where(wid < A_HI, 80 * wid, 72 * wid + A_CUT - 72 * A_HI)

    for j in range(ROWS_PER_TILE // 16):
        degbuf_v[pl.ds(16 * j, 16)] = jnp.zeros((16,), jnp.float32)
    pltpu.sync_copy(degbuf_v, deg_sh.at[pl.ds(sid * ROWS_PER_TILE, ROWS_PER_TILE)])
    for j in range(BATCH // 16):
        ones_v[pl.ds(16 * j, 16)] = jnp.ones((16,), jnp.float32)
    pltpu.sync_copy(ei_hbm.at[1, pl.ds(base, 72)], idx_v.at[pl.ds(0, 72)])

    @pl.when(wid < A_HI)
    def _():
        pltpu.sync_copy(ei_hbm.at[1, pl.ds(base + 72, 8)], idx_v.at[pl.ds(72, 8)])

    @pl.when(wid < 8)
    def _():
        pltpu.sync_copy(lv_hbm.at[1], lv_v)

    plsc.subcore_barrier()

    fired = [
        pltpu.async_copy(ones_v, deg_sh.at[idx_v.at[i]], sem, add=True)
        for i in range(72)
    ]
    for d in fired:
        d.wait()

    @pl.when(wid < A_HI)
    def _():
        fired2 = [
            pltpu.async_copy(ones_v, deg_sh.at[idx_v.at[72 + i]], sem, add=True)
            for i in range(8)
        ]
        for d in fired2:
            d.wait()

    @pl.when(wid < 8)
    def _():
        pltpu.async_copy(ones_v, deg_sh.at[lv_v.at[wid]], sem, add=True).wait()

    plsc.subcore_barrier()

    r0 = sid * ROWS_PER_TILE
    pltpu.sync_copy(deg_sh.at[pl.ds(r0, ROWS_PER_TILE)], degbuf_v)
    pltpu.sync_copy(degbuf_v, deg_out_hbm.at[cid, pl.ds(r0, ROWS_PER_TILE)])


WIN = 40
NWIN = NB // WIN


@functools.partial(
    pl.kernel,
    out_type=jax.ShapeDtypeStruct((NC, NPAD, D), jnp.float32),
    mesh=_MESH,
    scratch_types=[
        pltpu.VMEM((WIN, BATCH), jnp.int32),
        pltpu.VMEM((WIN, BATCH), jnp.int32),
        pltpu.VMEM((BATCH, D), jnp.float32),
        pltpu.VMEM((BATCH, D), jnp.float32),
        pltpu.VMEM_SHARED((NPAD, D), jnp.float32),
        pltpu.SemaphoreType.DMA,
        pltpu.SemaphoreType.DMA,
        pltpu.SemaphoreType.DMA,
        pltpu.SemaphoreType.DMA,
    ],
)
def _sc_msg(g_hbm, ei_hbm, acc_out_hbm,
            src_v, dst_v, buf_a, buf_b, acc_sh, sem_a, sem_b, sem_sa, sem_sb):
    cid = lax.axis_index("c")
    sid = lax.axis_index("s")
    wid = cid * NS + sid

    @pl.when(cid == 0)
    def _():
        for k in range(ROWS_PER_TILE // BATCH):
            r0 = sid * ROWS_PER_TILE + k * BATCH
            pltpu.sync_copy(g_hbm.at[pl.ds(r0, BATCH)], buf_a)
            pltpu.sync_copy(buf_a, acc_sh.at[pl.ds(r0, BATCH)])

    @pl.when(cid == 1)
    def _():
        pltpu.sync_copy(g_hbm.at[pl.ds(NPAD - BATCH, BATCH)], buf_a)
        for k in range(ROWS_PER_TILE // BATCH):
            r0 = sid * ROWS_PER_TILE + k * BATCH
            pltpu.sync_copy(buf_a, acc_sh.at[pl.ds(r0, BATCH)])

    plsc.subcore_barrier()

    def issue(i, buf, sem):
        pltpu.async_copy(g_hbm.at[src_v.at[i]], buf, sem)

    def drain(i, buf, sem):
        pltpu.make_async_copy(g_hbm.at[src_v.at[i]], buf, sem).wait()

    def scatter(i, buf, sem):
        pltpu.async_copy(buf, acc_sh.at[dst_v.at[i]], sem, add=True).wait()

    for w in range(NWIN):
        pltpu.sync_copy(ei_hbm.at[0, wid, pl.ds(w * WIN, WIN)], src_v)
        pltpu.sync_copy(ei_hbm.at[1, wid, pl.ds(w * WIN, WIN)], dst_v)
        issue(0, buf_a, sem_a)

        def body(j, carry):
            i = 2 * j
            issue(i + 1, buf_b, sem_b)
            drain(i, buf_a, sem_a)
            scatter(i, buf_a, sem_sa)
            issue(i + 2, buf_a, sem_a)
            drain(i + 1, buf_b, sem_b)
            scatter(i + 1, buf_b, sem_sb)
            return carry

        lax.fori_loop(0, WIN // 2 - 1, body, 0)
        i = WIN - 2
        issue(i + 1, buf_b, sem_b)
        drain(i, buf_a, sem_a)
        scatter(i, buf_a, sem_sa)
        drain(i + 1, buf_b, sem_b)
        scatter(i + 1, buf_b, sem_sb)
    plsc.subcore_barrier()

    for k in range(ROWS_PER_TILE // BATCH):
        r0 = sid * ROWS_PER_TILE + k * BATCH
        pltpu.sync_copy(acc_sh.at[pl.ds(r0, BATCH)], buf_a)
        pltpu.sync_copy(buf_a, acc_out_hbm.at[cid, pl.ds(r0, BATCH)])


_RB = 1280


def _tc_g_body(x_ref, w_ref, deg_ref, g_ref):
    h = jnp.dot(x_ref[...], w_ref[...], preferred_element_type=jnp.float32)
    dis = lax.rsqrt(deg_ref[0, :] + deg_ref[1, :] + 1.0)
    g_ref[...] = h * dis[:, None]


def _tc_g(x_pad, w, deg2):
    return pl.pallas_call(
        _tc_g_body,
        grid=(NPAD // _RB,),
        in_specs=[
            pl.BlockSpec((_RB, D), lambda i: (i, 0)),
            pl.BlockSpec((D, D), lambda i: (0, 0)),
            pl.BlockSpec((NC, _RB), lambda i: (0, i)),
        ],
        out_specs=pl.BlockSpec((_RB, D), lambda i: (i, 0)),
        out_shape=jax.ShapeDtypeStruct((NPAD, D), jnp.float32),
    )(x_pad, w, deg2)


_OB = 2000


def _tc_out_body(a_ref, deg_ref, b_ref, o_ref):
    dis = lax.rsqrt(deg_ref[0, :, 0] + deg_ref[1, :, 0] + 1.0)
    s = a_ref[0] + a_ref[1]
    o_ref[...] = jnp.maximum(dis[:, None] * s + b_ref[...], 0.0)


def _tc_out(acc2, deg3, b2d):
    return pl.pallas_call(
        _tc_out_body,
        grid=(N // _OB,),
        in_specs=[
            pl.BlockSpec((NC, _OB, D), lambda i: (0, i, 0)),
            pl.BlockSpec((NC, _OB, 1), lambda i: (0, i, 0)),
            pl.BlockSpec((1, D), lambda i: (0, 0)),
        ],
        out_specs=pl.BlockSpec((_OB, D), lambda i: (i, 0)),
        out_shape=jax.ShapeDtypeStruct((N, D), jnp.float32),
    )(acc2, deg3, b2d)


def kernel(x, edge_index, W, b):
    ei32 = edge_index.astype(jnp.int32)
    ei3 = ei32.reshape(2, NROWS, BATCH)
    lv = jnp.concatenate(
        [ei3[:, A_TAIL:], jnp.full((2, 4, BATCH), N, jnp.int32)], axis=1
    )
    pad_idx = N + jnp.arange(EPAD - E, dtype=jnp.int32) % (NPAD - N)
    eip = jnp.concatenate(
        [ei32, jnp.broadcast_to(pad_idx, (2, EPAD - E))], axis=1
    ).reshape(2, NW, NB, BATCH)
    x_pad = jnp.zeros((NPAD, D), jnp.float32).at[:N].set(x)

    deg2 = _sc_deg(ei3, lv)
    g = _tc_g(x_pad, W, deg2)
    acc2 = _sc_msg(g, eip)
    return _tc_out(acc2, deg2.reshape(NC, NPAD, 1), b.reshape(1, D))

# --- scband reference (transcript-rebuilt; emitter-appended) ---
"""Pipeline reference for scband-gnn-6365141532848 (READ-ONLY COPY).

The authoritative reference and input builder live on the scoring server;
editing this copy changes nothing except your own understanding.
"""

import jax, jax.numpy as jnp
import numpy as np

N_NODES = 10000
N_EDGES = 320000
D_IN = 128
D_OUT = 128

def setup_inputs(seed: int = 0) -> dict:
    key = jax.random.key(seed)
    k1, k2, k3, k4 = jax.random.split(key, 4)
    x = jax.random.normal(k1, (N_NODES, D_IN), dtype=jnp.float32)
    edge_index = jax.random.randint(k2, (2, N_EDGES), 0, N_NODES, dtype=jnp.int64)
    # GCNConv linear weight (glorot-ish) and bias
    W = jax.random.normal(k3, (D_IN, D_OUT), dtype=jnp.float32) * (1.0 / np.sqrt(D_IN))
    b = jnp.zeros((D_OUT,), dtype=jnp.float32)
    return {"x": x, "edge_index": edge_index, "W": W, "b": b}

def reference(x, edge_index, W, b):
    # GCNConv with add_self_loops=True, symmetric normalization, then ReLU.
    # Dropout layers are identity in eval mode.
    N = x.shape[0]
    src = edge_index[0]
    dst = edge_index[1]
    loop = jnp.arange(N, dtype=edge_index.dtype)
    src = jnp.concatenate([src, loop], axis=0)
    dst = jnp.concatenate([dst, loop], axis=0)
    # degree computed on destination nodes (source_to_target flow)
    ones = jnp.ones(src.shape[0], dtype=x.dtype)
    deg = jnp.zeros((N,), dtype=x.dtype).at[dst].add(ones)
    deg_inv_sqrt = jnp.where(deg > 0, jax.lax.rsqrt(deg), 0.0)
    norm = deg_inv_sqrt[src] * deg_inv_sqrt[dst]
    h = x @ W  # linear transform first (PyG GCNConv order)
    msg = h[src] * norm[:, None]
    out = jnp.zeros((N, h.shape[1]), dtype=x.dtype).at[dst].add(msg)
    out = out + b
    out = jax.nn.relu(out)
    return out

if __name__ == "__main__":
    import jax
    _d = setup_inputs()
    print(jax.jit(kernel)(*tuple(_d.values())))

</pallas_src>

<mosaic_0001>
#map = affine_map<(d0, d1) -> (0, 0)>
#map1 = affine_map<(d0, d1) -> (0, 0, 0, 0)>
#map2 = affine_map<(d0, d1) -> (0, 0, 0)>
module attributes {stable_mosaic.version = 14 : i64} {
  func.func @_sc_msg(%arg0: i32, %arg1: i32, %arg2: memref<10240x128xf32, #tpu.memory_space<hbm>>, %arg3: memref<2x32x80x128xi32, #tpu.memory_space<hbm>>, %arg4: memref<2x10240x128xf32, #tpu.memory_space<hbm>>, %arg5: memref<40x128xi32, #tpu.memory_space<vmem>>, %arg6: memref<40x128xi32, #tpu.memory_space<vmem>>, %arg7: memref<128x128xf32, #tpu.memory_space<vmem>>, %arg8: memref<128x128xf32, #tpu.memory_space<vmem>>, %arg9: memref<10240x128xf32, #tpu.memory_space<vmem_shared>>, %arg10: memref<!tpu.dma_semaphore, #tpu.memory_space<semaphore_mem>>, %arg11: memref<!tpu.dma_semaphore, #tpu.memory_space<semaphore_mem>>, %arg12: memref<!tpu.dma_semaphore, #tpu.memory_space<semaphore_mem>>, %arg13: memref<!tpu.dma_semaphore, #tpu.memory_space<semaphore_mem>>) attributes {dimension_semantics = [#tpu.dimension_semantics<core_parallel>, #tpu.dimension_semantics<subcore_parallel>], iteration_bounds = array<i64: 2, 16>, scalar_prefetch = 0 : i64, scratch_operands = 9 : i64, tpu.core_type = #tpu.core_type<sc_vector_subcore>, window_params = [{transform_indices = #map}, {transform_indices = #map1}, {transform_indices = #map2}]} {
    %mul3A = arith.constant 16 : i32
    %mul3A_0 = arith.muli %arg0, %mul3A : i32
    %add3A = arith.addi %mul3A_0, %arg1 : i32
    %eq3A = arith.constant 0 : i32
    %eq3A_1 = arith.cmpi eq, %arg0, %eq3A : i32
    %convert_element_type3A = arith.extui %eq3A_1 : i1 to i32
    %cond3A = arith.constant 0 : i32
    %cond3A_2 = arith.cmpi ne, %convert_element_type3A, %cond3A : i32
    scf.if %cond3A_2 {
      %mul3A_153 = arith.constant 640 : i32
      %mul3A_154 = arith.muli %arg1, %mul3A_153 : i32
      %add3A_155 = arith.constant 0 : i32
      %add3A_156 = arith.addi %mul3A_154, %add3A_155 : i32
      "tpu.region"() ({
        %run_scoped3A_173 = tpu.sem_alloc : memref<!tpu.dma_semaphore, #tpu.memory_space<semaphore_mem>>
        %dma_start3A_174 = arith.constant 0 : i32
        %dma_start3A_175 = tpu.memref_slice %arg2[%add3A_156, %dma_start3A_174] : memref<10240x128xf32, #tpu.memory_space<hbm>> -> memref<128x128xf32, #tpu.memory_space<hbm>>
        %dma_start3A_176 = arith.constant 0 : i32
        %dma_start3A_177 = tpu.memref_slice %arg2[%add3A_156, %dma_start3A_176] : memref<10240x128xf32, #tpu.memory_space<hbm>> -> memref<128x128xf32, #tpu.memory_space<hbm>>
        tpu.enqueue_dma source(%dma_start3A_177 : memref<128x128xf32, #tpu.memory_space<hbm>>) target(%arg7 : memref<128x128xf32, #tpu.memory_space<vmem>>) target_semaphore(%run_scoped3A_173 : memref<!tpu.dma_semaphore, #tpu.memory_space<semaphore_mem>>)
        %dma_wait3A_178 = arith.constant 0 : i32
        %dma_wait3A_179 = tpu.memref_slice %arg2[%add3A_156, %dma_wait3A_178] : memref<10240x128xf32, #tpu.memory_space<hbm>> -> memref<128x128xf32, #tpu.memory_space<hbm>>
        %dma_wait3A_180 = arith.constant 0 : i32
        %dma_wait3A_181 = tpu.memref_slice %arg2[%add3A_156, %dma_wait3A_180] : memref<10240x128xf32, #tpu.memory_space<hbm>> -> memref<128x128xf32, #tpu.memory_space<hbm>>
        tpu.wait_dma2 semaphore(%run_scoped3A_173 : memref<!tpu.dma_semaphore, #tpu.memory_space<semaphore_mem>>) src(%dma_wait3A_181 : memref<128x128xf32, #tpu.memory_space<hbm>>) dst(%arg7 : memref<128x128xf32, #tpu.memory_space<vmem>>)
        tpu.yield
      }) : () -> ()
      "tpu.region"() ({
        %run_scoped3A_173 = tpu.sem_alloc : memref<!tpu.dma_semaphore, #tpu.memory_space<semaphore_mem>>
        %dma_start3A_174 = arith.constant 0 : i32
        %dma_start3A_175 = tpu.memref_slice %arg9[%add3A_156, %dma_start3A_174] : memref<10240x128xf32, #tpu.memory_space<vmem_shared>> -> memref<128x128xf32, #tpu.memory_space<vmem_shared>>
        %dma_start3A_176 = arith.constant 0 : i32
        %dma_start3A_177 = tpu.memref_slice %arg9[%add3A_156, %dma_start3A_176] : memref<10240x128xf32, #tpu.memory_space<vmem_shared>> -> memref<128x128xf32, #tpu.memory_space<vmem_shared>>
        tpu.enqueue_dma source(%arg7 : memref<128x128xf32, #tpu.memory_space<vmem>>) target(%dma_start3A_177 : memref<128x128xf32, #tpu.memory_space<vmem_shared>>) target_semaphore(%run_scoped3A_173 : memref<!tpu.dma_semaphore, #tpu.memory_space<semaphore_mem>>)
        %dma_wait3A_178 = arith.constant 0 : i32
        %dma_wait3A_179 = tpu.memref_slice %arg9[%add3A_156, %dma_wait3A_178] : memref<10240x128xf32, #tpu.memory_space<vmem_shared>> -> memref<128x128xf32, #tpu.memory_space<vmem_shared>>
        %dma_wait3A_180 = arith.constant 0 : i32
        %dma_wait3A_181 = tpu.memref_slice %arg9[%add3A_156, %dma_wait3A_180] : memref<10240x128xf32, #tpu.memory_space<vmem_shared>> -> memref<128x128xf32, #tpu.memory_space<vmem_shared>>
        tpu.wait_dma2 semaphore(%run_scoped3A_173 : memref<!tpu.dma_semaphore, #tpu.memory_space<semaphore_mem>>) src(%arg7 : memref<128x128xf32, #tpu.memory_space<vmem>>) dst(%dma_wait3A_181 : memref<128x128xf32, #tpu.memory_space<vmem_shared>>)
        tpu.yield
      }) : () -> ()
      %mul3A_157 = arith.constant 640 : i32
      %mul3A_158 = arith.muli %arg1, %mul3A_157 : i32
      %add3A_159 = arith.constant 128 : i32
      %add3A_160 = arith.addi %mul3A_158, %add3A_159 : i32
      "tpu.region"() ({
        %run_scoped3A_173 = tpu.sem_alloc : memref<!tpu.dma_semaphore, #tpu.memory_space<semaphore_mem>>
        %dma_start3A_174 = arith.constant 0 : i32
        %dma_start3A_175 = tpu.memref_slice %arg2[%add3A_160, %dma_start3A_174] : memref<10240x128xf32, #tpu.memory_space<hbm>> -> memref<128x128xf32, #tpu.memory_space<hbm>>
        %dma_start3A_176 = arith.constant 0 : i32
        %dma_start3A_177 = tpu.memref_slice %arg2[%add3A_160, %dma_start3A_176] : memref<10240x128xf32, #tpu.memory_space<hbm>> -> memref<128x128xf32, #tpu.memory_space<hbm>>
        tpu.enqueue_dma source(%dma_start3A_177 : memref<128x128xf32, #tpu.memory_space<hbm>>) target(%arg7 : memref<128x128xf32, #tpu.memory_space<vmem>>) target_semaphore(%run_scoped3A_173 : memref<!tpu.dma_semaphore, #tpu.memory_space<semaphore_mem>>)
        %dma_wait3A_178 = arith.constant 0 : i32
        %dma_wait3A_179 = tpu.memref_slice %arg2[%add3A_160, %dma_wait3A_178] : memref<10240x128xf32, #tpu.memory_space<hbm>> -> memref<128x128xf32, #tpu.memory_space<hbm>>
        %dma_wait3A_180 = arith.constant 0 : i32
        %dma_wait3A_181 = tpu.memref_slice %arg2[%add3A_160, %dma_wait3A_180] : memref<10240x128xf32, #tpu.memory_space<hbm>> -> memref<128x128xf32, #tpu.memory_space<hbm>>
        tpu.wait_dma2 semaphore(%run_scoped3A_173 : memref<!tpu.dma_semaphore, #tpu.memory_space<semaphore_mem>>) src(%dma_wait3A_181 : memref<128x128xf32, #tpu.memory_space<hbm>>) dst(%arg7 : memref<128x128xf32, #tpu.memory_space<vmem>>)
        tpu.yield
      }) : () -> ()
      "tpu.region"() ({
        %run_scoped3A_173 = tpu.sem_alloc : memref<!tpu.dma_semaphore, #tpu.memory_space<semaphore_mem>>
        %dma_start3A_174 = arith.constant 0 : i32
        %dma_start3A_175 = tpu.memref_slice %arg9[%add3A_160, %dma_start3A_174] : memref<10240x128xf32, #tpu.memory_space<vmem_shared>> -> memref<128x128xf32, #tpu.memory_space<vmem_shared>>
        %dma_start3A_176 = arith.constant 0 : i32
        %dma_start3A_177 = tpu.memref_slice %arg9[%add3A_160, %dma_start3A_176] : memref<10240x128xf32, #tpu.memory_space<vmem_shared>> -> memref<128x128xf32, #tpu.memory_space<vmem_shared>>
        tpu.enqueue_dma source(%arg7 : memref<128x128xf32, #tpu.memory_space<vmem>>) target(%dma_start3A_177 : memref<128x128xf32, #tpu.memory_space<vmem_shared>>) target_semaphore(%run_scoped3A_173 : memref<!tpu.dma_semaphore, #tpu.memory_space<semaphore_mem>>)
        %dma_wait3A_178 = arith.constant 0 : i32
        %dma_wait3A_179 = tpu.memref_slice %arg9[%add3A_160, %dma_wait3A_178] : memref<10240x128xf32, #tpu.memory_space<vmem_shared>> -> memref<128x128xf32, #tpu.memory_space<vmem_shared>>
        %dma_wait3A_180 = arith.constant 0 : i32
        %dma_wait3A_181 = tpu.memref_slice %arg9[%add3A_160, %dma_wait3A_180] : memref<10240x128xf32, #tpu.memory_space<vmem_shared>> -> memref<128x128xf32, #tpu.memory_space<vmem_shared>>
        tpu.wait_dma2 semaphore(%run_scoped3A_173 : memref<!tpu.dma_semaphore, #tpu.memory_space<semaphore_mem>>) src(%arg7 : memref<128x128xf32, #tpu.memory_space<vmem>>) dst(%dma_wait3A_181 : memref<128x128xf32, #tpu.memory_space<vmem_shared>>)
        tpu.yield
      }) : () -> ()
      %mul3A_161 = arith.constant 640 : i32
      %mul3A_162 = arith.muli %arg1, %mul3A_161 : i32
      %add3A_163 = arith.constant 256 : i32
      %add3A_164 = arith.addi %mul3A_162, %add3A_163 : i32
      "tpu.region"() ({
        %run_scoped3A_173 = tpu.sem_alloc : memref<!tpu.dma_semaphore, #tpu.memory_space<semaphore_mem>>
        %dma_start3A_174 = arith.constant 0 : i32
        %dma_start3A_175 = tpu.memref_slice %arg2[%add3A_164, %dma_start3A_174] : memref<10240x128xf32, #tpu.memory_space<hbm>> -> memref<128x128xf32, #tpu.memory_space<hbm>>
        %dma_start3A_176 = arith.constant 0 : i32
        %dma_start3A_177 = tpu.memref_slice %arg2[%add3A_164, %dma_start3A_176] : memref<10240x128xf32, #tpu.memory_space<hbm>> -> memref<128x128xf32, #tpu.memory_space<hbm>>
        tpu.enqueue_dma source(%dma_start3A_177 : memref<128x128xf32, #tpu.memory_space<hbm>>) target(%arg7 : memref<128x128xf32, #tpu.memory_space<vmem>>) target_semaphore(%run_scoped3A_173 : memref<!tpu.dma_semaphore, #tpu.memory_space<semaphore_mem>>)
        %dma_wait3A_178 = arith.constant 0 : i32
        %dma_wait3A_179 = tpu.memref_slice %arg2[%add3A_164, %dma_wait3A_178] : memref<10240x128xf32, #tpu.memory_space<hbm>> -> memref<128x128xf32, #tpu.memory_space<hbm>>
        %dma_wait3A_180 = arith.constant 0 : i32
        %dma_wait3A_181 = tpu.memref_slice %arg2[%add3A_164, %dma_wait3A_180] : memref<10240x128xf32, #tpu.memory_space<hbm>> -> memref<128x128xf32, #tpu.memory_space<hbm>>
        tpu.wait_dma2 semaphore(%run_scoped3A_173 : memref<!tpu.dma_semaphore, #tpu.memory_space<semaphore_mem>>) src(%dma_wait3A_181 : memref<128x128xf32, #tpu.memory_space<hbm>>) dst(%arg7 : memref<128x128xf32, #tpu.memory_space<vmem>>)
        tpu.yield
      }) : () -> ()
      "tpu.region"() ({
        %run_scoped3A_173 = tpu.sem_alloc : memref<!tpu.dma_semaphore, #tpu.memory_space<semaphore_mem>>
        %dma_start3A_174 = arith.constant 0 : i32
        %dma_start3A_175 = tpu.memref_slice %arg9[%add3A_164, %dma_start3A_174] : memref<10240x128xf32, #tpu.memory_space<vmem_shared>> -> memref<128x128xf32, #tpu.memory_space<vmem_shared>>
        %dma_start3A_176 = arith.constant 0 : i32
        %dma_start3A_177 = tpu.memref_slice %arg9[%add3A_164, %dma_start3A_176] : memref<10240x128xf32, #tpu.memory_space<vmem_shared>> -> memref<128x128xf32, #tpu.memory_space<vmem_shared>>
        tpu.enqueue_dma source(%arg7 : memref<128x128xf32, #tpu.memory_space<vmem>>) target(%dma_start3A_177 : memref<128x128xf32, #tpu.memory_space<vmem_shared>>) target_semaphore(%run_scoped3A_173 : memref<!tpu.dma_semaphore, #tpu.memory_space<semaphore_mem>>)
        %dma_wait3A_178 = arith.constant 0 : i32
        %dma_wait3A_179 = tpu.memref_slice %arg9[%add3A_164, %dma_wait3A_178] : memref<10240x128xf32, #tpu.memory_space<vmem_shared>> -> memref<128x128xf32, #tpu.memory_space<vmem_shared>>
        %dma_wait3A_180 = arith.constant 0 : i32
        %dma_wait3A_181 = tpu.memref_slice %arg9[%add3A_164, %dma_wait3A_180] : memref<10240x128xf32, #tpu.memory_space<vmem_shared>> -> memref<128x128xf32, #tpu.memory_space<vmem_shared>>
        tpu.wait_dma2 semaphore(%run_scoped3A_173 : memref<!tpu.dma_semaphore, #tpu.memory_space<semaphore_mem>>) src(%arg7 : memref<128x128xf32, #tpu.memory_space<vmem>>) dst(%dma_wait3A_181 : memref<128x128xf32, #tpu.memory_space<vmem_shared>>)
        tpu.yield
      }) : () -> ()
      %mul3A_165 = arith.constant 640 : i32
      %mul3A_166 = arith.muli %arg1, %mul3A_165 : i32
      %add3A_167 = arith.constant 384 : i32
      %add3A_168 = arith.addi %mul3A_166, %add3A_167 : i32
      "tpu.region"() ({
        %run_scoped3A_173 = tpu.sem_alloc : memref<!tpu.dma_semaphore, #tpu.memory_space<semaphore_mem>>
        %dma_start3A_174 = arith.constant 0 : i32
        %dma_start3A_175 = tpu.memref_slice %arg2[%add3A_168, %dma_start3A_174] : memref<10240x128xf32, #tpu.memory_space<hbm>> -> memref<128x128xf32, #tpu.memory_space<hbm>>
        %dma_start3A_176 = arith.constant 0 : i32
        %dma_start3A_177 = tpu.memref_slice %arg2[%add3A_168, %dma_start3A_176] : memref<10240x128xf32, #tpu.memory_space<hbm>> -> memref<128x128xf32, #tpu.memory_space<hbm>>
        tpu.enqueue_dma source(%dma_start3A_177 : memref<128x128xf32, #tpu.memory_space<hbm>>) target(%arg7 : memref<128x128xf32, #tpu.memory_space<vmem>>) target_semaphore(%run_scoped3A_173 : memref<!tpu.dma_semaphore, #tpu.memory_space<semaphore_mem>>)
        %dma_wait3A_178 = arith.constant 0 : i32
        %dma_wait3A_179 = tpu.memref_slice %arg2[%add3A_168, %dma_wait3A_178] : memref<10240x128xf32, #tpu.memory_space<hbm>> -> memref<128x128xf32, #tpu.memory_space<hbm>>
        %dma_wait3A_180 = arith.constant 0 : i32
        %dma_wait3A_181 = tpu.memref_slice %arg2[%add3A_168, %dma_wait3A_180] : memref<10240x128xf32, #tpu.memory_space<hbm>> -> memref<128x128xf32, #tpu.memory_space<hbm>>
        tpu.wait_dma2 semaphore(%run_scoped3A_173 : memref<!tpu.dma_semaphore, #tpu.memory_space<semaphore_mem>>) src(%dma_wait3A_181 : memref<128x128xf32, #tpu.memory_space<hbm>>) dst(%arg7 : memref<128x128xf32, #tpu.memory_space<vmem>>)
        tpu.yield
      }) : () -> ()
      "tpu.region"() ({
        %run_scoped3A_173 = tpu.sem_alloc : memref<!tpu.dma_semaphore, #tpu.memory_space<semaphore_mem>>
        %dma_start3A_174 = arith.constant 0 : i32
        %dma_start3A_175 = tpu.memref_slice %arg9[%add3A_168, %dma_start3A_174] : memref<10240x128xf32, #tpu.memory_space<vmem_shared>> -> memref<128x128xf32, #tpu.memory_space<vmem_shared>>
        %dma_start3A_176 = arith.constant 0 : i32
        %dma_start3A_177 = tpu.memref_slice %arg9[%add3A_168, %dma_start3A_176] : memref<10240x128xf32, #tpu.memory_space<vmem_shared>> -> memref<128x128xf32, #tpu.memory_space<vmem_shared>>
        tpu.enqueue_dma source(%arg7 : memref<128x128xf32, #tpu.memory_space<vmem>>) target(%dma_start3A_177 : memref<128x128xf32, #tpu.memory_space<vmem_shared>>) target_semaphore(%run_scoped3A_173 : memref<!tpu.dma_semaphore, #tpu.memory_space<semaphore_mem>>)
        %dma_wait3A_178 = arith.constant 0 : i32
        %dma_wait3A_179 = tpu.memref_slice %arg9[%add3A_168, %dma_wait3A_178] : memref<10240x128xf32, #tpu.memory_space<vmem_shared>> -> memref<128x128xf32, #tpu.memory_space<vmem_shared>>
        %dma_wait3A_180 = arith.constant 0 : i32
        %dma_wait3A_181 = tpu.memref_slice %arg9[%add3A_168, %dma_wait3A_180] : memref<10240x128xf32, #tpu.memory_space<vmem_shared>> -> memref<128x128xf32, #tpu.memory_space<vmem_shared>>
        tpu.wait_dma2 semaphore(%run_scoped3A_173 : memref<!tpu.dma_semaphore, #tpu.memory_space<semaphore_mem>>) src(%arg7 : memref<128x128xf32, #tpu.memory_space<vmem>>) dst(%dma_wait3A_181 : memref<128x128xf32, #tpu.memory_space<vmem_shared>>)
        tpu.yield
      }) : () -> ()
      %mul3A_169 = arith.constant 640 : i32
      %mul3A_170 = arith.muli %arg1, %mul3A_169 : i32
      %add3A_171 = arith.constant 512 : i32
      %add3A_172 = arith.addi %mul3A_170, %add3A_171 : i32
      "tpu.region"() ({
        %run_scoped3A_173 = tpu.sem_alloc : memref<!tpu.dma_semaphore, #tpu.memory_space<semaphore_mem>>
        %dma_start3A_174 = arith.constant 0 : i32
        %dma_start3A_175 = tpu.memref_slice %arg2[%add3A_172, %dma_start3A_174] : memref<10240x128xf32, #tpu.memory_space<hbm>> -> memref<128x128xf32, #tpu.memory_space<hbm>>
        %dma_start3A_176 = arith.constant 0 : i32
        %dma_start3A_177 = tpu.memref_slice %arg2[%add3A_172, %dma_start3A_176] : memref<10240x128xf32, #tpu.memory_space<hbm>> -> memref<128x128xf32, #tpu.memory_space<hbm>>
        tpu.enqueue_dma source(%dma_start3A_177 : memref<128x128xf32, #tpu.memory_space<hbm>>) target(%arg7 : memref<128x128xf32, #tpu.memory_space<vmem>>) target_semaphore(%run_scoped3A_173 : memref<!tpu.dma_semaphore, #tpu.memory_space<semaphore_mem>>)
        %dma_wait3A_178 = arith.constant 0 : i32
        %dma_wait3A_179 = tpu.memref_slice %arg2[%add3A_172, %dma_wait3A_178] : memref<10240x128xf32, #tpu.memory_space<hbm>> -> memref<128x128xf32, #tpu.memory_space<hbm>>
        %dma_wait3A_180 = arith.constant 0 : i32
        %dma_wait3A_181 = tpu.memref_slice %arg2[%add3A_172, %dma_wait3A_180] : memref<10240x128xf32, #tpu.memory_space<hbm>> -> memref<128x128xf32, #tpu.memory_space<hbm>>
        tpu.wait_dma2 semaphore(%run_scoped3A_173 : memref<!tpu.dma_semaphore, #tpu.memory_space<semaphore_mem>>) src(%dma_wait3A_181 : memref<128x128xf32, #tpu.memory_space<hbm>>) dst(%arg7 : memref<128x128xf32, #tpu.memory_space<vmem>>)
        tpu.yield
      }) : () -> ()
      "tpu.region"() ({
        %run_scoped3A_173 = tpu.sem_alloc : memref<!tpu.dma_semaphore, #tpu.memory_space<semaphore_mem>>
        %dma_start3A_174 = arith.constant 0 : i32
        %dma_start3A_175 = tpu.memref_slice %arg9[%add3A_172, %dma_start3A_174] : memref<10240x128xf32, #tpu.memory_space<vmem_shared>> -> memref<128x128xf32, #tpu.memory_space<vmem_shared>>
        %dma_start3A_176 = arith.constant 0 : i32
        %dma_start3A_177 = tpu.memref_slice %arg9[%add3A_172, %dma_start3A_176] : memref<10240x128xf32, #tpu.memory_space<vmem_shared>> -> memref<128x128xf32, #tpu.memory_space<vmem_shared>>
        tpu.enqueue_dma source(%arg7 : memref<128x128xf32, #tpu.memory_space<vmem>>) target(%dma_start3A_177 : memref<128x128xf32, #tpu.memory_space<vmem_shared>>) target_semaphore(%run_scoped3A_173 : memref<!tpu.dma_semaphore, #tpu.memory_space<semaphore_mem>>)
        %dma_wait3A_178 = arith.constant 0 : i32
        %dma_wait3A_179 = tpu.memref_slice %arg9[%add3A_172, %dma_wait3A_178] : memref<10240x128xf32, #tpu.memory_space<vmem_shared>> -> memref<128x128xf32, #tpu.memory_space<vmem_shared>>
        %dma_wait3A_180 = arith.constant 0 : i32
        %dma_wait3A_181 = tpu.memref_slice %arg9[%add3A_172, %dma_wait3A_180] : memref<10240x128xf32, #tpu.memory_space<vmem_shared>> -> memref<128x128xf32, #tpu.memory_space<vmem_shared>>
        tpu.wait_dma2 semaphore(%run_scoped3A_173 : memref<!tpu.dma_semaphore, #tpu.memory_space<semaphore_mem>>) src(%arg7 : memref<128x128xf32, #tpu.memory_space<vmem>>) dst(%dma_wait3A_181 : memref<128x128xf32, #tpu.memory_space<vmem_shared>>)
        tpu.yield
      }) : () -> ()
    } else {
    }
    %eq3A_3 = arith.constant 1 : i32
    %eq3A_4 = arith.cmpi eq, %arg0, %eq3A_3 : i32
    %convert_element_type3A_5 = arith.extui %eq3A_4 : i1 to i32
    %cond3A_6 = arith.constant 0 : i32
    %cond3A_7 = arith.cmpi ne, %convert_element_type3A_5, %cond3A_6 : i32
    scf.if %cond3A_7 {
      "tpu.region"() ({
        %run_scoped3A_173 = tpu.sem_alloc : memref<!tpu.dma_semaphore, #tpu.memory_space<semaphore_mem>>
        %dma_start3A_174 = arith.constant 10112 : i32
        %dma_start3A_175 = arith.constant 0 : i32
        %dma_start3A_176 = tpu.memref_slice %arg2[%dma_start3A_174, %dma_start3A_175] : memref<10240x128xf32, #tpu.memory_space<hbm>> -> memref<128x128xf32, #tpu.memory_space<hbm>>
        %dma_start3A_177 = arith.constant 10112 : i32
        %dma_start3A_178 = arith.constant 0 : i32
        %dma_start3A_179 = tpu.memref_slice %arg2[%dma_start3A_177, %dma_start3A_178] : memref<10240x128xf32, #tpu.memory_space<hbm>> -> memref<128x128xf32, #tpu.memory_space<hbm>>
        tpu.enqueue_dma source(%dma_start3A_179 : memref<128x128xf32, #tpu.memory_space<hbm>>) target(%arg7 : memref<128x128xf32, #tpu.memory_space<vmem>>) target_semaphore(%run_scoped3A_173 : memref<!tpu.dma_semaphore, #tpu.memory_space<semaphore_mem>>)
        %dma_wait3A_180 = arith.constant 10112 : i32
        %dma_wait3A_181 = arith.constant 0 : i32
        %dma_wait3A_182 = tpu.memref_slice %arg2[%dma_wait3A_180, %dma_wait3A_181] : memref<10240x128xf32, #tpu.memory_space<hbm>> -> memref<128x128xf32, #tpu.memory_space<hbm>>
        %dma_wait3A_183 = arith.constant 10112 : i32
        %dma_wait3A_184 = arith.constant 0 : i32
        %dma_wait3A_185 = tpu.memref_slice %arg2[%dma_wait3A_183, %dma_wait3A_184] : memref<10240x128xf32, #tpu.memory_space<hbm>> -> memref<128x128xf32, #tpu.memory_space<hbm>>
        tpu.wait_dma2 semaphore(%run_scoped3A_173 : memref<!tpu.dma_semaphore, #tpu.memory_space<semaphore_mem>>) src(%dma_wait3A_185 : memref<128x128xf32, #tpu.memory_space<hbm>>) dst(%arg7 : memref<128x128xf32, #tpu.memory_space<vmem>>)
        tpu.yield
      }) : () -> ()
      %mul3A_153 = arith.constant 640 : i32
      %mul3A_154 = arith.muli %arg1, %mul3A_153 : i32
      %add3A_155 = arith.constant 0 : i32
      %add3A_156 = arith.addi %mul3A_154, %add3A_155 : i32
      "tpu.region"() ({
        %run_scoped3A_173 = tpu.sem_alloc : memref<!tpu.dma_semaphore, #tpu.memory_space<semaphore_mem>>
        %dma_start3A_174 = arith.constant 0 : i32
        %dma_start3A_175 = tpu.memref_slice %arg9[%add3A_156, %dma_start3A_174] : memref<10240x128xf32, #tpu.memory_space<vmem_shared>> -> memref<128x128xf32, #tpu.memory_space<vmem_shared>>
        %dma_start3A_176 = arith.constant 0 : i32
        %dma_start3A_177 = tpu.memref_slice %arg9[%add3A_156, %dma_start3A_176] : memref<10240x128xf32, #tpu.memory_space<vmem_shared>> -> memref<128x128xf32, #tpu.memory_space<vmem_shared>>
        tpu.enqueue_dma source(%arg7 : memref<128x128xf32, #tpu.memory_space<vmem>>) target(%dma_start3A_177 : memref<128x128xf32, #tpu.memory_space<vmem_shared>>) target_semaphore(%run_scoped3A_173 : memref<!tpu.dma_semaphore, #tpu.memory_space<semaphore_mem>>)
        %dma_wait3A_178 = arith.constant 0 : i32
        %dma_wait3A_179 = tpu.memref_slice %arg9[%add3A_156, %dma_wait3A_178] : memref<10240x128xf32, #tpu.memory_space<vmem_shared>> -> memref<128x128xf32, #tpu.memory_space<vmem_shared>>
        %dma_wait3A_180 = arith.constant 0 : i32
        %dma_wait3A_181 = tpu.memref_slice %arg9[%add3A_156, %dma_wait3A_180] : memref<10240x128xf32, #tpu.memory_space<vmem_shared>> -> memref<128x128xf32, #tpu.memory_space<vmem_shared>>
        tpu.wait_dma2 semaphore(%run_scoped3A_173 : memref<!tpu.dma_semaphore, #tpu.memory_space<semaphore_mem>>) src(%arg7 : memref<128x128xf32, #tpu.memory_space<vmem>>) dst(%dma_wait3A_181 : memref<128x128xf32, #tpu.memory_space<vmem_shared>>)
        tpu.yield
      }) : () -> ()
      %mul3A_157 = arith.constant 640 : i32
      %mul3A_158 = arith.muli %arg1, %mul3A_157 : i32
      %add3A_159 = arith.constant 128 : i32
      %add3A_160 = arith.addi %mul3A_158, %add3A_159 : i32
      "tpu.region"() ({
        %run_scoped3A_173 = tpu.sem_alloc : memref<!tpu.dma_semaphore, #tpu.memory_space<semaphore_mem>>
        %dma_start3A_174 = arith.constant 0 : i32
        %dma_start3A_175 = tpu.memref_slice %arg9[%add3A_160, %dma_start3A_174] : memref<10240x128xf32, #tpu.memory_space<vmem_shared>> -> memref<128x128xf32, #tpu.memory_space<vmem_shared>>
        %dma_start3A_176 = arith.constant 0 : i32
        %dma_start3A_177 = tpu.memref_slice %arg9[%add3A_160, %dma_start3A_176] : memref<10240x128xf32, #tpu.memory_space<vmem_shared>> -> memref<128x128xf32, #tpu.memory_space<vmem_shared>>
        tpu.enqueue_dma source(%arg7 : memref<128x128xf32, #tpu.memory_space<vmem>>) target(%dma_start3A_177 : memref<128x128xf32, #tpu.memory_space<vmem_shared>>) target_semaphore(%run_scoped3A_173 : memref<!tpu.dma_semaphore, #tpu.memory_space<semaphore_mem>>)
        %dma_wait3A_178 = arith.constant 0 : i32
        %dma_wait3A_179 = tpu.memref_slice %arg9[%add3A_160, %dma_wait3A_178] : memref<10240x128xf32, #tpu.memory_space<vmem_shared>> -> memref<128x128xf32, #tpu.memory_space<vmem_shared>>
        %dma_wait3A_180 = arith.constant 0 : i32
        %dma_wait3A_181 = tpu.memref_slice %arg9[%add3A_160, %dma_wait3A_180] : memref<10240x128xf32, #tpu.memory_space<vmem_shared>> -> memref<128x128xf32, #tpu.memory_space<vmem_shared>>
        tpu.wait_dma2 semaphore(%run_scoped3A_173 : memref<!tpu.dma_semaphore, #tpu.memory_space<semaphore_mem>>) src(%arg7 : memref<128x128xf32, #tpu.memory_space<vmem>>) dst(%dma_wait3A_181 : memref<128x128xf32, #tpu.memory_space<vmem_shared>>)
        tpu.yield
      }) : () -> ()
      %mul3A_161 = arith.constant 640 : i32
      %mul3A_162 = arith.muli %arg1, %mul3A_161 : i32
      %add3A_163 = arith.constant 256 : i32
      %add3A_164 = arith.addi %mul3A_162, %add3A_163 : i32
      "tpu.region"() ({
        %run_scoped3A_173 = tpu.sem_alloc : memref<!tpu.dma_semaphore, #tpu.memory_space<semaphore_mem>>
        %dma_start3A_174 = arith.constant 0 : i32
        %dma_start3A_175 = tpu.memref_slice %arg9[%add3A_164, %dma_start3A_174] : memref<10240x128xf32, #tpu.memory_space<vmem_shared>> -> memref<128x128xf32, #tpu.memory_space<vmem_shared>>
        %dma_start3A_176 = arith.constant 0 : i32
        %dma_start3A_177 = tpu.memref_slice %arg9[%add3A_164, %dma_start3A_176] : memref<10240x128xf32, #tpu.memory_space<vmem_shared>> -> memref<128x128xf32, #tpu.memory_space<vmem_shared>>
        tpu.enqueue_dma source(%arg7 : memref<128x128xf32, #tpu.memory_space<vmem>>) target(%dma_start3A_177 : memref<128x128xf32, #tpu.memory_space<vmem_shared>>) target_semaphore(%run_scoped3A_173 : memref<!tpu.dma_semaphore, #tpu.memory_space<semaphore_mem>>)
        %dma_wait3A_178 = arith.constant 0 : i32
        %dma_wait3A_179 = tpu.memref_slice %arg9[%add3A_164, %dma_wait3A_178] : memref<10240x128xf32, #tpu.memory_space<vmem_shared>> -> memref<128x128xf32, #tpu.memory_space<vmem_shared>>
        %dma_wait3A_180 = arith.constant 0 : i32
        %dma_wait3A_181 = tpu.memref_slice %arg9[%add3A_164, %dma_wait3A_180] : memref<10240x128xf32, #tpu.memory_space<vmem_shared>> -> memref<128x128xf32, #tpu.memory_space<vmem_shared>>
        tpu.wait_dma2 semaphore(%run_scoped3A_173 : memref<!tpu.dma_semaphore, #tpu.memory_space<semaphore_mem>>) src(%arg7 : memref<128x128xf32, #tpu.memory_space<vmem>>) dst(%dma_wait3A_181 : memref<128x128xf32, #tpu.memory_space<vmem_shared>>)
        tpu.yield
      }) : () -> ()
      %mul3A_165 = arith.constant 640 : i32
      %mul3A_166 = arith.muli %arg1, %mul3A_165 : i32
      %add3A_167 = arith.constant 384 : i32
      %add3A_168 = arith.addi %mul3A_166, %add3A_167 : i32
      "tpu.region"() ({
        %run_scoped3A_173 = tpu.sem_alloc : memref<!tpu.dma_semaphore, #tpu.memory_space<semaphore_mem>>
        %dma_start3A_174 = arith.constant 0 : i32
        %dma_start3A_175 = tpu.memref_slice %arg9[%add3A_168, %dma_start3A_174] : memref<10240x128xf32, #tpu.memory_space<vmem_shared>> -> memref<128x128xf32, #tpu.memory_space<vmem_shared>>
        %dma_start3A_176 = arith.constant 0 : i32
        %dma_start3A_177 = tpu.memref_slice %arg9[%add3A_168, %dma_start3A_176] : memref<10240x128xf32, #tpu.memory_space<vmem_shared>> -> memref<128x128xf32, #tpu.memory_space<vmem_shared>>
        tpu.enqueue_dma source(%arg7 : memref<128x128xf32, #tpu.memory_space<vmem>>) target(%dma_start3A_177 : memref<128x128xf32, #tpu.memory_space<vmem_shared>>) target_semaphore(%run_scoped3A_173 : memref<!tpu.dma_semaphore, #tpu.memory_space<semaphore_mem>>)
        %dma_wait3A_178 = arith.constant 0 : i32
        %dma_wait3A_179 = tpu.memref_slice %arg9[%add3A_168, %dma_wait3A_178] : memref<10240x128xf32, #tpu.memory_space<vmem_shared>> -> memref<128x128xf32, #tpu.memory_space<vmem_shared>>
        %dma_wait3A_180 = arith.constant 0 : i32
        %dma_wait3A_181 = tpu.memref_slice %arg9[%add3A_168, %dma_wait3A_180] : memref<10240x128xf32, #tpu.memory_space<vmem_shared>> -> memref<128x128xf32, #tpu.memory_space<vmem_shared>>
        tpu.wait_dma2 semaphore(%run_scoped3A_173 : memref<!tpu.dma_semaphore, #tpu.memory_space<semaphore_mem>>) src(%arg7 : memref<128x128xf32, #tpu.memory_space<vmem>>) dst(%dma_wait3A_181 : memref<128x128xf32, #tpu.memory_space<vmem_shared>>)
        tpu.yield
      }) : () -> ()
      %mul3A_169 = arith.constant 640 : i32
      %mul3A_170 = arith.muli %arg1, %mul3A_169 : i32
      %add3A_171 = arith.constant 512 : i32
      %add3A_172 = arith.addi %mul3A_170, %add3A_171 : i32
      "tpu.region"() ({
        %run_scoped3A_173 = tpu.sem_alloc : memref<!tpu.dma_semaphore, #tpu.memory_space<semaphore_mem>>
        %dma_start3A_174 = arith.constant 0 : i32
        %dma_start3A_175 = tpu.memref_slice %arg9[%add3A_172, %dma_start3A_174] : memref<10240x128xf32, #tpu.memory_space<vmem_shared>> -> memref<128x128xf32, #tpu.memory_space<vmem_shared>>
        %dma_start3A_176 = arith.constant 0 : i32
        %dma_start3A_177 = tpu.memref_slice %arg9[%add3A_172, %dma_start3A_176] : memref<10240x128xf32, #tpu.memory_space<vmem_shared>> -> memref<128x128xf32, #tpu.memory_space<vmem_shared>>
        tpu.enqueue_dma source(%arg7 : memref<128x128xf32, #tpu.memory_space<vmem>>) target(%dma_start3A_177 : memref<128x128xf32, #tpu.memory_space<vmem_shared>>) target_semaphore(%run_scoped3A_173 : memref<!tpu.dma_semaphore, #tpu.memory_space<semaphore_mem>>)
        %dma_wait3A_178 = arith.constant 0 : i32
        %dma_wait3A_179 = tpu.memref_slice %arg9[%add3A_172, %dma_wait3A_178] : memref<10240x128xf32, #tpu.memory_space<vmem_shared>> -> memref<128x128xf32, #tpu.memory_space<vmem_shared>>
        %dma_wait3A_180 = arith.constant 0 : i32
        %dma_wait3A_181 = tpu.memref_slice %arg9[%add3A_172, %dma_wait3A_180] : memref<10240x128xf32, #tpu.memory_space<vmem_shared>> -> memref<128x128xf32, #tpu.memory_space<vmem_shared>>
        tpu.wait_dma2 semaphore(%run_scoped3A_173 : memref<!tpu.dma_semaphore, #tpu.memory_space<semaphore_mem>>) src(%arg7 : memref<128x128xf32, #tpu.memory_space<vmem>>) dst(%dma_wait3A_181 : memref<128x128xf32, #tpu.memory_space<vmem_shared>>)
        tpu.yield
      }) : () -> ()
    } else {
    }
    %barrier3A = arith.constant 0 : index
    tpu.barrier barrier_id(%barrier3A)
    %run_scoped3A = arith.constant 0 : i32
    "tpu.region"() ({
      %run_scoped3A_153 = tpu.sem_alloc : memref<!tpu.dma_semaphore, #tpu.memory_space<semaphore_mem>>
      %dma_start3A_154 = arith.constant 0 : i32
      %dma_start3A_155 = arith.constant 0 : i32
      %dma_start3A_156 = tpu.memref_slice %arg3[%run_scoped3A, %add3A, %dma_start3A_154, %dma_start3A_155] : memref<2x32x80x128xi32, #tpu.memory_space<hbm>> -> memref<1x1x40x128xi32, #tpu.memory_space<hbm>>
      %dma_start3A_157 = tpu.memref_squeeze %dma_start3A_156 : memref<1x1x40x128xi32, #tpu.memory_space<hbm>> -> memref<40x128xi32, #tpu.memory_space<hbm>>
      %dma_start3A_158 = arith.constant 0 : i32
      %dma_start3A_159 = arith.constant 0 : i32
      %dma_start3A_160 = tpu.memref_slice %arg3[%run_scoped3A, %add3A, %dma_start3A_158, %dma_start3A_159] : memref<2x32x80x128xi32, #tpu.memory_space<hbm>> -> memref<1x1x40x128xi32, #tpu.memory_space<hbm>>
      %dma_start3A_161 = tpu.memref_squeeze %dma_start3A_160 : memref<1x1x40x128xi32, #tpu.memory_space<hbm>> -> memref<40x128xi32, #tpu.memory_space<hbm>>
      tpu.enqueue_dma source(%dma_start3A_161 : memref<40x128xi32, #tpu.memory_space<hbm>>) target(%arg5 : memref<40x128xi32, #tpu.memory_space<vmem>>) target_semaphore(%run_scoped3A_153 : memref<!tpu.dma_semaphore, #tpu.memory_space<semaphore_mem>>)
      %dma_wait3A_162 = arith.constant 0 : i32
      %dma_wait3A_163 = arith.constant 0 : i32
      %dma_wait3A_164 = tpu.memref_slice %arg3[%run_scoped3A, %add3A, %dma_wait3A_162, %dma_wait3A_163] : memref<2x32x80x128xi32, #tpu.memory_space<hbm>> -> memref<1x1x40x128xi32, #tpu.memory_space<hbm>>
      %dma_wait3A_165 = tpu.memref_squeeze %dma_wait3A_164 : memref<1x1x40x128xi32, #tpu.memory_space<hbm>> -> memref<40x128xi32, #tpu.memory_space<hbm>>
      %dma_wait3A_166 = arith.constant 0 : i32
      %dma_wait3A_167 = arith.constant 0 : i32
      %dma_wait3A_168 = tpu.memref_slice %arg3[%run_scoped3A, %add3A, %dma_wait3A_166, %dma_wait3A_167] : memref<2x32x80x128xi32, #tpu.memory_space<hbm>> -> memref<1x1x40x128xi32, #tpu.memory_space<hbm>>
      %dma_wait3A_169 = tpu.memref_squeeze %dma_wait3A_168 : memref<1x1x40x128xi32, #tpu.memory_space<hbm>> -> memref<40x128xi32, #tpu.memory_space<hbm>>
      tpu.wait_dma2 semaphore(%run_scoped3A_153 : memref<!tpu.dma_semaphore, #tpu.memory_space<semaphore_mem>>) src(%dma_wait3A_169 : memref<40x128xi32, #tpu.memory_space<hbm>>) dst(%arg5 : memref<40x128xi32, #tpu.memory_space<vmem>>)
      tpu.yield
    }) : () -> ()
    %run_scoped3A_8 = arith.constant 1 : i32
    "tpu.region"() ({
      %run_scoped3A_153 = tpu.sem_alloc : memref<!tpu.dma_semaphore, #tpu.memory_space<semaphore_mem>>
      %dma_start3A_154 = arith.constant 0 : i32
      %dma_start3A_155 = arith.constant 0 : i32
      %dma_start3A_156 = tpu.memref_slice %arg3[%run_scoped3A_8, %add3A, %dma_start3A_154, %dma_start3A_155] : memref<2x32x80x128xi32, #tpu.memory_space<hbm>> -> memref<1x1x40x128xi32, #tpu.memory_space<hbm>>
      %dma_start3A_157 = tpu.memref_squeeze %dma_start3A_156 : memref<1x1x40x128xi32, #tpu.memory_space<hbm>> -> memref<40x128xi32, #tpu.memory_space<hbm>>
      %dma_start3A_158 = arith.constant 0 : i32
      %dma_start3A_159 = arith.constant 0 : i32
      %dma_start3A_160 = tpu.memref_slice %arg3[%run_scoped3A_8, %add3A, %dma_start3A_158, %dma_start3A_159] : memref<2x32x80x128xi32, #tpu.memory_space<hbm>> -> memref<1x1x40x128xi32, #tpu.memory_space<hbm>>
      %dma_start3A_161 = tpu.memref_squeeze %dma_start3A_160 : memref<1x1x40x128xi32, #tpu.memory_space<hbm>> -> memref<40x128xi32, #tpu.memory_space<hbm>>
      tpu.enqueue_dma source(%dma_start3A_161 : memref<40x128xi32, #tpu.memory_space<hbm>>) target(%arg6 : memref<40x128xi32, #tpu.memory_space<vmem>>) target_semaphore(%run_scoped3A_153 : memref<!tpu.dma_semaphore, #tpu.memory_space<semaphore_mem>>)
      %dma_wait3A_162 = arith.constant 0 : i32
      %dma_wait3A_163 = arith.constant 0 : i32
      %dma_wait3A_164 = tpu.memref_slice %arg3[%run_scoped3A_8, %add3A, %dma_wait3A_162, %dma_wait3A_163] : memref<2x32x80x128xi32, #tpu.memory_space<hbm>> -> memref<1x1x40x128xi32, #tpu.memory_space<hbm>>
      %dma_wait3A_165 = tpu.memref_squeeze %dma_wait3A_164 : memref<1x1x40x128xi32, #tpu.memory_space<hbm>> -> memref<40x128xi32, #tpu.memory_space<hbm>>
      %dma_wait3A_166 = arith.constant 0 : i32
      %dma_wait3A_167 = arith.constant 0 : i32
      %dma_wait3A_168 = tpu.memref_slice %arg3[%run_scoped3A_8, %add3A, %dma_wait3A_166, %dma_wait3A_167] : memref<2x32x80x128xi32, #tpu.memory_space<hbm>> -> memref<1x1x40x128xi32, #tpu.memory_space<hbm>>
      %dma_wait3A_169 = tpu.memref_squeeze %dma_wait3A_168 : memref<1x1x40x128xi32, #tpu.memory_space<hbm>> -> memref<40x128xi32, #tpu.memory_space<hbm>>
      tpu.wait_dma2 semaphore(%run_scoped3A_153 : memref<!tpu.dma_semaphore, #tpu.memory_space<semaphore_mem>>) src(%dma_wait3A_169 : memref<40x128xi32, #tpu.memory_space<hbm>>) dst(%arg6 : memref<40x128xi32, #tpu.memory_space<vmem>>)
      tpu.yield
    }) : () -> ()
    %dma_start3A = arith.constant 0 : i32
    %dma_start3A_9 = arith.constant 0 : i32
    %dma_start3A_10 = tpu.memref_slice %arg5[%dma_start3A, %dma_start3A_9] : memref<40x128xi32, #tpu.memory_space<vmem>> -> memref<1x128xi32, #tpu.memory_space<vmem>>
    %dma_start3A_11 = tpu.memref_squeeze %dma_start3A_10 : memref<1x128xi32, #tpu.memory_space<vmem>> -> memref<128xi32, #tpu.memory_space<vmem>>
    %dma_start3A_12 = arith.constant 0 : i32
    %dma_start3A_13 = arith.constant 0 : i32
    %dma_start3A_14 = tpu.memref_slice %arg2[%dma_start3A_12, %dma_start3A_13] : memref<10240x128xf32, #tpu.memory_space<hbm>> -> memref<10240x128xf32, #tpu.memory_space<hbm>>
    tpu.enqueue_indirect_dma source(%dma_start3A_14 : memref<10240x128xf32, #tpu.memory_space<hbm>>) target(%arg7 : memref<128x128xf32, #tpu.memory_space<vmem>>) offsets(%dma_start3A_11 : memref<128xi32, #tpu.memory_space<vmem>>) semaphore(%arg10 : memref<!tpu.dma_semaphore, #tpu.memory_space<semaphore_mem>>)
    %scan3A = arith.constant 0 : i32
    %scan3A_15 = arith.constant 0 : i32
    %scan3A_16 = arith.constant 19 : i32
    %scan3A_17 = arith.addi %scan3A_15, %scan3A_16 : i32
    %scan3A_18 = arith.constant 1 : i32
    scf.for %scan3A_153 = %scan3A_15 to %scan3A_17 step %scan3A_18  : i32 {
      %mul3A_154 = arith.constant 2 : i32
      %mul3A_155 = arith.muli %mul3A_154, %scan3A_153 : i32
      %add3A_156 = arith.constant 1 : i32
      %add3A_157 = arith.addi %mul3A_155, %add3A_156 : i32
      %dma_start3A_158 = arith.constant 0 : i32
      %dma_start3A_159 = tpu.memref_slice %arg5[%add3A_157, %dma_start3A_158] : memref<40x128xi32, #tpu.memory_space<vmem>> -> memref<1x128xi32, #tpu.memory_space<vmem>>
      %dma_start3A_160 = tpu.memref_squeeze %dma_start3A_159 : memref<1x128xi32, #tpu.memory_space<vmem>> -> memref<128xi32, #tpu.memory_space<vmem>>
      %dma_start3A_161 = arith.constant 0 : i32
      %dma_start3A_162 = arith.constant 0 : i32
      %dma_start3A_163 = tpu.memref_slice %arg2[%dma_start3A_161, %dma_start3A_162] : memref<10240x128xf32, #tpu.memory_space<hbm>> -> memref<10240x128xf32, #tpu.memory_space<hbm>>
      tpu.enqueue_indirect_dma source(%dma_start3A_163 : memref<10240x128xf32, #tpu.memory_space<hbm>>) target(%arg8 : memref<128x128xf32, #tpu.memory_space<vmem>>) offsets(%dma_start3A_160 : memref<128xi32, #tpu.memory_space<vmem>>) semaphore(%arg11 : memref<!tpu.dma_semaphore, #tpu.memory_space<semaphore_mem>>)
      %dma_wait3A_164 = arith.constant 0 : i32
      %dma_wait3A_165 = tpu.memref_slice %arg5[%mul3A_155, %dma_wait3A_164] : memref<40x128xi32, #tpu.memory_space<vmem>> -> memref<1x128xi32, #tpu.memory_space<vmem>>
      %dma_wait3A_166 = tpu.memref_squeeze %dma_wait3A_165 : memref<1x128xi32, #tpu.memory_space<vmem>> -> memref<128xi32, #tpu.memory_space<vmem>>
      %dma_wait3A_167 = arith.constant 0 : i32
      %dma_wait3A_168 = arith.constant 0 : i32
      %dma_wait3A_169 = tpu.memref_slice %arg2[%dma_wait3A_167, %dma_wait3A_168] : memref<10240x128xf32, #tpu.memory_space<hbm>> -> memref<10240x128xf32, #tpu.memory_space<hbm>>
      tpu.wait_indirect_dma semaphore(%arg10 : memref<!tpu.dma_semaphore, #tpu.memory_space<semaphore_mem>>) src(%dma_wait3A_169 : memref<10240x128xf32, #tpu.memory_space<hbm>>) dst(%arg7 : memref<128x128xf32, #tpu.memory_space<vmem>>)
      %dma_start3A_170 = arith.constant 0 : i32
      %dma_start3A_171 = tpu.memref_slice %arg6[%mul3A_155, %dma_start3A_170] : memref<40x128xi32, #tpu.memory_space<vmem>> -> memref<1x128xi32, #tpu.memory_space<vmem>>
      %dma_start3A_172 = tpu.memref_squeeze %dma_start3A_171 : memref<1x128xi32, #tpu.memory_space<vmem>> -> memref<128xi32, #tpu.memory_space<vmem>>
      %dma_start3A_173 = arith.constant 0 : i32
      %dma_start3A_174 = arith.constant 0 : i32
      %dma_start3A_175 = tpu.memref_slice %arg9[%dma_start3A_173, %dma_start3A_174] : memref<10240x128xf32, #tpu.memory_space<vmem_shared>> -> memref<10240x128xf32, #tpu.memory_space<vmem_shared>>
      tpu.enqueue_indirect_dma source(%arg7 : memref<128x128xf32, #tpu.memory_space<vmem>>) target(%dma_start3A_175 : memref<10240x128xf32, #tpu.memory_space<vmem_shared>>) offsets(%dma_start3A_172 : memref<128xi32, #tpu.memory_space<vmem>>) semaphore(%arg12 : memref<!tpu.dma_semaphore, #tpu.memory_space<semaphore_mem>>) {add = true}
      %dma_wait3A_176 = arith.constant 0 : i32
      %dma_wait3A_177 = tpu.memref_slice %arg6[%mul3A_155, %dma_wait3A_176] : memref<40x128xi32, #tpu.memory_space<vmem>> -> memref<1x128xi32, #tpu.memory_space<vmem>>
      %dma_wait3A_178 = tpu.memref_squeeze %dma_wait3A_177 : memref<1x128xi32, #tpu.memory_space<vmem>> -> memref<128xi32, #tpu.memory_space<vmem>>
      %dma_wait3A_179 = arith.constant 0 : i32
      %dma_wait3A_180 = arith.constant 0 : i32
      %dma_wait3A_181 = tpu.memref_slice %arg9[%dma_wait3A_179, %dma_wait3A_180] : memref<10240x128xf32, #tpu.memory_space<vmem_shared>> -> memref<10240x128xf32, #tpu.memory_space<vmem_shared>>
      tpu.wait_indirect_dma semaphore(%arg12 : memref<!tpu.dma_semaphore, #tpu.memory_space<semaphore_mem>>) src(%arg7 : memref<128x128xf32, #tpu.memory_space<vmem>>) dst(%dma_wait3A_181 : memref<10240x128xf32, #tpu.memory_space<vmem_shared>>)
      %add3A_182 = arith.constant 2 : i32
      %add3A_183 = arith.addi %mul3A_155, %add3A_182 : i32
      %dma_start3A_184 = arith.constant 0 : i32
      %dma_start3A_185 = tpu.memref_slice %arg5[%add3A_183, %dma_start3A_184] : memref<40x128xi32, #tpu.memory_space<vmem>> -> memref<1x128xi32, #tpu.memory_space<vmem>>
      %dma_start3A_186 = tpu.memref_squeeze %dma_start3A_185 : memref<1x128xi32, #tpu.memory_space<vmem>> -> memref<128xi32, #tpu.memory_space<vmem>>
      %dma_start3A_187 = arith.constant 0 : i32
      %dma_start3A_188 = arith.constant 0 : i32
      %dma_start3A_189 = tpu.memref_slice %arg2[%dma_start3A_187, %dma_start3A_188] : memref<10240x128xf32, #tpu.memory_space<hbm>> -> memref<10240x128xf32, #tpu.memory_space<hbm>>
      tpu.enqueue_indirect_dma source(%dma_start3A_189 : memref<10240x128xf32, #tpu.memory_space<hbm>>) target(%arg7 : memref<128x128xf32, #tpu.memory_space<vmem>>) offsets(%dma_start3A_186 : memref<128xi32, #tpu.memory_space<vmem>>) semaphore(%arg10 : memref<!tpu.dma_semaphore, #tpu.memory_space<semaphore_mem>>)
      %add3A_190 = arith.constant 1 : i32
      %add3A_191 = arith.addi %mul3A_155, %add3A_190 : i32
      %dma_wait3A_192 = arith.constant 0 : i32
      %dma_wait3A_193 = tpu.memref_slice %arg5[%add3A_191, %dma_wait3A_192] : memref<40x128xi32, #tpu.memory_space<vmem>> -> memref<1x128xi32, #tpu.memory_space<vmem>>
      %dma_wait3A_194 = tpu.memref_squeeze %dma_wait3A_193 : memref<1x128xi32, #tpu.memory_space<vmem>> -> memref<128xi32, #tpu.memory_space<vmem>>
      %dma_wait3A_195 = arith.constant 0 : i32
      %dma_wait3A_196 = arith.constant 0 : i32
      %dma_wait3A_197 = tpu.memref_slice %arg2[%dma_wait3A_195, %dma_wait3A_196] : memref<10240x128xf32, #tpu.memory_space<hbm>> -> memref<10240x128xf32, #tpu.memory_space<hbm>>
      tpu.wait_indirect_dma semaphore(%arg11 : memref<!tpu.dma_semaphore, #tpu.memory_space<semaphore_mem>>) src(%dma_wait3A_197 : memref<10240x128xf32, #tpu.memory_space<hbm>>) dst(%arg8 : memref<128x128xf32, #tpu.memory_space<vmem>>)
      %add3A_198 = arith.constant 1 : i32
      %add3A_199 = arith.addi %mul3A_155, %add3A_198 : i32
      %dma_start3A_200 = arith.constant 0 : i32
      %dma_start3A_201 = tpu.memref_slice %arg6[%add3A_199, %dma_start3A_200] : memref<40x128xi32, #tpu.memory_space<vmem>> -> memref<1x128xi32, #tpu.memory_space<vmem>>
      %dma_start3A_202 = tpu.memref_squeeze %dma_start3A_201 : memref<1x128xi32, #tpu.memory_space<vmem>> -> memref<128xi32, #tpu.memory_space<vmem>>
      %dma_start3A_203 = arith.constant 0 : i32
      %dma_start3A_204 = arith.constant 0 : i32
      %dma_start3A_205 = tpu.memref_slice %arg9[%dma_start3A_203, %dma_start3A_204] : memref<10240x128xf32, #tpu.memory_space<vmem_shared>> -> memref<10240x128xf32, #tpu.memory_space<vmem_shared>>
      tpu.enqueue_indirect_dma source(%arg8 : memref<128x128xf32, #tpu.memory_space<vmem>>) target(%dma_start3A_205 : memref<10240x128xf32, #tpu.memory_space<vmem_shared>>) offsets(%dma_start3A_202 : memref<128xi32, #tpu.memory_space<vmem>>) semaphore(%arg13 : memref<!tpu.dma_semaphore, #tpu.memory_space<semaphore_mem>>) {add = true}
      %dma_wait3A_206 = arith.constant 0 : i32
      %dma_wait3A_207 = tpu.memref_slice %arg6[%add3A_199, %dma_wait3A_206] : memref<40x128xi32, #tpu.memory_space<vmem>> -> memref<1x128xi32, #tpu.memory_space<vmem>>
      %dma_wait3A_208 = tpu.memref_squeeze %dma_wait3A_207 : memref<1x128xi32, #tpu.memory_space<vmem>> -> memref<128xi32, #tpu.memory_space<vmem>>
      %dma_wait3A_209 = arith.constant 0 : i32
      %dma_wait3A_210 = arith.constant 0 : i32
      %dma_wait3A_211 = tpu.memref_slice %arg9[%dma_wait3A_209, %dma_wait3A_210] : memref<10240x128xf32, #tpu.memory_space<vmem_shared>> -> memref<10240x128xf32, #tpu.memory_space<vmem_shared>>
      tpu.wait_indirect_dma semaphore(%arg13 : memref<!tpu.dma_semaphore, #tpu.memory_space<semaphore_mem>>) src(%arg8 : memref<128x128xf32, #tpu.memory_space<vmem>>) dst(%dma_wait3A_211 : memref<10240x128xf32, #tpu.memory_space<vmem_shared>>)
    }
    %scan3A_19 = arith.constant 19 : i32
    %dma_start3A_20 = arith.constant 39 : i32
    %dma_start3A_21 = arith.constant 0 : i32
    %dma_start3A_22 = tpu.memref_slice %arg5[%dma_start3A_20, %dma_start3A_21] : memref<40x128xi32, #tpu.memory_space<vmem>> -> memref<1x128xi32, #tpu.memory_space<vmem>>
    %dma_start3A_23 = tpu.memref_squeeze %dma_start3A_22 : memref<1x128xi32, #tpu.memory_space<vmem>> -> memref<128xi32, #tpu.memory_space<vmem>>
    %dma_start3A_24 = arith.constant 0 : i32
    %dma_start3A_25 = arith.constant 0 : i32
    %dma_start3A_26 = tpu.memref_slice %arg2[%dma_start3A_24, %dma_start3A_25] : memref<10240x128xf32, #tpu.memory_space<hbm>> -> memref<10240x128xf32, #tpu.memory_space<hbm>>
    tpu.enqueue_indirect_dma source(%dma_start3A_26 : memref<10240x128xf32, #tpu.memory_space<hbm>>) target(%arg8 : memref<128x128xf32, #tpu.memory_space<vmem>>) offsets(%dma_start3A_23 : memref<128xi32, #tpu.memory_space<vmem>>) semaphore(%arg11 : memref<!tpu.dma_semaphore, #tpu.memory_space<semaphore_mem>>)
    %dma_wait3A = arith.constant 38 : i32
    %dma_wait3A_27 = arith.constant 0 : i32
    %dma_wait3A_28 = tpu.memref_slice %arg5[%dma_wait3A, %dma_wait3A_27] : memref<40x128xi32, #tpu.memory_space<vmem>> -> memref<1x128xi32, #tpu.memory_space<vmem>>
    %dma_wait3A_29 = tpu.memref_squeeze %dma_wait3A_28 : memref<1x128xi32, #tpu.memory_space<vmem>> -> memref<128xi32, #tpu.memory_space<vmem>>
    %dma_wait3A_30 = arith.constant 0 : i32
    %dma_wait3A_31 = arith.constant 0 : i32
    %dma_wait3A_32 = tpu.memref_slice %arg2[%dma_wait3A_30, %dma_wait3A_31] : memref<10240x128xf32, #tpu.memory_space<hbm>> -> memref<10240x128xf32, #tpu.memory_space<hbm>>
    tpu.wait_indirect_dma semaphore(%arg10 : memref<!tpu.dma_semaphore, #tpu.memory_space<semaphore_mem>>) src(%dma_wait3A_32 : memref<10240x128xf32, #tpu.memory_space<hbm>>) dst(%arg7 : memref<128x128xf32, #tpu.memory_space<vmem>>)
    %dma_start3A_33 = arith.constant 38 : i32
    %dma_start3A_34 = arith.constant 0 : i32
    %dma_start3A_35 = tpu.memref_slice %arg6[%dma_start3A_33, %dma_start3A_34] : memref<40x128xi32, #tpu.memory_space<vmem>> -> memref<1x128xi32, #tpu.memory_space<vmem>>
    %dma_start3A_36 = tpu.memref_squeeze %dma_start3A_35 : memref<1x128xi32, #tpu.memory_space<vmem>> -> memref<128xi32, #tpu.memory_space<vmem>>
    %dma_start3A_37 = arith.constant 0 : i32
    %dma_start3A_38 = arith.constant 0 : i32
    %dma_start3A_39 = tpu.memref_slice %arg9[%dma_start3A_37, %dma_start3A_38] : memref<10240x128xf32, #tpu.memory_space<vmem_shared>> -> memref<10240x128xf32, #tpu.memory_space<vmem_shared>>
    tpu.enqueue_indirect_dma source(%arg7 : memref<128x128xf32, #tpu.memory_space<vmem>>) target(%dma_start3A_39 : memref<10240x128xf32, #tpu.memory_space<vmem_shared>>) offsets(%dma_start3A_36 : memref<128xi32, #tpu.memory_space<vmem>>) semaphore(%arg12 : memref<!tpu.dma_semaphore, #tpu.memory_space<semaphore_mem>>) {add = true}
    %dma_wait3A_40 = arith.constant 38 : i32
    %dma_wait3A_41 = arith.constant 0 : i32
    %dma_wait3A_42 = tpu.memref_slice %arg6[%dma_wait3A_40, %dma_wait3A_41] : memref<40x128xi32, #tpu.memory_space<vmem>> -> memref<1x128xi32, #tpu.memory_space<vmem>>
    %dma_wait3A_43 = tpu.memref_squeeze %dma_wait3A_42 : memref<1x128xi32, #tpu.memory_space<vmem>> -> memref<128xi32, #tpu.memory_space<vmem>>
    %dma_wait3A_44 = arith.constant 0 : i32
    %dma_wait3A_45 = arith.constant 0 : i32
    %dma_wait3A_46 = tpu.memref_slice %arg9[%dma_wait3A_44, %dma_wait3A_45] : memref<10240x128xf32, #tpu.memory_space<vmem_shared>> -> memref<10240x128xf32, #tpu.memory_space<vmem_shared>>
    tpu.wait_indirect_dma semaphore(%arg12 : memref<!tpu.dma_semaphore, #tpu.memory_space<semaphore_mem>>) src(%arg7 : memref<128x128xf32, #tpu.memory_space<vmem>>) dst(%dma_wait3A_46 : memref<10240x128xf32, #tpu.memory_space<vmem_shared>>)
    %dma_wait3A_47 = arith.constant 39 : i32
    %dma_wait3A_48 = arith.constant 0 : i32
    %dma_wait3A_49 = tpu.memref_slice %arg5[%dma_wait3A_47, %dma_wait3A_48] : memref<40x128xi32, #tpu.memory_space<vmem>> -> memref<1x128xi32, #tpu.memory_space<vmem>>
    %dma_wait3A_50 = tpu.memref_squeeze %dma_wait3A_49 : memref<1x128xi32, #tpu.memory_space<vmem>> -> memref<128xi32, #tpu.memory_space<vmem>>
    %dma_wait3A_51 = arith.constant 0 : i32
    %dma_wait3A_52 = arith.constant 0 : i32
    %dma_wait3A_53 = tpu.memref_slice %arg2[%dma_wait3A_51, %dma_wait3A_52] : memref<10240x128xf32, #tpu.memory_space<hbm>> -> memref<10240x128xf32, #tpu.memory_space<hbm>>
    tpu.wait_indirect_dma semaphore(%arg11 : memref<!tpu.dma_semaphore, #tpu.memory_space<semaphore_mem>>) src(%dma_wait3A_53 : memref<10240x128xf32, #tpu.memory_space<hbm>>) dst(%arg8 : memref<128x128xf32, #tpu.memory_space<vmem>>)
    %dma_start3A_54 = arith.constant 39 : i32
    %dma_start3A_55 = arith.constant 0 : i32
    %dma_start3A_56 = tpu.memref_slice %arg6[%dma_start3A_54, %dma_start3A_55] : memref<40x128xi32, #tpu.memory_space<vmem>> -> memref<1x128xi32, #tpu.memory_space<vmem>>
    %dma_start3A_57 = tpu.memref_squeeze %dma_start3A_56 : memref<1x128xi32, #tpu.memory_space<vmem>> -> memref<128xi32, #tpu.memory_space<vmem>>
    %dma_start3A_58 = arith.constant 0 : i32
    %dma_start3A_59 = arith.constant 0 : i32
    %dma_start3A_60 = tpu.memref_slice %arg9[%dma_start3A_58, %dma_start3A_59] : memref<10240x128xf32, #tpu.memory_space<vmem_shared>> -> memref<10240x128xf32, #tpu.memory_space<vmem_shared>>
    tpu.enqueue_indirect_dma source(%arg8 : memref<128x128xf32, #tpu.memory_space<vmem>>) target(%dma_start3A_60 : memref<10240x128xf32, #tpu.memory_space<vmem_shared>>) offsets(%dma_start3A_57 : memref<128xi32, #tpu.memory_space<vmem>>) semaphore(%arg13 : memref<!tpu.dma_semaphore, #tpu.memory_space<semaphore_mem>>) {add = true}
    %dma_wait3A_61 = arith.constant 39 : i32
    %dma_wait3A_62 = arith.constant 0 : i32
    %dma_wait3A_63 = tpu.memref_slice %arg6[%dma_wait3A_61, %dma_wait3A_62] : memref<40x128xi32, #tpu.memory_space<vmem>> -> memref<1x128xi32, #tpu.memory_space<vmem>>
    %dma_wait3A_64 = tpu.memref_squeeze %dma_wait3A_63 : memref<1x128xi32, #tpu.memory_space<vmem>> -> memref<128xi32, #tpu.memory_space<vmem>>
    %dma_wait3A_65 = arith.constant 0 : i32
    %dma_wait3A_66 = arith.constant 0 : i32
    %dma_wait3A_67 = tpu.memref_slice %arg9[%dma_wait3A_65, %dma_wait3A_66] : memref<10240x128xf32, #tpu.memory_space<vmem_shared>> -> memref<10240x128xf32, #tpu.memory_space<vmem_shared>>
    tpu.wait_indirect_dma semaphore(%arg13 : memref<!tpu.dma_semaphore, #tpu.memory_space<semaphore_mem>>) src(%arg8 : memref<128x128xf32, #tpu.memory_space<vmem>>) dst(%dma_wait3A_67 : memref<10240x128xf32, #tpu.memory_space<vmem_shared>>)
    %run_scoped3A_68 = arith.constant 0 : i32
    "tpu.region"() ({
      %run_scoped3A_153 = tpu.sem_alloc : memref<!tpu.dma_semaphore, #tpu.memory_space<semaphore_mem>>
      %dma_start3A_154 = arith.constant 40 : i32
      %dma_start3A_155 = arith.constant 0 : i32
      %dma_start3A_156 = tpu.memref_slice %arg3[%run_scoped3A_68, %add3A, %dma_start3A_154, %dma_start3A_155] : memref<2x32x80x128xi32, #tpu.memory_space<hbm>> -> memref<1x1x40x128xi32, #tpu.memory_space<hbm>>
      %dma_start3A_157 = tpu.memref_squeeze %dma_start3A_156 : memref<1x1x40x128xi32, #tpu.memory_space<hbm>> -> memref<40x128xi32, #tpu.memory_space<hbm>>
      %dma_start3A_158 = arith.constant 40 : i32
      %dma_start3A_159 = arith.constant 0 : i32
      %dma_start3A_160 = tpu.memref_slice %arg3[%run_scoped3A_68, %add3A, %dma_start3A_158, %dma_start3A_159] : memref<2x32x80x128xi32, #tpu.memory_space<hbm>> -> memref<1x1x40x128xi32, #tpu.memory_space<hbm>>
      %dma_start3A_161 = tpu.memref_squeeze %dma_start3A_160 : memref<1x1x40x128xi32, #tpu.memory_space<hbm>> -> memref<40x128xi32, #tpu.memory_space<hbm>>
      tpu.enqueue_dma source(%dma_start3A_161 : memref<40x128xi32, #tpu.memory_space<hbm>>) target(%arg5 : memref<40x128xi32, #tpu.memory_space<vmem>>) target_semaphore(%run_scoped3A_153 : memref<!tpu.dma_semaphore, #tpu.memory_space<semaphore_mem>>)
      %dma_wait3A_162 = arith.constant 40 : i32
      %dma_wait3A_163 = arith.constant 0 : i32
      %dma_wait3A_164 = tpu.memref_slice %arg3[%run_scoped3A_68, %add3A, %dma_wait3A_162, %dma_wait3A_163] : memref<2x32x80x128xi32, #tpu.memory_space<hbm>> -> memref<1x1x40x128xi32, #tpu.memory_space<hbm>>
      %dma_wait3A_165 = tpu.memref_squeeze %dma_wait3A_164 : memref<1x1x40x128xi32, #tpu.memory_space<hbm>> -> memref<40x128xi32, #tpu.memory_space<hbm>>
      %dma_wait3A_166 = arith.constant 40 : i32
      %dma_wait3A_167 = arith.constant 0 : i32
      %dma_wait3A_168 = tpu.memref_slice %arg3[%run_scoped3A_68, %add3A, %dma_wait3A_166, %dma_wait3A_167] : memref<2x32x80x128xi32, #tpu.memory_space<hbm>> -> memref<1x1x40x128xi32, #tpu.memory_space<hbm>>
      %dma_wait3A_169 = tpu.memref_squeeze %dma_wait3A_168 : memref<1x1x40x128xi32, #tpu.memory_space<hbm>> -> memref<40x128xi32, #tpu.memory_space<hbm>>
      tpu.wait_dma2 semaphore(%run_scoped3A_153 : memref<!tpu.dma_semaphore, #tpu.memory_space<semaphore_mem>>) src(%dma_wait3A_169 : memref<40x128xi32, #tpu.memory_space<hbm>>) dst(%arg5 : memref<40x128xi32, #tpu.memory_space<vmem>>)
      tpu.yield
    }) : () -> ()
    %run_scoped3A_69 = arith.constant 1 : i32
    "tpu.region"() ({
      %run_scoped3A_153 = tpu.sem_alloc : memref<!tpu.dma_semaphore, #tpu.memory_space<semaphore_mem>>
      %dma_start3A_154 = arith.constant 40 : i32
      %dma_start3A_155 = arith.constant 0 : i32
      %dma_start3A_156 = tpu.memref_slice %arg3[%run_scoped3A_69, %add3A, %dma_start3A_154, %dma_start3A_155] : memref<2x32x80x128xi32, #tpu.memory_space<hbm>> -> memref<1x1x40x128xi32, #tpu.memory_space<hbm>>
      %dma_start3A_157 = tpu.memref_squeeze %dma_start3A_156 : memref<1x1x40x128xi32, #tpu.memory_space<hbm>> -> memref<40x128xi32, #tpu.memory_space<hbm>>
      %dma_start3A_158 = arith.constant 40 : i32
      %dma_start3A_159 = arith.constant 0 : i32
      %dma_start3A_160 = tpu.memref_slice %arg3[%run_scoped3A_69, %add3A, %dma_start3A_158, %dma_start3A_159] : memref<2x32x80x128xi32, #tpu.memory_space<hbm>> -> memref<1x1x40x128xi32, #tpu.memory_space<hbm>>
      %dma_start3A_161 = tpu.memref_squeeze %dma_start3A_160 : memref<1x1x40x128xi32, #tpu.memory_space<hbm>> -> memref<40x128xi32, #tpu.memory_space<hbm>>
      tpu.enqueue_dma source(%dma_start3A_161 : memref<40x128xi32, #tpu.memory_space<hbm>>) target(%arg6 : memref<40x128xi32, #tpu.memory_space<vmem>>) target_semaphore(%run_scoped3A_153 : memref<!tpu.dma_semaphore, #tpu.memory_space<semaphore_mem>>)
      %dma_wait3A_162 = arith.constant 40 : i32
      %dma_wait3A_163 = arith.constant 0 : i32
      %dma_wait3A_164 = tpu.memref_slice %arg3[%run_scoped3A_69, %add3A, %dma_wait3A_162, %dma_wait3A_163] : memref<2x32x80x128xi32, #tpu.memory_space<hbm>> -> memref<1x1x40x128xi32, #tpu.memory_space<hbm>>
      %dma_wait3A_165 = tpu.memref_squeeze %dma_wait3A_164 : memref<1x1x40x128xi32, #tpu.memory_space<hbm>> -> memref<40x128xi32, #tpu.memory_space<hbm>>
      %dma_wait3A_166 = arith.constant 40 : i32
      %dma_wait3A_167 = arith.constant 0 : i32
      %dma_wait3A_168 = tpu.memref_slice %arg3[%run_scoped3A_69, %add3A, %dma_wait3A_166, %dma_wait3A_167] : memref<2x32x80x128xi32, #tpu.memory_space<hbm>> -> memref<1x1x40x128xi32, #tpu.memory_space<hbm>>
      %dma_wait3A_169 = tpu.memref_squeeze %dma_wait3A_168 : memref<1x1x40x128xi32, #tpu.memory_space<hbm>> -> memref<40x128xi32, #tpu.memory_space<hbm>>
      tpu.wait_dma2 semaphore(%run_scoped3A_153 : memref<!tpu.dma_semaphore, #tpu.memory_space<semaphore_mem>>) src(%dma_wait3A_169 : memref<40x128xi32, #tpu.memory_space<hbm>>) dst(%arg6 : memref<40x128xi32, #tpu.memory_space<vmem>>)
      tpu.yield
    }) : () -> ()
    %dma_start3A_70 = arith.constant 0 : i32
    %dma_start3A_71 = arith.constant 0 : i32
    %dma_start3A_72 = tpu.memref_slice %arg5[%dma_start3A_70, %dma_start3A_71] : memref<40x128xi32, #tpu.memory_space<vmem>> -> memref<1x128xi32, #tpu.memory_space<vmem>>
    %dma_start3A_73 = tpu.memref_squeeze %dma_start3A_72 : memref<1x128xi32, #tpu.memory_space<vmem>> -> memref<128xi32, #tpu.memory_space<vmem>>
    %dma_start3A_74 = arith.constant 0 : i32
    %dma_start3A_75 = arith.constant 0 : i32
    %dma_start3A_76 = tpu.memref_slice %arg2[%dma_start3A_74, %dma_start3A_75] : memref<10240x128xf32, #tpu.memory_space<hbm>> -> memref<10240x128xf32, #tpu.memory_space<hbm>>
    tpu.enqueue_indirect_dma source(%dma_start3A_76 : memref<10240x128xf32, #tpu.memory_space<hbm>>) target(%arg7 : memref<128x128xf32, #tpu.memory_space<vmem>>) offsets(%dma_start3A_73 : memref<128xi32, #tpu.memory_space<vmem>>) semaphore(%arg10 : memref<!tpu.dma_semaphore, #tpu.memory_space<semaphore_mem>>)
    %scan3A_77 = arith.constant 0 : i32
    %scan3A_78 = arith.constant 0 : i32
    %scan3A_79 = arith.constant 19 : i32
    %scan3A_80 = arith.addi %scan3A_78, %scan3A_79 : i32
    %scan3A_81 = arith.constant 1 : i32
    scf.for %scan3A_153 = %scan3A_78 to %scan3A_80 step %scan3A_81  : i32 {
      %mul3A_154 = arith.constant 2 : i32
      %mul3A_155 = arith.muli %mul3A_154, %scan3A_153 : i32
      %add3A_156 = arith.constant 1 : i32
      %add3A_157 = arith.addi %mul3A_155, %add3A_156 : i32
      %dma_start3A_158 = arith.constant 0 : i32
      %dma_start3A_159 = tpu.memref_slice %arg5[%add3A_157, %dma_start3A_158] : memref<40x128xi32, #tpu.memory_space<vmem>> -> memref<1x128xi32, #tpu.memory_space<vmem>>
      %dma_start3A_160 = tpu.memref_squeeze %dma_start3A_159 : memref<1x128xi32, #tpu.memory_space<vmem>> -> memref<128xi32, #tpu.memory_space<vmem>>
      %dma_start3A_161 = arith.constant 0 : i32
      %dma_start3A_162 = arith.constant 0 : i32
      %dma_start3A_163 = tpu.memref_slice %arg2[%dma_start3A_161, %dma_start3A_162] : memref<10240x128xf32, #tpu.memory_space<hbm>> -> memref<10240x128xf32, #tpu.memory_space<hbm>>
      tpu.enqueue_indirect_dma source(%dma_start3A_163 : memref<10240x128xf32, #tpu.memory_space<hbm>>) target(%arg8 : memref<128x128xf32, #tpu.memory_space<vmem>>) offsets(%dma_start3A_160 : memref<128xi32, #tpu.memory_space<vmem>>) semaphore(%arg11 : memref<!tpu.dma_semaphore, #tpu.memory_space<semaphore_mem>>)
      %dma_wait3A_164 = arith.constant 0 : i32
      %dma_wait3A_165 = tpu.memref_slice %arg5[%mul3A_155, %dma_wait3A_164] : memref<40x128xi32, #tpu.memory_space<vmem>> -> memref<1x128xi32, #tpu.memory_space<vmem>>
      %dma_wait3A_166 = tpu.memref_squeeze %dma_wait3A_165 : memref<1x128xi32, #tpu.memory_space<vmem>> -> memref<128xi32, #tpu.memory_space<vmem>>
      %dma_wait3A_167 = arith.constant 0 : i32
      %dma_wait3A_168 = arith.constant 0 : i32
      %dma_wait3A_169 = tpu.memref_slice %arg2[%dma_wait3A_167, %dma_wait3A_168] : memref<10240x128xf32, #tpu.memory_space<hbm>> -> memref<10240x128xf32, #tpu.memory_space<hbm>>
      tpu.wait_indirect_dma semaphore(%arg10 : memref<!tpu.dma_semaphore, #tpu.memory_space<semaphore_mem>>) src(%dma_wait3A_169 : memref<10240x128xf32, #tpu.memory_space<hbm>>) dst(%arg7 : memref<128x128xf32, #tpu.memory_space<vmem>>)
      %dma_start3A_170 = arith.constant 0 : i32
      %dma_start3A_171 = tpu.memref_slice %arg6[%mul3A_155, %dma_start3A_170] : memref<40x128xi32, #tpu.memory_space<vmem>> -> memref<1x128xi32, #tpu.memory_space<vmem>>
      %dma_start3A_172 = tpu.memref_squeeze %dma_start3A_171 : memref<1x128xi32, #tpu.memory_space<vmem>> -> memref<128xi32, #tpu.memory_space<vmem>>
      %dma_start3A_173 = arith.constant 0 : i32
      %dma_start3A_174 = arith.constant 0 : i32
      %dma_start3A_175 = tpu.memref_slice %arg9[%dma_start3A_173, %dma_start3A_174] : memref<10240x128xf32, #tpu.memory_space<vmem_shared>> -> memref<10240x128xf32, #tpu.memory_space<vmem_shared>>
      tpu.enqueue_indirect_dma source(%arg7 : memref<128x128xf32, #tpu.memory_space<vmem>>) target(%dma_start3A_175 : memref<10240x128xf32, #tpu.memory_space<vmem_shared>>) offsets(%dma_start3A_172 : memref<128xi32, #tpu.memory_space<vmem>>) semaphore(%arg12 : memref<!tpu.dma_semaphore, #tpu.memory_space<semaphore_mem>>) {add = true}
      %dma_wait3A_176 = arith.constant 0 : i32
      %dma_wait3A_177 = tpu.memref_slice %arg6[%mul3A_155, %dma_wait3A_176] : memref<40x128xi32, #tpu.memory_space<vmem>> -> memref<1x128xi32, #tpu.memory_space<vmem>>
      %dma_wait3A_178 = tpu.memref_squeeze %dma_wait3A_177 : memref<1x128xi32, #tpu.memory_space<vmem>> -> memref<128xi32, #tpu.memory_space<vmem>>
      %dma_wait3A_179 = arith.constant 0 : i32
      %dma_wait3A_180 = arith.constant 0 : i32
      %dma_wait3A_181 = tpu.memref_slice %arg9[%dma_wait3A_179, %dma_wait3A_180] : memref<10240x128xf32, #tpu.memory_space<vmem_shared>> -> memref<10240x128xf32, #tpu.memory_space<vmem_shared>>
      tpu.wait_indirect_dma semaphore(%arg12 : memref<!tpu.dma_semaphore, #tpu.memory_space<semaphore_mem>>) src(%arg7 : memref<128x128xf32, #tpu.memory_space<vmem>>) dst(%dma_wait3A_181 : memref<10240x128xf32, #tpu.memory_space<vmem_shared>>)
      %add3A_182 = arith.constant 2 : i32
      %add3A_183 = arith.addi %mul3A_155, %add3A_182 : i32
      %dma_start3A_184 = arith.constant 0 : i32
      %dma_start3A_185 = tpu.memref_slice %arg5[%add3A_183, %dma_start3A_184] : memref<40x128xi32, #tpu.memory_space<vmem>> -> memref<1x128xi32, #tpu.memory_space<vmem>>
      %dma_start3A_186 = tpu.memref_squeeze %dma_start3A_185 : memref<1x128xi32, #tpu.memory_space<vmem>> -> memref<128xi32, #tpu.memory_space<vmem>>
      %dma_start3A_187 = arith.constant 0 : i32
      %dma_start3A_188 = arith.constant 0 : i32
      %dma_start3A_189 = tpu.memref_slice %arg2[%dma_start3A_187, %dma_start3A_188] : memref<10240x128xf32, #tpu.memory_space<hbm>> -> memref<10240x128xf32, #tpu.memory_space<hbm>>
      tpu.enqueue_indirect_dma source(%dma_start3A_189 : memref<10240x128xf32, #tpu.memory_space<hbm>>) target(%arg7 : memref<128x128xf32, #tpu.memory_space<vmem>>) offsets(%dma_start3A_186 : memref<128xi32, #tpu.memory_space<vmem>>) semaphore(%arg10 : memref<!tpu.dma_semaphore, #tpu.memory_space<semaphore_mem>>)
      %add3A_190 = arith.constant 1 : i32
      %add3A_191 = arith.addi %mul3A_155, %add3A_190 : i32
      %dma_wait3A_192 = arith.constant 0 : i32
      %dma_wait3A_193 = tpu.memref_slice %arg5[%add3A_191, %dma_wait3A_192] : memref<40x128xi32, #tpu.memory_space<vmem>> -> memref<1x128xi32, #tpu.memory_space<vmem>>
      %dma_wait3A_194 = tpu.memref_squeeze %dma_wait3A_193 : memref<1x128xi32, #tpu.memory_space<vmem>> -> memref<128xi32, #tpu.memory_space<vmem>>
      %dma_wait3A_195 = arith.constant 0 : i32
      %dma_wait3A_196 = arith.constant 0 : i32
      %dma_wait3A_197 = tpu.memref_slice %arg2[%dma_wait3A_195, %dma_wait3A_196] : memref<10240x128xf32, #tpu.memory_space<hbm>> -> memref<10240x128xf32, #tpu.memory_space<hbm>>
      tpu.wait_indirect_dma semaphore(%arg11 : memref<!tpu.dma_semaphore, #tpu.memory_space<semaphore_mem>>) src(%dma_wait3A_197 : memref<10240x128xf32, #tpu.memory_space<hbm>>) dst(%arg8 : memref<128x128xf32, #tpu.memory_space<vmem>>)
      %add3A_198 = arith.constant 1 : i32
      %add3A_199 = arith.addi %mul3A_155, %add3A_198 : i32
      %dma_start3A_200 = arith.constant 0 : i32
      %dma_start3A_201 = tpu.memref_slice %arg6[%add3A_199, %dma_start3A_200] : memref<40x128xi32, #tpu.memory_space<vmem>> -> memref<1x128xi32, #tpu.memory_space<vmem>>
      %dma_start3A_202 = tpu.memref_squeeze %dma_start3A_201 : memref<1x128xi32, #tpu.memory_space<vmem>> -> memref<128xi32, #tpu.memory_space<vmem>>
      %dma_start3A_203 = arith.constant 0 : i32
      %dma_start3A_204 = arith.constant 0 : i32
      %dma_start3A_205 = tpu.memref_slice %arg9[%dma_start3A_203, %dma_start3A_204] : memref<10240x128xf32, #tpu.memory_space<vmem_shared>> -> memref<10240x128xf32, #tpu.memory_space<vmem_shared>>
      tpu.enqueue_indirect_dma source(%arg8 : memref<128x128xf32, #tpu.memory_space<vmem>>) target(%dma_start3A_205 : memref<10240x128xf32, #tpu.memory_space<vmem_shared>>) offsets(%dma_start3A_202 : memref<128xi32, #tpu.memory_space<vmem>>) semaphore(%arg13 : memref<!tpu.dma_semaphore, #tpu.memory_space<semaphore_mem>>) {add = true}
      %dma_wait3A_206 = arith.constant 0 : i32
      %dma_wait3A_207 = tpu.memref_slice %arg6[%add3A_199, %dma_wait3A_206] : memref<40x128xi32, #tpu.memory_space<vmem>> -> memref<1x128xi32, #tpu.memory_space<vmem>>
      %dma_wait3A_208 = tpu.memref_squeeze %dma_wait3A_207 : memref<1x128xi32, #tpu.memory_space<vmem>> -> memref<128xi32, #tpu.memory_space<vmem>>
      %dma_wait3A_209 = arith.constant 0 : i32
      %dma_wait3A_210 = arith.constant 0 : i32
      %dma_wait3A_211 = tpu.memref_slice %arg9[%dma_wait3A_209, %dma_wait3A_210] : memref<10240x128xf32, #tpu.memory_space<vmem_shared>> -> memref<10240x128xf32, #tpu.memory_space<vmem_shared>>
      tpu.wait_indirect_dma semaphore(%arg13 : memref<!tpu.dma_semaphore, #tpu.memory_space<semaphore_mem>>) src(%arg8 : memref<128x128xf32, #tpu.memory_space<vmem>>) dst(%dma_wait3A_211 : memref<10240x128xf32, #tpu.memory_space<vmem_shared>>)
    }
    %scan3A_82 = arith.constant 19 : i32
    %dma_start3A_83 = arith.constant 39 : i32
    %dma_start3A_84 = arith.constant 0 : i32
    %dma_start3A_85 = tpu.memref_slice %arg5[%dma_start3A_83, %dma_start3A_84] : memref<40x128xi32, #tpu.memory_space<vmem>> -> memref<1x128xi32, #tpu.memory_space<vmem>>
    %dma_start3A_86 = tpu.memref_squeeze %dma_start3A_85 : memref<1x128xi32, #tpu.memory_space<vmem>> -> memref<128xi32, #tpu.memory_space<vmem>>
    %dma_start3A_87 = arith.constant 0 : i32
    %dma_start3A_88 = arith.constant 0 : i32
    %dma_start3A_89 = tpu.memref_slice %arg2[%dma_start3A_87, %dma_start3A_88] : memref<10240x128xf32, #tpu.memory_space<hbm>> -> memref<10240x128xf32, #tpu.memory_space<hbm>>
    tpu.enqueue_indirect_dma source(%dma_start3A_89 : memref<10240x128xf32, #tpu.memory_space<hbm>>) target(%arg8 : memref<128x128xf32, #tpu.memory_space<vmem>>) offsets(%dma_start3A_86 : memref<128xi32, #tpu.memory_space<vmem>>) semaphore(%arg11 : memref<!tpu.dma_semaphore, #tpu.memory_space<semaphore_mem>>)
    %dma_wait3A_90 = arith.constant 38 : i32
    %dma_wait3A_91 = arith.constant 0 : i32
    %dma_wait3A_92 = tpu.memref_slice %arg5[%dma_wait3A_90, %dma_wait3A_91] : memref<40x128xi32, #tpu.memory_space<vmem>> -> memref<1x128xi32, #tpu.memory_space<vmem>>
    %dma_wait3A_93 = tpu.memref_squeeze %dma_wait3A_92 : memref<1x128xi32, #tpu.memory_space<vmem>> -> memref<128xi32, #tpu.memory_space<vmem>>
    %dma_wait3A_94 = arith.constant 0 : i32
    %dma_wait3A_95 = arith.constant 0 : i32
    %dma_wait3A_96 = tpu.memref_slice %arg2[%dma_wait3A_94, %dma_wait3A_95] : memref<10240x128xf32, #tpu.memory_space<hbm>> -> memref<10240x128xf32, #tpu.memory_space<hbm>>
    tpu.wait_indirect_dma semaphore(%arg10 : memref<!tpu.dma_semaphore, #tpu.memory_space<semaphore_mem>>) src(%dma_wait3A_96 : memref<10240x128xf32, #tpu.memory_space<hbm>>) dst(%arg7 : memref<128x128xf32, #tpu.memory_space<vmem>>)
    %dma_start3A_97 = arith.constant 38 : i32
    %dma_start3A_98 = arith.constant 0 : i32
    %dma_start3A_99 = tpu.memref_slice %arg6[%dma_start3A_97, %dma_start3A_98] : memref<40x128xi32, #tpu.memory_space<vmem>> -> memref<1x128xi32, #tpu.memory_space<vmem>>
    %dma_start3A_100 = tpu.memref_squeeze %dma_start3A_99 : memref<1x128xi32, #tpu.memory_space<vmem>> -> memref<128xi32, #tpu.memory_space<vmem>>
    %dma_start3A_101 = arith.constant 0 : i32
    %dma_start3A_102 = arith.constant 0 : i32
    %dma_start3A_103 = tpu.memref_slice %arg9[%dma_start3A_101, %dma_start3A_102] : memref<10240x128xf32, #tpu.memory_space<vmem_shared>> -> memref<10240x128xf32, #tpu.memory_space<vmem_shared>>
    tpu.enqueue_indirect_dma source(%arg7 : memref<128x128xf32, #tpu.memory_space<vmem>>) target(%dma_start3A_103 : memref<10240x128xf32, #tpu.memory_space<vmem_shared>>) offsets(%dma_start3A_100 : memref<128xi32, #tpu.memory_space<vmem>>) semaphore(%arg12 : memref<!tpu.dma_semaphore, #tpu.memory_space<semaphore_mem>>) {add = true}
    %dma_wait3A_104 = arith.constant 38 : i32
    %dma_wait3A_105 = arith.constant 0 : i32
    %dma_wait3A_106 = tpu.memref_slice %arg6[%dma_wait3A_104, %dma_wait3A_105] : memref<40x128xi32, #tpu.memory_space<vmem>> -> memref<1x128xi32, #tpu.memory_space<vmem>>
    %dma_wait3A_107 = tpu.memref_squeeze %dma_wait3A_106 : memref<1x128xi32, #tpu.memory_space<vmem>> -> memref<128xi32, #tpu.memory_space<vmem>>
    %dma_wait3A_108 = arith.constant 0 : i32
    %dma_wait3A_109 = arith.constant 0 : i32
    %dma_wait3A_110 = tpu.memref_slice %arg9[%dma_wait3A_108, %dma_wait3A_109] : memref<10240x128xf32, #tpu.memory_space<vmem_shared>> -> memref<10240x128xf32, #tpu.memory_space<vmem_shared>>
    tpu.wait_indirect_dma semaphore(%arg12 : memref<!tpu.dma_semaphore, #tpu.memory_space<semaphore_mem>>) src(%arg7 : memref<128x128xf32, #tpu.memory_space<vmem>>) dst(%dma_wait3A_110 : memref<10240x128xf32, #tpu.memory_space<vmem_shared>>)
    %dma_wait3A_111 = arith.constant 39 : i32
    %dma_wait3A_112 = arith.constant 0 : i32
    %dma_wait3A_113 = tpu.memref_slice %arg5[%dma_wait3A_111, %dma_wait3A_112] : memref<40x128xi32, #tpu.memory_space<vmem>> -> memref<1x128xi32, #tpu.memory_space<vmem>>
    %dma_wait3A_114 = tpu.memref_squeeze %dma_wait3A_113 : memref<1x128xi32, #tpu.memory_space<vmem>> -> memref<128xi32, #tpu.memory_space<vmem>>
    %dma_wait3A_115 = arith.constant 0 : i32
    %dma_wait3A_116 = arith.constant 0 : i32
    %dma_wait3A_117 = tpu.memref_slice %arg2[%dma_wait3A_115, %dma_wait3A_116] : memref<10240x128xf32, #tpu.memory_space<hbm>> -> memref<10240x128xf32, #tpu.memory_space<hbm>>
    tpu.wait_indirect_dma semaphore(%arg11 : memref<!tpu.dma_semaphore, #tpu.memory_space<semaphore_mem>>) src(%dma_wait3A_117 : memref<10240x128xf32, #tpu.memory_space<hbm>>) dst(%arg8 : memref<128x128xf32, #tpu.memory_space<vmem>>)
    %dma_start3A_118 = arith.constant 39 : i32
    %dma_start3A_119 = arith.constant 0 : i32
    %dma_start3A_120 = tpu.memref_slice %arg6[%dma_start3A_118, %dma_start3A_119] : memref<40x128xi32, #tpu.memory_space<vmem>> -> memref<1x128xi32, #tpu.memory_space<vmem>>
    %dma_start3A_121 = tpu.memref_squeeze %dma_start3A_120 : memref<1x128xi32, #tpu.memory_space<vmem>> -> memref<128xi32, #tpu.memory_space<vmem>>
    %dma_start3A_122 = arith.constant 0 : i32
    %dma_start3A_123 = arith.constant 0 : i32
    %dma_start3A_124 = tpu.memref_slice %arg9[%dma_start3A_122, %dma_start3A_123] : memref<10240x128xf32, #tpu.memory_space<vmem_shared>> -> memref<10240x128xf32, #tpu.memory_space<vmem_shared>>
    tpu.enqueue_indirect_dma source(%arg8 : memref<128x128xf32, #tpu.memory_space<vmem>>) target(%dma_start3A_124 : memref<10240x128xf32, #tpu.memory_space<vmem_shared>>) offsets(%dma_start3A_121 : memref<128xi32, #tpu.memory_space<vmem>>) semaphore(%arg13 : memref<!tpu.dma_semaphore, #tpu.memory_space<semaphore_mem>>) {add = true}
    %dma_wait3A_125 = arith.constant 39 : i32
    %dma_wait3A_126 = arith.constant 0 : i32
    %dma_wait3A_127 = tpu.memref_slice %arg6[%dma_wait3A_125, %dma_wait3A_126] : memref<40x128xi32, #tpu.memory_space<vmem>> -> memref<1x128xi32, #tpu.memory_space<vmem>>
    %dma_wait3A_128 = tpu.memref_squeeze %dma_wait3A_127 : memref<1x128xi32, #tpu.memory_space<vmem>> -> memref<128xi32, #tpu.memory_space<vmem>>
    %dma_wait3A_129 = arith.constant 0 : i32
    %dma_wait3A_130 = arith.constant 0 : i32
    %dma_wait3A_131 = tpu.memref_slice %arg9[%dma_wait3A_129, %dma_wait3A_130] : memref<10240x128xf32, #tpu.memory_space<vmem_shared>> -> memref<10240x128xf32, #tpu.memory_space<vmem_shared>>
    tpu.wait_indirect_dma semaphore(%arg13 : memref<!tpu.dma_semaphore, #tpu.memory_space<semaphore_mem>>) src(%arg8 : memref<128x128xf32, #tpu.memory_space<vmem>>) dst(%dma_wait3A_131 : memref<10240x128xf32, #tpu.memory_space<vmem_shared>>)
    %barrier3A_132 = arith.constant 0 : index
    tpu.barrier barrier_id(%barrier3A_132)
    %mul3A_133 = arith.constant 640 : i32
    %mul3A_134 = arith.muli %arg1, %mul3A_133 : i32
    %add3A_135 = arith.constant 0 : i32
    %add3A_136 = arith.addi %mul3A_134, %add3A_135 : i32
    "tpu.region"() ({
      %run_scoped3A_153 = tpu.sem_alloc : memref<!tpu.dma_semaphore, #tpu.memory_space<semaphore_mem>>
      %dma_start3A_154 = arith.constant 0 : i32
      %dma_start3A_155 = tpu.memref_slice %arg9[%add3A_136, %dma_start3A_154] : memref<10240x128xf32, #tpu.memory_space<vmem_shared>> -> memref<128x128xf32, #tpu.memory_space<vmem_shared>>
      %dma_start3A_156 = arith.constant 0 : i32
      %dma_start3A_157 = tpu.memref_slice %arg9[%add3A_136, %dma_start3A_156] : memref<10240x128xf32, #tpu.memory_space<vmem_shared>> -> memref<128x128xf32, #tpu.memory_space<vmem_shared>>
      tpu.enqueue_dma source(%dma_start3A_157 : memref<128x128xf32, #tpu.memory_space<vmem_shared>>) target(%arg7 : memref<128x128xf32, #tpu.memory_space<vmem>>) target_semaphore(%run_scoped3A_153 : memref<!tpu.dma_semaphore, #tpu.memory_space<semaphore_mem>>)
      %dma_wait3A_158 = arith.constant 0 : i32
      %dma_wait3A_159 = tpu.memref_slice %arg9[%add3A_136, %dma_wait3A_158] : memref<10240x128xf32, #tpu.memory_space<vmem_shared>> -> memref<128x128xf32, #tpu.memory_space<vmem_shared>>
      %dma_wait3A_160 = arith.constant 0 : i32
      %dma_wait3A_161 = tpu.memref_slice %arg9[%add3A_136, %dma_wait3A_160] : memref<10240x128xf32, #tpu.memory_space<vmem_shared>> -> memref<128x128xf32, #tpu.memory_space<vmem_shared>>
      tpu.wait_dma2 semaphore(%run_scoped3A_153 : memref<!tpu.dma_semaphore, #tpu.memory_space<semaphore_mem>>) src(%dma_wait3A_161 : memref<128x128xf32, #tpu.memory_space<vmem_shared>>) dst(%arg7 : memref<128x128xf32, #tpu.memory_space<vmem>>)
      tpu.yield
    }) : () -> ()
    "tpu.region"() ({
      %run_scoped3A_153 = tpu.sem_alloc : memref<!tpu.dma_semaphore, #tpu.memory_space<semaphore_mem>>
      %dma_start3A_154 = arith.constant 0 : i32
      %dma_start3A_155 = tpu.memref_slice %arg4[%arg0, %add3A_136, %dma_start3A_154] : memref<2x10240x128xf32, #tpu.memory_space<hbm>> -> memref<1x128x128xf32, #tpu.memory_space<hbm>>
      %dma_start3A_156 = tpu.memref_squeeze %dma_start3A_155 : memref<1x128x128xf32, #tpu.memory_space<hbm>> -> memref<128x128xf32, #tpu.memory_space<hbm>>
      %dma_start3A_157 = arith.constant 0 : i32
      %dma_start3A_158 = tpu.memref_slice %arg4[%arg0, %add3A_136, %dma_start3A_157] : memref<2x10240x128xf32, #tpu.memory_space<hbm>> -> memref<1x128x128xf32, #tpu.memory_space<hbm>>
      %dma_start3A_159 = tpu.memref_squeeze %dma_start3A_158 : memref<1x128x128xf32, #tpu.memory_space<hbm>> -> memref<128x128xf32, #tpu.memory_space<hbm>>
      tpu.enqueue_dma source(%arg7 : memref<128x128xf32, #tpu.memory_space<vmem>>) target(%dma_start3A_159 : memref<128x128xf32, #tpu.memory_space<hbm>>) target_semaphore(%run_scoped3A_153 : memref<!tpu.dma_semaphore, #tpu.memory_space<semaphore_mem>>)
      %dma_wait3A_160 = arith.constant 0 : i32
      %dma_wait3A_161 = tpu.memref_slice %arg4[%arg0, %add3A_136, %dma_wait3A_160] : memref<2x10240x128xf32, #tpu.memory_space<hbm>> -> memref<1x128x128xf32, #tpu.memory_space<hbm>>
      %dma_wait3A_162 = tpu.memref_squeeze %dma_wait3A_161 : memref<1x128x128xf32, #tpu.memory_space<hbm>> -> memref<128x128xf32, #tpu.memory_space<hbm>>
      %dma_wait3A_163 = arith.constant 0 : i32
      %dma_wait3A_164 = tpu.memref_slice %arg4[%arg0, %add3A_136, %dma_wait3A_163] : memref<2x10240x128xf32, #tpu.memory_space<hbm>> -> memref<1x128x128xf32, #tpu.memory_space<hbm>>
      %dma_wait3A_165 = tpu.memref_squeeze %dma_wait3A_164 : memref<1x128x128xf32, #tpu.memory_space<hbm>> -> memref<128x128xf32, #tpu.memory_space<hbm>>
      tpu.wait_dma2 semaphore(%run_scoped3A_153 : memref<!tpu.dma_semaphore, #tpu.memory_space<semaphore_mem>>) src(%arg7 : memref<128x128xf32, #tpu.memory_space<vmem>>) dst(%dma_wait3A_165 : memref<128x128xf32, #tpu.memory_space<hbm>>)
      tpu.yield
    }) : () -> ()
    %mul3A_137 = arith.constant 640 : i32
    %mul3A_138 = arith.muli %arg1, %mul3A_137 : i32
    %add3A_139 = arith.constant 128 : i32
    %add3A_140 = arith.addi %mul3A_138, %add3A_139 : i32
    "tpu.region"() ({
      %run_scoped3A_153 = tpu.sem_alloc : memref<!tpu.dma_semaphore, #tpu.memory_space<semaphore_mem>>
      %dma_start3A_154 = arith.constant 0 : i32
      %dma_start3A_155 = tpu.memref_slice %arg9[%add3A_140, %dma_start3A_154] : memref<10240x128xf32, #tpu.memory_space<vmem_shared>> -> memref<128x128xf32, #tpu.memory_space<vmem_shared>>
      %dma_start3A_156 = arith.constant 0 : i32
      %dma_start3A_157 = tpu.memref_slice %arg9[%add3A_140, %dma_start3A_156] : memref<10240x128xf32, #tpu.memory_space<vmem_shared>> -> memref<128x128xf32, #tpu.memory_space<vmem_shared>>
      tpu.enqueue_dma source(%dma_start3A_157 : memref<128x128xf32, #tpu.memory_space<vmem_shared>>) target(%arg7 : memref<128x128xf32, #tpu.memory_space<vmem>>) target_semaphore(%run_scoped3A_153 : memref<!tpu.dma_semaphore, #tpu.memory_space<semaphore_mem>>)
      %dma_wait3A_158 = arith.constant 0 : i32
      %dma_wait3A_159 = tpu.memref_slice %arg9[%add3A_140, %dma_wait3A_158] : memref<10240x128xf32, #tpu.memory_space<vmem_shared>> -> memref<128x128xf32, #tpu.memory_space<vmem_shared>>
      %dma_wait3A_160 = arith.constant 0 : i32
      %dma_wait3A_161 = tpu.memref_slice %arg9[%add3A_140, %dma_wait3A_160] : memref<10240x128xf32, #tpu.memory_space<vmem_shared>> -> memref<128x128xf32, #tpu.memory_space<vmem_shared>>
      tpu.wait_dma2 semaphore(%run_scoped3A_153 : memref<!tpu.dma_semaphore, #tpu.memory_space<semaphore_mem>>) src(%dma_wait3A_161 : memref<128x128xf32, #tpu.memory_space<vmem_shared>>) dst(%arg7 : memref<128x128xf32, #tpu.memory_space<vmem>>)
      tpu.yield
    }) : () -> ()
    "tpu.region"() ({
      %run_scoped3A_153 = tpu.sem_alloc : memref<!tpu.dma_semaphore, #tpu.memory_space<semaphore_mem>>
      %dma_start3A_154 = arith.constant 0 : i32
      %dma_start3A_155 = tpu.memref_slice %arg4[%arg0, %add3A_140, %dma_start3A_154] : memref<2x10240x128xf32, #tpu.memory_space<hbm>> -> memref<1x128x128xf32, #tpu.memory_space<hbm>>
      %dma_start3A_156 = tpu.memref_squeeze %dma_start3A_155 : memref<1x128x128xf32, #tpu.memory_space<hbm>> -> memref<128x128xf32, #tpu.memory_space<hbm>>
      %dma_start3A_157 = arith.constant 0 : i32
      %dma_start3A_158 = tpu.memref_slice %arg4[%arg0, %add3A_140, %dma_start3A_157] : memref<2x10240x128xf32, #tpu.memory_space<hbm>> -> memref<1x128x128xf32, #tpu.memory_space<hbm>>
      %dma_start3A_159 = tpu.memref_squeeze %dma_start3A_158 : memref<1x128x128xf32, #tpu.memory_space<hbm>> -> memref<128x128xf32, #tpu.memory_space<hbm>>
      tpu.enqueue_dma source(%arg7 : memref<128x128xf32, #tpu.memory_space<vmem>>) target(%dma_start3A_159 : memref<128x128xf32, #tpu.memory_space<hbm>>) target_semaphore(%run_scoped3A_153 : memref<!tpu.dma_semaphore, #tpu.memory_space<semaphore_mem>>)
      %dma_wait3A_160 = arith.constant 0 : i32
      %dma_wait3A_161 = tpu.memref_slice %arg4[%arg0, %add3A_140, %dma_wait3A_160] : memref<2x10240x128xf32, #tpu.memory_space<hbm>> -> memref<1x128x128xf32, #tpu.memory_space<hbm>>
      %dma_wait3A_162 = tpu.memref_squeeze %dma_wait3A_161 : memref<1x128x128xf32, #tpu.memory_space<hbm>> -> memref<128x128xf32, #tpu.memory_space<hbm>>
      %dma_wait3A_163 = arith.constant 0 : i32
      %dma_wait3A_164 = tpu.memref_slice %arg4[%arg0, %add3A_140, %dma_wait3A_163] : memref<2x10240x128xf32, #tpu.memory_space<hbm>> -> memref<1x128x128xf32, #tpu.memory_space<hbm>>
      %dma_wait3A_165 = tpu.memref_squeeze %dma_wait3A_164 : memref<1x128x128xf32, #tpu.memory_space<hbm>> -> memref<128x128xf32, #tpu.memory_space<hbm>>
      tpu.wait_dma2 semaphore(%run_scoped3A_153 : memref<!tpu.dma_semaphore, #tpu.memory_space<semaphore_mem>>) src(%arg7 : memref<128x128xf32, #tpu.memory_space<vmem>>) dst(%dma_wait3A_165 : memref<128x128xf32, #tpu.memory_space<hbm>>)
      tpu.yield
    }) : () -> ()
    %mul3A_141 = arith.constant 640 : i32
    %mul3A_142 = arith.muli %arg1, %mul3A_141 : i32
    %add3A_143 = arith.constant 256 : i32
    %add3A_144 = arith.addi %mul3A_142, %add3A_143 : i32
    "tpu.region"() ({
      %run_scoped3A_153 = tpu.sem_alloc : memref<!tpu.dma_semaphore, #tpu.memory_space<semaphore_mem>>
      %dma_start3A_154 = arith.constant 0 : i32
      %dma_start3A_155 = tpu.memref_slice %arg9[%add3A_144, %dma_start3A_154] : memref<10240x128xf32, #tpu.memory_space<vmem_shared>> -> memref<128x128xf32, #tpu.memory_space<vmem_shared>>
      %dma_start3A_156 = arith.constant 0 : i32
      %dma_start3A_157 = tpu.memref_slice %arg9[%add3A_144, %dma_start3A_156] : memref<10240x128xf32, #tpu.memory_space<vmem_shared>> -> memref<128x128xf32, #tpu.memory_space<vmem_shared>>
      tpu.enqueue_dma source(%dma_start3A_157 : memref<128x128xf32, #tpu.memory_space<vmem_shared>>) target(%arg7 : memref<128x128xf32, #tpu.memory_space<vmem>>) target_semaphore(%run_scoped3A_153 : memref<!tpu.dma_semaphore, #tpu.memory_space<semaphore_mem>>)
      %dma_wait3A_158 = arith.constant 0 : i32
      %dma_wait3A_159 = tpu.memref_slice %arg9[%add3A_144, %dma_wait3A_158] : memref<10240x128xf32, #tpu.memory_space<vmem_shared>> -> memref<128x128xf32, #tpu.memory_space<vmem_shared>>
      %dma_wait3A_160 = arith.constant 0 : i32
      %dma_wait3A_161 = tpu.memref_slice %arg9[%add3A_144, %dma_wait3A_160] : memref<10240x128xf32, #tpu.memory_space<vmem_shared>> -> memref<128x128xf32, #tpu.memory_space<vmem_shared>>
      tpu.wait_dma2 semaphore(%run_scoped3A_153 : memref<!tpu.dma_semaphore, #tpu.memory_space<semaphore_mem>>) src(%dma_wait3A_161 : memref<128x128xf32, #tpu.memory_space<vmem_shared>>) dst(%arg7 : memref<128x128xf32, #tpu.memory_space<vmem>>)
      tpu.yield
    }) : () -> ()
    "tpu.region"() ({
      %run_scoped3A_153 = tpu.sem_alloc : memref<!tpu.dma_semaphore, #tpu.memory_space<semaphore_mem>>
      %dma_start3A_154 = arith.constant 0 : i32
      %dma_start3A_155 = tpu.memref_slice %arg4[%arg0, %add3A_144, %dma_start3A_154] : memref<2x10240x128xf32, #tpu.memory_space<hbm>> -> memref<1x128x128xf32, #tpu.memory_space<hbm>>
      %dma_start3A_156 = tpu.memref_squeeze %dma_start3A_155 : memref<1x128x128xf32, #tpu.memory_space<hbm>> -> memref<128x128xf32, #tpu.memory_space<hbm>>
      %dma_start3A_157 = arith.constant 0 : i32
      %dma_start3A_158 = tpu.memref_slice %arg4[%arg0, %add3A_144, %dma_start3A_157] : memref<2x10240x128xf32, #tpu.memory_space<hbm>> -> memref<1x128x128xf32, #tpu.memory_space<hbm>>
      %dma_start3A_159 = tpu.memref_squeeze %dma_start3A_158 : memref<1x128x128xf32, #tpu.memory_space<hbm>> -> memref<128x128xf32, #tpu.memory_space<hbm>>
      tpu.enqueue_dma source(%arg7 : memref<128x128xf32, #tpu.memory_space<vmem>>) target(%dma_start3A_159 : memref<128x128xf32, #tpu.memory_space<hbm>>) target_semaphore(%run_scoped3A_153 : memref<!tpu.dma_semaphore, #tpu.memory_space<semaphore_mem>>)
      %dma_wait3A_160 = arith.constant 0 : i32
      %dma_wait3A_161 = tpu.memref_slice %arg4[%arg0, %add3A_144, %dma_wait3A_160] : memref<2x10240x128xf32, #tpu.memory_space<hbm>> -> memref<1x128x128xf32, #tpu.memory_space<hbm>>
      %dma_wait3A_162 = tpu.memref_squeeze %dma_wait3A_161 : memref<1x128x128xf32, #tpu.memory_space<hbm>> -> memref<128x128xf32, #tpu.memory_space<hbm>>
      %dma_wait3A_163 = arith.constant 0 : i32
      %dma_wait3A_164 = tpu.memref_slice %arg4[%arg0, %add3A_144, %dma_wait3A_163] : memref<2x10240x128xf32, #tpu.memory_space<hbm>> -> memref<1x128x128xf32, #tpu.memory_space<hbm>>
      %dma_wait3A_165 = tpu.memref_squeeze %dma_wait3A_164 : memref<1x128x128xf32, #tpu.memory_space<hbm>> -> memref<128x128xf32, #tpu.memory_space<hbm>>
      tpu.wait_dma2 semaphore(%run_scoped3A_153 : memref<!tpu.dma_semaphore, #tpu.memory_space<semaphore_mem>>) src(%arg7 : memref<128x128xf32, #tpu.memory_space<vmem>>) dst(%dma_wait3A_165 : memref<128x128xf32, #tpu.memory_space<hbm>>)
      tpu.yield
    }) : () -> ()
    %mul3A_145 = arith.constant 640 : i32
    %mul3A_146 = arith.muli %arg1, %mul3A_145 : i32
    %add3A_147 = arith.constant 384 : i32
    %add3A_148 = arith.addi %mul3A_146, %add3A_147 : i32
    "tpu.region"() ({
      %run_scoped3A_153 = tpu.sem_alloc : memref<!tpu.dma_semaphore, #tpu.memory_space<semaphore_mem>>
      %dma_start3A_154 = arith.constant 0 : i32
      %dma_start3A_155 = tpu.memref_slice %arg9[%add3A_148, %dma_start3A_154] : memref<10240x128xf32, #tpu.memory_space<vmem_shared>> -> memref<128x128xf32, #tpu.memory_space<vmem_shared>>
      %dma_start3A_156 = arith.constant 0 : i32
      %dma_start3A_157 = tpu.memref_slice %arg9[%add3A_148, %dma_start3A_156] : memref<10240x128xf32, #tpu.memory_space<vmem_shared>> -> memref<128x128xf32, #tpu.memory_space<vmem_shared>>
      tpu.enqueue_dma source(%dma_start3A_157 : memref<128x128xf32, #tpu.memory_space<vmem_shared>>) target(%arg7 : memref<128x128xf32, #tpu.memory_space<vmem>>) target_semaphore(%run_scoped3A_153 : memref<!tpu.dma_semaphore, #tpu.memory_space<semaphore_mem>>)
      %dma_wait3A_158 = arith.constant 0 : i32
      %dma_wait3A_159 = tpu.memref_slice %arg9[%add3A_148, %dma_wait3A_158] : memref<10240x128xf32, #tpu.memory_space<vmem_shared>> -> memref<128x128xf32, #tpu.memory_space<vmem_shared>>
      %dma_wait3A_160 = arith.constant 0 : i32
      %dma_wait3A_161 = tpu.memref_slice %arg9[%add3A_148, %dma_wait3A_160] : memref<10240x128xf32, #tpu.memory_space<vmem_shared>> -> memref<128x128xf32, #tpu.memory_space<vmem_shared>>
      tpu.wait_dma2 semaphore(%run_scoped3A_153 : memref<!tpu.dma_semaphore, #tpu.memory_space<semaphore_mem>>) src(%dma_wait3A_161 : memref<128x128xf32, #tpu.memory_space<vmem_shared>>) dst(%arg7 : memref<128x128xf32, #tpu.memory_space<vmem>>)
      tpu.yield
    }) : () -> ()
    "tpu.region"() ({
      %run_scoped3A_153 = tpu.sem_alloc : memref<!tpu.dma_semaphore, #tpu.memory_space<semaphore_mem>>
      %dma_start3A_154 = arith.constant 0 : i32
      %dma_start3A_155 = tpu.memref_slice %arg4[%arg0, %add3A_148, %dma_start3A_154] : memref<2x10240x128xf32, #tpu.memory_space<hbm>> -> memref<1x128x128xf32, #tpu.memory_space<hbm>>
      %dma_start3A_156 = tpu.memref_squeeze %dma_start3A_155 : memref<1x128x128xf32, #tpu.memory_space<hbm>> -> memref<128x128xf32, #tpu.memory_space<hbm>>
      %dma_start3A_157 = arith.constant 0 : i32
      %dma_start3A_158 = tpu.memref_slice %arg4[%arg0, %add3A_148, %dma_start3A_157] : memref<2x10240x128xf32, #tpu.memory_space<hbm>> -> memref<1x128x128xf32, #tpu.memory_space<hbm>>
      %dma_start3A_159 = tpu.memref_squeeze %dma_start3A_158 : memref<1x128x128xf32, #tpu.memory_space<hbm>> -> memref<128x128xf32, #tpu.memory_space<hbm>>
      tpu.enqueue_dma source(%arg7 : memref<128x128xf32, #tpu.memory_space<vmem>>) target(%dma_start3A_159 : memref<128x128xf32, #tpu.memory_space<hbm>>) target_semaphore(%run_scoped3A_153 : memref<!tpu.dma_semaphore, #tpu.memory_space<semaphore_mem>>)
      %dma_wait3A_160 = arith.constant 0 : i32
      %dma_wait3A_161 = tpu.memref_slice %arg4[%arg0, %add3A_148, %dma_wait3A_160] : memref<2x10240x128xf32, #tpu.memory_space<hbm>> -> memref<1x128x128xf32, #tpu.memory_space<hbm>>
      %dma_wait3A_162 = tpu.memref_squeeze %dma_wait3A_161 : memref<1x128x128xf32, #tpu.memory_space<hbm>> -> memref<128x128xf32, #tpu.memory_space<hbm>>
      %dma_wait3A_163 = arith.constant 0 : i32
      %dma_wait3A_164 = tpu.memref_slice %arg4[%arg0, %add3A_148, %dma_wait3A_163] : memref<2x10240x128xf32, #tpu.memory_space<hbm>> -> memref<1x128x128xf32, #tpu.memory_space<hbm>>
      %dma_wait3A_165 = tpu.memref_squeeze %dma_wait3A_164 : memref<1x128x128xf32, #tpu.memory_space<hbm>> -> memref<128x128xf32, #tpu.memory_space<hbm>>
      tpu.wait_dma2 semaphore(%run_scoped3A_153 : memref<!tpu.dma_semaphore, #tpu.memory_space<semaphore_mem>>) src(%arg7 : memref<128x128xf32, #tpu.memory_space<vmem>>) dst(%dma_wait3A_165 : memref<128x128xf32, #tpu.memory_space<hbm>>)
      tpu.yield
    }) : () -> ()
    %mul3A_149 = arith.constant 640 : i32
    %mul3A_150 = arith.muli %arg1, %mul3A_149 : i32
    %add3A_151 = arith.constant 512 : i32
    %add3A_152 = arith.addi %mul3A_150, %add3A_151 : i32
    "tpu.region"() ({
      %run_scoped3A_153 = tpu.sem_alloc : memref<!tpu.dma_semaphore, #tpu.memory_space<semaphore_mem>>
      %dma_start3A_154 = arith.constant 0 : i32
      %dma_start3A_155 = tpu.memref_slice %arg9[%add3A_152, %dma_start3A_154] : memref<10240x128xf32, #tpu.memory_space<vmem_shared>> -> memref<128x128xf32, #tpu.memory_space<vmem_shared>>
      %dma_start3A_156 = arith.constant 0 : i32
      %dma_start3A_157 = tpu.memref_slice %arg9[%add3A_152, %dma_start3A_156] : memref<10240x128xf32, #tpu.memory_space<vmem_shared>> -> memref<128x128xf32, #tpu.memory_space<vmem_shared>>
      tpu.enqueue_dma source(%dma_start3A_157 : memref<128x128xf32, #tpu.memory_space<vmem_shared>>) target(%arg7 : memref<128x128xf32, #tpu.memory_space<vmem>>) target_semaphore(%run_scoped3A_153 : memref<!tpu.dma_semaphore, #tpu.memory_space<semaphore_mem>>)
      %dma_wait3A_158 = arith.constant 0 : i32
      %dma_wait3A_159 = tpu.memref_slice %arg9[%add3A_152, %dma_wait3A_158] : memref<10240x128xf32, #tpu.memory_space<vmem_shared>> -> memref<128x128xf32, #tpu.memory_space<vmem_shared>>
      %dma_wait3A_160 = arith.constant 0 : i32
      %dma_wait3A_161 = tpu.memref_slice %arg9[%add3A_152, %dma_wait3A_160] : memref<10240x128xf32, #tpu.memory_space<vmem_shared>> -> memref<128x128xf32, #tpu.memory_space<vmem_shared>>
      tpu.wait_dma2 semaphore(%run_scoped3A_153 : memref<!tpu.dma_semaphore, #tpu.memory_space<semaphore_mem>>) src(%dma_wait3A_161 : memref<128x128xf32, #tpu.memory_space<vmem_shared>>) dst(%arg7 : memref<128x128xf32, #tpu.memory_space<vmem>>)
      tpu.yield
    }) : () -> ()
    "tpu.region"() ({
      %run_scoped3A_153 = tpu.sem_alloc : memref<!tpu.dma_semaphore, #tpu.memory_space<semaphore_mem>>
      %dma_start3A_154 = arith.constant 0 : i32
      %dma_start3A_155 = tpu.memref_slice %arg4[%arg0, %add3A_152, %dma_start3A_154] : memref<2x10240x128xf32, #tpu.memory_space<hbm>> -> memref<1x128x128xf32, #tpu.memory_space<hbm>>
      %dma_start3A_156 = tpu.memref_squeeze %dma_start3A_155 : memref<1x128x128xf32, #tpu.memory_space<hbm>> -> memref<128x128xf32, #tpu.memory_space<hbm>>
      %dma_start3A_157 = arith.constant 0 : i32
      %dma_start3A_158 = tpu.memref_slice %arg4[%arg0, %add3A_152, %dma_start3A_157] : memref<2x10240x128xf32, #tpu.memory_space<hbm>> -> memref<1x128x128xf32, #tpu.memory_space<hbm>>
      %dma_start3A_159 = tpu.memref_squeeze %dma_start3A_158 : memref<1x128x128xf32, #tpu.memory_space<hbm>> -> memref<128x128xf32, #tpu.memory_space<hbm>>
      tpu.enqueue_dma source(%arg7 : memref<128x128xf32, #tpu.memory_space<vmem>>) target(%dma_start3A_159 : memref<128x128xf32, #tpu.memory_space<hbm>>) target_semaphore(%run_scoped3A_153 : memref<!tpu.dma_semaphore, #tpu.memory_space<semaphore_mem>>)
      %dma_wait3A_160 = arith.constant 0 : i32
      %dma_wait3A_161 = tpu.memref_slice %arg4[%arg0, %add3A_152, %dma_wait3A_160] : memref<2x10240x128xf32, #tpu.memory_space<hbm>> -> memref<1x128x128xf32, #tpu.memory_space<hbm>>
      %dma_wait3A_162 = tpu.memref_squeeze %dma_wait3A_161 : memref<1x128x128xf32, #tpu.memory_space<hbm>> -> memref<128x128xf32, #tpu.memory_space<hbm>>
      %dma_wait3A_163 = arith.constant 0 : i32
      %dma_wait3A_164 = tpu.memref_slice %arg4[%arg0, %add3A_152, %dma_wait3A_163] : memref<2x10240x128xf32, #tpu.memory_space<hbm>> -> memref<1x128x128xf32, #tpu.memory_space<hbm>>
      %dma_wait3A_165 = tpu.memref_squeeze %dma_wait3A_164 : memref<1x128x128xf32, #tpu.memory_space<hbm>> -> memref<128x128xf32, #tpu.memory_space<hbm>>
      tpu.wait_dma2 semaphore(%run_scoped3A_153 : memref<!tpu.dma_semaphore, #tpu.memory_space<semaphore_mem>>) src(%arg7 : memref<128x128xf32, #tpu.memory_space<vmem>>) dst(%dma_wait3A_165 : memref<128x128xf32, #tpu.memory_space<hbm>>)
      tpu.yield
    }) : () -> ()
    return
  }
}

#map = affine_map<(d0, d1) -> (0, 0, 0)>
#map1 = affine_map<(d0, d1) -> (0, 0)>
module attributes {stable_mosaic.version = 14 : i64} {
  func.func @_sc_deg(%arg0: i32, %arg1: i32, %arg2: memref<2x2500x128xi32, #tpu.memory_space<hbm>>, %arg3: memref<2x8x128xi32, #tpu.memory_space<hbm>>, %arg4: memref<2x10240xf32, #tpu.memory_space<hbm>>, %arg5: memref<80x128xi32, #tpu.memory_space<vmem>>, %arg6: memref<8x128xi32, #tpu.memory_space<vmem>>, %arg7: memref<128xf32, #tpu.memory_space<vmem>>, %arg8: memref<640xf32, #tpu.memory_space<vmem>>, %arg9: memref<10240xf32, #tpu.memory_space<vmem_shared>>, %arg10: memref<!tpu.dma_semaphore, #tpu.memory_space<semaphore_mem>>) attributes {dimension_semantics = [#tpu.dimension_semantics<core_parallel>, #tpu.dimension_semantics<subcore_parallel>], iteration_bounds = array<i64: 2, 16>, scalar_prefetch = 0 : i64, scratch_operands = 6 : i64, tpu.core_type = #tpu.core_type<sc_vector_subcore>, window_params = [{transform_indices = #map}, {transform_indices = #map}, {transform_indices = #map1}]} {
    %mul3A = arith.constant 16 : i32
    %mul3A_0 = arith.muli %arg0, %mul3A : i32
    %add3A = arith.addi %mul3A_0, %arg1 : i32
    %lt3A = arith.constant 24 : i32
    %lt3A_1 = arith.cmpi slt, %add3A, %lt3A : i32
    %mul3A_2 = arith.constant 80 : i32
    %mul3A_3 = arith.muli %mul3A_2, %add3A : i32
    %mul3A_4 = arith.constant 72 : i32
    %mul3A_5 = arith.muli %mul3A_4, %add3A : i32
    %add3A_6 = arith.constant 1920 : i32
    %add3A_7 = arith.addi %mul3A_5, %add3A_6 : i32
    %sub3A = arith.constant 1728 : i32
    %sub3A_8 = arith.subi %add3A_7, %sub3A : i32
    %select_n3A = arith.select %lt3A_1, %mul3A_3, %sub3A_8 : i32
    %broadcast_in_dim3A = arith.constant 0.000000e+00 : f32
    %broadcast_in_dim3A_9 = vector.broadcast %broadcast_in_dim3A : f32 to vector<16xf32>
    %swap3A = arith.constant 0 : index
    %swap3A_10 = tpu.vector_load %arg8[%swap3A] {strides = array<i32>} : memref<640xf32, #tpu.memory_space<vmem>>, vector<16xf32>,
    %swap3A_11 = vector.shape_cast %swap3A_10 : vector<16xf32> to vector<16xf32>
    %swap3A_12 = vector.shape_cast %broadcast_in_dim3A_9 : vector<16xf32> to vector<16xf32>
    tpu.vector_store %arg8[%swap3A], %swap3A_12 {strides = array<i32>} : memref<640xf32, #tpu.memory_space<vmem>>, vector<16xf32>,
    %broadcast_in_dim3A_13 = arith.constant 0.000000e+00 : f32
    %broadcast_in_dim3A_14 = vector.broadcast %broadcast_in_dim3A_13 : f32 to vector<16xf32>
    %swap3A_15 = arith.constant 16 : index
    %swap3A_16 = tpu.vector_load %arg8[%swap3A_15] {strides = array<i32>} : memref<640xf32, #tpu.memory_space<vmem>>, vector<16xf32>,
    %swap3A_17 = vector.shape_cast %swap3A_16 : vector<16xf32> to vector<16xf32>
    %swap3A_18 = vector.shape_cast %broadcast_in_dim3A_14 : vector<16xf32> to vector<16xf32>
    tpu.vector_store %arg8[%swap3A_15], %swap3A_18 {strides = array<i32>} : memref<640xf32, #tpu.memory_space<vmem>>, vector<16xf32>,
    %broadcast_in_dim3A_19 = arith.constant 0.000000e+00 : f32
    %broadcast_in_dim3A_20 = vector.broadcast %broadcast_in_dim3A_19 : f32 to vector<16xf32>
    %swap3A_21 = arith.constant 32 : index
    %swap3A_22 = tpu.vector_load %arg8[%swap3A_21] {strides = array<i32>} : memref<640xf32, #tpu.memory_space<vmem>>, vector<16xf32>,
    %swap3A_23 = vector.shape_cast %swap3A_22 : vector<16xf32> to vector<16xf32>
    %swap3A_24 = vector.shape_cast %broadcast_in_dim3A_20 : vector<16xf32> to vector<16xf32>
    tpu.vector_store %arg8[%swap3A_21], %swap3A_24 {strides = array<i32>} : memref<640xf32, #tpu.memory_space<vmem>>, vector<16xf32>,
    %broadcast_in_dim3A_25 = arith.constant 0.000000e+00 : f32
    %broadcast_in_dim3A_26 = vector.broadcast %broadcast_in_dim3A_25 : f32 to vector<16xf32>
    %swap3A_27 = arith.constant 48 : index
    %swap3A_28 = tpu.vector_load %arg8[%swap3A_27] {strides = array<i32>} : memref<640xf32, #tpu.memory_space<vmem>>, vector<16xf32>,
    %swap3A_29 = vector.shape_cast %swap3A_28 : vector<16xf32> to vector<16xf32>
    %swap3A_30 = vector.shape_cast %broadcast_in_dim3A_26 : vector<16xf32> to vector<16xf32>
    tpu.vector_store %arg8[%swap3A_27], %swap3A_30 {strides = array<i32>} : memref<640xf32, #tpu.memory_space<vmem>>, vector<16xf32>,
    %broadcast_in_dim3A_31 = arith.constant 0.000000e+00 : f32
    %broadcast_in_dim3A_32 = vector.broadcast %broadcast_in_dim3A_31 : f32 to vector<16xf32>
    %swap3A_33 = arith.constant 64 : index
    %swap3A_34 = tpu.vector_load %arg8[%swap3A_33] {strides = array<i32>} : memref<640xf32, #tpu.memory_space<vmem>>, vector<16xf32>,
    %swap3A_35 = vector.shape_cast %swap3A_34 : vector<16xf32> to vector<16xf32>
    %swap3A_36 = vector.shape_cast %broadcast_in_dim3A_32 : vector<16xf32> to vector<16xf32>
    tpu.vector_store %arg8[%swap3A_33], %swap3A_36 {strides = array<i32>} : memref<640xf32, #tpu.memory_space<vmem>>, vector<16xf32>,
    %broadcast_in_dim3A_37 = arith.constant 0.000000e+00 : f32
    %broadcast_in_dim3A_38 = vector.broadcast %broadcast_in_dim3A_37 : f32 to vector<16xf32>
    %swap3A_39 = arith.constant 80 : index
    %swap3A_40 = tpu.vector_load %arg8[%swap3A_39] {strides = array<i32>} : memref<640xf32, #tpu.memory_space<vmem>>, vector<16xf32>,
    %swap3A_41 = vector.shape_cast %swap3A_40 : vector<16xf32> to vector<16xf32>
    %swap3A_42 = vector.shape_cast %broadcast_in_dim3A_38 : vector<16xf32> to vector<16xf32>
    tpu.vector_store %arg8[%swap3A_39], %swap3A_42 {strides = array<i32>} : memref<640xf32, #tpu.memory_space<vmem>>, vector<16xf32>,
    %broadcast_in_dim3A_43 = arith.constant 0.000000e+00 : f32
    %broadcast_in_dim3A_44 = vector.broadcast %broadcast_in_dim3A_43 : f32 to vector<16xf32>
    %swap3A_45 = arith.constant 96 : index
    %swap3A_46 = tpu.vector_load %arg8[%swap3A_45] {strides = array<i32>} : memref<640xf32, #tpu.memory_space<vmem>>, vector<16xf32>,
    %swap3A_47 = vector.shape_cast %swap3A_46 : vector<16xf32> to vector<16xf32>
    %swap3A_48 = vector.shape_cast %broadcast_in_dim3A_44 : vector<16xf32> to vector<16xf32>
    tpu.vector_store %arg8[%swap3A_45], %swap3A_48 {strides = array<i32>} : memref<640xf32, #tpu.memory_space<vmem>>, vector<16xf32>,
    %broadcast_in_dim3A_49 = arith.constant 0.000000e+00 : f32
    %broadcast_in_dim3A_50 = vector.broadcast %broadcast_in_dim3A_49 : f32 to vector<16xf32>
    %swap3A_51 = arith.constant 112 : index
    %swap3A_52 = tpu.vector_load %arg8[%swap3A_51] {strides = array<i32>} : memref<640xf32, #tpu.memory_space<vmem>>, vector<16xf32>,
    %swap3A_53 = vector.shape_cast %swap3A_52 : vector<16xf32> to vector<16xf32>
    %swap3A_54 = vector.shape_cast %broadcast_in_dim3A_50 : vector<16xf32> to vector<16xf32>
    tpu.vector_store %arg8[%swap3A_51], %swap3A_54 {strides = array<i32>} : memref<640xf32, #tpu.memory_space<vmem>>, vector<16xf32>,
    %broadcast_in_dim3A_55 = arith.constant 0.000000e+00 : f32
    %broadcast_in_dim3A_56 = vector.broadcast %broadcast_in_dim3A_55 : f32 to vector<16xf32>
    %swap3A_57 = arith.constant 128 : index
    %swap3A_58 = tpu.vector_load %arg8[%swap3A_57] {strides = array<i32>} : memref<640xf32, #tpu.memory_space<vmem>>, vector<16xf32>,
    %swap3A_59 = vector.shape_cast %swap3A_58 : vector<16xf32> to vector<16xf32>
    %swap3A_60 = vector.shape_cast %broadcast_in_dim3A_56 : vector<16xf32> to vector<16xf32>
    tpu.vector_store %arg8[%swap3A_57], %swap3A_60 {strides = array<i32>} : memref<640xf32, #tpu.memory_space<vmem>>, vector<16xf32>,
    %broadcast_in_dim3A_61 = arith.constant 0.000000e+00 : f32
    %broadcast_in_dim3A_62 = vector.broadcast %broadcast_in_dim3A_61 : f32 to vector<16xf32>
    %swap3A_63 = arith.constant 144 : index
    %swap3A_64 = tpu.vector_load %arg8[%swap3A_63] {strides = array<i32>} : memref<640xf32, #tpu.memory_space<vmem>>, vector<16xf32>,
    %swap3A_65 = vector.shape_cast %swap3A_64 : vector<16xf32> to vector<16xf32>
    %swap3A_66 = vector.shape_cast %broadcast_in_dim3A_62 : vector<16xf32> to vector<16xf32>
    tpu.vector_store %arg8[%swap3A_63], %swap3A_66 {strides = array<i32>} : memref<640xf32, #tpu.memory_space<vmem>>, vector<16xf32>,
    %broadcast_in_dim3A_67 = arith.constant 0.000000e+00 : f32
    %broadcast_in_dim3A_68 = vector.broadcast %broadcast_in_dim3A_67 : f32 to vector<16xf32>
    %swap3A_69 = arith.constant 160 : index
    %swap3A_70 = tpu.vector_load %arg8[%swap3A_69] {strides = array<i32>} : memref<640xf32, #tpu.memory_space<vmem>>, vector<16xf32>,
    %swap3A_71 = vector.shape_cast %swap3A_70 : vector<16xf32> to vector<16xf32>
    %swap3A_72 = vector.shape_cast %broadcast_in_dim3A_68 : vector<16xf32> to vector<16xf32>
    tpu.vector_store %arg8[%swap3A_69], %swap3A_72 {strides = array<i32>} : memref<640xf32, #tpu.memory_space<vmem>>, vector<16xf32>,
    %broadcast_in_dim3A_73 = arith.constant 0.000000e+00 : f32
    %broadcast_in_dim3A_74 = vector.broadcast %broadcast_in_dim3A_73 : f32 to vector<16xf32>
    %swap3A_75 = arith.constant 176 : index
    %swap3A_76 = tpu.vector_load %arg8[%swap3A_75] {strides = array<i32>} : memref<640xf32, #tpu.memory_space<vmem>>, vector<16xf32>,
    %swap3A_77 = vector.shape_cast %swap3A_76 : vector<16xf32> to vector<16xf32>
    %swap3A_78 = vector.shape_cast %broadcast_in_dim3A_74 : vector<16xf32> to vector<16xf32>
    tpu.vector_store %arg8[%swap3A_75], %swap3A_78 {strides = array<i32>} : memref<640xf32, #tpu.memory_space<vmem>>, vector<16xf32>,
    %broadcast_in_dim3A_79 = arith.constant 0.000000e+00 : f32
    %broadcast_in_dim3A_80 = vector.broadcast %broadcast_in_dim3A_79 : f32 to vector<16xf32>
    %swap3A_81 = arith.constant 192 : index
    %swap3A_82 = tpu.vector_load %arg8[%swap3A_81] {strides = array<i32>} : memref<640xf32, #tpu.memory_space<vmem>>, vector<16xf32>,
    %swap3A_83 = vector.shape_cast %swap3A_82 : vector<16xf32> to vector<16xf32>
    %swap3A_84 = vector.shape_cast %broadcast_in_dim3A_80 : vector<16xf32> to vector<16xf32>
    tpu.vector_store %arg8[%swap3A_81], %swap3A_84 {strides = array<i32>} : memref<640xf32, #tpu.memory_space<vmem>>, vector<16xf32>,
    %broadcast_in_dim3A_85 = arith.constant 0.000000e+00 : f32
    %broadcast_in_dim3A_86 = vector.broadcast %broadcast_in_dim3A_85 : f32 to vector<16xf32>
    %swap3A_87 = arith.constant 208 : index
    %swap3A_88 = tpu.vector_load %arg8[%swap3A_87] {strides = array<i32>} : memref<640xf32, #tpu.memory_space<vmem>>, vector<16xf32>,
    %swap3A_89 = vector.shape_cast %swap3A_88 : vector<16xf32> to vector<16xf32>
    %swap3A_90 = vector.shape_cast %broadcast_in_dim3A_86 : vector<16xf32> to vector<16xf32>
    tpu.vector_store %arg8[%swap3A_87], %swap3A_90 {strides = array<i32>} : memref<640xf32, #tpu.memory_space<vmem>>, vector<16xf32>,
    %broadcast_in_dim3A_91 = arith.constant 0.000000e+00 : f32
    %broadcast_in_dim3A_92 = vector.broadcast %broadcast_in_dim3A_91 : f32 to vector<16xf32>
    %swap3A_93 = arith.constant 224 : index
    %swap3A_94 = tpu.vector_load %arg8[%swap3A_93] {strides = array<i32>} : memref<640xf32, #tpu.memory_space<vmem>>, vector<16xf32>,
    %swap3A_95 = vector.shape_cast %swap3A_94 : vector<16xf32> to vector<16xf32>
    %swap3A_96 = vector.shape_cast %broadcast_in_dim3A_92 : vector<16xf32> to vector<16xf32>
    tpu.vector_store %arg8[%swap3A_93], %swap3A_96 {strides = array<i32>} : memref<640xf32, #tpu.memory_space<vmem>>, vector<16xf32>,
    %broadcast_in_dim3A_97 = arith.constant 0.000000e+00 : f32
    %broadcast_in_dim3A_98 = vector.broadcast %broadcast_in_dim3A_97 : f32 to vector<16xf32>
    %swap3A_99 = arith.constant 240 : index
    %swap3A_100 = tpu.vector_load %arg8[%swap3A_99] {strides = array<i32>} : memref<640xf32, #tpu.memory_space<vmem>>, vector<16xf32>,
    %swap3A_101 = vector.shape_cast %swap3A_100 : vector<16xf32> to vector<16xf32>
    %swap3A_102 = vector.shape_cast %broadcast_in_dim3A_98 : vector<16xf32> to vector<16xf32>
    tpu.vector_store %arg8[%swap3A_99], %swap3A_102 {strides = array<i32>} : memref<640xf32, #tpu.memory_space<vmem>>, vector<16xf32>,
    %broadcast_in_dim3A_103 = arith.constant 0.000000e+00 : f32
    %broadcast_in_dim3A_104 = vector.broadcast %broadcast_in_dim3A_103 : f32 to vector<16xf32>
    %swap3A_105 = arith.constant 256 : index
    %swap3A_106 = tpu.vector_load %arg8[%swap3A_105] {strides = array<i32>} : memref<640xf32, #tpu.memory_space<vmem>>, vector<16xf32>,
    %swap3A_107 = vector.shape_cast %swap3A_106 : vector<16xf32> to vector<16xf32>
    %swap3A_108 = vector.shape_cast %broadcast_in_dim3A_104 : vector<16xf32> to vector<16xf32>
    tpu.vector_store %arg8[%swap3A_105], %swap3A_108 {strides = array<i32>} : memref<640xf32, #tpu.memory_space<vmem>>, vector<16xf32>,
    %broadcast_in_dim3A_109 = arith.constant 0.000000e+00 : f32
    %broadcast_in_dim3A_110 = vector.broadcast %broadcast_in_dim3A_109 : f32 to vector<16xf32>
    %swap3A_111 = arith.constant 272 : index
    %swap3A_112 = tpu.vector_load %arg8[%swap3A_111] {strides = array<i32>} : memref<640xf32, #tpu.memory_space<vmem>>, vector<16xf32>,
    %swap3A_113 = vector.shape_cast %swap3A_112 : vector<16xf32> to vector<16xf32>
    %swap3A_114 = vector.shape_cast %broadcast_in_dim3A_110 : vector<16xf32> to vector<16xf32>
    tpu.vector_store %arg8[%swap3A_111], %swap3A_114 {strides = array<i32>} : memref<640xf32, #tpu.memory_space<vmem>>, vector<16xf32>,
    %broadcast_in_dim3A_115 = arith.constant 0.000000e+00 : f32
    %broadcast_in_dim3A_116 = vector.broadcast %broadcast_in_dim3A_115 : f32 to vector<16xf32>
    %swap3A_117 = arith.constant 288 : index
    %swap3A_118 = tpu.vector_load %arg8[%swap3A_117] {strides = array<i32>} : memref<640xf32, #tpu.memory_space<vmem>>, vector<16xf32>,
    %swap3A_119 = vector.shape_cast %swap3A_118 : vector<16xf32> to vector<16xf32>
    %swap3A_120 = vector.shape_cast %broadcast_in_dim3A_116 : vector<16xf32> to vector<16xf32>
    tpu.vector_store %arg8[%swap3A_117], %swap3A_120 {strides = array<i32>} : memref<640xf32, #tpu.memory_space<vmem>>, vector<16xf32>,
    %broadcast_in_dim3A_121 = arith.constant 0.000000e+00 : f32
    %broadcast_in_dim3A_122 = vector.broadcast %broadcast_in_dim3A_121 : f32 to vector<16xf32>
    %swap3A_123 = arith.constant 304 : index
    %swap3A_124 = tpu.vector_load %arg8[%swap3A_123] {strides = array<i32>} : memref<640xf32, #tpu.memory_space<vmem>>, vector<16xf32>,
    %swap3A_125 = vector.shape_cast %swap3A_124 : vector<16xf32> to vector<16xf32>
    %swap3A_126 = vector.shape_cast %broadcast_in_dim3A_122 : vector<16xf32> to vector<16xf32>
    tpu.vector_store %arg8[%swap3A_123], %swap3A_126 {strides = array<i32>} : memref<640xf32, #tpu.memory_space<vmem>>, vector<16xf32>,
    %broadcast_in_dim3A_127 = arith.constant 0.000000e+00 : f32
    %broadcast_in_dim3A_128 = vector.broadcast %broadcast_in_dim3A_127 : f32 to vector<16xf32>
    %swap3A_129 = arith.constant 320 : index
    %swap3A_130 = tpu.vector_load %arg8[%swap3A_129] {strides = array<i32>} : memref<640xf32, #tpu.memory_space<vmem>>, vector<16xf32>,
    %swap3A_131 = vector.shape_cast %swap3A_130 : vector<16xf32> to vector<16xf32>
    %swap3A_132 = vector.shape_cast %broadcast_in_dim3A_128 : vector<16xf32> to vector<16xf32>
    tpu.vector_store %arg8[%swap3A_129], %swap3A_132 {strides = array<i32>} : memref<640xf32, #tpu.memory_space<vmem>>, vector<16xf32>,
    %broadcast_in_dim3A_133 = arith.constant 0.000000e+00 : f32
    %broadcast_in_dim3A_134 = vector.broadcast %broadcast_in_dim3A_133 : f32 to vector<16xf32>
    %swap3A_135 = arith.constant 336 : index
    %swap3A_136 = tpu.vector_load %arg8[%swap3A_135] {strides = array<i32>} : memref<640xf32, #tpu.memory_space<vmem>>, vector<16xf32>,
    %swap3A_137 = vector.shape_cast %swap3A_136 : vector<16xf32> to vector<16xf32>
    %swap3A_138 = vector.shape_cast %broadcast_in_dim3A_134 : vector<16xf32> to vector<16xf32>
    tpu.vector_store %arg8[%swap3A_135], %swap3A_138 {strides = array<i32>} : memref<640xf32, #tpu.memory_space<vmem>>, vector<16xf32>,
    %broadcast_in_dim3A_139 = arith.constant 0.000000e+00 : f32
    %broadcast_in_dim3A_140 = vector.broadcast %broadcast_in_dim3A_139 : f32 to vector<16xf32>
    %swap3A_141 = arith.constant 352 : index
    %swap3A_142 = tpu.vector_load %arg8[%swap3A_141] {strides = array<i32>} : memref<640xf32, #tpu.memory_space<vmem>>, vector<16xf32>,
    %swap3A_143 = vector.shape_cast %swap3A_142 : vector<16xf32> to vector<16xf32>
    %swap3A_144 = vector.shape_cast %broadcast_in_dim3A_140 : vector<16xf32> to vector<16xf32>
    tpu.vector_store %arg8[%swap3A_141], %swap3A_144 {strides = array<i32>} : memref<640xf32, #tpu.memory_space<vmem>>, vector<16xf32>,
    %broadcast_in_dim3A_145 = arith.constant 0.000000e+00 : f32
    %broadcast_in_dim3A_146 = vector.broadcast %broadcast_in_dim3A_145 : f32 to vector<16xf32>
    %swap3A_147 = arith.constant 368 : index
    %swap3A_148 = tpu.vector_load %arg8[%swap3A_147] {strides = array<i32>} : memref<640xf32, #tpu.memory_space<vmem>>, vector<16xf32>,
    %swap3A_149 = vector.shape_cast %swap3A_148 : vector<16xf32> to vector<16xf32>
    %swap3A_150 = vector.shape_cast %broadcast_in_dim3A_146 : vector<16xf32> to vector<16xf32>
    tpu.vector_store %arg8[%swap3A_147], %swap3A_150 {strides = array<i32>} : memref<640xf32, #tpu.memory_space<vmem>>, vector<16xf32>,
    %broadcast_in_dim3A_151 = arith.constant 0.000000e+00 : f32
    %broadcast_in_dim3A_152 = vector.broadcast %broadcast_in_dim3A_151 : f32 to vector<16xf32>
    %swap3A_153 = arith.constant 384 : index
    %swap3A_154 = tpu.vector_load %arg8[%swap3A_153] {strides = array<i32>} : memref<640xf32, #tpu.memory_space<vmem>>, vector<16xf32>,
    %swap3A_155 = vector.shape_cast %swap3A_154 : vector<16xf32> to vector<16xf32>
    %swap3A_156 = vector.shape_cast %broadcast_in_dim3A_152 : vector<16xf32> to vector<16xf32>
    tpu.vector_store %arg8[%swap3A_153], %swap3A_156 {strides = array<i32>} : memref<640xf32, #tpu.memory_space<vmem>>, vector<16xf32>,
    %broadcast_in_dim3A_157 = arith.constant 0.000000e+00 : f32
    %broadcast_in_dim3A_158 = vector.broadcast %broadcast_in_dim3A_157 : f32 to vector<16xf32>
    %swap3A_159 = arith.constant 400 : index
    %swap3A_160 = tpu.vector_load %arg8[%swap3A_159] {strides = array<i32>} : memref<640xf32, #tpu.memory_space<vmem>>, vector<16xf32>,
    %swap3A_161 = vector.shape_cast %swap3A_160 : vector<16xf32> to vector<16xf32>
    %swap3A_162 = vector.shape_cast %broadcast_in_dim3A_158 : vector<16xf32> to vector<16xf32>
    tpu.vector_store %arg8[%swap3A_159], %swap3A_162 {strides = array<i32>} : memref<640xf32, #tpu.memory_space<vmem>>, vector<16xf32>,
    %broadcast_in_dim3A_163 = arith.constant 0.000000e+00 : f32
    %broadcast_in_dim3A_164 = vector.broadcast %broadcast_in_dim3A_163 : f32 to vector<16xf32>
    %swap3A_165 = arith.constant 416 : index
    %swap3A_166 = tpu.vector_load %arg8[%swap3A_165] {strides = array<i32>} : memref<640xf32, #tpu.memory_space<vmem>>, vector<16xf32>,
    %swap3A_167 = vector.shape_cast %swap3A_166 : vector<16xf32> to vector<16xf32>
    %swap3A_168 = vector.shape_cast %broadcast_in_dim3A_164 : vector<16xf32> to vector<16xf32>
    tpu.vector_store %arg8[%swap3A_165], %swap3A_168 {strides = array<i32>} : memref<640xf32, #tpu.memory_space<vmem>>, vector<16xf32>,
    %broadcast_in_dim3A_169 = arith.constant 0.000000e+00 : f32
    %broadcast_in_dim3A_170 = vector.broadcast %broadcast_in_dim3A_169 : f32 to vector<16xf32>
    %swap3A_171 = arith.constant 432 : index
    %swap3A_172 = tpu.vector_load %arg8[%swap3A_171] {strides = array<i32>} : memref<640xf32, #tpu.memory_space<vmem>>, vector<16xf32>,
    %swap3A_173 = vector.shape_cast %swap3A_172 : vector<16xf32> to vector<16xf32>
    %swap3A_174 = vector.shape_cast %broadcast_in_dim3A_170 : vector<16xf32> to vector<16xf32>
    tpu.vector_store %arg8[%swap3A_171], %swap3A_174 {strides = array<i32>} : memref<640xf32, #tpu.memory_space<vmem>>, vector<16xf32>,
    %broadcast_in_dim3A_175 = arith.constant 0.000000e+00 : f32
    %broadcast_in_dim3A_176 = vector.broadcast %broadcast_in_dim3A_175 : f32 to vector<16xf32>
    %swap3A_177 = arith.constant 448 : index
    %swap3A_178 = tpu.vector_load %arg8[%swap3A_177] {strides = array<i32>} : memref<640xf32, #tpu.memory_space<vmem>>, vector<16xf32>,
    %swap3A_179 = vector.shape_cast %swap3A_178 : vector<16xf32> to vector<16xf32>
    %swap3A_180 = vector.shape_cast %broadcast_in_dim3A_176 : vector<16xf32> to vector<16xf32>
    tpu.vector_store %arg8[%swap3A_177], %swap3A_180 {strides = array<i32>} : memref<640xf32, #tpu.memory_space<vmem>>, vector<16xf32>,
    %broadcast_in_dim3A_181 = arith.constant 0.000000e+00 : f32
    %broadcast_in_dim3A_182 = vector.broadcast %broadcast_in_dim3A_181 : f32 to vector<16xf32>
    %swap3A_183 = arith.constant 464 : index
    %swap3A_184 = tpu.vector_load %arg8[%swap3A_183] {strides = array<i32>} : memref<640xf32, #tpu.memory_space<vmem>>, vector<16xf32>,
    %swap3A_185 = vector.shape_cast %swap3A_184 : vector<16xf32> to vector<16xf32>
    %swap3A_186 = vector.shape_cast %broadcast_in_dim3A_182 : vector<16xf32> to vector<16xf32>
    tpu.vector_store %arg8[%swap3A_183], %swap3A_186 {strides = array<i32>} : memref<640xf32, #tpu.memory_space<vmem>>, vector<16xf32>,
    %broadcast_in_dim3A_187 = arith.constant 0.000000e+00 : f32
    %broadcast_in_dim3A_188 = vector.broadcast %broadcast_in_dim3A_187 : f32 to vector<16xf32>
    %swap3A_189 = arith.constant 480 : index
    %swap3A_190 = tpu.vector_load %arg8[%swap3A_189] {strides = array<i32>} : memref<640xf32, #tpu.memory_space<vmem>>, vector<16xf32>,
    %swap3A_191 = vector.shape_cast %swap3A_190 : vector<16xf32> to vector<16xf32>
    %swap3A_192 = vector.shape_cast %broadcast_in_dim3A_188 : vector<16xf32> to vector<16xf32>
    tpu.vector_store %arg8[%swap3A_189], %swap3A_192 {strides = array<i32>} : memref<640xf32, #tpu.memory_space<vmem>>, vector<16xf32>,
    %broadcast_in_dim3A_193 = arith.constant 0.000000e+00 : f32
    %broadcast_in_dim3A_194 = vector.broadcast %broadcast_in_dim3A_193 : f32 to vector<16xf32>
    %swap3A_195 = arith.constant 496 : index
    %swap3A_196 = tpu.vector_load %arg8[%swap3A_195] {strides = array<i32>} : memref<640xf32, #tpu.memory_space<vmem>>, vector<16xf32>,
    %swap3A_197 = vector.shape_cast %swap3A_196 : vector<16xf32> to vector<16xf32>
    %swap3A_198 = vector.shape_cast %broadcast_in_dim3A_194 : vector<16xf32> to vector<16xf32>
    tpu.vector_store %arg8[%swap3A_195], %swap3A_198 {strides = array<i32>} : memref<640xf32, #tpu.memory_space<vmem>>, vector<16xf32>,
    %broadcast_in_dim3A_199 = arith.constant 0.000000e+00 : f32
    %broadcast_in_dim3A_200 = vector.broadcast %broadcast_in_dim3A_199 : f32 to vector<16xf32>
    %swap3A_201 = arith.constant 512 : index
    %swap3A_202 = tpu.vector_load %arg8[%swap3A_201] {strides = array<i32>} : memref<640xf32, #tpu.memory_space<vmem>>, vector<16xf32>,
    %swap3A_203 = vector.shape_cast %swap3A_202 : vector<16xf32> to vector<16xf32>
    %swap3A_204 = vector.shape_cast %broadcast_in_dim3A_200 : vector<16xf32> to vector<16xf32>
    tpu.vector_store %arg8[%swap3A_201], %swap3A_204 {strides = array<i32>} : memref<640xf32, #tpu.memory_space<vmem>>, vector<16xf32>,
    %broadcast_in_dim3A_205 = arith.constant 0.000000e+00 : f32
    %broadcast_in_dim3A_206 = vector.broadcast %broadcast_in_dim3A_205 : f32 to vector<16xf32>
    %swap3A_207 = arith.constant 528 : index
    %swap3A_208 = tpu.vector_load %arg8[%swap3A_207] {strides = array<i32>} : memref<640xf32, #tpu.memory_space<vmem>>, vector<16xf32>,
    %swap3A_209 = vector.shape_cast %swap3A_208 : vector<16xf32> to vector<16xf32>
    %swap3A_210 = vector.shape_cast %broadcast_in_dim3A_206 : vector<16xf32> to vector<16xf32>
    tpu.vector_store %arg8[%swap3A_207], %swap3A_210 {strides = array<i32>} : memref<640xf32, #tpu.memory_space<vmem>>, vector<16xf32>,
    %broadcast_in_dim3A_211 = arith.constant 0.000000e+00 : f32
    %broadcast_in_dim3A_212 = vector.broadcast %broadcast_in_dim3A_211 : f32 to vector<16xf32>
    %swap3A_213 = arith.constant 544 : index
    %swap3A_214 = tpu.vector_load %arg8[%swap3A_213] {strides = array<i32>} : memref<640xf32, #tpu.memory_space<vmem>>, vector<16xf32>,
    %swap3A_215 = vector.shape_cast %swap3A_214 : vector<16xf32> to vector<16xf32>
    %swap3A_216 = vector.shape_cast %broadcast_in_dim3A_212 : vector<16xf32> to vector<16xf32>
    tpu.vector_store %arg8[%swap3A_213], %swap3A_216 {strides = array<i32>} : memref<640xf32, #tpu.memory_space<vmem>>, vector<16xf32>,
    %broadcast_in_dim3A_217 = arith.constant 0.000000e+00 : f32
    %broadcast_in_dim3A_218 = vector.broadcast %broadcast_in_dim3A_217 : f32 to vector<16xf32>
    %swap3A_219 = arith.constant 560 : index
    %swap3A_220 = tpu.vector_load %arg8[%swap3A_219] {strides = array<i32>} : memref<640xf32, #tpu.memory_space<vmem>>, vector<16xf32>,
    %swap3A_221 = vector.shape_cast %swap3A_220 : vector<16xf32> to vector<16xf32>
    %swap3A_222 = vector.shape_cast %broadcast_in_dim3A_218 : vector<16xf32> to vector<16xf32>
    tpu.vector_store %arg8[%swap3A_219], %swap3A_222 {strides = array<i32>} : memref<640xf32, #tpu.memory_space<vmem>>, vector<16xf32>,
    %broadcast_in_dim3A_223 = arith.constant 0.000000e+00 : f32
    %broadcast_in_dim3A_224 = vector.broadcast %broadcast_in_dim3A_223 : f32 to vector<16xf32>
    %swap3A_225 = arith.constant 576 : index
    %swap3A_226 = tpu.vector_load %arg8[%swap3A_225] {strides = array<i32>} : memref<640xf32, #tpu.memory_space<vmem>>, vector<16xf32>,
    %swap3A_227 = vector.shape_cast %swap3A_226 : vector<16xf32> to vector<16xf32>
    %swap3A_228 = vector.shape_cast %broadcast_in_dim3A_224 : vector<16xf32> to vector<16xf32>
    tpu.vector_store %arg8[%swap3A_225], %swap3A_228 {strides = array<i32>} : memref<640xf32, #tpu.memory_space<vmem>>, vector<16xf32>,
    %broadcast_in_dim3A_229 = arith.constant 0.000000e+00 : f32
    %broadcast_in_dim3A_230 = vector.broadcast %broadcast_in_dim3A_229 : f32 to vector<16xf32>
    %swap3A_231 = arith.constant 592 : index
    %swap3A_232 = tpu.vector_load %arg8[%swap3A_231] {strides = array<i32>} : memref<640xf32, #tpu.memory_space<vmem>>, vector<16xf32>,
    %swap3A_233 = vector.shape_cast %swap3A_232 : vector<16xf32> to vector<16xf32>
    %swap3A_234 = vector.shape_cast %broadcast_in_dim3A_230 : vector<16xf32> to vector<16xf32>
    tpu.vector_store %arg8[%swap3A_231], %swap3A_234 {strides = array<i32>} : memref<640xf32, #tpu.memory_space<vmem>>, vector<16xf32>,
    %broadcast_in_dim3A_235 = arith.constant 0.000000e+00 : f32
    %broadcast_in_dim3A_236 = vector.broadcast %broadcast_in_dim3A_235 : f32 to vector<16xf32>
    %swap3A_237 = arith.constant 608 : index
    %swap3A_238 = tpu.vector_load %arg8[%swap3A_237] {strides = array<i32>} : memref<640xf32, #tpu.memory_space<vmem>>, vector<16xf32>,
    %swap3A_239 = vector.shape_cast %swap3A_238 : vector<16xf32> to vector<16xf32>
    %swap3A_240 = vector.shape_cast %broadcast_in_dim3A_236 : vector<16xf32> to vector<16xf32>
    tpu.vector_store %arg8[%swap3A_237], %swap3A_240 {strides = array<i32>} : memref<640xf32, #tpu.memory_space<vmem>>, vector<16xf32>,
    %broadcast_in_dim3A_241 = arith.constant 0.000000e+00 : f32
    %broadcast_in_dim3A_242 = vector.broadcast %broadcast_in_dim3A_241 : f32 to vector<16xf32>
    %swap3A_243 = arith.constant 624 : index
    %swap3A_244 = tpu.vector_load %arg8[%swap3A_243] {strides = array<i32>} : memref<640xf32, #tpu.memory_space<vmem>>, vector<16xf32>,
    %swap3A_245 = vector.shape_cast %swap3A_244 : vector<16xf32> to vector<16xf32>
    %swap3A_246 = vector.shape_cast %broadcast_in_dim3A_242 : vector<16xf32> to vector<16xf32>
    tpu.vector_store %arg8[%swap3A_243], %swap3A_246 {strides = array<i32>} : memref<640xf32, #tpu.memory_space<vmem>>, vector<16xf32>,
    %mul3A_247 = arith.constant 640 : i32
    %mul3A_248 = arith.muli %arg1, %mul3A_247 : i32
    "tpu.region"() ({
      %run_scoped3A_1180 = tpu.sem_alloc : memref<!tpu.dma_semaphore, #tpu.memory_space<semaphore_mem>>
      %dma_start3A_1181 = tpu.memref_slice %arg9[%mul3A_248] : memref<10240xf32, #tpu.memory_space<vmem_shared>> -> memref<640xf32, #tpu.memory_space<vmem_shared>>
      %dma_start3A_1182 = tpu.memref_slice %arg9[%mul3A_248] : memref<10240xf32, #tpu.memory_space<vmem_shared>> -> memref<640xf32, #tpu.memory_space<vmem_shared>>
      tpu.enqueue_dma source(%arg8 : memref<640xf32, #tpu.memory_space<vmem>>) target(%dma_start3A_1182 : memref<640xf32, #tpu.memory_space<vmem_shared>>) target_semaphore(%run_scoped3A_1180 : memref<!tpu.dma_semaphore, #tpu.memory_space<semaphore_mem>>)
      %dma_wait3A_1183 = tpu.memref_slice %arg9[%mul3A_248] : memref<10240xf32, #tpu.memory_space<vmem_shared>> -> memref<640xf32, #tpu.memory_space<vmem_shared>>
      %dma_wait3A_1184 = tpu.memref_slice %arg9[%mul3A_248] : memref<10240xf32, #tpu.memory_space<vmem_shared>> -> memref<640xf32, #tpu.memory_space<vmem_shared>>
      tpu.wait_dma2 semaphore(%run_scoped3A_1180 : memref<!tpu.dma_semaphore, #tpu.memory_space<semaphore_mem>>) src(%arg8 : memref<640xf32, #tpu.memory_space<vmem>>) dst(%dma_wait3A_1184 : memref<640xf32, #tpu.memory_space<vmem_shared>>)
      tpu.yield
    }) : () -> ()
    %broadcast_in_dim3A_249 = arith.constant 1.000000e+00 : f32
    %broadcast_in_dim3A_250 = vector.broadcast %broadcast_in_dim3A_249 : f32 to vector<16xf32>
    %swap3A_251 = arith.constant 0 : index
    %swap3A_252 = tpu.vector_load %arg7[%swap3A_251] {strides = array<i32>} : memref<128xf32, #tpu.memory_space<vmem>>, vector<16xf32>,
    %swap3A_253 = vector.shape_cast %swap3A_252 : vector<16xf32> to vector<16xf32>
    %swap3A_254 = vector.shape_cast %broadcast_in_dim3A_250 : vector<16xf32> to vector<16xf32>
    tpu.vector_store %arg7[%swap3A_251], %swap3A_254 {strides = array<i32>} : memref<128xf32, #tpu.memory_space<vmem>>, vector<16xf32>,
    %broadcast_in_dim3A_255 = arith.constant 1.000000e+00 : f32
    %broadcast_in_dim3A_256 = vector.broadcast %broadcast_in_dim3A_255 : f32 to vector<16xf32>
    %swap3A_257 = arith.constant 16 : index
    %swap3A_258 = tpu.vector_load %arg7[%swap3A_257] {strides = array<i32>} : memref<128xf32, #tpu.memory_space<vmem>>, vector<16xf32>,
    %swap3A_259 = vector.shape_cast %swap3A_258 : vector<16xf32> to vector<16xf32>
    %swap3A_260 = vector.shape_cast %broadcast_in_dim3A_256 : vector<16xf32> to vector<16xf32>
    tpu.vector_store %arg7[%swap3A_257], %swap3A_260 {strides = array<i32>} : memref<128xf32, #tpu.memory_space<vmem>>, vector<16xf32>,
    %broadcast_in_dim3A_261 = arith.constant 1.000000e+00 : f32
    %broadcast_in_dim3A_262 = vector.broadcast %broadcast_in_dim3A_261 : f32 to vector<16xf32>
    %swap3A_263 = arith.constant 32 : index
    %swap3A_264 = tpu.vector_load %arg7[%swap3A_263] {strides = array<i32>} : memref<128xf32, #tpu.memory_space<vmem>>, vector<16xf32>,
    %swap3A_265 = vector.shape_cast %swap3A_264 : vector<16xf32> to vector<16xf32>
    %swap3A_266 = vector.shape_cast %broadcast_in_dim3A_262 : vector<16xf32> to vector<16xf32>
    tpu.vector_store %arg7[%swap3A_263], %swap3A_266 {strides = array<i32>} : memref<128xf32, #tpu.memory_space<vmem>>, vector<16xf32>,
    %broadcast_in_dim3A_267 = arith.constant 1.000000e+00 : f32
    %broadcast_in_dim3A_268 = vector.broadcast %broadcast_in_dim3A_267 : f32 to vector<16xf32>
    %swap3A_269 = arith.constant 48 : index
    %swap3A_270 = tpu.vector_load %arg7[%swap3A_269] {strides = array<i32>} : memref<128xf32, #tpu.memory_space<vmem>>, vector<16xf32>,
    %swap3A_271 = vector.shape_cast %swap3A_270 : vector<16xf32> to vector<16xf32>
    %swap3A_272 = vector.shape_cast %broadcast_in_dim3A_268 : vector<16xf32> to vector<16xf32>
    tpu.vector_store %arg7[%swap3A_269], %swap3A_272 {strides = array<i32>} : memref<128xf32, #tpu.memory_space<vmem>>, vector<16xf32>,
    %broadcast_in_dim3A_273 = arith.constant 1.000000e+00 : f32
    %broadcast_in_dim3A_274 = vector.broadcast %broadcast_in_dim3A_273 : f32 to vector<16xf32>
    %swap3A_275 = arith.constant 64 : index
    %swap3A_276 = tpu.vector_load %arg7[%swap3A_275] {strides = array<i32>} : memref<128xf32, #tpu.memory_space<vmem>>, vector<16xf32>,
    %swap3A_277 = vector.shape_cast %swap3A_276 : vector<16xf32> to vector<16xf32>
    %swap3A_278 = vector.shape_cast %broadcast_in_dim3A_274 : vector<16xf32> to vector<16xf32>
    tpu.vector_store %arg7[%swap3A_275], %swap3A_278 {strides = array<i32>} : memref<128xf32, #tpu.memory_space<vmem>>, vector<16xf32>,
    %broadcast_in_dim3A_279 = arith.constant 1.000000e+00 : f32
    %broadcast_in_dim3A_280 = vector.broadcast %broadcast_in_dim3A_279 : f32 to vector<16xf32>
    %swap3A_281 = arith.constant 80 : index
    %swap3A_282 = tpu.vector_load %arg7[%swap3A_281] {strides = array<i32>} : memref<128xf32, #tpu.memory_space<vmem>>, vector<16xf32>,
    %swap3A_283 = vector.shape_cast %swap3A_282 : vector<16xf32> to vector<16xf32>
    %swap3A_284 = vector.shape_cast %broadcast_in_dim3A_280 : vector<16xf32> to vector<16xf32>
    tpu.vector_store %arg7[%swap3A_281], %swap3A_284 {strides = array<i32>} : memref<128xf32, #tpu.memory_space<vmem>>, vector<16xf32>,
    %broadcast_in_dim3A_285 = arith.constant 1.000000e+00 : f32
    %broadcast_in_dim3A_286 = vector.broadcast %broadcast_in_dim3A_285 : f32 to vector<16xf32>
    %swap3A_287 = arith.constant 96 : index
    %swap3A_288 = tpu.vector_load %arg7[%swap3A_287] {strides = array<i32>} : memref<128xf32, #tpu.memory_space<vmem>>, vector<16xf32>,
    %swap3A_289 = vector.shape_cast %swap3A_288 : vector<16xf32> to vector<16xf32>
    %swap3A_290 = vector.shape_cast %broadcast_in_dim3A_286 : vector<16xf32> to vector<16xf32>
    tpu.vector_store %arg7[%swap3A_287], %swap3A_290 {strides = array<i32>} : memref<128xf32, #tpu.memory_space<vmem>>, vector<16xf32>,
    %broadcast_in_dim3A_291 = arith.constant 1.000000e+00 : f32
    %broadcast_in_dim3A_292 = vector.broadcast %broadcast_in_dim3A_291 : f32 to vector<16xf32>
    %swap3A_293 = arith.constant 112 : index
    %swap3A_294 = tpu.vector_load %arg7[%swap3A_293] {strides = array<i32>} : memref<128xf32, #tpu.memory_space<vmem>>, vector<16xf32>,
    %swap3A_295 = vector.shape_cast %swap3A_294 : vector<16xf32> to vector<16xf32>
    %swap3A_296 = vector.shape_cast %broadcast_in_dim3A_292 : vector<16xf32> to vector<16xf32>
    tpu.vector_store %arg7[%swap3A_293], %swap3A_296 {strides = array<i32>} : memref<128xf32, #tpu.memory_space<vmem>>, vector<16xf32>,
    %run_scoped3A = arith.constant 1 : i32
    "tpu.region"() ({
      %run_scoped3A_1180 = tpu.sem_alloc : memref<!tpu.dma_semaphore, #tpu.memory_space<semaphore_mem>>
      %dma_start3A_1181 = arith.constant 0 : i32
      %dma_start3A_1182 = arith.constant 0 : i32
      %dma_start3A_1183 = tpu.memref_slice %arg5[%dma_start3A_1181, %dma_start3A_1182] : memref<80x128xi32, #tpu.memory_space<vmem>> -> memref<72x128xi32, #tpu.memory_space<vmem>>
      %dma_start3A_1184 = arith.constant 0 : i32
      %dma_start3A_1185 = tpu.memref_slice %arg2[%run_scoped3A, %select_n3A, %dma_start3A_1184] : memref<2x2500x128xi32, #tpu.memory_space<hbm>> -> memref<1x72x128xi32, #tpu.memory_space<hbm>>
      %dma_start3A_1186 = tpu.memref_squeeze %dma_start3A_1185 : memref<1x72x128xi32, #tpu.memory_space<hbm>> -> memref<72x128xi32, #tpu.memory_space<hbm>>
      %dma_start3A_1187 = arith.constant 0 : i32
      %dma_start3A_1188 = arith.constant 0 : i32
      %dma_start3A_1189 = tpu.memref_slice %arg5[%dma_start3A_1187, %dma_start3A_1188] : memref<80x128xi32, #tpu.memory_space<vmem>> -> memref<72x128xi32, #tpu.memory_space<vmem>>
      %dma_start3A_1190 = arith.constant 0 : i32
      %dma_start3A_1191 = tpu.memref_slice %arg2[%run_scoped3A, %select_n3A, %dma_start3A_1190] : memref<2x2500x128xi32, #tpu.memory_space<hbm>> -> memref<1x72x128xi32, #tpu.memory_space<hbm>>
      %dma_start3A_1192 = tpu.memref_squeeze %dma_start3A_1191 : memref<1x72x128xi32, #tpu.memory_space<hbm>> -> memref<72x128xi32, #tpu.memory_space<hbm>>
      tpu.enqueue_dma source(%dma_start3A_1192 : memref<72x128xi32, #tpu.memory_space<hbm>>) target(%dma_start3A_1189 : memref<72x128xi32, #tpu.memory_space<vmem>>) target_semaphore(%run_scoped3A_1180 : memref<!tpu.dma_semaphore, #tpu.memory_space<semaphore_mem>>)
      %dma_wait3A_1193 = arith.constant 0 : i32
      %dma_wait3A_1194 = arith.constant 0 : i32
      %dma_wait3A_1195 = tpu.memref_slice %arg5[%dma_wait3A_1193, %dma_wait3A_1194] : memref<80x128xi32, #tpu.memory_space<vmem>> -> memref<72x128xi32, #tpu.memory_space<vmem>>
      %dma_wait3A_1196 = arith.constant 0 : i32
      %dma_wait3A_1197 = tpu.memref_slice %arg2[%run_scoped3A, %select_n3A, %dma_wait3A_1196] : memref<2x2500x128xi32, #tpu.memory_space<hbm>> -> memref<1x72x128xi32, #tpu.memory_space<hbm>>
      %dma_wait3A_1198 = tpu.memref_squeeze %dma_wait3A_1197 : memref<1x72x128xi32, #tpu.memory_space<hbm>> -> memref<72x128xi32, #tpu.memory_space<hbm>>
      %dma_wait3A_1199 = arith.constant 0 : i32
      %dma_wait3A_1200 = arith.constant 0 : i32
      %dma_wait3A_1201 = tpu.memref_slice %arg5[%dma_wait3A_1199, %dma_wait3A_1200] : memref<80x128xi32, #tpu.memory_space<vmem>> -> memref<72x128xi32, #tpu.memory_space<vmem>>
      %dma_wait3A_1202 = arith.constant 0 : i32
      %dma_wait3A_1203 = tpu.memref_slice %arg2[%run_scoped3A, %select_n3A, %dma_wait3A_1202] : memref<2x2500x128xi32, #tpu.memory_space<hbm>> -> memref<1x72x128xi32, #tpu.memory_space<hbm>>
      %dma_wait3A_1204 = tpu.memref_squeeze %dma_wait3A_1203 : memref<1x72x128xi32, #tpu.memory_space<hbm>> -> memref<72x128xi32, #tpu.memory_space<hbm>>
      tpu.wait_dma2 semaphore(%run_scoped3A_1180 : memref<!tpu.dma_semaphore, #tpu.memory_space<semaphore_mem>>) src(%dma_wait3A_1204 : memref<72x128xi32, #tpu.memory_space<hbm>>) dst(%dma_wait3A_1201 : memref<72x128xi32, #tpu.memory_space<vmem>>)
      tpu.yield
    }) : () -> ()
    %lt3A_297 = arith.constant 24 : i32
    %lt3A_298 = arith.cmpi slt, %add3A, %lt3A_297 : i32
    %convert_element_type3A = arith.extui %lt3A_298 : i1 to i32
    %cond3A = arith.constant 0 : i32
    %cond3A_299 = arith.cmpi ne, %convert_element_type3A, %cond3A : i32
    scf.if %cond3A_299 {
      %add3A_1180 = arith.constant 72 : i32
      %add3A_1181 = arith.addi %select_n3A, %add3A_1180 : i32
      %run_scoped3A_1182 = arith.constant 1 : i32
      "tpu.region"() ({
        %run_scoped3A_1183 = tpu.sem_alloc : memref<!tpu.dma_semaphore, #tpu.memory_space<semaphore_mem>>
        %dma_start3A_1184 = arith.constant 72 : i32
        %dma_start3A_1185 = arith.constant 0 : i32
        %dma_start3A_1186 = tpu.memref_slice %arg5[%dma_start3A_1184, %dma_start3A_1185] : memref<80x128xi32, #tpu.memory_space<vmem>> -> memref<8x128xi32, #tpu.memory_space<vmem>>
        %dma_start3A_1187 = arith.constant 0 : i32
        %dma_start3A_1188 = tpu.memref_slice %arg2[%run_scoped3A_1182, %add3A_1181, %dma_start3A_1187] : memref<2x2500x128xi32, #tpu.memory_space<hbm>> -> memref<1x8x128xi32, #tpu.memory_space<hbm>>
        %dma_start3A_1189 = tpu.memref_squeeze %dma_start3A_1188 : memref<1x8x128xi32, #tpu.memory_space<hbm>> -> memref<8x128xi32, #tpu.memory_space<hbm>>
        %dma_start3A_1190 = arith.constant 72 : i32
        %dma_start3A_1191 = arith.constant 0 : i32
        %dma_start3A_1192 = tpu.memref_slice %arg5[%dma_start3A_1190, %dma_start3A_1191] : memref<80x128xi32, #tpu.memory_space<vmem>> -> memref<8x128xi32, #tpu.memory_space<vmem>>
        %dma_start3A_1193 = arith.constant 0 : i32
        %dma_start3A_1194 = tpu.memref_slice %arg2[%run_scoped3A_1182, %add3A_1181, %dma_start3A_1193] : memref<2x2500x128xi32, #tpu.memory_space<hbm>> -> memref<1x8x128xi32, #tpu.memory_space<hbm>>
        %dma_start3A_1195 = tpu.memref_squeeze %dma_start3A_1194 : memref<1x8x128xi32, #tpu.memory_space<hbm>> -> memref<8x128xi32, #tpu.memory_space<hbm>>
        tpu.enqueue_dma source(%dma_start3A_1195 : memref<8x128xi32, #tpu.memory_space<hbm>>) target(%dma_start3A_1192 : memref<8x128xi32, #tpu.memory_space<vmem>>) target_semaphore(%run_scoped3A_1183 : memref<!tpu.dma_semaphore, #tpu.memory_space<semaphore_mem>>)
        %dma_wait3A_1196 = arith.constant 72 : i32
        %dma_wait3A_1197 = arith.constant 0 : i32
        %dma_wait3A_1198 = tpu.memref_slice %arg5[%dma_wait3A_1196, %dma_wait3A_1197] : memref<80x128xi32, #tpu.memory_space<vmem>> -> memref<8x128xi32, #tpu.memory_space<vmem>>
        %dma_wait3A_1199 = arith.constant 0 : i32
        %dma_wait3A_1200 = tpu.memref_slice %arg2[%run_scoped3A_1182, %add3A_1181, %dma_wait3A_1199] : memref<2x2500x128xi32, #tpu.memory_space<hbm>> -> memref<1x8x128xi32, #tpu.memory_space<hbm>>
        %dma_wait3A_1201 = tpu.memref_squeeze %dma_wait3A_1200 : memref<1x8x128xi32, #tpu.memory_space<hbm>> -> memref<8x128xi32, #tpu.memory_space<hbm>>
        %dma_wait3A_1202 = arith.constant 72 : i32
        %dma_wait3A_1203 = arith.constant 0 : i32
        %dma_wait3A_1204 = tpu.memref_slice %arg5[%dma_wait3A_1202, %dma_wait3A_1203] : memref<80x128xi32, #tpu.memory_space<vmem>> -> memref<8x128xi32, #tpu.memory_space<vmem>>
        %dma_wait3A_1205 = arith.constant 0 : i32
        %dma_wait3A_1206 = tpu.memref_slice %arg2[%run_scoped3A_1182, %add3A_1181, %dma_wait3A_1205] : memref<2x2500x128xi32, #tpu.memory_space<hbm>> -> memref<1x8x128xi32, #tpu.memory_space<hbm>>
        %dma_wait3A_1207 = tpu.memref_squeeze %dma_wait3A_1206 : memref<1x8x128xi32, #tpu.memory_space<hbm>> -> memref<8x128xi32, #tpu.memory_space<hbm>>
        tpu.wait_dma2 semaphore(%run_scoped3A_1183 : memref<!tpu.dma_semaphore, #tpu.memory_space<semaphore_mem>>) src(%dma_wait3A_1207 : memref<8x128xi32, #tpu.memory_space<hbm>>) dst(%dma_wait3A_1204 : memref<8x128xi32, #tpu.memory_space<vmem>>)
        tpu.yield
      }) : () -> ()
    } else {
    }
    %lt3A_300 = arith.constant 8 : i32
    %lt3A_301 = arith.cmpi slt, %add3A, %lt3A_300 : i32
    %convert_element_type3A_302 = arith.extui %lt3A_301 : i1 to i32
    %cond3A_303 = arith.constant 0 : i32
    %cond3A_304 = arith.cmpi ne, %convert_element_type3A_302, %cond3A_303 : i32
    scf.if %cond3A_304 {
      %run_scoped3A_1180 = arith.constant 1 : i32
      "tpu.region"() ({
        %run_scoped3A_1181 = tpu.sem_alloc : memref<!tpu.dma_semaphore, #tpu.memory_space<semaphore_mem>>
        %dma_start3A_1182 = arith.constant 0 : i32
        %dma_start3A_1183 = arith.constant 0 : i32
        %dma_start3A_1184 = tpu.memref_slice %arg3[%run_scoped3A_1180, %dma_start3A_1182, %dma_start3A_1183] : memref<2x8x128xi32, #tpu.memory_space<hbm>> -> memref<1x8x128xi32, #tpu.memory_space<hbm>>
        %dma_start3A_1185 = tpu.memref_squeeze %dma_start3A_1184 : memref<1x8x128xi32, #tpu.memory_space<hbm>> -> memref<8x128xi32, #tpu.memory_space<hbm>>
        %dma_start3A_1186 = arith.constant 0 : i32
        %dma_start3A_1187 = arith.constant 0 : i32
        %dma_start3A_1188 = tpu.memref_slice %arg3[%run_scoped3A_1180, %dma_start3A_1186, %dma_start3A_1187] : memref<2x8x128xi32, #tpu.memory_space<hbm>> -> memref<1x8x128xi32, #tpu.memory_space<hbm>>
        %dma_start3A_1189 = tpu.memref_squeeze %dma_start3A_1188 : memref<1x8x128xi32, #tpu.memory_space<hbm>> -> memref<8x128xi32, #tpu.memory_space<hbm>>
        tpu.enqueue_dma source(%dma_start3A_1189 : memref<8x128xi32, #tpu.memory_space<hbm>>) target(%arg6 : memref<8x128xi32, #tpu.memory_space<vmem>>) target_semaphore(%run_scoped3A_1181 : memref<!tpu.dma_semaphore, #tpu.memory_space<semaphore_mem>>)
        %dma_wait3A_1190 = arith.constant 0 : i32
        %dma_wait3A_1191 = arith.constant 0 : i32
        %dma_wait3A_1192 = tpu.memref_slice %arg3[%run_scoped3A_1180, %dma_wait3A_1190, %dma_wait3A_1191] : memref<2x8x128xi32, #tpu.memory_space<hbm>> -> memref<1x8x128xi32, #tpu.memory_space<hbm>>
        %dma_wait3A_1193 = tpu.memref_squeeze %dma_wait3A_1192 : memref<1x8x128xi32, #tpu.memory_space<hbm>> -> memref<8x128xi32, #tpu.memory_space<hbm>>
        %dma_wait3A_1194 = arith.constant 0 : i32
        %dma_wait3A_1195 = arith.constant 0 : i32
        %dma_wait3A_1196 = tpu.memref_slice %arg3[%run_scoped3A_1180, %dma_wait3A_1194, %dma_wait3A_1195] : memref<2x8x128xi32, #tpu.memory_space<hbm>> -> memref<1x8x128xi32, #tpu.memory_space<hbm>>
        %dma_wait3A_1197 = tpu.memref_squeeze %dma_wait3A_1196 : memref<1x8x128xi32, #tpu.memory_space<hbm>> -> memref<8x128xi32, #tpu.memory_space<hbm>>
        tpu.wait_dma2 semaphore(%run_scoped3A_1181 : memref<!tpu.dma_semaphore, #tpu.memory_space<semaphore_mem>>) src(%dma_wait3A_1197 : memref<8x128xi32, #tpu.memory_space<hbm>>) dst(%arg6 : memref<8x128xi32, #tpu.memory_space<vmem>>)
        tpu.yield
      }) : () -> ()
    } else {
    }
    %barrier3A = arith.constant 0 : index
    tpu.barrier barrier_id(%barrier3A)
    %dma_start3A = arith.constant 0 : i32
    %dma_start3A_305 = arith.constant 0 : i32
    %dma_start3A_306 = tpu.memref_slice %arg5[%dma_start3A, %dma_start3A_305] : memref<80x128xi32, #tpu.memory_space<vmem>> -> memref<1x128xi32, #tpu.memory_space<vmem>>
    %dma_start3A_307 = tpu.memref_squeeze %dma_start3A_306 : memref<1x128xi32, #tpu.memory_space<vmem>> -> memref<128xi32, #tpu.memory_space<vmem>>
    %dma_start3A_308 = arith.constant 0 : i32
    %dma_start3A_309 = tpu.memref_slice %arg9[%dma_start3A_308] : memref<10240xf32, #tpu.memory_space<vmem_shared>> -> memref<10240xf32, #tpu.memory_space<vmem_shared>>
    tpu.enqueue_indirect_dma source(%arg7 : memref<128xf32, #tpu.memory_space<vmem>>) target(%dma_start3A_309 : memref<10240xf32, #tpu.memory_space<vmem_shared>>) offsets(%dma_start3A_307 : memref<128xi32, #tpu.memory_space<vmem>>) semaphore(%arg10 : memref<!tpu.dma_semaphore, #tpu.memory_space<semaphore_mem>>) {add = true}
    %dma_start3A_310 = arith.constant 1 : i32
    %dma_start3A_311 = arith.constant 0 : i32
    %dma_start3A_312 = tpu.memref_slice %arg5[%dma_start3A_310, %dma_start3A_311] : memref<80x128xi32, #tpu.memory_space<vmem>> -> memref<1x128xi32, #tpu.memory_space<vmem>>
    %dma_start3A_313 = tpu.memref_squeeze %dma_start3A_312 : memref<1x128xi32, #tpu.memory_space<vmem>> -> memref<128xi32, #tpu.memory_space<vmem>>
    %dma_start3A_314 = arith.constant 0 : i32
    %dma_start3A_315 = tpu.memref_slice %arg9[%dma_start3A_314] : memref<10240xf32, #tpu.memory_space<vmem_shared>> -> memref<10240xf32, #tpu.memory_space<vmem_shared>>
    tpu.enqueue_indirect_dma source(%arg7 : memref<128xf32, #tpu.memory_space<vmem>>) target(%dma_start3A_315 : memref<10240xf32, #tpu.memory_space<vmem_shared>>) offsets(%dma_start3A_313 : memref<128xi32, #tpu.memory_space<vmem>>) semaphore(%arg10 : memref<!tpu.dma_semaphore, #tpu.memory_space<semaphore_mem>>) {add = true}
    %dma_start3A_316 = arith.constant 2 : i32
    %dma_start3A_317 = arith.constant 0 : i32
    %dma_start3A_318 = tpu.memref_slice %arg5[%dma_start3A_316, %dma_start3A_317] : memref<80x128xi32, #tpu.memory_space<vmem>> -> memref<1x128xi32, #tpu.memory_space<vmem>>
    %dma_start3A_319 = tpu.memref_squeeze %dma_start3A_318 : memref<1x128xi32, #tpu.memory_space<vmem>> -> memref<128xi32, #tpu.memory_space<vmem>>
    %dma_start3A_320 = arith.constant 0 : i32
    %dma_start3A_321 = tpu.memref_slice %arg9[%dma_start3A_320] : memref<10240xf32, #tpu.memory_space<vmem_shared>> -> memref<10240xf32, #tpu.memory_space<vmem_shared>>
    tpu.enqueue_indirect_dma source(%arg7 : memref<128xf32, #tpu.memory_space<vmem>>) target(%dma_start3A_321 : memref<10240xf32, #tpu.memory_space<vmem_shared>>) offsets(%dma_start3A_319 : memref<128xi32, #tpu.memory_space<vmem>>) semaphore(%arg10 : memref<!tpu.dma_semaphore, #tpu.memory_space<semaphore_mem>>) {add = true}
    %dma_start3A_322 = arith.constant 3 : i32
    %dma_start3A_323 = arith.constant 0 : i32
    %dma_start3A_324 = tpu.memref_slice %arg5[%dma_start3A_322, %dma_start3A_323] : memref<80x128xi32, #tpu.memory_space<vmem>> -> memref<1x128xi32, #tpu.memory_space<vmem>>
    %dma_start3A_325 = tpu.memref_squeeze %dma_start3A_324 : memref<1x128xi32, #tpu.memory_space<vmem>> -> memref<128xi32, #tpu.memory_space<vmem>>
    %dma_start3A_326 = arith.constant 0 : i32
    %dma_start3A_327 = tpu.memref_slice %arg9[%dma_start3A_326] : memref<10240xf32, #tpu.memory_space<vmem_shared>> -> memref<10240xf32, #tpu.memory_space<vmem_shared>>
    tpu.enqueue_indirect_dma source(%arg7 : memref<128xf32, #tpu.memory_space<vmem>>) target(%dma_start3A_327 : memref<10240xf32, #tpu.memory_space<vmem_shared>>) offsets(%dma_start3A_325 : memref<128xi32, #tpu.memory_space<vmem>>) semaphore(%arg10 : memref<!tpu.dma_semaphore, #tpu.memory_space<semaphore_mem>>) {add = true}
    %dma_start3A_328 = arith.constant 4 : i32
    %dma_start3A_329 = arith.constant 0 : i32
    %dma_start3A_330 = tpu.memref_slice %arg5[%dma_start3A_328, %dma_start3A_329] : memref<80x128xi32, #tpu.memory_space<vmem>> -> memref<1x128xi32, #tpu.memory_space<vmem>>
    %dma_start3A_331 = tpu.memref_squeeze %dma_start3A_330 : memref<1x128xi32, #tpu.memory_space<vmem>> -> memref<128xi32, #tpu.memory_space<vmem>>
    %dma_start3A_332 = arith.constant 0 : i32
    %dma_start3A_333 = tpu.memref_slice %arg9[%dma_start3A_332] : memref<10240xf32, #tpu.memory_space<vmem_shared>> -> memref<10240xf32, #tpu.memory_space<vmem_shared>>
    tpu.enqueue_indirect_dma source(%arg7 : memref<128xf32, #tpu.memory_space<vmem>>) target(%dma_start3A_333 : memref<10240xf32, #tpu.memory_space<vmem_shared>>) offsets(%dma_start3A_331 : memref<128xi32, #tpu.memory_space<vmem>>) semaphore(%arg10 : memref<!tpu.dma_semaphore, #tpu.memory_space<semaphore_mem>>) {add = true}
    %dma_start3A_334 = arith.constant 5 : i32
    %dma_start3A_335 = arith.constant 0 : i32
    %dma_start3A_336 = tpu.memref_slice %arg5[%dma_start3A_334, %dma_start3A_335] : memref<80x128xi32, #tpu.memory_space<vmem>> -> memref<1x128xi32, #tpu.memory_space<vmem>>
    %dma_start3A_337 = tpu.memref_squeeze %dma_start3A_336 : memref<1x128xi32, #tpu.memory_space<vmem>> -> memref<128xi32, #tpu.memory_space<vmem>>
    %dma_start3A_338 = arith.constant 0 : i32
    %dma_start3A_339 = tpu.memref_slice %arg9[%dma_start3A_338] : memref<10240xf32, #tpu.memory_space<vmem_shared>> -> memref<10240xf32, #tpu.memory_space<vmem_shared>>
    tpu.enqueue_indirect_dma source(%arg7 : memref<128xf32, #tpu.memory_space<vmem>>) target(%dma_start3A_339 : memref<10240xf32, #tpu.memory_space<vmem_shared>>) offsets(%dma_start3A_337 : memref<128xi32, #tpu.memory_space<vmem>>) semaphore(%arg10 : memref<!tpu.dma_semaphore, #tpu.memory_space<semaphore_mem>>) {add = true}
    %dma_start3A_340 = arith.constant 6 : i32
    %dma_start3A_341 = arith.constant 0 : i32
    %dma_start3A_342 = tpu.memref_slice %arg5[%dma_start3A_340, %dma_start3A_341] : memref<80x128xi32, #tpu.memory_space<vmem>> -> memref<1x128xi32, #tpu.memory_space<vmem>>
    %dma_start3A_343 = tpu.memref_squeeze %dma_start3A_342 : memref<1x128xi32, #tpu.memory_space<vmem>> -> memref<128xi32, #tpu.memory_space<vmem>>
    %dma_start3A_344 = arith.constant 0 : i32
    %dma_start3A_345 = tpu.memref_slice %arg9[%dma_start3A_344] : memref<10240xf32, #tpu.memory_space<vmem_shared>> -> memref<10240xf32, #tpu.memory_space<vmem_shared>>
    tpu.enqueue_indirect_dma source(%arg7 : memref<128xf32, #tpu.memory_space<vmem>>) target(%dma_start3A_345 : memref<10240xf32, #tpu.memory_space<vmem_shared>>) offsets(%dma_start3A_343 : memref<128xi32, #tpu.memory_space<vmem>>) semaphore(%arg10 : memref<!tpu.dma_semaphore, #tpu.memory_space<semaphore_mem>>) {add = true}
    %dma_start3A_346 = arith.constant 7 : i32
    %dma_start3A_347 = arith.constant 0 : i32
    %dma_start3A_348 = tpu.memref_slice %arg5[%dma_start3A_346, %dma_start3A_347] : memref<80x128xi32, #tpu.memory_space<vmem>> -> memref<1x128xi32, #tpu.memory_space<vmem>>
    %dma_start3A_349 = tpu.memref_squeeze %dma_start3A_348 : memref<1x128xi32, #tpu.memory_space<vmem>> -> memref<128xi32, #tpu.memory_space<vmem>>
    %dma_start3A_350 = arith.constant 0 : i32
    %dma_start3A_351 = tpu.memref_slice %arg9[%dma_start3A_350] : memref<10240xf32, #tpu.memory_space<vmem_shared>> -> memref<10240xf32, #tpu.memory_space<vmem_shared>>
    tpu.enqueue_indirect_dma source(%arg7 : memref<128xf32, #tpu.memory_space<vmem>>) target(%dma_start3A_351 : memref<10240xf32, #tpu.memory_space<vmem_shared>>) offsets(%dma_start3A_349 : memref<128xi32, #tpu.memory_space<vmem>>) semaphore(%arg10 : memref<!tpu.dma_semaphore, #tpu.memory_space<semaphore_mem>>) {add = true}
    %dma_start3A_352 = arith.constant 8 : i32
    %dma_start3A_353 = arith.constant 0 : i32
    %dma_start3A_354 = tpu.memref_slice %arg5[%dma_start3A_352, %dma_start3A_353] : memref<80x128xi32, #tpu.memory_space<vmem>> -> memref<1x128xi32, #tpu.memory_space<vmem>>
    %dma_start3A_355 = tpu.memref_squeeze %dma_start3A_354 : memref<1x128xi32, #tpu.memory_space<vmem>> -> memref<128xi32, #tpu.memory_space<vmem>>
    %dma_start3A_356 = arith.constant 0 : i32
    %dma_start3A_357 = tpu.memref_slice %arg9[%dma_start3A_356] : memref<10240xf32, #tpu.memory_space<vmem_shared>> -> memref<10240xf32, #tpu.memory_space<vmem_shared>>
    tpu.enqueue_indirect_dma source(%arg7 : memref<128xf32, #tpu.memory_space<vmem>>) target(%dma_start3A_357 : memref<10240xf32, #tpu.memory_space<vmem_shared>>) offsets(%dma_start3A_355 : memref<128xi32, #tpu.memory_space<vmem>>) semaphore(%arg10 : memref<!tpu.dma_semaphore, #tpu.memory_space<semaphore_mem>>) {add = true}
    %dma_start3A_358 = arith.constant 9 : i32
    %dma_start3A_359 = arith.constant 0 : i32
    %dma_start3A_360 = tpu.memref_slice %arg5[%dma_start3A_358, %dma_start3A_359] : memref<80x128xi32, #tpu.memory_space<vmem>> -> memref<1x128xi32, #tpu.memory_space<vmem>>
    %dma_start3A_361 = tpu.memref_squeeze %dma_start3A_360 : memref<1x128xi32, #tpu.memory_space<vmem>> -> memref<128xi32, #tpu.memory_space<vmem>>
    %dma_start3A_362 = arith.constant 0 : i32
    %dma_start3A_363 = tpu.memref_slice %arg9[%dma_start3A_362] : memref<10240xf32, #tpu.memory_space<vmem_shared>> -> memref<10240xf32, #tpu.memory_space<vmem_shared>>
    tpu.enqueue_indirect_dma source(%arg7 : memref<128xf32, #tpu.memory_space<vmem>>) target(%dma_start3A_363 : memref<10240xf32, #tpu.memory_space<vmem_shared>>) offsets(%dma_start3A_361 : memref<128xi32, #tpu.memory_space<vmem>>) semaphore(%arg10 : memref<!tpu.dma_semaphore, #tpu.memory_space<semaphore_mem>>) {add = true}
    %dma_start3A_364 = arith.constant 10 : i32
    %dma_start3A_365 = arith.constant 0 : i32
    %dma_start3A_366 = tpu.memref_slice %arg5[%dma_start3A_364, %dma_start3A_365] : memref<80x128xi32, #tpu.memory_space<vmem>> -> memref<1x128xi32, #tpu.memory_space<vmem>>
    %dma_start3A_367 = tpu.memref_squeeze %dma_start3A_366 : memref<1x128xi32, #tpu.memory_space<vmem>> -> memref<128xi32, #tpu.memory_space<vmem>>
    %dma_start3A_368 = arith.constant 0 : i32
    %dma_start3A_369 = tpu.memref_slice %arg9[%dma_start3A_368] : memref<10240xf32, #tpu.memory_space<vmem_shared>> -> memref<10240xf32, #tpu.memory_space<vmem_shared>>
    tpu.enqueue_indirect_dma source(%arg7 : memref<128xf32, #tpu.memory_space<vmem>>) target(%dma_start3A_369 : memref<10240xf32, #tpu.memory_space<vmem_shared>>) offsets(%dma_start3A_367 : memref<128xi32, #tpu.memory_space<vmem>>) semaphore(%arg10 : memref<!tpu.dma_semaphore, #tpu.memory_space<semaphore_mem>>) {add = true}
    %dma_start3A_370 = arith.constant 11 : i32
    %dma_start3A_371 = arith.constant 0 : i32
    %dma_start3A_372 = tpu.memref_slice %arg5[%dma_start3A_370, %dma_start3A_371] : memref<80x128xi32, #tpu.memory_space<vmem>> -> memref<1x128xi32, #tpu.memory_space<vmem>>
    %dma_start3A_373 = tpu.memref_squeeze %dma_start3A_372 : memref<1x128xi32, #tpu.memory_space<vmem>> -> memref<128xi32, #tpu.memory_space<vmem>>
    %dma_start3A_374 = arith.constant 0 : i32
    %dma_start3A_375 = tpu.memref_slice %arg9[%dma_start3A_374] : memref<10240xf32, #tpu.memory_space<vmem_shared>> -> memref<10240xf32, #tpu.memory_space<vmem_shared>>
    tpu.enqueue_indirect_dma source(%arg7 : memref<128xf32, #tpu.memory_space<vmem>>) target(%dma_start3A_375 : memref<10240xf32, #tpu.memory_space<vmem_shared>>) offsets(%dma_start3A_373 : memref<128xi32, #tpu.memory_space<vmem>>) semaphore(%arg10 : memref<!tpu.dma_semaphore, #tpu.memory_space<semaphore_mem>>) {add = true}
    %dma_start3A_376 = arith.constant 12 : i32
    %dma_start3A_377 = arith.constant 0 : i32
    %dma_start3A_378 = tpu.memref_slice %arg5[%dma_start3A_376, %dma_start3A_377] : memref<80x128xi32, #tpu.memory_space<vmem>> -> memref<1x128xi32, #tpu.memory_space<vmem>>
    %dma_start3A_379 = tpu.memref_squeeze %dma_start3A_378 : memref<1x128xi32, #tpu.memory_space<vmem>> -> memref<128xi32, #tpu.memory_space<vmem>>
    %dma_start3A_380 = arith.constant 0 : i32
    %dma_start3A_381 = tpu.memref_slice %arg9[%dma_start3A_380] : memref<10240xf32, #tpu.memory_space<vmem_shared>> -> memref<10240xf32, #tpu.memory_space<vmem_shared>>
    tpu.enqueue_indirect_dma source(%arg7 : memref<128xf32, #tpu.memory_space<vmem>>) target(%dma_start3A_381 : memref<10240xf32, #tpu.memory_space<vmem_shared>>) offsets(%dma_start3A_379 : memref<128xi32, #tpu.memory_space<vmem>>) semaphore(%arg10 : memref<!tpu.dma_semaphore, #tpu.memory_space<semaphore_mem>>) {add = true}
    %dma_start3A_382 = arith.constant 13 : i32
    %dma_start3A_383 = arith.constant 0 : i32
    %dma_start3A_384 = tpu.memref_slice %arg5[%dma_start3A_382, %dma_start3A_383] : memref<80x128xi32, #tpu.memory_space<vmem>> -> memref<1x128xi32, #tpu.memory_space<vmem>>
    %dma_start3A_385 = tpu.memref_squeeze %dma_start3A_384 : memref<1x128xi32, #tpu.memory_space<vmem>> -> memref<128xi32, #tpu.memory_space<vmem>>
    %dma_start3A_386 = arith.constant 0 : i32
    %dma_start3A_387 = tpu.memref_slice %arg9[%dma_start3A_386] : memref<10240xf32, #tpu.memory_space<vmem_shared>> -> memref<10240xf32, #tpu.memory_space<vmem_shared>>
    tpu.enqueue_indirect_dma source(%arg7 : memref<128xf32, #tpu.memory_space<vmem>>) target(%dma_start3A_387 : memref<10240xf32, #tpu.memory_space<vmem_shared>>) offsets(%dma_start3A_385 : memref<128xi32, #tpu.memory_space<vmem>>) semaphore(%arg10 : memref<!tpu.dma_semaphore, #tpu.memory_space<semaphore_mem>>) {add = true}
    %dma_start3A_388 = arith.constant 14 : i32
    %dma_start3A_389 = arith.constant 0 : i32
    %dma_start3A_390 = tpu.memref_slice %arg5[%dma_start3A_388, %dma_start3A_389] : memref<80x128xi32, #tpu.memory_space<vmem>> -> memref<1x128xi32, #tpu.memory_space<vmem>>
    %dma_start3A_391 = tpu.memref_squeeze %dma_start3A_390 : memref<1x128xi32, #tpu.memory_space<vmem>> -> memref<128xi32, #tpu.memory_space<vmem>>
    %dma_start3A_392 = arith.constant 0 : i32
    %dma_start3A_393 = tpu.memref_slice %arg9[%dma_start3A_392] : memref<10240xf32, #tpu.memory_space<vmem_shared>> -> memref<10240xf32, #tpu.memory_space<vmem_shared>>
    tpu.enqueue_indirect_dma source(%arg7 : memref<128xf32, #tpu.memory_space<vmem>>) target(%dma_start3A_393 : memref<10240xf32, #tpu.memory_space<vmem_shared>>) offsets(%dma_start3A_391 : memref<128xi32, #tpu.memory_space<vmem>>) semaphore(%arg10 : memref<!tpu.dma_semaphore, #tpu.memory_space<semaphore_mem>>) {add = true}
    %dma_start3A_394 = arith.constant 15 : i32
    %dma_start3A_395 = arith.constant 0 : i32
    %dma_start3A_396 = tpu.memref_slice %arg5[%dma_start3A_394, %dma_start3A_395] : memref<80x128xi32, #tpu.memory_space<vmem>> -> memref<1x128xi32, #tpu.memory_space<vmem>>
    %dma_start3A_397 = tpu.memref_squeeze %dma_start3A_396 : memref<1x128xi32, #tpu.memory_space<vmem>> -> memref<128xi32, #tpu.memory_space<vmem>>
    %dma_start3A_398 = arith.constant 0 : i32
    %dma_start3A_399 = tpu.memref_slice %arg9[%dma_start3A_398] : memref<10240xf32, #tpu.memory_space<vmem_shared>> -> memref<10240xf32, #tpu.memory_space<vmem_shared>>
    tpu.enqueue_indirect_dma source(%arg7 : memref<128xf32, #tpu.memory_space<vmem>>) target(%dma_start3A_399 : memref<10240xf32, #tpu.memory_space<vmem_shared>>) offsets(%dma_start3A_397 : memref<128xi32, #tpu.memory_space<vmem>>) semaphore(%arg10 : memref<!tpu.dma_semaphore, #tpu.memory_space<semaphore_mem>>) {add = true}
    %dma_start3A_400 = arith.constant 16 : i32
    %dma_start3A_401 = arith.constant 0 : i32
    %dma_start3A_402 = tpu.memref_slice %arg5[%dma_start3A_400, %dma_start3A_401] : memref<80x128xi32, #tpu.memory_space<vmem>> -> memref<1x128xi32, #tpu.memory_space<vmem>>
    %dma_start3A_403 = tpu.memref_squeeze %dma_start3A_402 : memref<1x128xi32, #tpu.memory_space<vmem>> -> memref<128xi32, #tpu.memory_space<vmem>>
    %dma_start3A_404 = arith.constant 0 : i32
    %dma_start3A_405 = tpu.memref_slice %arg9[%dma_start3A_404] : memref<10240xf32, #tpu.memory_space<vmem_shared>> -> memref<10240xf32, #tpu.memory_space<vmem_shared>>
    tpu.enqueue_indirect_dma source(%arg7 : memref<128xf32, #tpu.memory_space<vmem>>) target(%dma_start3A_405 : memref<10240xf32, #tpu.memory_space<vmem_shared>>) offsets(%dma_start3A_403 : memref<128xi32, #tpu.memory_space<vmem>>) semaphore(%arg10 : memref<!tpu.dma_semaphore, #tpu.memory_space<semaphore_mem>>) {add = true}
    %dma_start3A_406 = arith.constant 17 : i32
    %dma_start3A_407 = arith.constant 0 : i32
    %dma_start3A_408 = tpu.memref_slice %arg5[%dma_start3A_406, %dma_start3A_407] : memref<80x128xi32, #tpu.memory_space<vmem>> -> memref<1x128xi32, #tpu.memory_space<vmem>>
    %dma_start3A_409 = tpu.memref_squeeze %dma_start3A_408 : memref<1x128xi32, #tpu.memory_space<vmem>> -> memref<128xi32, #tpu.memory_space<vmem>>
    %dma_start3A_410 = arith.constant 0 : i32
    %dma_start3A_411 = tpu.memref_slice %arg9[%dma_start3A_410] : memref<10240xf32, #tpu.memory_space<vmem_shared>> -> memref<10240xf32, #tpu.memory_space<vmem_shared>>
    tpu.enqueue_indirect_dma source(%arg7 : memref<128xf32, #tpu.memory_space<vmem>>) target(%dma_start3A_411 : memref<10240xf32, #tpu.memory_space<vmem_shared>>) offsets(%dma_start3A_409 : memref<128xi32, #tpu.memory_space<vmem>>) semaphore(%arg10 : memref<!tpu.dma_semaphore, #tpu.memory_space<semaphore_mem>>) {add = true}
    %dma_start3A_412 = arith.constant 18 : i32
    %dma_start3A_413 = arith.constant 0 : i32
    %dma_start3A_414 = tpu.memref_slice %arg5[%dma_start3A_412, %dma_start3A_413] : memref<80x128xi32, #tpu.memory_space<vmem>> -> memref<1x128xi32, #tpu.memory_space<vmem>>
    %dma_start3A_415 = tpu.memref_squeeze %dma_start3A_414 : memref<1x128xi32, #tpu.memory_space<vmem>> -> memref<128xi32, #tpu.memory_space<vmem>>
    %dma_start3A_416 = arith.constant 0 : i32
    %dma_start3A_417 = tpu.memref_slice %arg9[%dma_start3A_416] : memref<10240xf32, #tpu.memory_space<vmem_shared>> -> memref<10240xf32, #tpu.memory_space<vmem_shared>>
    tpu.enqueue_indirect_dma source(%arg7 : memref<128xf32, #tpu.memory_space<vmem>>) target(%dma_start3A_417 : memref<10240xf32, #tpu.memory_space<vmem_shared>>) offsets(%dma_start3A_415 : memref<128xi32, #tpu.memory_space<vmem>>) semaphore(%arg10 : memref<!tpu.dma_semaphore, #tpu.memory_space<semaphore_mem>>) {add = true}
    %dma_start3A_418 = arith.constant 19 : i32
    %dma_start3A_419 = arith.constant 0 : i32
    %dma_start3A_420 = tpu.memref_slice %arg5[%dma_start3A_418, %dma_start3A_419] : memref<80x128xi32, #tpu.memory_space<vmem>> -> memref<1x128xi32, #tpu.memory_space<vmem>>
    %dma_start3A_421 = tpu.memref_squeeze %dma_start3A_420 : memref<1x128xi32, #tpu.memory_space<vmem>> -> memref<128xi32, #tpu.memory_space<vmem>>
    %dma_start3A_422 = arith.constant 0 : i32
    %dma_start3A_423 = tpu.memref_slice %arg9[%dma_start3A_422] : memref<10240xf32, #tpu.memory_space<vmem_shared>> -> memref<10240xf32, #tpu.memory_space<vmem_shared>>
    tpu.enqueue_indirect_dma source(%arg7 : memref<128xf32, #tpu.memory_space<vmem>>) target(%dma_start3A_423 : memref<10240xf32, #tpu.memory_space<vmem_shared>>) offsets(%dma_start3A_421 : memref<128xi32, #tpu.memory_space<vmem>>) semaphore(%arg10 : memref<!tpu.dma_semaphore, #tpu.memory_space<semaphore_mem>>) {add = true}
    %dma_start3A_424 = arith.constant 20 : i32
    %dma_start3A_425 = arith.constant 0 : i32
    %dma_start3A_426 = tpu.memref_slice %arg5[%dma_start3A_424, %dma_start3A_425] : memref<80x128xi32, #tpu.memory_space<vmem>> -> memref<1x128xi32, #tpu.memory_space<vmem>>
    %dma_start3A_427 = tpu.memref_squeeze %dma_start3A_426 : memref<1x128xi32, #tpu.memory_space<vmem>> -> memref<128xi32, #tpu.memory_space<vmem>>
    %dma_start3A_428 = arith.constant 0 : i32
    %dma_start3A_429 = tpu.memref_slice %arg9[%dma_start3A_428] : memref<10240xf32, #tpu.memory_space<vmem_shared>> -> memref<10240xf32, #tpu.memory_space<vmem_shared>>
    tpu.enqueue_indirect_dma source(%arg7 : memref<128xf32, #tpu.memory_space<vmem>>) target(%dma_start3A_429 : memref<10240xf32, #tpu.memory_space<vmem_shared>>) offsets(%dma_start3A_427 : memref<128xi32, #tpu.memory_space<vmem>>) semaphore(%arg10 : memref<!tpu.dma_semaphore, #tpu.memory_space<semaphore_mem>>) {add = true}
    %dma_start3A_430 = arith.constant 21 : i32
    %dma_start3A_431 = arith.constant 0 : i32
    %dma_start3A_432 = tpu.memref_slice %arg5[%dma_start3A_430, %dma_start3A_431] : memref<80x128xi32, #tpu.memory_space<vmem>> -> memref<1x128xi32, #tpu.memory_space<vmem>>
    %dma_start3A_433 = tpu.memref_squeeze %dma_start3A_432 : memref<1x128xi32, #tpu.memory_space<vmem>> -> memref<128xi32, #tpu.memory_space<vmem>>
    %dma_start3A_434 = arith.constant 0 : i32
    %dma_start3A_435 = tpu.memref_slice %arg9[%dma_start3A_434] : memref<10240xf32, #tpu.memory_space<vmem_shared>> -> memref<10240xf32, #tpu.memory_space<vmem_shared>>
    tpu.enqueue_indirect_dma source(%arg7 : memref<128xf32, #tpu.memory_space<vmem>>) target(%dma_start3A_435 : memref<10240xf32, #tpu.memory_space<vmem_shared>>) offsets(%dma_start3A_433 : memref<128xi32, #tpu.memory_space<vmem>>) semaphore(%arg10 : memref<!tpu.dma_semaphore, #tpu.memory_space<semaphore_mem>>) {add = true}
    %dma_start3A_436 = arith.constant 22 : i32
    %dma_start3A_437 = arith.constant 0 : i32
    %dma_start3A_438 = tpu.memref_slice %arg5[%dma_start3A_436, %dma_start3A_437] : memref<80x128xi32, #tpu.memory_space<vmem>> -> memref<1x128xi32, #tpu.memory_space<vmem>>
    %dma_start3A_439 = tpu.memref_squeeze %dma_start3A_438 : memref<1x128xi32, #tpu.memory_space<vmem>> -> memref<128xi32, #tpu.memory_space<vmem>>
    %dma_start3A_440 = arith.constant 0 : i32
    %dma_start3A_441 = tpu.memref_slice %arg9[%dma_start3A_440] : memref<10240xf32, #tpu.memory_space<vmem_shared>> -> memref<10240xf32, #tpu.memory_space<vmem_shared>>
    tpu.enqueue_indirect_dma source(%arg7 : memref<128xf32, #tpu.memory_space<vmem>>) target(%dma_start3A_441 : memref<10240xf32, #tpu.memory_space<vmem_shared>>) offsets(%dma_start3A_439 : memref<128xi32, #tpu.memory_space<vmem>>) semaphore(%arg10 : memref<!tpu.dma_semaphore, #tpu.memory_space<semaphore_mem>>) {add = true}
    %dma_start3A_442 = arith.constant 23 : i32
    %dma_start3A_443 = arith.constant 0 : i32
    %dma_start3A_444 = tpu.memref_slice %arg5[%dma_start3A_442, %dma_start3A_443] : memref<80x128xi32, #tpu.memory_space<vmem>> -> memref<1x128xi32, #tpu.memory_space<vmem>>
    %dma_start3A_445 = tpu.memref_squeeze %dma_start3A_444 : memref<1x128xi32, #tpu.memory_space<vmem>> -> memref<128xi32, #tpu.memory_space<vmem>>
    %dma_start3A_446 = arith.constant 0 : i32
    %dma_start3A_447 = tpu.memref_slice %arg9[%dma_start3A_446] : memref<10240xf32, #tpu.memory_space<vmem_shared>> -> memref<10240xf32, #tpu.memory_space<vmem_shared>>
    tpu.enqueue_indirect_dma source(%arg7 : memref<128xf32, #tpu.memory_space<vmem>>) target(%dma_start3A_447 : memref<10240xf32, #tpu.memory_space<vmem_shared>>) offsets(%dma_start3A_445 : memref<128xi32, #tpu.memory_space<vmem>>) semaphore(%arg10 : memref<!tpu.dma_semaphore, #tpu.memory_space<semaphore_mem>>) {add = true}
    %dma_start3A_448 = arith.constant 24 : i32
    %dma_start3A_449 = arith.constant 0 : i32
    %dma_start3A_450 = tpu.memref_slice %arg5[%dma_start3A_448, %dma_start3A_449] : memref<80x128xi32, #tpu.memory_space<vmem>> -> memref<1x128xi32, #tpu.memory_space<vmem>>
    %dma_start3A_451 = tpu.memref_squeeze %dma_start3A_450 : memref<1x128xi32, #tpu.memory_space<vmem>> -> memref<128xi32, #tpu.memory_space<vmem>>
    %dma_start3A_452 = arith.constant 0 : i32
    %dma_start3A_453 = tpu.memref_slice %arg9[%dma_start3A_452] : memref<10240xf32, #tpu.memory_space<vmem_shared>> -> memref<10240xf32, #tpu.memory_space<vmem_shared>>
    tpu.enqueue_indirect_dma source(%arg7 : memref<128xf32, #tpu.memory_space<vmem>>) target(%dma_start3A_453 : memref<10240xf32, #tpu.memory_space<vmem_shared>>) offsets(%dma_start3A_451 : memref<128xi32, #tpu.memory_space<vmem>>) semaphore(%arg10 : memref<!tpu.dma_semaphore, #tpu.memory_space<semaphore_mem>>) {add = true}
    %dma_start3A_454 = arith.constant 25 : i32
    %dma_start3A_455 = arith.constant 0 : i32
    %dma_start3A_456 = tpu.memref_slice %arg5[%dma_start3A_454, %dma_start3A_455] : memref<80x128xi32, #tpu.memory_space<vmem>> -> memref<1x128xi32, #tpu.memory_space<vmem>>
    %dma_start3A_457 = tpu.memref_squeeze %dma_start3A_456 : memref<1x128xi32, #tpu.memory_space<vmem>> -> memref<128xi32, #tpu.memory_space<vmem>>
    %dma_start3A_458 = arith.constant 0 : i32
    %dma_start3A_459 = tpu.memref_slice %arg9[%dma_start3A_458] : memref<10240xf32, #tpu.memory_space<vmem_shared>> -> memref<10240xf32, #tpu.memory_space<vmem_shared>>
    tpu.enqueue_indirect_dma source(%arg7 : memref<128xf32, #tpu.memory_space<vmem>>) target(%dma_start3A_459 : memref<10240xf32, #tpu.memory_space<vmem_shared>>) offsets(%dma_start3A_457 : memref<128xi32, #tpu.memory_space<vmem>>) semaphore(%arg10 : memref<!tpu.dma_semaphore, #tpu.memory_space<semaphore_mem>>) {add = true}
    %dma_start3A_460 = arith.constant 26 : i32
    %dma_start3A_461 = arith.constant 0 : i32
    %dma_start3A_462 = tpu.memref_slice %arg5[%dma_start3A_460, %dma_start3A_461] : memref<80x128xi32, #tpu.memory_space<vmem>> -> memref<1x128xi32, #tpu.memory_space<vmem>>
    %dma_start3A_463 = tpu.memref_squeeze %dma_start3A_462 : memref<1x128xi32, #tpu.memory_space<vmem>> -> memref<128xi32, #tpu.memory_space<vmem>>
    %dma_start3A_464 = arith.constant 0 : i32
    %dma_start3A_465 = tpu.memref_slice %arg9[%dma_start3A_464] : memref<10240xf32, #tpu.memory_space<vmem_shared>> -> memref<10240xf32, #tpu.memory_space<vmem_shared>>
    tpu.enqueue_indirect_dma source(%arg7 : memref<128xf32, #tpu.memory_space<vmem>>) target(%dma_start3A_465 : memref<10240xf32, #tpu.memory_space<vmem_shared>>) offsets(%dma_start3A_463 : memref<128xi32, #tpu.memory_space<vmem>>) semaphore(%arg10 : memref<!tpu.dma_semaphore, #tpu.memory_space<semaphore_mem>>) {add = true}
    %dma_start3A_466 = arith.constant 27 : i32
    %dma_start3A_467 = arith.constant 0 : i32
    %dma_start3A_468 = tpu.memref_slice %arg5[%dma_start3A_466, %dma_start3A_467] : memref<80x128xi32, #tpu.memory_space<vmem>> -> memref<1x128xi32, #tpu.memory_space<vmem>>
    %dma_start3A_469 = tpu.memref_squeeze %dma_start3A_468 : memref<1x128xi32, #tpu.memory_space<vmem>> -> memref<128xi32, #tpu.memory_space<vmem>>
    %dma_start3A_470 = arith.constant 0 : i32
    %dma_start3A_471 = tpu.memref_slice %arg9[%dma_start3A_470] : memref<10240xf32, #tpu.memory_space<vmem_shared>> -> memref<10240xf32, #tpu.memory_space<vmem_shared>>
    tpu.enqueue_indirect_dma source(%arg7 : memref<128xf32, #tpu.memory_space<vmem>>) target(%dma_start3A_471 : memref<10240xf32, #tpu.memory_space<vmem_shared>>) offsets(%dma_start3A_469 : memref<128xi32, #tpu.memory_space<vmem>>) semaphore(%arg10 : memref<!tpu.dma_semaphore, #tpu.memory_space<semaphore_mem>>) {add = true}
    %dma_start3A_472 = arith.constant 28 : i32
    %dma_start3A_473 = arith.constant 0 : i32
    %dma_start3A_474 = tpu.memref_slice %arg5[%dma_start3A_472, %dma_start3A_473] : memref<80x128xi32, #tpu.memory_space<vmem>> -> memref<1x128xi32, #tpu.memory_space<vmem>>
    %dma_start3A_475 = tpu.memref_squeeze %dma_start3A_474 : memref<1x128xi32, #tpu.memory_space<vmem>> -> memref<128xi32, #tpu.memory_space<vmem>>
    %dma_start3A_476 = arith.constant 0 : i32
    %dma_start3A_477 = tpu.memref_slice %arg9[%dma_start3A_476] : memref<10240xf32, #tpu.memory_space<vmem_shared>> -> memref<10240xf32, #tpu.memory_space<vmem_shared>>
    tpu.enqueue_indirect_dma source(%arg7 : memref<128xf32, #tpu.memory_space<vmem>>) target(%dma_start3A_477 : memref<10240xf32, #tpu.memory_space<vmem_shared>>) offsets(%dma_start3A_475 : memref<128xi32, #tpu.memory_space<vmem>>) semaphore(%arg10 : memref<!tpu.dma_semaphore, #tpu.memory_space<semaphore_mem>>) {add = true}
    %dma_start3A_478 = arith.constant 29 : i32
    %dma_start3A_479 = arith.constant 0 : i32
    %dma_start3A_480 = tpu.memref_slice %arg5[%dma_start3A_478, %dma_start3A_479] : memref<80x128xi32, #tpu.memory_space<vmem>> -> memref<1x128xi32, #tpu.memory_space<vmem>>
    %dma_start3A_481 = tpu.memref_squeeze %dma_start3A_480 : memref<1x128xi32, #tpu.memory_space<vmem>> -> memref<128xi32, #tpu.memory_space<vmem>>
    %dma_start3A_482 = arith.constant 0 : i32
    %dma_start3A_483 = tpu.memref_slice %arg9[%dma_start3A_482] : memref<10240xf32, #tpu.memory_space<vmem_shared>> -> memref<10240xf32, #tpu.memory_space<vmem_shared>>
    tpu.enqueue_indirect_dma source(%arg7 : memref<128xf32, #tpu.memory_space<vmem>>) target(%dma_start3A_483 : memref<10240xf32, #tpu.memory_space<vmem_shared>>) offsets(%dma_start3A_481 : memref<128xi32, #tpu.memory_space<vmem>>) semaphore(%arg10 : memref<!tpu.dma_semaphore, #tpu.memory_space<semaphore_mem>>) {add = true}
    %dma_start3A_484 = arith.constant 30 : i32
    %dma_start3A_485 = arith.constant 0 : i32
    %dma_start3A_486 = tpu.memref_slice %arg5[%dma_start3A_484, %dma_start3A_485] : memref<80x128xi32, #tpu.memory_space<vmem>> -> memref<1x128xi32, #tpu.memory_space<vmem>>
    %dma_start3A_487 = tpu.memref_squeeze %dma_start3A_486 : memref<1x128xi32, #tpu.memory_space<vmem>> -> memref<128xi32, #tpu.memory_space<vmem>>
    %dma_start3A_488 = arith.constant 0 : i32
    %dma_start3A_489 = tpu.memref_slice %arg9[%dma_start3A_488] : memref<10240xf32, #tpu.memory_space<vmem_shared>> -> memref<10240xf32, #tpu.memory_space<vmem_shared>>
    tpu.enqueue_indirect_dma source(%arg7 : memref<128xf32, #tpu.memory_space<vmem>>) target(%dma_start3A_489 : memref<10240xf32, #tpu.memory_space<vmem_shared>>) offsets(%dma_start3A_487 : memref<128xi32, #tpu.memory_space<vmem>>) semaphore(%arg10 : memref<!tpu.dma_semaphore, #tpu.memory_space<semaphore_mem>>) {add = true}
    %dma_start3A_490 = arith.constant 31 : i32
    %dma_start3A_491 = arith.constant 0 : i32
    %dma_start3A_492 = tpu.memref_slice %arg5[%dma_start3A_490, %dma_start3A_491] : memref<80x128xi32, #tpu.memory_space<vmem>> -> memref<1x128xi32, #tpu.memory_space<vmem>>
    %dma_start3A_493 = tpu.memref_squeeze %dma_start3A_492 : memref<1x128xi32, #tpu.memory_space<vmem>> -> memref<128xi32, #tpu.memory_space<vmem>>
    %dma_start3A_494 = arith.constant 0 : i32
    %dma_start3A_495 = tpu.memref_slice %arg9[%dma_start3A_494] : memref<10240xf32, #tpu.memory_space<vmem_shared>> -> memref<10240xf32, #tpu.memory_space<vmem_shared>>
    tpu.enqueue_indirect_dma source(%arg7 : memref<128xf32, #tpu.memory_space<vmem>>) target(%dma_start3A_495 : memref<10240xf32, #tpu.memory_space<vmem_shared>>) offsets(%dma_start3A_493 : memref<128xi32, #tpu.memory_space<vmem>>) semaphore(%arg10 : memref<!tpu.dma_semaphore, #tpu.memory_space<semaphore_mem>>) {add = true}
    %dma_start3A_496 = arith.constant 32 : i32
    %dma_start3A_497 = arith.constant 0 : i32
    %dma_start3A_498 = tpu.memref_slice %arg5[%dma_start3A_496, %dma_start3A_497] : memref<80x128xi32, #tpu.memory_space<vmem>> -> memref<1x128xi32, #tpu.memory_space<vmem>>
    %dma_start3A_499 = tpu.memref_squeeze %dma_start3A_498 : memref<1x128xi32, #tpu.memory_space<vmem>> -> memref<128xi32, #tpu.memory_space<vmem>>
    %dma_start3A_500 = arith.constant 0 : i32
    %dma_start3A_501 = tpu.memref_slice %arg9[%dma_start3A_500] : memref<10240xf32, #tpu.memory_space<vmem_shared>> -> memref<10240xf32, #tpu.memory_space<vmem_shared>>
    tpu.enqueue_indirect_dma source(%arg7 : memref<128xf32, #tpu.memory_space<vmem>>) target(%dma_start3A_501 : memref<10240xf32, #tpu.memory_space<vmem_shared>>) offsets(%dma_start3A_499 : memref<128xi32, #tpu.memory_space<vmem>>) semaphore(%arg10 : memref<!tpu.dma_semaphore, #tpu.memory_space<semaphore_mem>>) {add = true}
    %dma_start3A_502 = arith.constant 33 : i32
    %dma_start3A_503 = arith.constant 0 : i32
    %dma_start3A_504 = tpu.memref_slice %arg5[%dma_start3A_502, %dma_start3A_503] : memref<80x128xi32, #tpu.memory_space<vmem>> -> memref<1x128xi32, #tpu.memory_space<vmem>>
    %dma_start3A_505 = tpu.memref_squeeze %dma_start3A_504 : memref<1x128xi32, #tpu.memory_space<vmem>> -> memref<128xi32, #tpu.memory_space<vmem>>
    %dma_start3A_506 = arith.constant 0 : i32
    %dma_start3A_507 = tpu.memref_slice %arg9[%dma_start3A_506] : memref<10240xf32, #tpu.memory_space<vmem_shared>> -> memref<10240xf32, #tpu.memory_space<vmem_shared>>
    tpu.enqueue_indirect_dma source(%arg7 : memref<128xf32, #tpu.memory_space<vmem>>) target(%dma_start3A_507 : memref<10240xf32, #tpu.memory_space<vmem_shared>>) offsets(%dma_start3A_505 : memref<128xi32, #tpu.memory_space<vmem>>) semaphore(%arg10 : memref<!tpu.dma_semaphore, #tpu.memory_space<semaphore_mem>>) {add = true}
    %dma_start3A_508 = arith.constant 34 : i32
    %dma_start3A_509 = arith.constant 0 : i32
    %dma_start3A_510 = tpu.memref_slice %arg5[%dma_start3A_508, %dma_start3A_509] : memref<80x128xi32, #tpu.memory_space<vmem>> -> memref<1x128xi32, #tpu.memory_space<vmem>>
    %dma_start3A_511 = tpu.memref_squeeze %dma_start3A_510 : memref<1x128xi32, #tpu.memory_space<vmem>> -> memref<128xi32, #tpu.memory_space<vmem>>
    %dma_start3A_512 = arith.constant 0 : i32
    %dma_start3A_513 = tpu.memref_slice %arg9[%dma_start3A_512] : memref<10240xf32, #tpu.memory_space<vmem_shared>> -> memref<10240xf32, #tpu.memory_space<vmem_shared>>
    tpu.enqueue_indirect_dma source(%arg7 : memref<128xf32, #tpu.memory_space<vmem>>) target(%dma_start3A_513 : memref<10240xf32, #tpu.memory_space<vmem_shared>>) offsets(%dma_start3A_511 : memref<128xi32, #tpu.memory_space<vmem>>) semaphore(%arg10 : memref<!tpu.dma_semaphore, #tpu.memory_space<semaphore_mem>>) {add = true}
    %dma_start3A_514 = arith.constant 35 : i32
    %dma_start3A_515 = arith.constant 0 : i32
    %dma_start3A_516 = tpu.memref_slice %arg5[%dma_start3A_514, %dma_start3A_515] : memref<80x128xi32, #tpu.memory_space<vmem>> -> memref<1x128xi32, #tpu.memory_space<vmem>>
    %dma_start3A_517 = tpu.memref_squeeze %dma_start3A_516 : memref<1x128xi32, #tpu.memory_space<vmem>> -> memref<128xi32, #tpu.memory_space<vmem>>
    %dma_start3A_518 = arith.constant 0 : i32
    %dma_start3A_519 = tpu.memref_slice %arg9[%dma_start3A_518] : memref<10240xf32, #tpu.memory_space<vmem_shared>> -> memref<10240xf32, #tpu.memory_space<vmem_shared>>
    tpu.enqueue_indirect_dma source(%arg7 : memref<128xf32, #tpu.memory_space<vmem>>) target(%dma_start3A_519 : memref<10240xf32, #tpu.memory_space<vmem_shared>>) offsets(%dma_start3A_517 : memref<128xi32, #tpu.memory_space<vmem>>) semaphore(%arg10 : memref<!tpu.dma_semaphore, #tpu.memory_space<semaphore_mem>>) {add = true}
    %dma_start3A_520 = arith.constant 36 : i32
    %dma_start3A_521 = arith.constant 0 : i32
    %dma_start3A_522 = tpu.memref_slice %arg5[%dma_start3A_520, %dma_start3A_521] : memref<80x128xi32, #tpu.memory_space<vmem>> -> memref<1x128xi32, #tpu.memory_space<vmem>>
    %dma_start3A_523 = tpu.memref_squeeze %dma_start3A_522 : memref<1x128xi32, #tpu.memory_space<vmem>> -> memref<128xi32, #tpu.memory_space<vmem>>
    %dma_start3A_524 = arith.constant 0 : i32
    %dma_start3A_525 = tpu.memref_slice %arg9[%dma_start3A_524] : memref<10240xf32, #tpu.memory_space<vmem_shared>> -> memref<10240xf32, #tpu.memory_space<vmem_shared>>
    tpu.enqueue_indirect_dma source(%arg7 : memref<128xf32, #tpu.memory_space<vmem>>) target(%dma_start3A_525 : memref<10240xf32, #tpu.memory_space<vmem_shared>>) offsets(%dma_start3A_523 : memref<128xi32, #tpu.memory_space<vmem>>) semaphore(%arg10 : memref<!tpu.dma_semaphore, #tpu.memory_space<semaphore_mem>>) {add = true}
    %dma_start3A_526 = arith.constant 37 : i32
    %dma_start3A_527 = arith.constant 0 : i32
    %dma_start3A_528 = tpu.memref_slice %arg5[%dma_start3A_526, %dma_start3A_527] : memref<80x128xi32, #tpu.memory_space<vmem>> -> memref<1x128xi32, #tpu.memory_space<vmem>>
    %dma_start3A_529 = tpu.memref_squeeze %dma_start3A_528 : memref<1x128xi32, #tpu.memory_space<vmem>> -> memref<128xi32, #tpu.memory_space<vmem>>
    %dma_start3A_530 = arith.constant 0 : i32
    %dma_start3A_531 = tpu.memref_slice %arg9[%dma_start3A_530] : memref<10240xf32, #tpu.memory_space<vmem_shared>> -> memref<10240xf32, #tpu.memory_space<vmem_shared>>
    tpu.enqueue_indirect_dma source(%arg7 : memref<128xf32, #tpu.memory_space<vmem>>) target(%dma_start3A_531 : memref<10240xf32, #tpu.memory_space<vmem_shared>>) offsets(%dma_start3A_529 : memref<128xi32, #tpu.memory_space<vmem>>) semaphore(%arg10 : memref<!tpu.dma_semaphore, #tpu.memory_space<semaphore_mem>>) {add = true}
    %dma_start3A_532 = arith.constant 38 : i32
    %dma_start3A_533 = arith.constant 0 : i32
    %dma_start3A_534 = tpu.memref_slice %arg5[%dma_start3A_532, %dma_start3A_533] : memref<80x128xi32, #tpu.memory_space<vmem>> -> memref<1x128xi32, #tpu.memory_space<vmem>>
    %dma_start3A_535 = tpu.memref_squeeze %dma_start3A_534 : memref<1x128xi32, #tpu.memory_space<vmem>> -> memref<128xi32, #tpu.memory_space<vmem>>
    %dma_start3A_536 = arith.constant 0 : i32
    %dma_start3A_537 = tpu.memref_slice %arg9[%dma_start3A_536] : memref<10240xf32, #tpu.memory_space<vmem_shared>> -> memref<10240xf32, #tpu.memory_space<vmem_shared>>
    tpu.enqueue_indirect_dma source(%arg7 : memref<128xf32, #tpu.memory_space<vmem>>) target(%dma_start3A_537 : memref<10240xf32, #tpu.memory_space<vmem_shared>>) offsets(%dma_start3A_535 : memref<128xi32, #tpu.memory_space<vmem>>) semaphore(%arg10 : memref<!tpu.dma_semaphore, #tpu.memory_space<semaphore_mem>>) {add = true}
    %dma_start3A_538 = arith.constant 39 : i32
    %dma_start3A_539 = arith.constant 0 : i32
    %dma_start3A_540 = tpu.memref_slice %arg5[%dma_start3A_538, %dma_start3A_539] : memref<80x128xi32, #tpu.memory_space<vmem>> -> memref<1x128xi32, #tpu.memory_space<vmem>>
    %dma_start3A_541 = tpu.memref_squeeze %dma_start3A_540 : memref<1x128xi32, #tpu.memory_space<vmem>> -> memref<128xi32, #tpu.memory_space<vmem>>
    %dma_start3A_542 = arith.constant 0 : i32
    %dma_start3A_543 = tpu.memref_slice %arg9[%dma_start3A_542] : memref<10240xf32, #tpu.memory_space<vmem_shared>> -> memref<10240xf32, #tpu.memory_space<vmem_shared>>
    tpu.enqueue_indirect_dma source(%arg7 : memref<128xf32, #tpu.memory_space<vmem>>) target(%dma_start3A_543 : memref<10240xf32, #tpu.memory_space<vmem_shared>>) offsets(%dma_start3A_541 : memref<128xi32, #tpu.memory_space<vmem>>) semaphore(%arg10 : memref<!tpu.dma_semaphore, #tpu.memory_space<semaphore_mem>>) {add = true}
    %dma_start3A_544 = arith.constant 40 : i32
    %dma_start3A_545 = arith.constant 0 : i32
    %dma_start3A_546 = tpu.memref_slice %arg5[%dma_start3A_544, %dma_start3A_545] : memref<80x128xi32, #tpu.memory_space<vmem>> -> memref<1x128xi32, #tpu.memory_space<vmem>>
    %dma_start3A_547 = tpu.memref_squeeze %dma_start3A_546 : memref<1x128xi32, #tpu.memory_space<vmem>> -> memref<128xi32, #tpu.memory_space<vmem>>
    %dma_start3A_548 = arith.constant 0 : i32
    %dma_start3A_549 = tpu.memref_slice %arg9[%dma_start3A_548] : memref<10240xf32, #tpu.memory_space<vmem_shared>> -> memref<10240xf32, #tpu.memory_space<vmem_shared>>
    tpu.enqueue_indirect_dma source(%arg7 : memref<128xf32, #tpu.memory_space<vmem>>) target(%dma_start3A_549 : memref<10240xf32, #tpu.memory_space<vmem_shared>>) offsets(%dma_start3A_547 : memref<128xi32, #tpu.memory_space<vmem>>) semaphore(%arg10 : memref<!tpu.dma_semaphore, #tpu.memory_space<semaphore_mem>>) {add = true}
    %dma_start3A_550 = arith.constant 41 : i32
    %dma_start3A_551 = arith.constant 0 : i32
    %dma_start3A_552 = tpu.memref_slice %arg5[%dma_start3A_550, %dma_start3A_551] : memref<80x128xi32, #tpu.memory_space<vmem>> -> memref<1x128xi32, #tpu.memory_space<vmem>>
    %dma_start3A_553 = tpu.memref_squeeze %dma_start3A_552 : memref<1x128xi32, #tpu.memory_space<vmem>> -> memref<128xi32, #tpu.memory_space<vmem>>
    %dma_start3A_554 = arith.constant 0 : i32
    %dma_start3A_555 = tpu.memref_slice %arg9[%dma_start3A_554] : memref<10240xf32, #tpu.memory_space<vmem_shared>> -> memref<10240xf32, #tpu.memory_space<vmem_shared>>
    tpu.enqueue_indirect_dma source(%arg7 : memref<128xf32, #tpu.memory_space<vmem>>) target(%dma_start3A_555 : memref<10240xf32, #tpu.memory_space<vmem_shared>>) offsets(%dma_start3A_553 : memref<128xi32, #tpu.memory_space<vmem>>) semaphore(%arg10 : memref<!tpu.dma_semaphore, #tpu.memory_space<semaphore_mem>>) {add = true}
    %dma_start3A_556 = arith.constant 42 : i32
    %dma_start3A_557 = arith.constant 0 : i32
    %dma_start3A_558 = tpu.memref_slice %arg5[%dma_start3A_556, %dma_start3A_557] : memref<80x128xi32, #tpu.memory_space<vmem>> -> memref<1x128xi32, #tpu.memory_space<vmem>>
    %dma_start3A_559 = tpu.memref_squeeze %dma_start3A_558 : memref<1x128xi32, #tpu.memory_space<vmem>> -> memref<128xi32, #tpu.memory_space<vmem>>
    %dma_start3A_560 = arith.constant 0 : i32
    %dma_start3A_561 = tpu.memref_slice %arg9[%dma_start3A_560] : memref<10240xf32, #tpu.memory_space<vmem_shared>> -> memref<10240xf32, #tpu.memory_space<vmem_shared>>
    tpu.enqueue_indirect_dma source(%arg7 : memref<128xf32, #tpu.memory_space<vmem>>) target(%dma_start3A_561 : memref<10240xf32, #tpu.memory_space<vmem_shared>>) offsets(%dma_start3A_559 : memref<128xi32, #tpu.memory_space<vmem>>) semaphore(%arg10 : memref<!tpu.dma_semaphore, #tpu.memory_space<semaphore_mem>>) {add = true}
    %dma_start3A_562 = arith.constant 43 : i32
    %dma_start3A_563 = arith.constant 0 : i32
    %dma_start3A_564 = tpu.memref_slice %arg5[%dma_start3A_562, %dma_start3A_563] : memref<80x128xi32, #tpu.memory_space<vmem>> -> memref<1x128xi32, #tpu.memory_space<vmem>>
    %dma_start3A_565 = tpu.memref_squeeze %dma_start3A_564 : memref<1x128xi32, #tpu.memory_space<vmem>> -> memref<128xi32, #tpu.memory_space<vmem>>
    %dma_start3A_566 = arith.constant 0 : i32
    %dma_start3A_567 = tpu.memref_slice %arg9[%dma_start3A_566] : memref<10240xf32, #tpu.memory_space<vmem_shared>> -> memref<10240xf32, #tpu.memory_space<vmem_shared>>
    tpu.enqueue_indirect_dma source(%arg7 : memref<128xf32, #tpu.memory_space<vmem>>) target(%dma_start3A_567 : memref<10240xf32, #tpu.memory_space<vmem_shared>>) offsets(%dma_start3A_565 : memref<128xi32, #tpu.memory_space<vmem>>) semaphore(%arg10 : memref<!tpu.dma_semaphore, #tpu.memory_space<semaphore_mem>>) {add = true}
    %dma_start3A_568 = arith.constant 44 : i32
    %dma_start3A_569 = arith.constant 0 : i32
    %dma_start3A_570 = tpu.memref_slice %arg5[%dma_start3A_568, %dma_start3A_569] : memref<80x128xi32, #tpu.memory_space<vmem>> -> memref<1x128xi32, #tpu.memory_space<vmem>>
    %dma_start3A_571 = tpu.memref_squeeze %dma_start3A_570 : memref<1x128xi32, #tpu.memory_space<vmem>> -> memref<128xi32, #tpu.memory_space<vmem>>
    %dma_start3A_572 = arith.constant 0 : i32
    %dma_start3A_573 = tpu.memref_slice %arg9[%dma_start3A_572] : memref<10240xf32, #tpu.memory_space<vmem_shared>> -> memref<10240xf32, #tpu.memory_space<vmem_shared>>
    tpu.enqueue_indirect_dma source(%arg7 : memref<128xf32, #tpu.memory_space<vmem>>) target(%dma_start3A_573 : memref<10240xf32, #tpu.memory_space<vmem_shared>>) offsets(%dma_start3A_571 : memref<128xi32, #tpu.memory_space<vmem>>) semaphore(%arg10 : memref<!tpu.dma_semaphore, #tpu.memory_space<semaphore_mem>>) {add = true}
    %dma_start3A_574 = arith.constant 45 : i32
    %dma_start3A_575 = arith.constant 0 : i32
    %dma_start3A_576 = tpu.memref_slice %arg5[%dma_start3A_574, %dma_start3A_575] : memref<80x128xi32, #tpu.memory_space<vmem>> -> memref<1x128xi32, #tpu.memory_space<vmem>>
    %dma_start3A_577 = tpu.memref_squeeze %dma_start3A_576 : memref<1x128xi32, #tpu.memory_space<vmem>> -> memref<128xi32, #tpu.memory_space<vmem>>
    %dma_start3A_578 = arith.constant 0 : i32
    %dma_start3A_579 = tpu.memref_slice %arg9[%dma_start3A_578] : memref<10240xf32, #tpu.memory_space<vmem_shared>> -> memref<10240xf32, #tpu.memory_space<vmem_shared>>
    tpu.enqueue_indirect_dma source(%arg7 : memref<128xf32, #tpu.memory_space<vmem>>) target(%dma_start3A_579 : memref<10240xf32, #tpu.memory_space<vmem_shared>>) offsets(%dma_start3A_577 : memref<128xi32, #tpu.memory_space<vmem>>) semaphore(%arg10 : memref<!tpu.dma_semaphore, #tpu.memory_space<semaphore_mem>>) {add = true}
    %dma_start3A_580 = arith.constant 46 : i32
    %dma_start3A_581 = arith.constant 0 : i32
    %dma_start3A_582 = tpu.memref_slice %arg5[%dma_start3A_580, %dma_start3A_581] : memref<80x128xi32, #tpu.memory_space<vmem>> -> memref<1x128xi32, #tpu.memory_space<vmem>>
    %dma_start3A_583 = tpu.memref_squeeze %dma_start3A_582 : memref<1x128xi32, #tpu.memory_space<vmem>> -> memref<128xi32, #tpu.memory_space<vmem>>
    %dma_start3A_584 = arith.constant 0 : i32
    %dma_start3A_585 = tpu.memref_slice %arg9[%dma_start3A_584] : memref<10240xf32, #tpu.memory_space<vmem_shared>> -> memref<10240xf32, #tpu.memory_space<vmem_shared>>
    tpu.enqueue_indirect_dma source(%arg7 : memref<128xf32, #tpu.memory_space<vmem>>) target(%dma_start3A_585 : memref<10240xf32, #tpu.memory_space<vmem_shared>>) offsets(%dma_start3A_583 : memref<128xi32, #tpu.memory_space<vmem>>) semaphore(%arg10 : memref<!tpu.dma_semaphore, #tpu.memory_space<semaphore_mem>>) {add = true}
    %dma_start3A_586 = arith.constant 47 : i32
    %dma_start3A_587 = arith.constant 0 : i32
    %dma_start3A_588 = tpu.memref_slice %arg5[%dma_start3A_586, %dma_start3A_587] : memref<80x128xi32, #tpu.memory_space<vmem>> -> memref<1x128xi32, #tpu.memory_space<vmem>>
    %dma_start3A_589 = tpu.memref_squeeze %dma_start3A_588 : memref<1x128xi32, #tpu.memory_space<vmem>> -> memref<128xi32, #tpu.memory_space<vmem>>
    %dma_start3A_590 = arith.constant 0 : i32
    %dma_start3A_591 = tpu.memref_slice %arg9[%dma_start3A_590] : memref<10240xf32, #tpu.memory_space<vmem_shared>> -> memref<10240xf32, #tpu.memory_space<vmem_shared>>
    tpu.enqueue_indirect_dma source(%arg7 : memref<128xf32, #tpu.memory_space<vmem>>) target(%dma_start3A_591 : memref<10240xf32, #tpu.memory_space<vmem_shared>>) offsets(%dma_start3A_589 : memref<128xi32, #tpu.memory_space<vmem>>) semaphore(%arg10 : memref<!tpu.dma_semaphore, #tpu.memory_space<semaphore_mem>>) {add = true}
    %dma_start3A_592 = arith.constant 48 : i32
    %dma_start3A_593 = arith.constant 0 : i32
    %dma_start3A_594 = tpu.memref_slice %arg5[%dma_start3A_592, %dma_start3A_593] : memref<80x128xi32, #tpu.memory_space<vmem>> -> memref<1x128xi32, #tpu.memory_space<vmem>>
    %dma_start3A_595 = tpu.memref_squeeze %dma_start3A_594 : memref<1x128xi32, #tpu.memory_space<vmem>> -> memref<128xi32, #tpu.memory_space<vmem>>
    %dma_start3A_596 = arith.constant 0 : i32
    %dma_start3A_597 = tpu.memref_slice %arg9[%dma_start3A_596] : memref<10240xf32, #tpu.memory_space<vmem_shared>> -> memref<10240xf32, #tpu.memory_space<vmem_shared>>
    tpu.enqueue_indirect_dma source(%arg7 : memref<128xf32, #tpu.memory_space<vmem>>) target(%dma_start3A_597 : memref<10240xf32, #tpu.memory_space<vmem_shared>>) offsets(%dma_start3A_595 : memref<128xi32, #tpu.memory_space<vmem>>) semaphore(%arg10 : memref<!tpu.dma_semaphore, #tpu.memory_space<semaphore_mem>>) {add = true}
    %dma_start3A_598 = arith.constant 49 : i32
    %dma_start3A_599 = arith.constant 0 : i32
    %dma_start3A_600 = tpu.memref_slice %arg5[%dma_start3A_598, %dma_start3A_599] : memref<80x128xi32, #tpu.memory_space<vmem>> -> memref<1x128xi32, #tpu.memory_space<vmem>>
    %dma_start3A_601 = tpu.memref_squeeze %dma_start3A_600 : memref<1x128xi32, #tpu.memory_space<vmem>> -> memref<128xi32, #tpu.memory_space<vmem>>
    %dma_start3A_602 = arith.constant 0 : i32
    %dma_start3A_603 = tpu.memref_slice %arg9[%dma_start3A_602] : memref<10240xf32, #tpu.memory_space<vmem_shared>> -> memref<10240xf32, #tpu.memory_space<vmem_shared>>
    tpu.enqueue_indirect_dma source(%arg7 : memref<128xf32, #tpu.memory_space<vmem>>) target(%dma_start3A_603 : memref<10240xf32, #tpu.memory_space<vmem_shared>>) offsets(%dma_start3A_601 : memref<128xi32, #tpu.memory_space<vmem>>) semaphore(%arg10 : memref<!tpu.dma_semaphore, #tpu.memory_space<semaphore_mem>>) {add = true}
    %dma_start3A_604 = arith.constant 50 : i32
    %dma_start3A_605 = arith.constant 0 : i32
    %dma_start3A_606 = tpu.memref_slice %arg5[%dma_start3A_604, %dma_start3A_605] : memref<80x128xi32, #tpu.memory_space<vmem>> -> memref<1x128xi32, #tpu.memory_space<vmem>>
    %dma_start3A_607 = tpu.memref_squeeze %dma_start3A_606 : memref<1x128xi32, #tpu.memory_space<vmem>> -> memref<128xi32, #tpu.memory_space<vmem>>
    %dma_start3A_608 = arith.constant 0 : i32
    %dma_start3A_609 = tpu.memref_slice %arg9[%dma_start3A_608] : memref<10240xf32, #tpu.memory_space<vmem_shared>> -> memref<10240xf32, #tpu.memory_space<vmem_shared>>
    tpu.enqueue_indirect_dma source(%arg7 : memref<128xf32, #tpu.memory_space<vmem>>) target(%dma_start3A_609 : memref<10240xf32, #tpu.memory_space<vmem_shared>>) offsets(%dma_start3A_607 : memref<128xi32, #tpu.memory_space<vmem>>) semaphore(%arg10 : memref<!tpu.dma_semaphore, #tpu.memory_space<semaphore_mem>>) {add = true}
    %dma_start3A_610 = arith.constant 51 : i32
    %dma_start3A_611 = arith.constant 0 : i32
    %dma_start3A_612 = tpu.memref_slice %arg5[%dma_start3A_610, %dma_start3A_611] : memref<80x128xi32, #tpu.memory_space<vmem>> -> memref<1x128xi32, #tpu.memory_space<vmem>>
    %dma_start3A_613 = tpu.memref_squeeze %dma_start3A_612 : memref<1x128xi32, #tpu.memory_space<vmem>> -> memref<128xi32, #tpu.memory_space<vmem>>
    %dma_start3A_614 = arith.constant 0 : i32
    %dma_start3A_615 = tpu.memref_slice %arg9[%dma_start3A_614] : memref<10240xf32, #tpu.memory_space<vmem_shared>> -> memref<10240xf32, #tpu.memory_space<vmem_shared>>
    tpu.enqueue_indirect_dma source(%arg7 : memref<128xf32, #tpu.memory_space<vmem>>) target(%dma_start3A_615 : memref<10240xf32, #tpu.memory_space<vmem_shared>>) offsets(%dma_start3A_613 : memref<128xi32, #tpu.memory_space<vmem>>) semaphore(%arg10 : memref<!tpu.dma_semaphore, #tpu.memory_space<semaphore_mem>>) {add = true}
    %dma_start3A_616 = arith.constant 52 : i32
    %dma_start3A_617 = arith.constant 0 : i32
    %dma_start3A_618 = tpu.memref_slice %arg5[%dma_start3A_616, %dma_start3A_617] : memref<80x128xi32, #tpu.memory_space<vmem>> -> memref<1x128xi32, #tpu.memory_space<vmem>>
    %dma_start3A_619 = tpu.memref_squeeze %dma_start3A_618 : memref<1x128xi32, #tpu.memory_space<vmem>> -> memref<128xi32, #tpu.memory_space<vmem>>
    %dma_start3A_620 = arith.constant 0 : i32
    %dma_start3A_621 = tpu.memref_slice %arg9[%dma_start3A_620] : memref<10240xf32, #tpu.memory_space<vmem_shared>> -> memref<10240xf32, #tpu.memory_space<vmem_shared>>
    tpu.enqueue_indirect_dma source(%arg7 : memref<128xf32, #tpu.memory_space<vmem>>) target(%dma_start3A_621 : memref<10240xf32, #tpu.memory_space<vmem_shared>>) offsets(%dma_start3A_619 : memref<128xi32, #tpu.memory_space<vmem>>) semaphore(%arg10 : memref<!tpu.dma_semaphore, #tpu.memory_space<semaphore_mem>>) {add = true}
    %dma_start3A_622 = arith.constant 53 : i32
    %dma_start3A_623 = arith.constant 0 : i32
    %dma_start3A_624 = tpu.memref_slice %arg5[%dma_start3A_622, %dma_start3A_623] : memref<80x128xi32, #tpu.memory_space<vmem>> -> memref<1x128xi32, #tpu.memory_space<vmem>>
    %dma_start3A_625 = tpu.memref_squeeze %dma_start3A_624 : memref<1x128xi32, #tpu.memory_space<vmem>> -> memref<128xi32, #tpu.memory_space<vmem>>
    %dma_start3A_626 = arith.constant 0 : i32
    %dma_start3A_627 = tpu.memref_slice %arg9[%dma_start3A_626] : memref<10240xf32, #tpu.memory_space<vmem_shared>> -> memref<10240xf32, #tpu.memory_space<vmem_shared>>
    tpu.enqueue_indirect_dma source(%arg7 : memref<128xf32, #tpu.memory_space<vmem>>) target(%dma_start3A_627 : memref<10240xf32, #tpu.memory_space<vmem_shared>>) offsets(%dma_start3A_625 : memref<128xi32, #tpu.memory_space<vmem>>) semaphore(%arg10 : memref<!tpu.dma_semaphore, #tpu.memory_space<semaphore_mem>>) {add = true}
    %dma_start3A_628 = arith.constant 54 : i32
    %dma_start3A_629 = arith.constant 0 : i32
    %dma_start3A_630 = tpu.memref_slice %arg5[%dma_start3A_628, %dma_start3A_629] : memref<80x128xi32, #tpu.memory_space<vmem>> -> memref<1x128xi32, #tpu.memory_space<vmem>>
    %dma_start3A_631 = tpu.memref_squeeze %dma_start3A_630 : memref<1x128xi32, #tpu.memory_space<vmem>> -> memref<128xi32, #tpu.memory_space<vmem>>
    %dma_start3A_632 = arith.constant 0 : i32
    %dma_start3A_633 = tpu.memref_slice %arg9[%dma_start3A_632] : memref<10240xf32, #tpu.memory_space<vmem_shared>> -> memref<10240xf32, #tpu.memory_space<vmem_shared>>
    tpu.enqueue_indirect_dma source(%arg7 : memref<128xf32, #tpu.memory_space<vmem>>) target(%dma_start3A_633 : memref<10240xf32, #tpu.memory_space<vmem_shared>>) offsets(%dma_start3A_631 : memref<128xi32, #tpu.memory_space<vmem>>) semaphore(%arg10 : memref<!tpu.dma_semaphore, #tpu.memory_space<semaphore_mem>>) {add = true}
    %dma_start3A_634 = arith.constant 55 : i32
    %dma_start3A_635 = arith.constant 0 : i32
    %dma_start3A_636 = tpu.memref_slice %arg5[%dma_start3A_634, %dma_start3A_635] : memref<80x128xi32, #tpu.memory_space<vmem>> -> memref<1x128xi32, #tpu.memory_space<vmem>>
    %dma_start3A_637 = tpu.memref_squeeze %dma_start3A_636 : memref<1x128xi32, #tpu.memory_space<vmem>> -> memref<128xi32, #tpu.memory_space<vmem>>
    %dma_start3A_638 = arith.constant 0 : i32
    %dma_start3A_639 = tpu.memref_slice %arg9[%dma_start3A_638] : memref<10240xf32, #tpu.memory_space<vmem_shared>> -> memref<10240xf32, #tpu.memory_space<vmem_shared>>
    tpu.enqueue_indirect_dma source(%arg7 : memref<128xf32, #tpu.memory_space<vmem>>) target(%dma_start3A_639 : memref<10240xf32, #tpu.memory_space<vmem_shared>>) offsets(%dma_start3A_637 : memref<128xi32, #tpu.memory_space<vmem>>) semaphore(%arg10 : memref<!tpu.dma_semaphore, #tpu.memory_space<semaphore_mem>>) {add = true}
    %dma_start3A_640 = arith.constant 56 : i32
    %dma_start3A_641 = arith.constant 0 : i32
    %dma_start3A_642 = tpu.memref_slice %arg5[%dma_start3A_640, %dma_start3A_641] : memref<80x128xi32, #tpu.memory_space<vmem>> -> memref<1x128xi32, #tpu.memory_space<vmem>>
    %dma_start3A_643 = tpu.memref_squeeze %dma_start3A_642 : memref<1x128xi32, #tpu.memory_space<vmem>> -> memref<128xi32, #tpu.memory_space<vmem>>
    %dma_start3A_644 = arith.constant 0 : i32
    %dma_start3A_645 = tpu.memref_slice %arg9[%dma_start3A_644] : memref<10240xf32, #tpu.memory_space<vmem_shared>> -> memref<10240xf32, #tpu.memory_space<vmem_shared>>
    tpu.enqueue_indirect_dma source(%arg7 : memref<128xf32, #tpu.memory_space<vmem>>) target(%dma_start3A_645 : memref<10240xf32, #tpu.memory_space<vmem_shared>>) offsets(%dma_start3A_643 : memref<128xi32, #tpu.memory_space<vmem>>) semaphore(%arg10 : memref<!tpu.dma_semaphore, #tpu.memory_space<semaphore_mem>>) {add = true}
    %dma_start3A_646 = arith.constant 57 : i32
    %dma_start3A_647 = arith.constant 0 : i32
    %dma_start3A_648 = tpu.memref_slice %arg5[%dma_start3A_646, %dma_start3A_647] : memref<80x128xi32, #tpu.memory_space<vmem>> -> memref<1x128xi32, #tpu.memory_space<vmem>>
    %dma_start3A_649 = tpu.memref_squeeze %dma_start3A_648 : memref<1x128xi32, #tpu.memory_space<vmem>> -> memref<128xi32, #tpu.memory_space<vmem>>
    %dma_start3A_650 = arith.constant 0 : i32
    %dma_start3A_651 = tpu.memref_slice %arg9[%dma_start3A_650] : memref<10240xf32, #tpu.memory_space<vmem_shared>> -> memref<10240xf32, #tpu.memory_space<vmem_shared>>
    tpu.enqueue_indirect_dma source(%arg7 : memref<128xf32, #tpu.memory_space<vmem>>) target(%dma_start3A_651 : memref<10240xf32, #tpu.memory_space<vmem_shared>>) offsets(%dma_start3A_649 : memref<128xi32, #tpu.memory_space<vmem>>) semaphore(%arg10 : memref<!tpu.dma_semaphore, #tpu.memory_space<semaphore_mem>>) {add = true}
    %dma_start3A_652 = arith.constant 58 : i32
    %dma_start3A_653 = arith.constant 0 : i32
    %dma_start3A_654 = tpu.memref_slice %arg5[%dma_start3A_652, %dma_start3A_653] : memref<80x128xi32, #tpu.memory_space<vmem>> -> memref<1x128xi32, #tpu.memory_space<vmem>>
    %dma_start3A_655 = tpu.memref_squeeze %dma_start3A_654 : memref<1x128xi32, #tpu.memory_space<vmem>> -> memref<128xi32, #tpu.memory_space<vmem>>
    %dma_start3A_656 = arith.constant 0 : i32
    %dma_start3A_657 = tpu.memref_slice %arg9[%dma_start3A_656] : memref<10240xf32, #tpu.memory_space<vmem_shared>> -> memref<10240xf32, #tpu.memory_space<vmem_shared>>
    tpu.enqueue_indirect_dma source(%arg7 : memref<128xf32, #tpu.memory_space<vmem>>) target(%dma_start3A_657 : memref<10240xf32, #tpu.memory_space<vmem_shared>>) offsets(%dma_start3A_655 : memref<128xi32, #tpu.memory_space<vmem>>) semaphore(%arg10 : memref<!tpu.dma_semaphore, #tpu.memory_space<semaphore_mem>>) {add = true}
    %dma_start3A_658 = arith.constant 59 : i32
    %dma_start3A_659 = arith.constant 0 : i32
    %dma_start3A_660 = tpu.memref_slice %arg5[%dma_start3A_658, %dma_start3A_659] : memref<80x128xi32, #tpu.memory_space<vmem>> -> memref<1x128xi32, #tpu.memory_space<vmem>>
    %dma_start3A_661 = tpu.memref_squeeze %dma_start3A_660 : memref<1x128xi32, #tpu.memory_space<vmem>> -> memref<128xi32, #tpu.memory_space<vmem>>
    %dma_start3A_662 = arith.constant 0 : i32
    %dma_start3A_663 = tpu.memref_slice %arg9[%dma_start3A_662] : memref<10240xf32, #tpu.memory_space<vmem_shared>> -> memref<10240xf32, #tpu.memory_space<vmem_shared>>
    tpu.enqueue_indirect_dma source(%arg7 : memref<128xf32, #tpu.memory_space<vmem>>) target(%dma_start3A_663 : memref<10240xf32, #tpu.memory_space<vmem_shared>>) offsets(%dma_start3A_661 : memref<128xi32, #tpu.memory_space<vmem>>) semaphore(%arg10 : memref<!tpu.dma_semaphore, #tpu.memory_space<semaphore_mem>>) {add = true}
    %dma_start3A_664 = arith.constant 60 : i32
    %dma_start3A_665 = arith.constant 0 : i32
    %dma_start3A_666 = tpu.memref_slice %arg5[%dma_start3A_664, %dma_start3A_665] : memref<80x128xi32, #tpu.memory_space<vmem>> -> memref<1x128xi32, #tpu.memory_space<vmem>>
    %dma_start3A_667 = tpu.memref_squeeze %dma_start3A_666 : memref<1x128xi32, #tpu.memory_space<vmem>> -> memref<128xi32, #tpu.memory_space<vmem>>
    %dma_start3A_668 = arith.constant 0 : i32
    %dma_start3A_669 = tpu.memref_slice %arg9[%dma_start3A_668] : memref<10240xf32, #tpu.memory_space<vmem_shared>> -> memref<10240xf32, #tpu.memory_space<vmem_shared>>
    tpu.enqueue_indirect_dma source(%arg7 : memref<128xf32, #tpu.memory_space<vmem>>) target(%dma_start3A_669 : memref<10240xf32, #tpu.memory_space<vmem_shared>>) offsets(%dma_start3A_667 : memref<128xi32, #tpu.memory_space<vmem>>) semaphore(%arg10 : memref<!tpu.dma_semaphore, #tpu.memory_space<semaphore_mem>>) {add = true}
    %dma_start3A_670 = arith.constant 61 : i32
    %dma_start3A_671 = arith.constant 0 : i32
    %dma_start3A_672 = tpu.memref_slice %arg5[%dma_start3A_670, %dma_start3A_671] : memref<80x128xi32, #tpu.memory_space<vmem>> -> memref<1x128xi32, #tpu.memory_space<vmem>>
    %dma_start3A_673 = tpu.memref_squeeze %dma_start3A_672 : memref<1x128xi32, #tpu.memory_space<vmem>> -> memref<128xi32, #tpu.memory_space<vmem>>
    %dma_start3A_674 = arith.constant 0 : i32
    %dma_start3A_675 = tpu.memref_slice %arg9[%dma_start3A_674] : memref<10240xf32, #tpu.memory_space<vmem_shared>> -> memref<10240xf32, #tpu.memory_space<vmem_shared>>
    tpu.enqueue_indirect_dma source(%arg7 : memref<128xf32, #tpu.memory_space<vmem>>) target(%dma_start3A_675 : memref<10240xf32, #tpu.memory_space<vmem_shared>>) offsets(%dma_start3A_673 : memref<128xi32, #tpu.memory_space<vmem>>) semaphore(%arg10 : memref<!tpu.dma_semaphore, #tpu.memory_space<semaphore_mem>>) {add = true}
    %dma_start3A_676 = arith.constant 62 : i32
    %dma_start3A_677 = arith.constant 0 : i32
    %dma_start3A_678 = tpu.memref_slice %arg5[%dma_start3A_676, %dma_start3A_677] : memref<80x128xi32, #tpu.memory_space<vmem>> -> memref<1x128xi32, #tpu.memory_space<vmem>>
    %dma_start3A_679 = tpu.memref_squeeze %dma_start3A_678 : memref<1x128xi32, #tpu.memory_space<vmem>> -> memref<128xi32, #tpu.memory_space<vmem>>
    %dma_start3A_680 = arith.constant 0 : i32
    %dma_start3A_681 = tpu.memref_slice %arg9[%dma_start3A_680] : memref<10240xf32, #tpu.memory_space<vmem_shared>> -> memref<10240xf32, #tpu.memory_space<vmem_shared>>
    tpu.enqueue_indirect_dma source(%arg7 : memref<128xf32, #tpu.memory_space<vmem>>) target(%dma_start3A_681 : memref<10240xf32, #tpu.memory_space<vmem_shared>>) offsets(%dma_start3A_679 : memref<128xi32, #tpu.memory_space<vmem>>) semaphore(%arg10 : memref<!tpu.dma_semaphore, #tpu.memory_space<semaphore_mem>>) {add = true}
    %dma_start3A_682 = arith.constant 63 : i32
    %dma_start3A_683 = arith.constant 0 : i32
    %dma_start3A_684 = tpu.memref_slice %arg5[%dma_start3A_682, %dma_start3A_683] : memref<80x128xi32, #tpu.memory_space<vmem>> -> memref<1x128xi32, #tpu.memory_space<vmem>>
    %dma_start3A_685 = tpu.memref_squeeze %dma_start3A_684 : memref<1x128xi32, #tpu.memory_space<vmem>> -> memref<128xi32, #tpu.memory_space<vmem>>
    %dma_start3A_686 = arith.constant 0 : i32
    %dma_start3A_687 = tpu.memref_slice %arg9[%dma_start3A_686] : memref<10240xf32, #tpu.memory_space<vmem_shared>> -> memref<10240xf32, #tpu.memory_space<vmem_shared>>
    tpu.enqueue_indirect_dma source(%arg7 : memref<128xf32, #tpu.memory_space<vmem>>) target(%dma_start3A_687 : memref<10240xf32, #tpu.memory_space<vmem_shared>>) offsets(%dma_start3A_685 : memref<128xi32, #tpu.memory_space<vmem>>) semaphore(%arg10 : memref<!tpu.dma_semaphore, #tpu.memory_space<semaphore_mem>>) {add = true}
    %dma_start3A_688 = arith.constant 64 : i32
    %dma_start3A_689 = arith.constant 0 : i32
    %dma_start3A_690 = tpu.memref_slice %arg5[%dma_start3A_688, %dma_start3A_689] : memref<80x128xi32, #tpu.memory_space<vmem>> -> memref<1x128xi32, #tpu.memory_space<vmem>>
    %dma_start3A_691 = tpu.memref_squeeze %dma_start3A_690 : memref<1x128xi32, #tpu.memory_space<vmem>> -> memref<128xi32, #tpu.memory_space<vmem>>
    %dma_start3A_692 = arith.constant 0 : i32
    %dma_start3A_693 = tpu.memref_slice %arg9[%dma_start3A_692] : memref<10240xf32, #tpu.memory_space<vmem_shared>> -> memref<10240xf32, #tpu.memory_space<vmem_shared>>
    tpu.enqueue_indirect_dma source(%arg7 : memref<128xf32, #tpu.memory_space<vmem>>) target(%dma_start3A_693 : memref<10240xf32, #tpu.memory_space<vmem_shared>>) offsets(%dma_start3A_691 : memref<128xi32, #tpu.memory_space<vmem>>) semaphore(%arg10 : memref<!tpu.dma_semaphore, #tpu.memory_space<semaphore_mem>>) {add = true}
    %dma_start3A_694 = arith.constant 65 : i32
    %dma_start3A_695 = arith.constant 0 : i32
    %dma_start3A_696 = tpu.memref_slice %arg5[%dma_start3A_694, %dma_start3A_695] : memref<80x128xi32, #tpu.memory_space<vmem>> -> memref<1x128xi32, #tpu.memory_space<vmem>>
    %dma_start3A_697 = tpu.memref_squeeze %dma_start3A_696 : memref<1x128xi32, #tpu.memory_space<vmem>> -> memref<128xi32, #tpu.memory_space<vmem>>
    %dma_start3A_698 = arith.constant 0 : i32
    %dma_start3A_699 = tpu.memref_slice %arg9[%dma_start3A_698] : memref<10240xf32, #tpu.memory_space<vmem_shared>> -> memref<10240xf32, #tpu.memory_space<vmem_shared>>
    tpu.enqueue_indirect_dma source(%arg7 : memref<128xf32, #tpu.memory_space<vmem>>) target(%dma_start3A_699 : memref<10240xf32, #tpu.memory_space<vmem_shared>>) offsets(%dma_start3A_697 : memref<128xi32, #tpu.memory_space<vmem>>) semaphore(%arg10 : memref<!tpu.dma_semaphore, #tpu.memory_space<semaphore_mem>>) {add = true}
    %dma_start3A_700 = arith.constant 66 : i32
    %dma_start3A_701 = arith.constant 0 : i32
    %dma_start3A_702 = tpu.memref_slice %arg5[%dma_start3A_700, %dma_start3A_701] : memref<80x128xi32, #tpu.memory_space<vmem>> -> memref<1x128xi32, #tpu.memory_space<vmem>>
    %dma_start3A_703 = tpu.memref_squeeze %dma_start3A_702 : memref<1x128xi32, #tpu.memory_space<vmem>> -> memref<128xi32, #tpu.memory_space<vmem>>
    %dma_start3A_704 = arith.constant 0 : i32
    %dma_start3A_705 = tpu.memref_slice %arg9[%dma_start3A_704] : memref<10240xf32, #tpu.memory_space<vmem_shared>> -> memref<10240xf32, #tpu.memory_space<vmem_shared>>
    tpu.enqueue_indirect_dma source(%arg7 : memref<128xf32, #tpu.memory_space<vmem>>) target(%dma_start3A_705 : memref<10240xf32, #tpu.memory_space<vmem_shared>>) offsets(%dma_start3A_703 : memref<128xi32, #tpu.memory_space<vmem>>) semaphore(%arg10 : memref<!tpu.dma_semaphore, #tpu.memory_space<semaphore_mem>>) {add = true}
    %dma_start3A_706 = arith.constant 67 : i32
    %dma_start3A_707 = arith.constant 0 : i32
    %dma_start3A_708 = tpu.memref_slice %arg5[%dma_start3A_706, %dma_start3A_707] : memref<80x128xi32, #tpu.memory_space<vmem>> -> memref<1x128xi32, #tpu.memory_space<vmem>>
    %dma_start3A_709 = tpu.memref_squeeze %dma_start3A_708 : memref<1x128xi32, #tpu.memory_space<vmem>> -> memref<128xi32, #tpu.memory_space<vmem>>
    %dma_start3A_710 = arith.constant 0 : i32
    %dma_start3A_711 = tpu.memref_slice %arg9[%dma_start3A_710] : memref<10240xf32, #tpu.memory_space<vmem_shared>> -> memref<10240xf32, #tpu.memory_space<vmem_shared>>
    tpu.enqueue_indirect_dma source(%arg7 : memref<128xf32, #tpu.memory_space<vmem>>) target(%dma_start3A_711 : memref<10240xf32, #tpu.memory_space<vmem_shared>>) offsets(%dma_start3A_709 : memref<128xi32, #tpu.memory_space<vmem>>) semaphore(%arg10 : memref<!tpu.dma_semaphore, #tpu.memory_space<semaphore_mem>>) {add = true}
    %dma_start3A_712 = arith.constant 68 : i32
    %dma_start3A_713 = arith.constant 0 : i32
    %dma_start3A_714 = tpu.memref_slice %arg5[%dma_start3A_712, %dma_start3A_713] : memref<80x128xi32, #tpu.memory_space<vmem>> -> memref<1x128xi32, #tpu.memory_space<vmem>>
    %dma_start3A_715 = tpu.memref_squeeze %dma_start3A_714 : memref<1x128xi32, #tpu.memory_space<vmem>> -> memref<128xi32, #tpu.memory_space<vmem>>
    %dma_start3A_716 = arith.constant 0 : i32
    %dma_start3A_717 = tpu.memref_slice %arg9[%dma_start3A_716] : memref<10240xf32, #tpu.memory_space<vmem_shared>> -> memref<10240xf32, #tpu.memory_space<vmem_shared>>
    tpu.enqueue_indirect_dma source(%arg7 : memref<128xf32, #tpu.memory_space<vmem>>) target(%dma_start3A_717 : memref<10240xf32, #tpu.memory_space<vmem_shared>>) offsets(%dma_start3A_715 : memref<128xi32, #tpu.memory_space<vmem>>) semaphore(%arg10 : memref<!tpu.dma_semaphore, #tpu.memory_space<semaphore_mem>>) {add = true}
    %dma_start3A_718 = arith.constant 69 : i32
    %dma_start3A_719 = arith.constant 0 : i32
    %dma_start3A_720 = tpu.memref_slice %arg5[%dma_start3A_718, %dma_start3A_719] : memref<80x128xi32, #tpu.memory_space<vmem>> -> memref<1x128xi32, #tpu.memory_space<vmem>>
    %dma_start3A_721 = tpu.memref_squeeze %dma_start3A_720 : memref<1x128xi32, #tpu.memory_space<vmem>> -> memref<128xi32, #tpu.memory_space<vmem>>
    %dma_start3A_722 = arith.constant 0 : i32
    %dma_start3A_723 = tpu.memref_slice %arg9[%dma_start3A_722] : memref<10240xf32, #tpu.memory_space<vmem_shared>> -> memref<10240xf32, #tpu.memory_space<vmem_shared>>
    tpu.enqueue_indirect_dma source(%arg7 : memref<128xf32, #tpu.memory_space<vmem>>) target(%dma_start3A_723 : memref<10240xf32, #tpu.memory_space<vmem_shared>>) offsets(%dma_start3A_721 : memref<128xi32, #tpu.memory_space<vmem>>) semaphore(%arg10 : memref<!tpu.dma_semaphore, #tpu.memory_space<semaphore_mem>>) {add = true}
    %dma_start3A_724 = arith.constant 70 : i32
    %dma_start3A_725 = arith.constant 0 : i32
    %dma_start3A_726 = tpu.memref_slice %arg5[%dma_start3A_724, %dma_start3A_725] : memref<80x128xi32, #tpu.memory_space<vmem>> -> memref<1x128xi32, #tpu.memory_space<vmem>>
    %dma_start3A_727 = tpu.memref_squeeze %dma_start3A_726 : memref<1x128xi32, #tpu.memory_space<vmem>> -> memref<128xi32, #tpu.memory_space<vmem>>
    %dma_start3A_728 = arith.constant 0 : i32
    %dma_start3A_729 = tpu.memref_slice %arg9[%dma_start3A_728] : memref<10240xf32, #tpu.memory_space<vmem_shared>> -> memref<10240xf32, #tpu.memory_space<vmem_shared>>
    tpu.enqueue_indirect_dma source(%arg7 : memref<128xf32, #tpu.memory_space<vmem>>) target(%dma_start3A_729 : memref<10240xf32, #tpu.memory_space<vmem_shared>>) offsets(%dma_start3A_727 : memref<128xi32, #tpu.memory_space<vmem>>) semaphore(%arg10 : memref<!tpu.dma_semaphore, #tpu.memory_space<semaphore_mem>>) {add = true}
    %dma_start3A_730 = arith.constant 71 : i32
    %dma_start3A_731 = arith.constant 0 : i32
    %dma_start3A_732 = tpu.memref_slice %arg5[%dma_start3A_730, %dma_start3A_731] : memref<80x128xi32, #tpu.memory_space<vmem>> -> memref<1x128xi32, #tpu.memory_space<vmem>>
    %dma_start3A_733 = tpu.memref_squeeze %dma_start3A_732 : memref<1x128xi32, #tpu.memory_space<vmem>> -> memref<128xi32, #tpu.memory_space<vmem>>
    %dma_start3A_734 = arith.constant 0 : i32
    %dma_start3A_735 = tpu.memref_slice %arg9[%dma_start3A_734] : memref<10240xf32, #tpu.memory_space<vmem_shared>> -> memref<10240xf32, #tpu.memory_space<vmem_shared>>
    tpu.enqueue_indirect_dma source(%arg7 : memref<128xf32, #tpu.memory_space<vmem>>) target(%dma_start3A_735 : memref<10240xf32, #tpu.memory_space<vmem_shared>>) offsets(%dma_start3A_733 : memref<128xi32, #tpu.memory_space<vmem>>) semaphore(%arg10 : memref<!tpu.dma_semaphore, #tpu.memory_space<semaphore_mem>>) {add = true}
    %dma_wait3A = arith.constant 0 : i32
    %dma_wait3A_736 = arith.constant 0 : i32
    %dma_wait3A_737 = tpu.memref_slice %arg5[%dma_wait3A, %dma_wait3A_736] : memref<80x128xi32, #tpu.memory_space<vmem>> -> memref<1x128xi32, #tpu.memory_space<vmem>>
    %dma_wait3A_738 = tpu.memref_squeeze %dma_wait3A_737 : memref<1x128xi32, #tpu.memory_space<vmem>> -> memref<128xi32, #tpu.memory_space<vmem>>
    %dma_wait3A_739 = arith.constant 0 : i32
    %dma_wait3A_740 = tpu.memref_slice %arg9[%dma_wait3A_739] : memref<10240xf32, #tpu.memory_space<vmem_shared>> -> memref<10240xf32, #tpu.memory_space<vmem_shared>>
    tpu.wait_indirect_dma semaphore(%arg10 : memref<!tpu.dma_semaphore, #tpu.memory_space<semaphore_mem>>) src(%arg7 : memref<128xf32, #tpu.memory_space<vmem>>) dst(%dma_wait3A_740 : memref<10240xf32, #tpu.memory_space<vmem_shared>>)
    %dma_wait3A_741 = arith.constant 1 : i32
    %dma_wait3A_742 = arith.constant 0 : i32
    %dma_wait3A_743 = tpu.memref_slice %arg5[%dma_wait3A_741, %dma_wait3A_742] : memref<80x128xi32, #tpu.memory_space<vmem>> -> memref<1x128xi32, #tpu.memory_space<vmem>>
    %dma_wait3A_744 = tpu.memref_squeeze %dma_wait3A_743 : memref<1x128xi32, #tpu.memory_space<vmem>> -> memref<128xi32, #tpu.memory_space<vmem>>
    %dma_wait3A_745 = arith.constant 0 : i32
    %dma_wait3A_746 = tpu.memref_slice %arg9[%dma_wait3A_745] : memref<10240xf32, #tpu.memory_space<vmem_shared>> -> memref<10240xf32, #tpu.memory_space<vmem_shared>>
    tpu.wait_indirect_dma semaphore(%arg10 : memref<!tpu.dma_semaphore, #tpu.memory_space<semaphore_mem>>) src(%arg7 : memref<128xf32, #tpu.memory_space<vmem>>) dst(%dma_wait3A_746 : memref<10240xf32, #tpu.memory_space<vmem_shared>>)
    %dma_wait3A_747 = arith.constant 2 : i32
    %dma_wait3A_748 = arith.constant 0 : i32
    %dma_wait3A_749 = tpu.memref_slice %arg5[%dma_wait3A_747, %dma_wait3A_748] : memref<80x128xi32, #tpu.memory_space<vmem>> -> memref<1x128xi32, #tpu.memory_space<vmem>>
    %dma_wait3A_750 = tpu.memref_squeeze %dma_wait3A_749 : memref<1x128xi32, #tpu.memory_space<vmem>> -> memref<128xi32, #tpu.memory_space<vmem>>
    %dma_wait3A_751 = arith.constant 0 : i32
    %dma_wait3A_752 = tpu.memref_slice %arg9[%dma_wait3A_751] : memref<10240xf32, #tpu.memory_space<vmem_shared>> -> memref<10240xf32, #tpu.memory_space<vmem_shared>>
    tpu.wait_indirect_dma semaphore(%arg10 : memref<!tpu.dma_semaphore, #tpu.memory_space<semaphore_mem>>) src(%arg7 : memref<128xf32, #tpu.memory_space<vmem>>) dst(%dma_wait3A_752 : memref<10240xf32, #tpu.memory_space<vmem_shared>>)
    %dma_wait3A_753 = arith.constant 3 : i32
    %dma_wait3A_754 = arith.constant 0 : i32
    %dma_wait3A_755 = tpu.memref_slice %arg5[%dma_wait3A_753, %dma_wait3A_754] : memref<80x128xi32, #tpu.memory_space<vmem>> -> memref<1x128xi32, #tpu.memory_space<vmem>>
    %dma_wait3A_756 = tpu.memref_squeeze %dma_wait3A_755 : memref<1x128xi32, #tpu.memory_space<vmem>> -> memref<128xi32, #tpu.memory_space<vmem>>
    %dma_wait3A_757 = arith.constant 0 : i32
    %dma_wait3A_758 = tpu.memref_slice %arg9[%dma_wait3A_757] : memref<10240xf32, #tpu.memory_space<vmem_shared>> -> memref<10240xf32, #tpu.memory_space<vmem_shared>>
    tpu.wait_indirect_dma semaphore(%arg10 : memref<!tpu.dma_semaphore, #tpu.memory_space<semaphore_mem>>) src(%arg7 : memref<128xf32, #tpu.memory_space<vmem>>) dst(%dma_wait3A_758 : memref<10240xf32, #tpu.memory_space<vmem_shared>>)
    %dma_wait3A_759 = arith.constant 4 : i32
    %dma_wait3A_760 = arith.constant 0 : i32
    %dma_wait3A_761 = tpu.memref_slice %arg5[%dma_wait3A_759, %dma_wait3A_760] : memref<80x128xi32, #tpu.memory_space<vmem>> -> memref<1x128xi32, #tpu.memory_space<vmem>>
    %dma_wait3A_762 = tpu.memref_squeeze %dma_wait3A_761 : memref<1x128xi32, #tpu.memory_space<vmem>> -> memref<128xi32, #tpu.memory_space<vmem>>
    %dma_wait3A_763 = arith.constant 0 : i32
    %dma_wait3A_764 = tpu.memref_slice %arg9[%dma_wait3A_763] : memref<10240xf32, #tpu.memory_space<vmem_shared>> -> memref<10240xf32, #tpu.memory_space<vmem_shared>>
    tpu.wait_indirect_dma semaphore(%arg10 : memref<!tpu.dma_semaphore, #tpu.memory_space<semaphore_mem>>) src(%arg7 : memref<128xf32, #tpu.memory_space<vmem>>) dst(%dma_wait3A_764 : memref<10240xf32, #tpu.memory_space<vmem_shared>>)
    %dma_wait3A_765 = arith.constant 5 : i32
    %dma_wait3A_766 = arith.constant 0 : i32
    %dma_wait3A_767 = tpu.memref_slice %arg5[%dma_wait3A_765, %dma_wait3A_766] : memref<80x128xi32, #tpu.memory_space<vmem>> -> memref<1x128xi32, #tpu.memory_space<vmem>>
    %dma_wait3A_768 = tpu.memref_squeeze %dma_wait3A_767 : memref<1x128xi32, #tpu.memory_space<vmem>> -> memref<128xi32, #tpu.memory_space<vmem>>
    %dma_wait3A_769 = arith.constant 0 : i32
    %dma_wait3A_770 = tpu.memref_slice %arg9[%dma_wait3A_769] : memref<10240xf32, #tpu.memory_space<vmem_shared>> -> memref<10240xf32, #tpu.memory_space<vmem_shared>>
    tpu.wait_indirect_dma semaphore(%arg10 : memref<!tpu.dma_semaphore, #tpu.memory_space<semaphore_mem>>) src(%arg7 : memref<128xf32, #tpu.memory_space<vmem>>) dst(%dma_wait3A_770 : memref<10240xf32, #tpu.memory_space<vmem_shared>>)
    %dma_wait3A_771 = arith.constant 6 : i32
    %dma_wait3A_772 = arith.constant 0 : i32
    %dma_wait3A_773 = tpu.memref_slice %arg5[%dma_wait3A_771, %dma_wait3A_772] : memref<80x128xi32, #tpu.memory_space<vmem>> -> memref<1x128xi32, #tpu.memory_space<vmem>>
    %dma_wait3A_774 = tpu.memref_squeeze %dma_wait3A_773 : memref<1x128xi32, #tpu.memory_space<vmem>> -> memref<128xi32, #tpu.memory_space<vmem>>
    %dma_wait3A_775 = arith.constant 0 : i32
    %dma_wait3A_776 = tpu.memref_slice %arg9[%dma_wait3A_775] : memref<10240xf32, #tpu.memory_space<vmem_shared>> -> memref<10240xf32, #tpu.memory_space<vmem_shared>>
    tpu.wait_indirect_dma semaphore(%arg10 : memref<!tpu.dma_semaphore, #tpu.memory_space<semaphore_mem>>) src(%arg7 : memref<128xf32, #tpu.memory_space<vmem>>) dst(%dma_wait3A_776 : memref<10240xf32, #tpu.memory_space<vmem_shared>>)
    %dma_wait3A_777 = arith.constant 7 : i32
    %dma_wait3A_778 = arith.constant 0 : i32
    %dma_wait3A_779 = tpu.memref_slice %arg5[%dma_wait3A_777, %dma_wait3A_778] : memref<80x128xi32, #tpu.memory_space<vmem>> -> memref<1x128xi32, #tpu.memory_space<vmem>>
    %dma_wait3A_780 = tpu.memref_squeeze %dma_wait3A_779 : memref<1x128xi32, #tpu.memory_space<vmem>> -> memref<128xi32, #tpu.memory_space<vmem>>
    %dma_wait3A_781 = arith.constant 0 : i32
    %dma_wait3A_782 = tpu.memref_slice %arg9[%dma_wait3A_781] : memref<10240xf32, #tpu.memory_space<vmem_shared>> -> memref<10240xf32, #tpu.memory_space<vmem_shared>>
    tpu.wait_indirect_dma semaphore(%arg10 : memref<!tpu.dma_semaphore, #tpu.memory_space<semaphore_mem>>) src(%arg7 : memref<128xf32, #tpu.memory_space<vmem>>) dst(%dma_wait3A_782 : memref<10240xf32, #tpu.memory_space<vmem_shared>>)
    %dma_wait3A_783 = arith.constant 8 : i32
    %dma_wait3A_784 = arith.constant 0 : i32
    %dma_wait3A_785 = tpu.memref_slice %arg5[%dma_wait3A_783, %dma_wait3A_784] : memref<80x128xi32, #tpu.memory_space<vmem>> -> memref<1x128xi32, #tpu.memory_space<vmem>>
    %dma_wait3A_786 = tpu.memref_squeeze %dma_wait3A_785 : memref<1x128xi32, #tpu.memory_space<vmem>> -> memref<128xi32, #tpu.memory_space<vmem>>
    %dma_wait3A_787 = arith.constant 0 : i32
    %dma_wait3A_788 = tpu.memref_slice %arg9[%dma_wait3A_787] : memref<10240xf32, #tpu.memory_space<vmem_shared>> -> memref<10240xf32, #tpu.memory_space<vmem_shared>>
    tpu.wait_indirect_dma semaphore(%arg10 : memref<!tpu.dma_semaphore, #tpu.memory_space<semaphore_mem>>) src(%arg7 : memref<128xf32, #tpu.memory_space<vmem>>) dst(%dma_wait3A_788 : memref<10240xf32, #tpu.memory_space<vmem_shared>>)
    %dma_wait3A_789 = arith.constant 9 : i32
    %dma_wait3A_790 = arith.constant 0 : i32
    %dma_wait3A_791 = tpu.memref_slice %arg5[%dma_wait3A_789, %dma_wait3A_790] : memref<80x128xi32, #tpu.memory_space<vmem>> -> memref<1x128xi32, #tpu.memory_space<vmem>>
    %dma_wait3A_792 = tpu.memref_squeeze %dma_wait3A_791 : memref<1x128xi32, #tpu.memory_space<vmem>> -> memref<128xi32, #tpu.memory_space<vmem>>
    %dma_wait3A_793 = arith.constant 0 : i32
    %dma_wait3A_794 = tpu.memref_slice %arg9[%dma_wait3A_793] : memref<10240xf32, #tpu.memory_space<vmem_shared>> -> memref<10240xf32, #tpu.memory_space<vmem_shared>>
    tpu.wait_indirect_dma semaphore(%arg10 : memref<!tpu.dma_semaphore, #tpu.memory_space<semaphore_mem>>) src(%arg7 : memref<128xf32, #tpu.memory_space<vmem>>) dst(%dma_wait3A_794 : memref<10240xf32, #tpu.memory_space<vmem_shared>>)
    %dma_wait3A_795 = arith.constant 10 : i32
    %dma_wait3A_796 = arith.constant 0 : i32
    %dma_wait3A_797 = tpu.memref_slice %arg5[%dma_wait3A_795, %dma_wait3A_796] : memref<80x128xi32, #tpu.memory_space<vmem>> -> memref<1x128xi32, #tpu.memory_space<vmem>>
    %dma_wait3A_798 = tpu.memref_squeeze %dma_wait3A_797 : memref<1x128xi32, #tpu.memory_space<vmem>> -> memref<128xi32, #tpu.memory_space<vmem>>
    %dma_wait3A_799 = arith.constant 0 : i32
    %dma_wait3A_800 = tpu.memref_slice %arg9[%dma_wait3A_799] : memref<10240xf32, #tpu.memory_space<vmem_shared>> -> memref<10240xf32, #tpu.memory_space<vmem_shared>>
    tpu.wait_indirect_dma semaphore(%arg10 : memref<!tpu.dma_semaphore, #tpu.memory_space<semaphore_mem>>) src(%arg7 : memref<128xf32, #tpu.memory_space<vmem>>) dst(%dma_wait3A_800 : memref<10240xf32, #tpu.memory_space<vmem_shared>>)
    %dma_wait3A_801 = arith.constant 11 : i32
    %dma_wait3A_802 = arith.constant 0 : i32
    %dma_wait3A_803 = tpu.memref_slice %arg5[%dma_wait3A_801, %dma_wait3A_802] : memref<80x128xi32, #tpu.memory_space<vmem>> -> memref<1x128xi32, #tpu.memory_space<vmem>>
    %dma_wait3A_804 = tpu.memref_squeeze %dma_wait3A_803 : memref<1x128xi32, #tpu.memory_space<vmem>> -> memref<128xi32, #tpu.memory_space<vmem>>
    %dma_wait3A_805 = arith.constant 0 : i32
    %dma_wait3A_806 = tpu.memref_slice %arg9[%dma_wait3A_805] : memref<10240xf32, #tpu.memory_space<vmem_shared>> -> memref<10240xf32, #tpu.memory_space<vmem_shared>>
    tpu.wait_indirect_dma semaphore(%arg10 : memref<!tpu.dma_semaphore, #tpu.memory_space<semaphore_mem>>) src(%arg7 : memref<128xf32, #tpu.memory_space<vmem>>) dst(%dma_wait3A_806 : memref<10240xf32, #tpu.memory_space<vmem_shared>>)
    %dma_wait3A_807 = arith.constant 12 : i32
    %dma_wait3A_808 = arith.constant 0 : i32
    %dma_wait3A_809 = tpu.memref_slice %arg5[%dma_wait3A_807, %dma_wait3A_808] : memref<80x128xi32, #tpu.memory_space<vmem>> -> memref<1x128xi32, #tpu.memory_space<vmem>>
    %dma_wait3A_810 = tpu.memref_squeeze %dma_wait3A_809 : memref<1x128xi32, #tpu.memory_space<vmem>> -> memref<128xi32, #tpu.memory_space<vmem>>
    %dma_wait3A_811 = arith.constant 0 : i32
    %dma_wait3A_812 = tpu.memref_slice %arg9[%dma_wait3A_811] : memref<10240xf32, #tpu.memory_space<vmem_shared>> -> memref<10240xf32, #tpu.memory_space<vmem_shared>>
    tpu.wait_indirect_dma semaphore(%arg10 : memref<!tpu.dma_semaphore, #tpu.memory_space<semaphore_mem>>) src(%arg7 : memref<128xf32, #tpu.memory_space<vmem>>) dst(%dma_wait3A_812 : memref<10240xf32, #tpu.memory_space<vmem_shared>>)
    %dma_wait3A_813 = arith.constant 13 : i32
    %dma_wait3A_814 = arith.constant 0 : i32
    %dma_wait3A_815 = tpu.memref_slice %arg5[%dma_wait3A_813, %dma_wait3A_814] : memref<80x128xi32, #tpu.memory_space<vmem>> -> memref<1x128xi32, #tpu.memory_space<vmem>>
    %dma_wait3A_816 = tpu.memref_squeeze %dma_wait3A_815 : memref<1x128xi32, #tpu.memory_space<vmem>> -> memref<128xi32, #tpu.memory_space<vmem>>
    %dma_wait3A_817 = arith.constant 0 : i32
    %dma_wait3A_818 = tpu.memref_slice %arg9[%dma_wait3A_817] : memref<10240xf32, #tpu.memory_space<vmem_shared>> -> memref<10240xf32, #tpu.memory_space<vmem_shared>>
    tpu.wait_indirect_dma semaphore(%arg10 : memref<!tpu.dma_semaphore, #tpu.memory_space<semaphore_mem>>) src(%arg7 : memref<128xf32, #tpu.memory_space<vmem>>) dst(%dma_wait3A_818 : memref<10240xf32, #tpu.memory_space<vmem_shared>>)
    %dma_wait3A_819 = arith.constant 14 : i32
    %dma_wait3A_820 = arith.constant 0 : i32
    %dma_wait3A_821 = tpu.memref_slice %arg5[%dma_wait3A_819, %dma_wait3A_820] : memref<80x128xi32, #tpu.memory_space<vmem>> -> memref<1x128xi32, #tpu.memory_space<vmem>>
    %dma_wait3A_822 = tpu.memref_squeeze %dma_wait3A_821 : memref<1x128xi32, #tpu.memory_space<vmem>> -> memref<128xi32, #tpu.memory_space<vmem>>
    %dma_wait3A_823 = arith.constant 0 : i32
    %dma_wait3A_824 = tpu.memref_slice %arg9[%dma_wait3A_823] : memref<10240xf32, #tpu.memory_space<vmem_shared>> -> memref<10240xf32, #tpu.memory_space<vmem_shared>>
    tpu.wait_indirect_dma semaphore(%arg10 : memref<!tpu.dma_semaphore, #tpu.memory_space<semaphore_mem>>) src(%arg7 : memref<128xf32, #tpu.memory_space<vmem>>) dst(%dma_wait3A_824 : memref<10240xf32, #tpu.memory_space<vmem_shared>>)
    %dma_wait3A_825 = arith.constant 15 : i32
    %dma_wait3A_826 = arith.constant 0 : i32
    %dma_wait3A_827 = tpu.memref_slice %arg5[%dma_wait3A_825, %dma_wait3A_826] : memref<80x128xi32, #tpu.memory_space<vmem>> -> memref<1x128xi32, #tpu.memory_space<vmem>>
    %dma_wait3A_828 = tpu.memref_squeeze %dma_wait3A_827 : memref<1x128xi32, #tpu.memory_space<vmem>> -> memref<128xi32, #tpu.memory_space<vmem>>
    %dma_wait3A_829 = arith.constant 0 : i32
    %dma_wait3A_830 = tpu.memref_slice %arg9[%dma_wait3A_829] : memref<10240xf32, #tpu.memory_space<vmem_shared>> -> memref<10240xf32, #tpu.memory_space<vmem_shared>>
    tpu.wait_indirect_dma semaphore(%arg10 : memref<!tpu.dma_semaphore, #tpu.memory_space<semaphore_mem>>) src(%arg7 : memref<128xf32, #tpu.memory_space<vmem>>) dst(%dma_wait3A_830 : memref<10240xf32, #tpu.memory_space<vmem_shared>>)
    %dma_wait3A_831 = arith.constant 16 : i32
    %dma_wait3A_832 = arith.constant 0 : i32
    %dma_wait3A_833 = tpu.memref_slice %arg5[%dma_wait3A_831, %dma_wait3A_832] : memref<80x128xi32, #tpu.memory_space<vmem>> -> memref<1x128xi32, #tpu.memory_space<vmem>>
    %dma_wait3A_834 = tpu.memref_squeeze %dma_wait3A_833 : memref<1x128xi32, #tpu.memory_space<vmem>> -> memref<128xi32, #tpu.memory_space<vmem>>
    %dma_wait3A_835 = arith.constant 0 : i32
    %dma_wait3A_836 = tpu.memref_slice %arg9[%dma_wait3A_835] : memref<10240xf32, #tpu.memory_space<vmem_shared>> -> memref<10240xf32, #tpu.memory_space<vmem_shared>>
    tpu.wait_indirect_dma semaphore(%arg10 : memref<!tpu.dma_semaphore, #tpu.memory_space<semaphore_mem>>) src(%arg7 : memref<128xf32, #tpu.memory_space<vmem>>) dst(%dma_wait3A_836 : memref<10240xf32, #tpu.memory_space<vmem_shared>>)
    %dma_wait3A_837 = arith.constant 17 : i32
    %dma_wait3A_838 = arith.constant 0 : i32
    %dma_wait3A_839 = tpu.memref_slice %arg5[%dma_wait3A_837, %dma_wait3A_838] : memref<80x128xi32, #tpu.memory_space<vmem>> -> memref<1x128xi32, #tpu.memory_space<vmem>>
    %dma_wait3A_840 = tpu.memref_squeeze %dma_wait3A_839 : memref<1x128xi32, #tpu.memory_space<vmem>> -> memref<128xi32, #tpu.memory_space<vmem>>
    %dma_wait3A_841 = arith.constant 0 : i32
    %dma_wait3A_842 = tpu.memref_slice %arg9[%dma_wait3A_841] : memref<10240xf32, #tpu.memory_space<vmem_shared>> -> memref<10240xf32, #tpu.memory_space<vmem_shared>>
    tpu.wait_indirect_dma semaphore(%arg10 : memref<!tpu.dma_semaphore, #tpu.memory_space<semaphore_mem>>) src(%arg7 : memref<128xf32, #tpu.memory_space<vmem>>) dst(%dma_wait3A_842 : memref<10240xf32, #tpu.memory_space<vmem_shared>>)
    %dma_wait3A_843 = arith.constant 18 : i32
    %dma_wait3A_844 = arith.constant 0 : i32
    %dma_wait3A_845 = tpu.memref_slice %arg5[%dma_wait3A_843, %dma_wait3A_844] : memref<80x128xi32, #tpu.memory_space<vmem>> -> memref<1x128xi32, #tpu.memory_space<vmem>>
    %dma_wait3A_846 = tpu.memref_squeeze %dma_wait3A_845 : memref<1x128xi32, #tpu.memory_space<vmem>> -> memref<128xi32, #tpu.memory_space<vmem>>
    %dma_wait3A_847 = arith.constant 0 : i32
    %dma_wait3A_848 = tpu.memref_slice %arg9[%dma_wait3A_847] : memref<10240xf32, #tpu.memory_space<vmem_shared>> -> memref<10240xf32, #tpu.memory_space<vmem_shared>>
    tpu.wait_indirect_dma semaphore(%arg10 : memref<!tpu.dma_semaphore, #tpu.memory_space<semaphore_mem>>) src(%arg7 : memref<128xf32, #tpu.memory_space<vmem>>) dst(%dma_wait3A_848 : memref<10240xf32, #tpu.memory_space<vmem_shared>>)
    %dma_wait3A_849 = arith.constant 19 : i32
    %dma_wait3A_850 = arith.constant 0 : i32
    %dma_wait3A_851 = tpu.memref_slice %arg5[%dma_wait3A_849, %dma_wait3A_850] : memref<80x128xi32, #tpu.memory_space<vmem>> -> memref<1x128xi32, #tpu.memory_space<vmem>>
    %dma_wait3A_852 = tpu.memref_squeeze %dma_wait3A_851 : memref<1x128xi32, #tpu.memory_space<vmem>> -> memref<128xi32, #tpu.memory_space<vmem>>
    %dma_wait3A_853 = arith.constant 0 : i32
    %dma_wait3A_854 = tpu.memref_slice %arg9[%dma_wait3A_853] : memref<10240xf32, #tpu.memory_space<vmem_shared>> -> memref<10240xf32, #tpu.memory_space<vmem_shared>>
    tpu.wait_indirect_dma semaphore(%arg10 : memref<!tpu.dma_semaphore, #tpu.memory_space<semaphore_mem>>) src(%arg7 : memref<128xf32, #tpu.memory_space<vmem>>) dst(%dma_wait3A_854 : memref<10240xf32, #tpu.memory_space<vmem_shared>>)
    %dma_wait3A_855 = arith.constant 20 : i32
    %dma_wait3A_856 = arith.constant 0 : i32
    %dma_wait3A_857 = tpu.memref_slice %arg5[%dma_wait3A_855, %dma_wait3A_856] : memref<80x128xi32, #tpu.memory_space<vmem>> -> memref<1x128xi32, #tpu.memory_space<vmem>>
    %dma_wait3A_858 = tpu.memref_squeeze %dma_wait3A_857 : memref<1x128xi32, #tpu.memory_space<vmem>> -> memref<128xi32, #tpu.memory_space<vmem>>
    %dma_wait3A_859 = arith.constant 0 : i32
    %dma_wait3A_860 = tpu.memref_slice %arg9[%dma_wait3A_859] : memref<10240xf32, #tpu.memory_space<vmem_shared>> -> memref<10240xf32, #tpu.memory_space<vmem_shared>>
    tpu.wait_indirect_dma semaphore(%arg10 : memref<!tpu.dma_semaphore, #tpu.memory_space<semaphore_mem>>) src(%arg7 : memref<128xf32, #tpu.memory_space<vmem>>) dst(%dma_wait3A_860 : memref<10240xf32, #tpu.memory_space<vmem_shared>>)
    %dma_wait3A_861 = arith.constant 21 : i32
    %dma_wait3A_862 = arith.constant 0 : i32
    %dma_wait3A_863 = tpu.memref_slice %arg5[%dma_wait3A_861, %dma_wait3A_862] : memref<80x128xi32, #tpu.memory_space<vmem>> -> memref<1x128xi32, #tpu.memory_space<vmem>>
    %dma_wait3A_864 = tpu.memref_squeeze %dma_wait3A_863 : memref<1x128xi32, #tpu.memory_space<vmem>> -> memref<128xi32, #tpu.memory_space<vmem>>
    %dma_wait3A_865 = arith.constant 0 : i32
    %dma_wait3A_866 = tpu.memref_slice %arg9[%dma_wait3A_865] : memref<10240xf32, #tpu.memory_space<vmem_shared>> -> memref<10240xf32, #tpu.memory_space<vmem_shared>>
    tpu.wait_indirect_dma semaphore(%arg10 : memref<!tpu.dma_semaphore, #tpu.memory_space<semaphore_mem>>) src(%arg7 : memref<128xf32, #tpu.memory_space<vmem>>) dst(%dma_wait3A_866 : memref<10240xf32, #tpu.memory_space<vmem_shared>>)
    %dma_wait3A_867 = arith.constant 22 : i32
    %dma_wait3A_868 = arith.constant 0 : i32
    %dma_wait3A_869 = tpu.memref_slice %arg5[%dma_wait3A_867, %dma_wait3A_868] : memref<80x128xi32, #tpu.memory_space<vmem>> -> memref<1x128xi32, #tpu.memory_space<vmem>>
    %dma_wait3A_870 = tpu.memref_squeeze %dma_wait3A_869 : memref<1x128xi32, #tpu.memory_space<vmem>> -> memref<128xi32, #tpu.memory_space<vmem>>
    %dma_wait3A_871 = arith.constant 0 : i32
    %dma_wait3A_872 = tpu.memref_slice %arg9[%dma_wait3A_871] : memref<10240xf32, #tpu.memory_space<vmem_shared>> -> memref<10240xf32, #tpu.memory_space<vmem_shared>>
    tpu.wait_indirect_dma semaphore(%arg10 : memref<!tpu.dma_semaphore, #tpu.memory_space<semaphore_mem>>) src(%arg7 : memref<128xf32, #tpu.memory_space<vmem>>) dst(%dma_wait3A_872 : memref<10240xf32, #tpu.memory_space<vmem_shared>>)
    %dma_wait3A_873 = arith.constant 23 : i32
    %dma_wait3A_874 = arith.constant 0 : i32
    %dma_wait3A_875 = tpu.memref_slice %arg5[%dma_wait3A_873, %dma_wait3A_874] : memref<80x128xi32, #tpu.memory_space<vmem>> -> memref<1x128xi32, #tpu.memory_space<vmem>>
    %dma_wait3A_876 = tpu.memref_squeeze %dma_wait3A_875 : memref<1x128xi32, #tpu.memory_space<vmem>> -> memref<128xi32, #tpu.memory_space<vmem>>
    %dma_wait3A_877 = arith.constant 0 : i32
    %dma_wait3A_878 = tpu.memref_slice %arg9[%dma_wait3A_877] : memref<10240xf32, #tpu.memory_space<vmem_shared>> -> memref<10240xf32, #tpu.memory_space<vmem_shared>>
    tpu.wait_indirect_dma semaphore(%arg10 : memref<!tpu.dma_semaphore, #tpu.memory_space<semaphore_mem>>) src(%arg7 : memref<128xf32, #tpu.memory_space<vmem>>) dst(%dma_wait3A_878 : memref<10240xf32, #tpu.memory_space<vmem_shared>>)
    %dma_wait3A_879 = arith.constant 24 : i32
    %dma_wait3A_880 = arith.constant 0 : i32
    %dma_wait3A_881 = tpu.memref_slice %arg5[%dma_wait3A_879, %dma_wait3A_880] : memref<80x128xi32, #tpu.memory_space<vmem>> -> memref<1x128xi32, #tpu.memory_space<vmem>>
    %dma_wait3A_882 = tpu.memref_squeeze %dma_wait3A_881 : memref<1x128xi32, #tpu.memory_space<vmem>> -> memref<128xi32, #tpu.memory_space<vmem>>
    %dma_wait3A_883 = arith.constant 0 : i32
    %dma_wait3A_884 = tpu.memref_slice %arg9[%dma_wait3A_883] : memref<10240xf32, #tpu.memory_space<vmem_shared>> -> memref<10240xf32, #tpu.memory_space<vmem_shared>>
    tpu.wait_indirect_dma semaphore(%arg10 : memref<!tpu.dma_semaphore, #tpu.memory_space<semaphore_mem>>) src(%arg7 : memref<128xf32, #tpu.memory_space<vmem>>) dst(%dma_wait3A_884 : memref<10240xf32, #tpu.memory_space<vmem_shared>>)
    %dma_wait3A_885 = arith.constant 25 : i32
    %dma_wait3A_886 = arith.constant 0 : i32
    %dma_wait3A_887 = tpu.memref_slice %arg5[%dma_wait3A_885, %dma_wait3A_886] : memref<80x128xi32, #tpu.memory_space<vmem>> -> memref<1x128xi32, #tpu.memory_space<vmem>>
    %dma_wait3A_888 = tpu.memref_squeeze %dma_wait3A_887 : memref<1x128xi32, #tpu.memory_space<vmem>> -> memref<128xi32, #tpu.memory_space<vmem>>
    %dma_wait3A_889 = arith.constant 0 : i32
    %dma_wait3A_890 = tpu.memref_slice %arg9[%dma_wait3A_889] : memref<10240xf32, #tpu.memory_space<vmem_shared>> -> memref<10240xf32, #tpu.memory_space<vmem_shared>>
    tpu.wait_indirect_dma semaphore(%arg10 : memref<!tpu.dma_semaphore, #tpu.memory_space<semaphore_mem>>) src(%arg7 : memref<128xf32, #tpu.memory_space<vmem>>) dst(%dma_wait3A_890 : memref<10240xf32, #tpu.memory_space<vmem_shared>>)
    %dma_wait3A_891 = arith.constant 26 : i32
    %dma_wait3A_892 = arith.constant 0 : i32
    %dma_wait3A_893 = tpu.memref_slice %arg5[%dma_wait3A_891, %dma_wait3A_892] : memref<80x128xi32, #tpu.memory_space<vmem>> -> memref<1x128xi32, #tpu.memory_space<vmem>>
    %dma_wait3A_894 = tpu.memref_squeeze %dma_wait3A_893 : memref<1x128xi32, #tpu.memory_space<vmem>> -> memref<128xi32, #tpu.memory_space<vmem>>
    %dma_wait3A_895 = arith.constant 0 : i32
    %dma_wait3A_896 = tpu.memref_slice %arg9[%dma_wait3A_895] : memref<10240xf32, #tpu.memory_space<vmem_shared>> -> memref<10240xf32, #tpu.memory_space<vmem_shared>>
    tpu.wait_indirect_dma semaphore(%arg10 : memref<!tpu.dma_semaphore, #tpu.memory_space<semaphore_mem>>) src(%arg7 : memref<128xf32, #tpu.memory_space<vmem>>) dst(%dma_wait3A_896 : memref<10240xf32, #tpu.memory_space<vmem_shared>>)
    %dma_wait3A_897 = arith.constant 27 : i32
    %dma_wait3A_898 = arith.constant 0 : i32
    %dma_wait3A_899 = tpu.memref_slice %arg5[%dma_wait3A_897, %dma_wait3A_898] : memref<80x128xi32, #tpu.memory_space<vmem>> -> memref<1x128xi32, #tpu.memory_space<vmem>>
    %dma_wait3A_900 = tpu.memref_squeeze %dma_wait3A_899 : memref<1x128xi32, #tpu.memory_space<vmem>> -> memref<128xi32, #tpu.memory_space<vmem>>
    %dma_wait3A_901 = arith.constant 0 : i32
    %dma_wait3A_902 = tpu.memref_slice %arg9[%dma_wait3A_901] : memref<10240xf32, #tpu.memory_space<vmem_shared>> -> memref<10240xf32, #tpu.memory_space<vmem_shared>>
    tpu.wait_indirect_dma semaphore(%arg10 : memref<!tpu.dma_semaphore, #tpu.memory_space<semaphore_mem>>) src(%arg7 : memref<128xf32, #tpu.memory_space<vmem>>) dst(%dma_wait3A_902 : memref<10240xf32, #tpu.memory_space<vmem_shared>>)
    %dma_wait3A_903 = arith.constant 28 : i32
    %dma_wait3A_904 = arith.constant 0 : i32
    %dma_wait3A_905 = tpu.memref_slice %arg5[%dma_wait3A_903, %dma_wait3A_904] : memref<80x128xi32, #tpu.memory_space<vmem>> -> memref<1x128xi32, #tpu.memory_space<vmem>>
    %dma_wait3A_906 = tpu.memref_squeeze %dma_wait3A_905 : memref<1x128xi32, #tpu.memory_space<vmem>> -> memref<128xi32, #tpu.memory_space<vmem>>
    %dma_wait3A_907 = arith.constant 0 : i32
    %dma_wait3A_908 = tpu.memref_slice %arg9[%dma_wait3A_907] : memref<10240xf32, #tpu.memory_space<vmem_shared>> -> memref<10240xf32, #tpu.memory_space<vmem_shared>>
    tpu.wait_indirect_dma semaphore(%arg10 : memref<!tpu.dma_semaphore, #tpu.memory_space<semaphore_mem>>) src(%arg7 : memref<128xf32, #tpu.memory_space<vmem>>) dst(%dma_wait3A_908 : memref<10240xf32, #tpu.memory_space<vmem_shared>>)
    %dma_wait3A_909 = arith.constant 29 : i32
    %dma_wait3A_910 = arith.constant 0 : i32
    %dma_wait3A_911 = tpu.memref_slice %arg5[%dma_wait3A_909, %dma_wait3A_910] : memref<80x128xi32, #tpu.memory_space<vmem>> -> memref<1x128xi32, #tpu.memory_space<vmem>>
    %dma_wait3A_912 = tpu.memref_squeeze %dma_wait3A_911 : memref<1x128xi32, #tpu.memory_space<vmem>> -> memref<128xi32, #tpu.memory_space<vmem>>
    %dma_wait3A_913 = arith.constant 0 : i32
    %dma_wait3A_914 = tpu.memref_slice %arg9[%dma_wait3A_913] : memref<10240xf32, #tpu.memory_space<vmem_shared>> -> memref<10240xf32, #tpu.memory_space<vmem_shared>>
    tpu.wait_indirect_dma semaphore(%arg10 : memref<!tpu.dma_semaphore, #tpu.memory_space<semaphore_mem>>) src(%arg7 : memref<128xf32, #tpu.memory_space<vmem>>) dst(%dma_wait3A_914 : memref<10240xf32, #tpu.memory_space<vmem_shared>>)
    %dma_wait3A_915 = arith.constant 30 : i32
    %dma_wait3A_916 = arith.constant 0 : i32
    %dma_wait3A_917 = tpu.memref_slice %arg5[%dma_wait3A_915, %dma_wait3A_916] : memref<80x128xi32, #tpu.memory_space<vmem>> -> memref<1x128xi32, #tpu.memory_space<vmem>>
    %dma_wait3A_918 = tpu.memref_squeeze %dma_wait3A_917 : memref<1x128xi32, #tpu.memory_space<vmem>> -> memref<128xi32, #tpu.memory_space<vmem>>
    %dma_wait3A_919 = arith.constant 0 : i32
    %dma_wait3A_920 = tpu.memref_slice %arg9[%dma_wait3A_919] : memref<10240xf32, #tpu.memory_space<vmem_shared>> -> memref<10240xf32, #tpu.memory_space<vmem_shared>>
    tpu.wait_indirect_dma semaphore(%arg10 : memref<!tpu.dma_semaphore, #tpu.memory_space<semaphore_mem>>) src(%arg7 : memref<128xf32, #tpu.memory_space<vmem>>) dst(%dma_wait3A_920 : memref<10240xf32, #tpu.memory_space<vmem_shared>>)
    %dma_wait3A_921 = arith.constant 31 : i32
    %dma_wait3A_922 = arith.constant 0 : i32
    %dma_wait3A_923 = tpu.memref_slice %arg5[%dma_wait3A_921, %dma_wait3A_922] : memref<80x128xi32, #tpu.memory_space<vmem>> -> memref<1x128xi32, #tpu.memory_space<vmem>>
    %dma_wait3A_924 = tpu.memref_squeeze %dma_wait3A_923 : memref<1x128xi32, #tpu.memory_space<vmem>> -> memref<128xi32, #tpu.memory_space<vmem>>
    %dma_wait3A_925 = arith.constant 0 : i32
    %dma_wait3A_926 = tpu.memref_slice %arg9[%dma_wait3A_925] : memref<10240xf32, #tpu.memory_space<vmem_shared>> -> memref<10240xf32, #tpu.memory_space<vmem_shared>>
    tpu.wait_indirect_dma semaphore(%arg10 : memref<!tpu.dma_semaphore, #tpu.memory_space<semaphore_mem>>) src(%arg7 : memref<128xf32, #tpu.memory_space<vmem>>) dst(%dma_wait3A_926 : memref<10240xf32, #tpu.memory_space<vmem_shared>>)
    %dma_wait3A_927 = arith.constant 32 : i32
    %dma_wait3A_928 = arith.constant 0 : i32
    %dma_wait3A_929 = tpu.memref_slice %arg5[%dma_wait3A_927, %dma_wait3A_928] : memref<80x128xi32, #tpu.memory_space<vmem>> -> memref<1x128xi32, #tpu.memory_space<vmem>>
    %dma_wait3A_930 = tpu.memref_squeeze %dma_wait3A_929 : memref<1x128xi32, #tpu.memory_space<vmem>> -> memref<128xi32, #tpu.memory_space<vmem>>
    %dma_wait3A_931 = arith.constant 0 : i32
    %dma_wait3A_932 = tpu.memref_slice %arg9[%dma_wait3A_931] : memref<10240xf32, #tpu.memory_space<vmem_shared>> -> memref<10240xf32, #tpu.memory_space<vmem_shared>>
    tpu.wait_indirect_dma semaphore(%arg10 : memref<!tpu.dma_semaphore, #tpu.memory_space<semaphore_mem>>) src(%arg7 : memref<128xf32, #tpu.memory_space<vmem>>) dst(%dma_wait3A_932 : memref<10240xf32, #tpu.memory_space<vmem_shared>>)
    %dma_wait3A_933 = arith.constant 33 : i32
    %dma_wait3A_934 = arith.constant 0 : i32
    %dma_wait3A_935 = tpu.memref_slice %arg5[%dma_wait3A_933, %dma_wait3A_934] : memref<80x128xi32, #tpu.memory_space<vmem>> -> memref<1x128xi32, #tpu.memory_space<vmem>>
    %dma_wait3A_936 = tpu.memref_squeeze %dma_wait3A_935 : memref<1x128xi32, #tpu.memory_space<vmem>> -> memref<128xi32, #tpu.memory_space<vmem>>
    %dma_wait3A_937 = arith.constant 0 : i32
    %dma_wait3A_938 = tpu.memref_slice %arg9[%dma_wait3A_937] : memref<10240xf32, #tpu.memory_space<vmem_shared>> -> memref<10240xf32, #tpu.memory_space<vmem_shared>>
    tpu.wait_indirect_dma semaphore(%arg10 : memref<!tpu.dma_semaphore, #tpu.memory_space<semaphore_mem>>) src(%arg7 : memref<128xf32, #tpu.memory_space<vmem>>) dst(%dma_wait3A_938 : memref<10240xf32, #tpu.memory_space<vmem_shared>>)
    %dma_wait3A_939 = arith.constant 34 : i32
    %dma_wait3A_940 = arith.constant 0 : i32
    %dma_wait3A_941 = tpu.memref_slice %arg5[%dma_wait3A_939, %dma_wait3A_940] : memref<80x128xi32, #tpu.memory_space<vmem>> -> memref<1x128xi32, #tpu.memory_space<vmem>>
    %dma_wait3A_942 = tpu.memref_squeeze %dma_wait3A_941 : memref<1x128xi32, #tpu.memory_space<vmem>> -> memref<128xi32, #tpu.memory_space<vmem>>
    %dma_wait3A_943 = arith.constant 0 : i32
    %dma_wait3A_944 = tpu.memref_slice %arg9[%dma_wait3A_943] : memref<10240xf32, #tpu.memory_space<vmem_shared>> -> memref<10240xf32, #tpu.memory_space<vmem_shared>>
    tpu.wait_indirect_dma semaphore(%arg10 : memref<!tpu.dma_semaphore, #tpu.memory_space<semaphore_mem>>) src(%arg7 : memref<128xf32, #tpu.memory_space<vmem>>) dst(%dma_wait3A_944 : memref<10240xf32, #tpu.memory_space<vmem_shared>>)
    %dma_wait3A_945 = arith.constant 35 : i32
    %dma_wait3A_946 = arith.constant 0 : i32
    %dma_wait3A_947 = tpu.memref_slice %arg5[%dma_wait3A_945, %dma_wait3A_946] : memref<80x128xi32, #tpu.memory_space<vmem>> -> memref<1x128xi32, #tpu.memory_space<vmem>>
    %dma_wait3A_948 = tpu.memref_squeeze %dma_wait3A_947 : memref<1x128xi32, #tpu.memory_space<vmem>> -> memref<128xi32, #tpu.memory_space<vmem>>
    %dma_wait3A_949 = arith.constant 0 : i32
    %dma_wait3A_950 = tpu.memref_slice %arg9[%dma_wait3A_949] : memref<10240xf32, #tpu.memory_space<vmem_shared>> -> memref<10240xf32, #tpu.memory_space<vmem_shared>>
    tpu.wait_indirect_dma semaphore(%arg10 : memref<!tpu.dma_semaphore, #tpu.memory_space<semaphore_mem>>) src(%arg7 : memref<128xf32, #tpu.memory_space<vmem>>) dst(%dma_wait3A_950 : memref<10240xf32, #tpu.memory_space<vmem_shared>>)
    %dma_wait3A_951 = arith.constant 36 : i32
    %dma_wait3A_952 = arith.constant 0 : i32
    %dma_wait3A_953 = tpu.memref_slice %arg5[%dma_wait3A_951, %dma_wait3A_952] : memref<80x128xi32, #tpu.memory_space<vmem>> -> memref<1x128xi32, #tpu.memory_space<vmem>>
    %dma_wait3A_954 = tpu.memref_squeeze %dma_wait3A_953 : memref<1x128xi32, #tpu.memory_space<vmem>> -> memref<128xi32, #tpu.memory_space<vmem>>
    %dma_wait3A_955 = arith.constant 0 : i32
    %dma_wait3A_956 = tpu.memref_slice %arg9[%dma_wait3A_955] : memref<10240xf32, #tpu.memory_space<vmem_shared>> -> memref<10240xf32, #tpu.memory_space<vmem_shared>>
    tpu.wait_indirect_dma semaphore(%arg10 : memref<!tpu.dma_semaphore, #tpu.memory_space<semaphore_mem>>) src(%arg7 : memref<128xf32, #tpu.memory_space<vmem>>) dst(%dma_wait3A_956 : memref<10240xf32, #tpu.memory_space<vmem_shared>>)
    %dma_wait3A_957 = arith.constant 37 : i32
    %dma_wait3A_958 = arith.constant 0 : i32
    %dma_wait3A_959 = tpu.memref_slice %arg5[%dma_wait3A_957, %dma_wait3A_958] : memref<80x128xi32, #tpu.memory_space<vmem>> -> memref<1x128xi32, #tpu.memory_space<vmem>>
    %dma_wait3A_960 = tpu.memref_squeeze %dma_wait3A_959 : memref<1x128xi32, #tpu.memory_space<vmem>> -> memref<128xi32, #tpu.memory_space<vmem>>
    %dma_wait3A_961 = arith.constant 0 : i32
    %dma_wait3A_962 = tpu.memref_slice %arg9[%dma_wait3A_961] : memref<10240xf32, #tpu.memory_space<vmem_shared>> -> memref<10240xf32, #tpu.memory_space<vmem_shared>>
    tpu.wait_indirect_dma semaphore(%arg10 : memref<!tpu.dma_semaphore, #tpu.memory_space<semaphore_mem>>) src(%arg7 : memref<128xf32, #tpu.memory_space<vmem>>) dst(%dma_wait3A_962 : memref<10240xf32, #tpu.memory_space<vmem_shared>>)
    %dma_wait3A_963 = arith.constant 38 : i32
    %dma_wait3A_964 = arith.constant 0 : i32
    %dma_wait3A_965 = tpu.memref_slice %arg5[%dma_wait3A_963, %dma_wait3A_964] : memref<80x128xi32, #tpu.memory_space<vmem>> -> memref<1x128xi32, #tpu.memory_space<vmem>>
    %dma_wait3A_966 = tpu.memref_squeeze %dma_wait3A_965 : memref<1x128xi32, #tpu.memory_space<vmem>> -> memref<128xi32, #tpu.memory_space<vmem>>
    %dma_wait3A_967 = arith.constant 0 : i32
    %dma_wait3A_968 = tpu.memref_slice %arg9[%dma_wait3A_967] : memref<10240xf32, #tpu.memory_space<vmem_shared>> -> memref<10240xf32, #tpu.memory_space<vmem_shared>>
    tpu.wait_indirect_dma semaphore(%arg10 : memref<!tpu.dma_semaphore, #tpu.memory_space<semaphore_mem>>) src(%arg7 : memref<128xf32, #tpu.memory_space<vmem>>) dst(%dma_wait3A_968 : memref<10240xf32, #tpu.memory_space<vmem_shared>>)
    %dma_wait3A_969 = arith.constant 39 : i32
    %dma_wait3A_970 = arith.constant 0 : i32
    %dma_wait3A_971 = tpu.memref_slice %arg5[%dma_wait3A_969, %dma_wait3A_970] : memref<80x128xi32, #tpu.memory_space<vmem>> -> memref<1x128xi32, #tpu.memory_space<vmem>>
    %dma_wait3A_972 = tpu.memref_squeeze %dma_wait3A_971 : memref<1x128xi32, #tpu.memory_space<vmem>> -> memref<128xi32, #tpu.memory_space<vmem>>
    %dma_wait3A_973 = arith.constant 0 : i32
    %dma_wait3A_974 = tpu.memref_slice %arg9[%dma_wait3A_973] : memref<10240xf32, #tpu.memory_space<vmem_shared>> -> memref<10240xf32, #tpu.memory_space<vmem_shared>>
    tpu.wait_indirect_dma semaphore(%arg10 : memref<!tpu.dma_semaphore, #tpu.memory_space<semaphore_mem>>) src(%arg7 : memref<128xf32, #tpu.memory_space<vmem>>) dst(%dma_wait3A_974 : memref<10240xf32, #tpu.memory_space<vmem_shared>>)
    %dma_wait3A_975 = arith.constant 40 : i32
    %dma_wait3A_976 = arith.constant 0 : i32
    %dma_wait3A_977 = tpu.memref_slice %arg5[%dma_wait3A_975, %dma_wait3A_976] : memref<80x128xi32, #tpu.memory_space<vmem>> -> memref<1x128xi32, #tpu.memory_space<vmem>>
    %dma_wait3A_978 = tpu.memref_squeeze %dma_wait3A_977 : memref<1x128xi32, #tpu.memory_space<vmem>> -> memref<128xi32, #tpu.memory_space<vmem>>
    %dma_wait3A_979 = arith.constant 0 : i32
    %dma_wait3A_980 = tpu.memref_slice %arg9[%dma_wait3A_979] : memref<10240xf32, #tpu.memory_space<vmem_shared>> -> memref<10240xf32, #tpu.memory_space<vmem_shared>>
    tpu.wait_indirect_dma semaphore(%arg10 : memref<!tpu.dma_semaphore, #tpu.memory_space<semaphore_mem>>) src(%arg7 : memref<128xf32, #tpu.memory_space<vmem>>) dst(%dma_wait3A_980 : memref<10240xf32, #tpu.memory_space<vmem_shared>>)
    %dma_wait3A_981 = arith.constant 41 : i32
    %dma_wait3A_982 = arith.constant 0 : i32
    %dma_wait3A_983 = tpu.memref_slice %arg5[%dma_wait3A_981, %dma_wait3A_982] : memref<80x128xi32, #tpu.memory_space<vmem>> -> memref<1x128xi32, #tpu.memory_space<vmem>>
    %dma_wait3A_984 = tpu.memref_squeeze %dma_wait3A_983 : memref<1x128xi32, #tpu.memory_space<vmem>> -> memref<128xi32, #tpu.memory_space<vmem>>
    %dma_wait3A_985 = arith.constant 0 : i32
    %dma_wait3A_986 = tpu.memref_slice %arg9[%dma_wait3A_985] : memref<10240xf32, #tpu.memory_space<vmem_shared>> -> memref<10240xf32, #tpu.memory_space<vmem_shared>>
    tpu.wait_indirect_dma semaphore(%arg10 : memref<!tpu.dma_semaphore, #tpu.memory_space<semaphore_mem>>) src(%arg7 : memref<128xf32, #tpu.memory_space<vmem>>) dst(%dma_wait3A_986 : memref<10240xf32, #tpu.memory_space<vmem_shared>>)
    %dma_wait3A_987 = arith.constant 42 : i32
    %dma_wait3A_988 = arith.constant 0 : i32
    %dma_wait3A_989 = tpu.memref_slice %arg5[%dma_wait3A_987, %dma_wait3A_988] : memref<80x128xi32, #tpu.memory_space<vmem>> -> memref<1x128xi32, #tpu.memory_space<vmem>>
    %dma_wait3A_990 = tpu.memref_squeeze %dma_wait3A_989 : memref<1x128xi32, #tpu.memory_space<vmem>> -> memref<128xi32, #tpu.memory_space<vmem>>
    %dma_wait3A_991 = arith.constant 0 : i32
    %dma_wait3A_992 = tpu.memref_slice %arg9[%dma_wait3A_991] : memref<10240xf32, #tpu.memory_space<vmem_shared>> -> memref<10240xf32, #tpu.memory_space<vmem_shared>>
    tpu.wait_indirect_dma semaphore(%arg10 : memref<!tpu.dma_semaphore, #tpu.memory_space<semaphore_mem>>) src(%arg7 : memref<128xf32, #tpu.memory_space<vmem>>) dst(%dma_wait3A_992 : memref<10240xf32, #tpu.memory_space<vmem_shared>>)
    %dma_wait3A_993 = arith.constant 43 : i32
    %dma_wait3A_994 = arith.constant 0 : i32
    %dma_wait3A_995 = tpu.memref_slice %arg5[%dma_wait3A_993, %dma_wait3A_994] : memref<80x128xi32, #tpu.memory_space<vmem>> -> memref<1x128xi32, #tpu.memory_space<vmem>>
    %dma_wait3A_996 = tpu.memref_squeeze %dma_wait3A_995 : memref<1x128xi32, #tpu.memory_space<vmem>> -> memref<128xi32, #tpu.memory_space<vmem>>
    %dma_wait3A_997 = arith.constant 0 : i32
    %dma_wait3A_998 = tpu.memref_slice %arg9[%dma_wait3A_997] : memref<10240xf32, #tpu.memory_space<vmem_shared>> -> memref<10240xf32, #tpu.memory_space<vmem_shared>>
    tpu.wait_indirect_dma semaphore(%arg10 : memref<!tpu.dma_semaphore, #tpu.memory_space<semaphore_mem>>) src(%arg7 : memref<128xf32, #tpu.memory_space<vmem>>) dst(%dma_wait3A_998 : memref<10240xf32, #tpu.memory_space<vmem_shared>>)
    %dma_wait3A_999 = arith.constant 44 : i32
    %dma_wait3A_1000 = arith.constant 0 : i32
    %dma_wait3A_1001 = tpu.memref_slice %arg5[%dma_wait3A_999, %dma_wait3A_1000] : memref<80x128xi32, #tpu.memory_space<vmem>> -> memref<1x128xi32, #tpu.memory_space<vmem>>
    %dma_wait3A_1002 = tpu.memref_squeeze %dma_wait3A_1001 : memref<1x128xi32, #tpu.memory_space<vmem>> -> memref<128xi32, #tpu.memory_space<vmem>>
    %dma_wait3A_1003 = arith.constant 0 : i32
    %dma_wait3A_1004 = tpu.memref_slice %arg9[%dma_wait3A_1003] : memref<10240xf32, #tpu.memory_space<vmem_shared>> -> memref<10240xf32, #tpu.memory_space<vmem_shared>>
    tpu.wait_indirect_dma semaphore(%arg10 : memref<!tpu.dma_semaphore, #tpu.memory_space<semaphore_mem>>) src(%arg7 : memref<128xf32, #tpu.memory_space<vmem>>) dst(%dma_wait3A_1004 : memref<10240xf32, #tpu.memory_space<vmem_shared>>)
    %dma_wait3A_1005 = arith.constant 45 : i32
    %dma_wait3A_1006 = arith.constant 0 : i32
    %dma_wait3A_1007 = tpu.memref_slice %arg5[%dma_wait3A_1005, %dma_wait3A_1006] : memref<80x128xi32, #tpu.memory_space<vmem>> -> memref<1x128xi32, #tpu.memory_space<vmem>>
    %dma_wait3A_1008 = tpu.memref_squeeze %dma_wait3A_1007 : memref<1x128xi32, #tpu.memory_space<vmem>> -> memref<128xi32, #tpu.memory_space<vmem>>
    %dma_wait3A_1009 = arith.constant 0 : i32
    %dma_wait3A_1010 = tpu.memref_slice %arg9[%dma_wait3A_1009] : memref<10240xf32, #tpu.memory_space<vmem_shared>> -> memref<10240xf32, #tpu.memory_space<vmem_shared>>
    tpu.wait_indirect_dma semaphore(%arg10 : memref<!tpu.dma_semaphore, #tpu.memory_space<semaphore_mem>>) src(%arg7 : memref<128xf32, #tpu.memory_space<vmem>>) dst(%dma_wait3A_1010 : memref<10240xf32, #tpu.memory_space<vmem_shared>>)
    %dma_wait3A_1011 = arith.constant 46 : i32
    %dma_wait3A_1012 = arith.constant 0 : i32
    %dma_wait3A_1013 = tpu.memref_slice %arg5[%dma_wait3A_1011, %dma_wait3A_1012] : memref<80x128xi32, #tpu.memory_space<vmem>> -> memref<1x128xi32, #tpu.memory_space<vmem>>
    %dma_wait3A_1014 = tpu.memref_squeeze %dma_wait3A_1013 : memref<1x128xi32, #tpu.memory_space<vmem>> -> memref<128xi32, #tpu.memory_space<vmem>>
    %dma_wait3A_1015 = arith.constant 0 : i32
    %dma_wait3A_1016 = tpu.memref_slice %arg9[%dma_wait3A_1015] : memref<10240xf32, #tpu.memory_space<vmem_shared>> -> memref<10240xf32, #tpu.memory_space<vmem_shared>>
    tpu.wait_indirect_dma semaphore(%arg10 : memref<!tpu.dma_semaphore, #tpu.memory_space<semaphore_mem>>) src(%arg7 : memref<128xf32, #tpu.memory_space<vmem>>) dst(%dma_wait3A_1016 : memref<10240xf32, #tpu.memory_space<vmem_shared>>)
    %dma_wait3A_1017 = arith.constant 47 : i32
    %dma_wait3A_1018 = arith.constant 0 : i32
    %dma_wait3A_1019 = tpu.memref_slice %arg5[%dma_wait3A_1017, %dma_wait3A_1018] : memref<80x128xi32, #tpu.memory_space<vmem>> -> memref<1x128xi32, #tpu.memory_space<vmem>>
    %dma_wait3A_1020 = tpu.memref_squeeze %dma_wait3A_1019 : memref<1x128xi32, #tpu.memory_space<vmem>> -> memref<128xi32, #tpu.memory_space<vmem>>
    %dma_wait3A_1021 = arith.constant 0 : i32
    %dma_wait3A_1022 = tpu.memref_slice %arg9[%dma_wait3A_1021] : memref<10240xf32, #tpu.memory_space<vmem_shared>> -> memref<10240xf32, #tpu.memory_space<vmem_shared>>
    tpu.wait_indirect_dma semaphore(%arg10 : memref<!tpu.dma_semaphore, #tpu.memory_space<semaphore_mem>>) src(%arg7 : memref<128xf32, #tpu.memory_space<vmem>>) dst(%dma_wait3A_1022 : memref<10240xf32, #tpu.memory_space<vmem_shared>>)
    %dma_wait3A_1023 = arith.constant 48 : i32
    %dma_wait3A_1024 = arith.constant 0 : i32
    %dma_wait3A_1025 = tpu.memref_slice %arg5[%dma_wait3A_1023, %dma_wait3A_1024] : memref<80x128xi32, #tpu.memory_space<vmem>> -> memref<1x128xi32, #tpu.memory_space<vmem>>
    %dma_wait3A_1026 = tpu.memref_squeeze %dma_wait3A_1025 : memref<1x128xi32, #tpu.memory_space<vmem>> -> memref<128xi32, #tpu.memory_space<vmem>>
    %dma_wait3A_1027 = arith.constant 0 : i32
    %dma_wait3A_1028 = tpu.memref_slice %arg9[%dma_wait3A_1027] : memref<10240xf32, #tpu.memory_space<vmem_shared>> -> memref<10240xf32, #tpu.memory_space<vmem_shared>>
    tpu.wait_indirect_dma semaphore(%arg10 : memref<!tpu.dma_semaphore, #tpu.memory_space<semaphore_mem>>) src(%arg7 : memref<128xf32, #tpu.memory_space<vmem>>) dst(%dma_wait3A_1028 : memref<10240xf32, #tpu.memory_space<vmem_shared>>)
    %dma_wait3A_1029 = arith.constant 49 : i32
    %dma_wait3A_1030 = arith.constant 0 : i32
    %dma_wait3A_1031 = tpu.memref_slice %arg5[%dma_wait3A_1029, %dma_wait3A_1030] : memref<80x128xi32, #tpu.memory_space<vmem>> -> memref<1x128xi32, #tpu.memory_space<vmem>>
    %dma_wait3A_1032 = tpu.memref_squeeze %dma_wait3A_1031 : memref<1x128xi32, #tpu.memory_space<vmem>> -> memref<128xi32, #tpu.memory_space<vmem>>
    %dma_wait3A_1033 = arith.constant 0 : i32
    %dma_wait3A_1034 = tpu.memref_slice %arg9[%dma_wait3A_1033] : memref<10240xf32, #tpu.memory_space<vmem_shared>> -> memref<10240xf32, #tpu.memory_space<vmem_shared>>
    tpu.wait_indirect_dma semaphore(%arg10 : memref<!tpu.dma_semaphore, #tpu.memory_space<semaphore_mem>>) src(%arg7 : memref<128xf32, #tpu.memory_space<vmem>>) dst(%dma_wait3A_1034 : memref<10240xf32, #tpu.memory_space<vmem_shared>>)
    %dma_wait3A_1035 = arith.constant 50 : i32
    %dma_wait3A_1036 = arith.constant 0 : i32
    %dma_wait3A_1037 = tpu.memref_slice %arg5[%dma_wait3A_1035, %dma_wait3A_1036] : memref<80x128xi32, #tpu.memory_space<vmem>> -> memref<1x128xi32, #tpu.memory_space<vmem>>
    %dma_wait3A_1038 = tpu.memref_squeeze %dma_wait3A_1037 : memref<1x128xi32, #tpu.memory_space<vmem>> -> memref<128xi32, #tpu.memory_space<vmem>>
    %dma_wait3A_1039 = arith.constant 0 : i32
    %dma_wait3A_1040 = tpu.memref_slice %arg9[%dma_wait3A_1039] : memref<10240xf32, #tpu.memory_space<vmem_shared>> -> memref<10240xf32, #tpu.memory_space<vmem_shared>>
    tpu.wait_indirect_dma semaphore(%arg10 : memref<!tpu.dma_semaphore, #tpu.memory_space<semaphore_mem>>) src(%arg7 : memref<128xf32, #tpu.memory_space<vmem>>) dst(%dma_wait3A_1040 : memref<10240xf32, #tpu.memory_space<vmem_shared>>)
    %dma_wait3A_1041 = arith.constant 51 : i32
    %dma_wait3A_1042 = arith.constant 0 : i32
    %dma_wait3A_1043 = tpu.memref_slice %arg5[%dma_wait3A_1041, %dma_wait3A_1042] : memref<80x128xi32, #tpu.memory_space<vmem>> -> memref<1x128xi32, #tpu.memory_space<vmem>>
    %dma_wait3A_1044 = tpu.memref_squeeze %dma_wait3A_1043 : memref<1x128xi32, #tpu.memory_space<vmem>> -> memref<128xi32, #tpu.memory_space<vmem>>
    %dma_wait3A_1045 = arith.constant 0 : i32
    %dma_wait3A_1046 = tpu.memref_slice %arg9[%dma_wait3A_1045] : memref<10240xf32, #tpu.memory_space<vmem_shared>> -> memref<10240xf32, #tpu.memory_space<vmem_shared>>
    tpu.wait_indirect_dma semaphore(%arg10 : memref<!tpu.dma_semaphore, #tpu.memory_space<semaphore_mem>>) src(%arg7 : memref<128xf32, #tpu.memory_space<vmem>>) dst(%dma_wait3A_1046 : memref<10240xf32, #tpu.memory_space<vmem_shared>>)
    %dma_wait3A_1047 = arith.constant 52 : i32
    %dma_wait3A_1048 = arith.constant 0 : i32
    %dma_wait3A_1049 = tpu.memref_slice %arg5[%dma_wait3A_1047, %dma_wait3A_1048] : memref<80x128xi32, #tpu.memory_space<vmem>> -> memref<1x128xi32, #tpu.memory_space<vmem>>
    %dma_wait3A_1050 = tpu.memref_squeeze %dma_wait3A_1049 : memref<1x128xi32, #tpu.memory_space<vmem>> -> memref<128xi32, #tpu.memory_space<vmem>>
    %dma_wait3A_1051 = arith.constant 0 : i32
    %dma_wait3A_1052 = tpu.memref_slice %arg9[%dma_wait3A_1051] : memref<10240xf32, #tpu.memory_space<vmem_shared>> -> memref<10240xf32, #tpu.memory_space<vmem_shared>>
    tpu.wait_indirect_dma semaphore(%arg10 : memref<!tpu.dma_semaphore, #tpu.memory_space<semaphore_mem>>) src(%arg7 : memref<128xf32, #tpu.memory_space<vmem>>) dst(%dma_wait3A_1052 : memref<10240xf32, #tpu.memory_space<vmem_shared>>)
    %dma_wait3A_1053 = arith.constant 53 : i32
    %dma_wait3A_1054 = arith.constant 0 : i32
    %dma_wait3A_1055 = tpu.memref_slice %arg5[%dma_wait3A_1053, %dma_wait3A_1054] : memref<80x128xi32, #tpu.memory_space<vmem>> -> memref<1x128xi32, #tpu.memory_space<vmem>>
    %dma_wait3A_1056 = tpu.memref_squeeze %dma_wait3A_1055 : memref<1x128xi32, #tpu.memory_space<vmem>> -> memref<128xi32, #tpu.memory_space<vmem>>
    %dma_wait3A_1057 = arith.constant 0 : i32
    %dma_wait3A_1058 = tpu.memref_slice %arg9[%dma_wait3A_1057] : memref<10240xf32, #tpu.memory_space<vmem_shared>> -> memref<10240xf32, #tpu.memory_space<vmem_shared>>
    tpu.wait_indirect_dma semaphore(%arg10 : memref<!tpu.dma_semaphore, #tpu.memory_space<semaphore_mem>>) src(%arg7 : memref<128xf32, #tpu.memory_space<vmem>>) dst(%dma_wait3A_1058 : memref<10240xf32, #tpu.memory_space<vmem_shared>>)
    %dma_wait3A_1059 = arith.constant 54 : i32
    %dma_wait3A_1060 = arith.constant 0 : i32
    %dma_wait3A_1061 = tpu.memref_slice %arg5[%dma_wait3A_1059, %dma_wait3A_1060] : memref<80x128xi32, #tpu.memory_space<vmem>> -> memref<1x128xi32, #tpu.memory_space<vmem>>
    %dma_wait3A_1062 = tpu.memref_squeeze %dma_wait3A_1061 : memref<1x128xi32, #tpu.memory_space<vmem>> -> memref<128xi32, #tpu.memory_space<vmem>>
    %dma_wait3A_1063 = arith.constant 0 : i32
    %dma_wait3A_1064 = tpu.memref_slice %arg9[%dma_wait3A_1063] : memref<10240xf32, #tpu.memory_space<vmem_shared>> -> memref<10240xf32, #tpu.memory_space<vmem_shared>>
    tpu.wait_indirect_dma semaphore(%arg10 : memref<!tpu.dma_semaphore, #tpu.memory_space<semaphore_mem>>) src(%arg7 : memref<128xf32, #tpu.memory_space<vmem>>) dst(%dma_wait3A_1064 : memref<10240xf32, #tpu.memory_space<vmem_shared>>)
    %dma_wait3A_1065 = arith.constant 55 : i32
    %dma_wait3A_1066 = arith.constant 0 : i32
    %dma_wait3A_1067 = tpu.memref_slice %arg5[%dma_wait3A_1065, %dma_wait3A_1066] : memref<80x128xi32, #tpu.memory_space<vmem>> -> memref<1x128xi32, #tpu.memory_space<vmem>>
    %dma_wait3A_1068 = tpu.memref_squeeze %dma_wait3A_1067 : memref<1x128xi32, #tpu.memory_space<vmem>> -> memref<128xi32, #tpu.memory_space<vmem>>
    %dma_wait3A_1069 = arith.constant 0 : i32
    %dma_wait3A_1070 = tpu.memref_slice %arg9[%dma_wait3A_1069] : memref<10240xf32, #tpu.memory_space<vmem_shared>> -> memref<10240xf32, #tpu.memory_space<vmem_shared>>
    tpu.wait_indirect_dma semaphore(%arg10 : memref<!tpu.dma_semaphore, #tpu.memory_space<semaphore_mem>>) src(%arg7 : memref<128xf32, #tpu.memory_space<vmem>>) dst(%dma_wait3A_1070 : memref<10240xf32, #tpu.memory_space<vmem_shared>>)
    %dma_wait3A_1071 = arith.constant 56 : i32
    %dma_wait3A_1072 = arith.constant 0 : i32
    %dma_wait3A_1073 = tpu.memref_slice %arg5[%dma_wait3A_1071, %dma_wait3A_1072] : memref<80x128xi32, #tpu.memory_space<vmem>> -> memref<1x128xi32, #tpu.memory_space<vmem>>
    %dma_wait3A_1074 = tpu.memref_squeeze %dma_wait3A_1073 : memref<1x128xi32, #tpu.memory_space<vmem>> -> memref<128xi32, #tpu.memory_space<vmem>>
    %dma_wait3A_1075 = arith.constant 0 : i32
    %dma_wait3A_1076 = tpu.memref_slice %arg9[%dma_wait3A_1075] : memref<10240xf32, #tpu.memory_space<vmem_shared>> -> memref<10240xf32, #tpu.memory_space<vmem_shared>>
    tpu.wait_indirect_dma semaphore(%arg10 : memref<!tpu.dma_semaphore, #tpu.memory_space<semaphore_mem>>) src(%arg7 : memref<128xf32, #tpu.memory_space<vmem>>) dst(%dma_wait3A_1076 : memref<10240xf32, #tpu.memory_space<vmem_shared>>)
    %dma_wait3A_1077 = arith.constant 57 : i32
    %dma_wait3A_1078 = arith.constant 0 : i32
    %dma_wait3A_1079 = tpu.memref_slice %arg5[%dma_wait3A_1077, %dma_wait3A_1078] : memref<80x128xi32, #tpu.memory_space<vmem>> -> memref<1x128xi32, #tpu.memory_space<vmem>>
    %dma_wait3A_1080 = tpu.memref_squeeze %dma_wait3A_1079 : memref<1x128xi32, #tpu.memory_space<vmem>> -> memref<128xi32, #tpu.memory_space<vmem>>
    %dma_wait3A_1081 = arith.constant 0 : i32
    %dma_wait3A_1082 = tpu.memref_slice %arg9[%dma_wait3A_1081] : memref<10240xf32, #tpu.memory_space<vmem_shared>> -> memref<10240xf32, #tpu.memory_space<vmem_shared>>
    tpu.wait_indirect_dma semaphore(%arg10 : memref<!tpu.dma_semaphore, #tpu.memory_space<semaphore_mem>>) src(%arg7 : memref<128xf32, #tpu.memory_space<vmem>>) dst(%dma_wait3A_1082 : memref<10240xf32, #tpu.memory_space<vmem_shared>>)
    %dma_wait3A_1083 = arith.constant 58 : i32
    %dma_wait3A_1084 = arith.constant 0 : i32
    %dma_wait3A_1085 = tpu.memref_slice %arg5[%dma_wait3A_1083, %dma_wait3A_1084] : memref<80x128xi32, #tpu.memory_space<vmem>> -> memref<1x128xi32, #tpu.memory_space<vmem>>
    %dma_wait3A_1086 = tpu.memref_squeeze %dma_wait3A_1085 : memref<1x128xi32, #tpu.memory_space<vmem>> -> memref<128xi32, #tpu.memory_space<vmem>>
    %dma_wait3A_1087 = arith.constant 0 : i32
    %dma_wait3A_1088 = tpu.memref_slice %arg9[%dma_wait3A_1087] : memref<10240xf32, #tpu.memory_space<vmem_shared>> -> memref<10240xf32, #tpu.memory_space<vmem_shared>>
    tpu.wait_indirect_dma semaphore(%arg10 : memref<!tpu.dma_semaphore, #tpu.memory_space<semaphore_mem>>) src(%arg7 : memref<128xf32, #tpu.memory_space<vmem>>) dst(%dma_wait3A_1088 : memref<10240xf32, #tpu.memory_space<vmem_shared>>)
    %dma_wait3A_1089 = arith.constant 59 : i32
    %dma_wait3A_1090 = arith.constant 0 : i32
    %dma_wait3A_1091 = tpu.memref_slice %arg5[%dma_wait3A_1089, %dma_wait3A_1090] : memref<80x128xi32, #tpu.memory_space<vmem>> -> memref<1x128xi32, #tpu.memory_space<vmem>>
    %dma_wait3A_1092 = tpu.memref_squeeze %dma_wait3A_1091 : memref<1x128xi32, #tpu.memory_space<vmem>> -> memref<128xi32, #tpu.memory_space<vmem>>
    %dma_wait3A_1093 = arith.constant 0 : i32
    %dma_wait3A_1094 = tpu.memref_slice %arg9[%dma_wait3A_1093] : memref<10240xf32, #tpu.memory_space<vmem_shared>> -> memref<10240xf32, #tpu.memory_space<vmem_shared>>
    tpu.wait_indirect_dma semaphore(%arg10 : memref<!tpu.dma_semaphore, #tpu.memory_space<semaphore_mem>>) src(%arg7 : memref<128xf32, #tpu.memory_space<vmem>>) dst(%dma_wait3A_1094 : memref<10240xf32, #tpu.memory_space<vmem_shared>>)
    %dma_wait3A_1095 = arith.constant 60 : i32
    %dma_wait3A_1096 = arith.constant 0 : i32
    %dma_wait3A_1097 = tpu.memref_slice %arg5[%dma_wait3A_1095, %dma_wait3A_1096] : memref<80x128xi32, #tpu.memory_space<vmem>> -> memref<1x128xi32, #tpu.memory_space<vmem>>
    %dma_wait3A_1098 = tpu.memref_squeeze %dma_wait3A_1097 : memref<1x128xi32, #tpu.memory_space<vmem>> -> memref<128xi32, #tpu.memory_space<vmem>>
    %dma_wait3A_1099 = arith.constant 0 : i32
    %dma_wait3A_1100 = tpu.memref_slice %arg9[%dma_wait3A_1099] : memref<10240xf32, #tpu.memory_space<vmem_shared>> -> memref<10240xf32, #tpu.memory_space<vmem_shared>>
    tpu.wait_indirect_dma semaphore(%arg10 : memref<!tpu.dma_semaphore, #tpu.memory_space<semaphore_mem>>) src(%arg7 : memref<128xf32, #tpu.memory_space<vmem>>) dst(%dma_wait3A_1100 : memref<10240xf32, #tpu.memory_space<vmem_shared>>)
    %dma_wait3A_1101 = arith.constant 61 : i32
    %dma_wait3A_1102 = arith.constant 0 : i32
    %dma_wait3A_1103 = tpu.memref_slice %arg5[%dma_wait3A_1101, %dma_wait3A_1102] : memref<80x128xi32, #tpu.memory_space<vmem>> -> memref<1x128xi32, #tpu.memory_space<vmem>>
    %dma_wait3A_1104 = tpu.memref_squeeze %dma_wait3A_1103 : memref<1x128xi32, #tpu.memory_space<vmem>> -> memref<128xi32, #tpu.memory_space<vmem>>
    %dma_wait3A_1105 = arith.constant 0 : i32
    %dma_wait3A_1106 = tpu.memref_slice %arg9[%dma_wait3A_1105] : memref<10240xf32, #tpu.memory_space<vmem_shared>> -> memref<10240xf32, #tpu.memory_space<vmem_shared>>
    tpu.wait_indirect_dma semaphore(%arg10 : memref<!tpu.dma_semaphore, #tpu.memory_space<semaphore_mem>>) src(%arg7 : memref<128xf32, #tpu.memory_space<vmem>>) dst(%dma_wait3A_1106 : memref<10240xf32, #tpu.memory_space<vmem_shared>>)
    %dma_wait3A_1107 = arith.constant 62 : i32
    %dma_wait3A_1108 = arith.constant 0 : i32
    %dma_wait3A_1109 = tpu.memref_slice %arg5[%dma_wait3A_1107, %dma_wait3A_1108] : memref<80x128xi32, #tpu.memory_space<vmem>> -> memref<1x128xi32, #tpu.memory_space<vmem>>
    %dma_wait3A_1110 = tpu.memref_squeeze %dma_wait3A_1109 : memref<1x128xi32, #tpu.memory_space<vmem>> -> memref<128xi32, #tpu.memory_space<vmem>>
    %dma_wait3A_1111 = arith.constant 0 : i32
    %dma_wait3A_1112 = tpu.memref_slice %arg9[%dma_wait3A_1111] : memref<10240xf32, #tpu.memory_space<vmem_shared>> -> memref<10240xf32, #tpu.memory_space<vmem_shared>>
    tpu.wait_indirect_dma semaphore(%arg10 : memref<!tpu.dma_semaphore, #tpu.memory_space<semaphore_mem>>) src(%arg7 : memref<128xf32, #tpu.memory_space<vmem>>) dst(%dma_wait3A_1112 : memref<10240xf32, #tpu.memory_space<vmem_shared>>)
    %dma_wait3A_1113 = arith.constant 63 : i32
    %dma_wait3A_1114 = arith.constant 0 : i32
    %dma_wait3A_1115 = tpu.memref_slice %arg5[%dma_wait3A_1113, %dma_wait3A_1114] : memref<80x128xi32, #tpu.memory_space<vmem>> -> memref<1x128xi32, #tpu.memory_space<vmem>>
    %dma_wait3A_1116 = tpu.memref_squeeze %dma_wait3A_1115 : memref<1x128xi32, #tpu.memory_space<vmem>> -> memref<128xi32, #tpu.memory_space<vmem>>
    %dma_wait3A_1117 = arith.constant 0 : i32
    %dma_wait3A_1118 = tpu.memref_slice %arg9[%dma_wait3A_1117] : memref<10240xf32, #tpu.memory_space<vmem_shared>> -> memref<10240xf32, #tpu.memory_space<vmem_shared>>
    tpu.wait_indirect_dma semaphore(%arg10 : memref<!tpu.dma_semaphore, #tpu.memory_space<semaphore_mem>>) src(%arg7 : memref<128xf32, #tpu.memory_space<vmem>>) dst(%dma_wait3A_1118 : memref<10240xf32, #tpu.memory_space<vmem_shared>>)
    %dma_wait3A_1119 = arith.constant 64 : i32
    %dma_wait3A_1120 = arith.constant 0 : i32
    %dma_wait3A_1121 = tpu.memref_slice %arg5[%dma_wait3A_1119, %dma_wait3A_1120] : memref<80x128xi32, #tpu.memory_space<vmem>> -> memref<1x128xi32, #tpu.memory_space<vmem>>
    %dma_wait3A_1122 = tpu.memref_squeeze %dma_wait3A_1121 : memref<1x128xi32, #tpu.memory_space<vmem>> -> memref<128xi32, #tpu.memory_space<vmem>>
    %dma_wait3A_1123 = arith.constant 0 : i32
    %dma_wait3A_1124 = tpu.memref_slice %arg9[%dma_wait3A_1123] : memref<10240xf32, #tpu.memory_space<vmem_shared>> -> memref<10240xf32, #tpu.memory_space<vmem_shared>>
    tpu.wait_indirect_dma semaphore(%arg10 : memref<!tpu.dma_semaphore, #tpu.memory_space<semaphore_mem>>) src(%arg7 : memref<128xf32, #tpu.memory_space<vmem>>) dst(%dma_wait3A_1124 : memref<10240xf32, #tpu.memory_space<vmem_shared>>)
    %dma_wait3A_1125 = arith.constant 65 : i32
    %dma_wait3A_1126 = arith.constant 0 : i32
    %dma_wait3A_1127 = tpu.memref_slice %arg5[%dma_wait3A_1125, %dma_wait3A_1126] : memref<80x128xi32, #tpu.memory_space<vmem>> -> memref<1x128xi32, #tpu.memory_space<vmem>>
    %dma_wait3A_1128 = tpu.memref_squeeze %dma_wait3A_1127 : memref<1x128xi32, #tpu.memory_space<vmem>> -> memref<128xi32, #tpu.memory_space<vmem>>
    %dma_wait3A_1129 = arith.constant 0 : i32
    %dma_wait3A_1130 = tpu.memref_slice %arg9[%dma_wait3A_1129] : memref<10240xf32, #tpu.memory_space<vmem_shared>> -> memref<10240xf32, #tpu.memory_space<vmem_shared>>
    tpu.wait_indirect_dma semaphore(%arg10 : memref<!tpu.dma_semaphore, #tpu.memory_space<semaphore_mem>>) src(%arg7 : memref<128xf32, #tpu.memory_space<vmem>>) dst(%dma_wait3A_1130 : memref<10240xf32, #tpu.memory_space<vmem_shared>>)
    %dma_wait3A_1131 = arith.constant 66 : i32
    %dma_wait3A_1132 = arith.constant 0 : i32
    %dma_wait3A_1133 = tpu.memref_slice %arg5[%dma_wait3A_1131, %dma_wait3A_1132] : memref<80x128xi32, #tpu.memory_space<vmem>> -> memref<1x128xi32, #tpu.memory_space<vmem>>
    %dma_wait3A_1134 = tpu.memref_squeeze %dma_wait3A_1133 : memref<1x128xi32, #tpu.memory_space<vmem>> -> memref<128xi32, #tpu.memory_space<vmem>>
    %dma_wait3A_1135 = arith.constant 0 : i32
    %dma_wait3A_1136 = tpu.memref_slice %arg9[%dma_wait3A_1135] : memref<10240xf32, #tpu.memory_space<vmem_shared>> -> memref<10240xf32, #tpu.memory_space<vmem_shared>>
    tpu.wait_indirect_dma semaphore(%arg10 : memref<!tpu.dma_semaphore, #tpu.memory_space<semaphore_mem>>) src(%arg7 : memref<128xf32, #tpu.memory_space<vmem>>) dst(%dma_wait3A_1136 : memref<10240xf32, #tpu.memory_space<vmem_shared>>)
    %dma_wait3A_1137 = arith.constant 67 : i32
    %dma_wait3A_1138 = arith.constant 0 : i32
    %dma_wait3A_1139 = tpu.memref_slice %arg5[%dma_wait3A_1137, %dma_wait3A_1138] : memref<80x128xi32, #tpu.memory_space<vmem>> -> memref<1x128xi32, #tpu.memory_space<vmem>>
    %dma_wait3A_1140 = tpu.memref_squeeze %dma_wait3A_1139 : memref<1x128xi32, #tpu.memory_space<vmem>> -> memref<128xi32, #tpu.memory_space<vmem>>
    %dma_wait3A_1141 = arith.constant 0 : i32
    %dma_wait3A_1142 = tpu.memref_slice %arg9[%dma_wait3A_1141] : memref<10240xf32, #tpu.memory_space<vmem_shared>> -> memref<10240xf32, #tpu.memory_space<vmem_shared>>
    tpu.wait_indirect_dma semaphore(%arg10 : memref<!tpu.dma_semaphore, #tpu.memory_space<semaphore_mem>>) src(%arg7 : memref<128xf32, #tpu.memory_space<vmem>>) dst(%dma_wait3A_1142 : memref<10240xf32, #tpu.memory_space<vmem_shared>>)
    %dma_wait3A_1143 = arith.constant 68 : i32
    %dma_wait3A_1144 = arith.constant 0 : i32
    %dma_wait3A_1145 = tpu.memref_slice %arg5[%dma_wait3A_1143, %dma_wait3A_1144] : memref<80x128xi32, #tpu.memory_space<vmem>> -> memref<1x128xi32, #tpu.memory_space<vmem>>
    %dma_wait3A_1146 = tpu.memref_squeeze %dma_wait3A_1145 : memref<1x128xi32, #tpu.memory_space<vmem>> -> memref<128xi32, #tpu.memory_space<vmem>>
    %dma_wait3A_1147 = arith.constant 0 : i32
    %dma_wait3A_1148 = tpu.memref_slice %arg9[%dma_wait3A_1147] : memref<10240xf32, #tpu.memory_space<vmem_shared>> -> memref<10240xf32, #tpu.memory_space<vmem_shared>>
    tpu.wait_indirect_dma semaphore(%arg10 : memref<!tpu.dma_semaphore, #tpu.memory_space<semaphore_mem>>) src(%arg7 : memref<128xf32, #tpu.memory_space<vmem>>) dst(%dma_wait3A_1148 : memref<10240xf32, #tpu.memory_space<vmem_shared>>)
    %dma_wait3A_1149 = arith.constant 69 : i32
    %dma_wait3A_1150 = arith.constant 0 : i32
    %dma_wait3A_1151 = tpu.memref_slice %arg5[%dma_wait3A_1149, %dma_wait3A_1150] : memref<80x128xi32, #tpu.memory_space<vmem>> -> memref<1x128xi32, #tpu.memory_space<vmem>>
    %dma_wait3A_1152 = tpu.memref_squeeze %dma_wait3A_1151 : memref<1x128xi32, #tpu.memory_space<vmem>> -> memref<128xi32, #tpu.memory_space<vmem>>
    %dma_wait3A_1153 = arith.constant 0 : i32
    %dma_wait3A_1154 = tpu.memref_slice %arg9[%dma_wait3A_1153] : memref<10240xf32, #tpu.memory_space<vmem_shared>> -> memref<10240xf32, #tpu.memory_space<vmem_shared>>
    tpu.wait_indirect_dma semaphore(%arg10 : memref<!tpu.dma_semaphore, #tpu.memory_space<semaphore_mem>>) src(%arg7 : memref<128xf32, #tpu.memory_space<vmem>>) dst(%dma_wait3A_1154 : memref<10240xf32, #tpu.memory_space<vmem_shared>>)
    %dma_wait3A_1155 = arith.constant 70 : i32
    %dma_wait3A_1156 = arith.constant 0 : i32
    %dma_wait3A_1157 = tpu.memref_slice %arg5[%dma_wait3A_1155, %dma_wait3A_1156] : memref<80x128xi32, #tpu.memory_space<vmem>> -> memref<1x128xi32, #tpu.memory_space<vmem>>
    %dma_wait3A_1158 = tpu.memref_squeeze %dma_wait3A_1157 : memref<1x128xi32, #tpu.memory_space<vmem>> -> memref<128xi32, #tpu.memory_space<vmem>>
    %dma_wait3A_1159 = arith.constant 0 : i32
    %dma_wait3A_1160 = tpu.memref_slice %arg9[%dma_wait3A_1159] : memref<10240xf32, #tpu.memory_space<vmem_shared>> -> memref<10240xf32, #tpu.memory_space<vmem_shared>>
    tpu.wait_indirect_dma semaphore(%arg10 : memref<!tpu.dma_semaphore, #tpu.memory_space<semaphore_mem>>) src(%arg7 : memref<128xf32, #tpu.memory_space<vmem>>) dst(%dma_wait3A_1160 : memref<10240xf32, #tpu.memory_space<vmem_shared>>)
    %dma_wait3A_1161 = arith.constant 71 : i32
    %dma_wait3A_1162 = arith.constant 0 : i32
    %dma_wait3A_1163 = tpu.memref_slice %arg5[%dma_wait3A_1161, %dma_wait3A_1162] : memref<80x128xi32, #tpu.memory_space<vmem>> -> memref<1x128xi32, #tpu.memory_space<vmem>>
    %dma_wait3A_1164 = tpu.memref_squeeze %dma_wait3A_1163 : memref<1x128xi32, #tpu.memory_space<vmem>> -> memref<128xi32, #tpu.memory_space<vmem>>
    %dma_wait3A_1165 = arith.constant 0 : i32
    %dma_wait3A_1166 = tpu.memref_slice %arg9[%dma_wait3A_1165] : memref<10240xf32, #tpu.memory_space<vmem_shared>> -> memref<10240xf32, #tpu.memory_space<vmem_shared>>
    tpu.wait_indirect_dma semaphore(%arg10 : memref<!tpu.dma_semaphore, #tpu.memory_space<semaphore_mem>>) src(%arg7 : memref<128xf32, #tpu.memory_space<vmem>>) dst(%dma_wait3A_1166 : memref<10240xf32, #tpu.memory_space<vmem_shared>>)
    %lt3A_1167 = arith.constant 24 : i32
    %lt3A_1168 = arith.cmpi slt, %add3A, %lt3A_1167 : i32
    %convert_element_type3A_1169 = arith.extui %lt3A_1168 : i1 to i32
    %cond3A_1170 = arith.constant 0 : i32
    %cond3A_1171 = arith.cmpi ne, %convert_element_type3A_1169, %cond3A_1170 : i32
    scf.if %cond3A_1171 {
      %dma_start3A_1180 = arith.constant 72 : i32
      %dma_start3A_1181 = arith.constant 0 : i32
      %dma_start3A_1182 = tpu.memref_slice %arg5[%dma_start3A_1180, %dma_start3A_1181] : memref<80x128xi32, #tpu.memory_space<vmem>> -> memref<1x128xi32, #tpu.memory_space<vmem>>
      %dma_start3A_1183 = tpu.memref_squeeze %dma_start3A_1182 : memref<1x128xi32, #tpu.memory_space<vmem>> -> memref<128xi32, #tpu.memory_space<vmem>>
      %dma_start3A_1184 = arith.constant 0 : i32
      %dma_start3A_1185 = tpu.memref_slice %arg9[%dma_start3A_1184] : memref<10240xf32, #tpu.memory_space<vmem_shared>> -> memref<10240xf32, #tpu.memory_space<vmem_shared>>
      tpu.enqueue_indirect_dma source(%arg7 : memref<128xf32, #tpu.memory_space<vmem>>) target(%dma_start3A_1185 : memref<10240xf32, #tpu.memory_space<vmem_shared>>) offsets(%dma_start3A_1183 : memref<128xi32, #tpu.memory_space<vmem>>) semaphore(%arg10 : memref<!tpu.dma_semaphore, #tpu.memory_space<semaphore_mem>>) {add = true}
      %dma_start3A_1186 = arith.constant 73 : i32
      %dma_start3A_1187 = arith.constant 0 : i32
      %dma_start3A_1188 = tpu.memref_slice %arg5[%dma_start3A_1186, %dma_start3A_1187] : memref<80x128xi32, #tpu.memory_space<vmem>> -> memref<1x128xi32, #tpu.memory_space<vmem>>
      %dma_start3A_1189 = tpu.memref_squeeze %dma_start3A_1188 : memref<1x128xi32, #tpu.memory_space<vmem>> -> memref<128xi32, #tpu.memory_space<vmem>>
      %dma_start3A_1190 = arith.constant 0 : i32
      %dma_start3A_1191 = tpu.memref_slice %arg9[%dma_start3A_1190] : memref<10240xf32, #tpu.memory_space<vmem_shared>> -> memref<10240xf32, #tpu.memory_space<vmem_shared>>
      tpu.enqueue_indirect_dma source(%arg7 : memref<128xf32, #tpu.memory_space<vmem>>) target(%dma_start3A_1191 : memref<10240xf32, #tpu.memory_space<vmem_shared>>) offsets(%dma_start3A_1189 : memref<128xi32, #tpu.memory_space<vmem>>) semaphore(%arg10 : memref<!tpu.dma_semaphore, #tpu.memory_space<semaphore_mem>>) {add = true}
      %dma_start3A_1192 = arith.constant 74 : i32
      %dma_start3A_1193 = arith.constant 0 : i32
      %dma_start3A_1194 = tpu.memref_slice %arg5[%dma_start3A_1192, %dma_start3A_1193] : memref<80x128xi32, #tpu.memory_space<vmem>> -> memref<1x128xi32, #tpu.memory_space<vmem>>
      %dma_start3A_1195 = tpu.memref_squeeze %dma_start3A_1194 : memref<1x128xi32, #tpu.memory_space<vmem>> -> memref<128xi32, #tpu.memory_space<vmem>>
      %dma_start3A_1196 = arith.constant 0 : i32
      %dma_start3A_1197 = tpu.memref_slice %arg9[%dma_start3A_1196] : memref<10240xf32, #tpu.memory_space<vmem_shared>> -> memref<10240xf32, #tpu.memory_space<vmem_shared>>
      tpu.enqueue_indirect_dma source(%arg7 : memref<128xf32, #tpu.memory_space<vmem>>) target(%dma_start3A_1197 : memref<10240xf32, #tpu.memory_space<vmem_shared>>) offsets(%dma_start3A_1195 : memref<128xi32, #tpu.memory_space<vmem>>) semaphore(%arg10 : memref<!tpu.dma_semaphore, #tpu.memory_space<semaphore_mem>>) {add = true}
      %dma_start3A_1198 = arith.constant 75 : i32
      %dma_start3A_1199 = arith.constant 0 : i32
      %dma_start3A_1200 = tpu.memref_slice %arg5[%dma_start3A_1198, %dma_start3A_1199] : memref<80x128xi32, #tpu.memory_space<vmem>> -> memref<1x128xi32, #tpu.memory_space<vmem>>
      %dma_start3A_1201 = tpu.memref_squeeze %dma_start3A_1200 : memref<1x128xi32, #tpu.memory_space<vmem>> -> memref<128xi32, #tpu.memory_space<vmem>>
      %dma_start3A_1202 = arith.constant 0 : i32
      %dma_start3A_1203 = tpu.memref_slice %arg9[%dma_start3A_1202] : memref<10240xf32, #tpu.memory_space<vmem_shared>> -> memref<10240xf32, #tpu.memory_space<vmem_shared>>
      tpu.enqueue_indirect_dma source(%arg7 : memref<128xf32, #tpu.memory_space<vmem>>) target(%dma_start3A_1203 : memref<10240xf32, #tpu.memory_space<vmem_shared>>) offsets(%dma_start3A_1201 : memref<128xi32, #tpu.memory_space<vmem>>) semaphore(%arg10 : memref<!tpu.dma_semaphore, #tpu.memory_space<semaphore_mem>>) {add = true}
      %dma_start3A_1204 = arith.constant 76 : i32
      %dma_start3A_1205 = arith.constant 0 : i32
      %dma_start3A_1206 = tpu.memref_slice %arg5[%dma_start3A_1204, %dma_start3A_1205] : memref<80x128xi32, #tpu.memory_space<vmem>> -> memref<1x128xi32, #tpu.memory_space<vmem>>
      %dma_start3A_1207 = tpu.memref_squeeze %dma_start3A_1206 : memref<1x128xi32, #tpu.memory_space<vmem>> -> memref<128xi32, #tpu.memory_space<vmem>>
      %dma_start3A_1208 = arith.constant 0 : i32
      %dma_start3A_1209 = tpu.memref_slice %arg9[%dma_start3A_1208] : memref<10240xf32, #tpu.memory_space<vmem_shared>> -> memref<10240xf32, #tpu.memory_space<vmem_shared>>
      tpu.enqueue_indirect_dma source(%arg7 : memref<128xf32, #tpu.memory_space<vmem>>) target(%dma_start3A_1209 : memref<10240xf32, #tpu.memory_space<vmem_shared>>) offsets(%dma_start3A_1207 : memref<128xi32, #tpu.memory_space<vmem>>) semaphore(%arg10 : memref<!tpu.dma_semaphore, #tpu.memory_space<semaphore_mem>>) {add = true}
      %dma_start3A_1210 = arith.constant 77 : i32
      %dma_start3A_1211 = arith.constant 0 : i32
      %dma_start3A_1212 = tpu.memref_slice %arg5[%dma_start3A_1210, %dma_start3A_1211] : memref<80x128xi32, #tpu.memory_space<vmem>> -> memref<1x128xi32, #tpu.memory_space<vmem>>
      %dma_start3A_1213 = tpu.memref_squeeze %dma_start3A_1212 : memref<1x128xi32, #tpu.memory_space<vmem>> -> memref<128xi32, #tpu.memory_space<vmem>>
      %dma_start3A_1214 = arith.constant 0 : i32
      %dma_start3A_1215 = tpu.memref_slice %arg9[%dma_start3A_1214] : memref<10240xf32, #tpu.memory_space<vmem_shared>> -> memref<10240xf32, #tpu.memory_space<vmem_shared>>
      tpu.enqueue_indirect_dma source(%arg7 : memref<128xf32, #tpu.memory_space<vmem>>) target(%dma_start3A_1215 : memref<10240xf32, #tpu.memory_space<vmem_shared>>) offsets(%dma_start3A_1213 : memref<128xi32, #tpu.memory_space<vmem>>) semaphore(%arg10 : memref<!tpu.dma_semaphore, #tpu.memory_space<semaphore_mem>>) {add = true}
      %dma_start3A_1216 = arith.constant 78 : i32
      %dma_start3A_1217 = arith.constant 0 : i32
      %dma_start3A_1218 = tpu.memref_slice %arg5[%dma_start3A_1216, %dma_start3A_1217] : memref<80x128xi32, #tpu.memory_space<vmem>> -> memref<1x128xi32, #tpu.memory_space<vmem>>
      %dma_start3A_1219 = tpu.memref_squeeze %dma_start3A_1218 : memref<1x128xi32, #tpu.memory_space<vmem>> -> memref<128xi32, #tpu.memory_space<vmem>>
      %dma_start3A_1220 = arith.constant 0 : i32
      %dma_start3A_1221 = tpu.memref_slice %arg9[%dma_start3A_1220] : memref<10240xf32, #tpu.memory_space<vmem_shared>> -> memref<10240xf32, #tpu.memory_space<vmem_shared>>
      tpu.enqueue_indirect_dma source(%arg7 : memref<128xf32, #tpu.memory_space<vmem>>) target(%dma_start3A_1221 : memref<10240xf32, #tpu.memory_space<vmem_shared>>) offsets(%dma_start3A_1219 : memref<128xi32, #tpu.memory_space<vmem>>) semaphore(%arg10 : memref<!tpu.dma_semaphore, #tpu.memory_space<semaphore_mem>>) {add = true}
      %dma_start3A_1222 = arith.constant 79 : i32
      %dma_start3A_1223 = arith.constant 0 : i32
      %dma_start3A_1224 = tpu.memref_slice %arg5[%dma_start3A_1222, %dma_start3A_1223] : memref<80x128xi32, #tpu.memory_space<vmem>> -> memref<1x128xi32, #tpu.memory_space<vmem>>
      %dma_start3A_1225 = tpu.memref_squeeze %dma_start3A_1224 : memref<1x128xi32, #tpu.memory_space<vmem>> -> memref<128xi32, #tpu.memory_space<vmem>>
      %dma_start3A_1226 = arith.constant 0 : i32
      %dma_start3A_1227 = tpu.memref_slice %arg9[%dma_start3A_1226] : memref<10240xf32, #tpu.memory_space<vmem_shared>> -> memref<10240xf32, #tpu.memory_space<vmem_shared>>
      tpu.enqueue_indirect_dma source(%arg7 : memref<128xf32, #tpu.memory_space<vmem>>) target(%dma_start3A_1227 : memref<10240xf32, #tpu.memory_space<vmem_shared>>) offsets(%dma_start3A_1225 : memref<128xi32, #tpu.memory_space<vmem>>) semaphore(%arg10 : memref<!tpu.dma_semaphore, #tpu.memory_space<semaphore_mem>>) {add = true}
      %dma_wait3A_1228 = arith.constant 72 : i32
      %dma_wait3A_1229 = arith.constant 0 : i32
      %dma_wait3A_1230 = tpu.memref_slice %arg5[%dma_wait3A_1228, %dma_wait3A_1229] : memref<80x128xi32, #tpu.memory_space<vmem>> -> memref<1x128xi32, #tpu.memory_space<vmem>>
      %dma_wait3A_1231 = tpu.memref_squeeze %dma_wait3A_1230 : memref<1x128xi32, #tpu.memory_space<vmem>> -> memref<128xi32, #tpu.memory_space<vmem>>
      %dma_wait3A_1232 = arith.constant 0 : i32
      %dma_wait3A_1233 = tpu.memref_slice %arg9[%dma_wait3A_1232] : memref<10240xf32, #tpu.memory_space<vmem_shared>> -> memref<10240xf32, #tpu.memory_space<vmem_shared>>
      tpu.wait_indirect_dma semaphore(%arg10 : memref<!tpu.dma_semaphore, #tpu.memory_space<semaphore_mem>>) src(%arg7 : memref<128xf32, #tpu.memory_space<vmem>>) dst(%dma_wait3A_1233 : memref<10240xf32, #tpu.memory_space<vmem_shared>>)
      %dma_wait3A_1234 = arith.constant 73 : i32
      %dma_wait3A_1235 = arith.constant 0 : i32
      %dma_wait3A_1236 = tpu.memref_slice %arg5[%dma_wait3A_1234, %dma_wait3A_1235] : memref<80x128xi32, #tpu.memory_space<vmem>> -> memref<1x128xi32, #tpu.memory_space<vmem>>
      %dma_wait3A_1237 = tpu.memref_squeeze %dma_wait3A_1236 : memref<1x128xi32, #tpu.memory_space<vmem>> -> memref<128xi32, #tpu.memory_space<vmem>>
      %dma_wait3A_1238 = arith.constant 0 : i32
      %dma_wait3A_1239 = tpu.memref_slice %arg9[%dma_wait3A_1238] : memref<10240xf32, #tpu.memory_space<vmem_shared>> -> memref<10240xf32, #tpu.memory_space<vmem_shared>>
      tpu.wait_indirect_dma semaphore(%arg10 : memref<!tpu.dma_semaphore, #tpu.memory_space<semaphore_mem>>) src(%arg7 : memref<128xf32, #tpu.memory_space<vmem>>) dst(%dma_wait3A_1239 : memref<10240xf32, #tpu.memory_space<vmem_shared>>)
      %dma_wait3A_1240 = arith.constant 74 : i32
      %dma_wait3A_1241 = arith.constant 0 : i32
      %dma_wait3A_1242 = tpu.memref_slice %arg5[%dma_wait3A_1240, %dma_wait3A_1241] : memref<80x128xi32, #tpu.memory_space<vmem>> -> memref<1x128xi32, #tpu.memory_space<vmem>>
      %dma_wait3A_1243 = tpu.memref_squeeze %dma_wait3A_1242 : memref<1x128xi32, #tpu.memory_space<vmem>> -> memref<128xi32, #tpu.memory_space<vmem>>
      %dma_wait3A_1244 = arith.constant 0 : i32
      %dma_wait3A_1245 = tpu.memref_slice %arg9[%dma_wait3A_1244] : memref<10240xf32, #tpu.memory_space<vmem_shared>> -> memref<10240xf32, #tpu.memory_space<vmem_shared>>
      tpu.wait_indirect_dma semaphore(%arg10 : memref<!tpu.dma_semaphore, #tpu.memory_space<semaphore_mem>>) src(%arg7 : memref<128xf32, #tpu.memory_space<vmem>>) dst(%dma_wait3A_1245 : memref<10240xf32, #tpu.memory_space<vmem_shared>>)
      %dma_wait3A_1246 = arith.constant 75 : i32
      %dma_wait3A_1247 = arith.constant 0 : i32
      %dma_wait3A_1248 = tpu.memref_slice %arg5[%dma_wait3A_1246, %dma_wait3A_1247] : memref<80x128xi32, #tpu.memory_space<vmem>> -> memref<1x128xi32, #tpu.memory_space<vmem>>
      %dma_wait3A_1249 = tpu.memref_squeeze %dma_wait3A_1248 : memref<1x128xi32, #tpu.memory_space<vmem>> -> memref<128xi32, #tpu.memory_space<vmem>>
      %dma_wait3A_1250 = arith.constant 0 : i32
      %dma_wait3A_1251 = tpu.memref_slice %arg9[%dma_wait3A_1250] : memref<10240xf32, #tpu.memory_space<vmem_shared>> -> memref<10240xf32, #tpu.memory_space<vmem_shared>>
      tpu.wait_indirect_dma semaphore(%arg10 : memref<!tpu.dma_semaphore, #tpu.memory_space<semaphore_mem>>) src(%arg7 : memref<128xf32, #tpu.memory_space<vmem>>) dst(%dma_wait3A_1251 : memref<10240xf32, #tpu.memory_space<vmem_shared>>)
      %dma_wait3A_1252 = arith.constant 76 : i32
      %dma_wait3A_1253 = arith.constant 0 : i32
      %dma_wait3A_1254 = tpu.memref_slice %arg5[%dma_wait3A_1252, %dma_wait3A_1253] : memref<80x128xi32, #tpu.memory_space<vmem>> -> memref<1x128xi32, #tpu.memory_space<vmem>>
      %dma_wait3A_1255 = tpu.memref_squeeze %dma_wait3A_1254 : memref<1x128xi32, #tpu.memory_space<vmem>> -> memref<128xi32, #tpu.memory_space<vmem>>
      %dma_wait3A_1256 = arith.constant 0 : i32
      %dma_wait3A_1257 = tpu.memref_slice %arg9[%dma_wait3A_1256] : memref<10240xf32, #tpu.memory_space<vmem_shared>> -> memref<10240xf32, #tpu.memory_space<vmem_shared>>
      tpu.wait_indirect_dma semaphore(%arg10 : memref<!tpu.dma_semaphore, #tpu.memory_space<semaphore_mem>>) src(%arg7 : memref<128xf32, #tpu.memory_space<vmem>>) dst(%dma_wait3A_1257 : memref<10240xf32, #tpu.memory_space<vmem_shared>>)
      %dma_wait3A_1258 = arith.constant 77 : i32
      %dma_wait3A_1259 = arith.constant 0 : i32
      %dma_wait3A_1260 = tpu.memref_slice %arg5[%dma_wait3A_1258, %dma_wait3A_1259] : memref<80x128xi32, #tpu.memory_space<vmem>> -> memref<1x128xi32, #tpu.memory_space<vmem>>
      %dma_wait3A_1261 = tpu.memref_squeeze %dma_wait3A_1260 : memref<1x128xi32, #tpu.memory_space<vmem>> -> memref<128xi32, #tpu.memory_space<vmem>>
      %dma_wait3A_1262 = arith.constant 0 : i32
      %dma_wait3A_1263 = tpu.memref_slice %arg9[%dma_wait3A_1262] : memref<10240xf32, #tpu.memory_space<vmem_shared>> -> memref<10240xf32, #tpu.memory_space<vmem_shared>>
      tpu.wait_indirect_dma semaphore(%arg10 : memref<!tpu.dma_semaphore, #tpu.memory_space<semaphore_mem>>) src(%arg7 : memref<128xf32, #tpu.memory_space<vmem>>) dst(%dma_wait3A_1263 : memref<10240xf32, #tpu.memory_space<vmem_shared>>)
      %dma_wait3A_1264 = arith.constant 78 : i32
      %dma_wait3A_1265 = arith.constant 0 : i32
      %dma_wait3A_1266 = tpu.memref_slice %arg5[%dma_wait3A_1264, %dma_wait3A_1265] : memref<80x128xi32, #tpu.memory_space<vmem>> -> memref<1x128xi32, #tpu.memory_space<vmem>>
      %dma_wait3A_1267 = tpu.memref_squeeze %dma_wait3A_1266 : memref<1x128xi32, #tpu.memory_space<vmem>> -> memref<128xi32, #tpu.memory_space<vmem>>
      %dma_wait3A_1268 = arith.constant 0 : i32
      %dma_wait3A_1269 = tpu.memref_slice %arg9[%dma_wait3A_1268] : memref<10240xf32, #tpu.memory_space<vmem_shared>> -> memref<10240xf32, #tpu.memory_space<vmem_shared>>
      tpu.wait_indirect_dma semaphore(%arg10 : memref<!tpu.dma_semaphore, #tpu.memory_space<semaphore_mem>>) src(%arg7 : memref<128xf32, #tpu.memory_space<vmem>>) dst(%dma_wait3A_1269 : memref<10240xf32, #tpu.memory_space<vmem_shared>>)
      %dma_wait3A_1270 = arith.constant 79 : i32
      %dma_wait3A_1271 = arith.constant 0 : i32
      %dma_wait3A_1272 = tpu.memref_slice %arg5[%dma_wait3A_1270, %dma_wait3A_1271] : memref<80x128xi32, #tpu.memory_space<vmem>> -> memref<1x128xi32, #tpu.memory_space<vmem>>
      %dma_wait3A_1273 = tpu.memref_squeeze %dma_wait3A_1272 : memref<1x128xi32, #tpu.memory_space<vmem>> -> memref<128xi32, #tpu.memory_space<vmem>>
      %dma_wait3A_1274 = arith.constant 0 : i32
      %dma_wait3A_1275 = tpu.memref_slice %arg9[%dma_wait3A_1274] : memref<10240xf32, #tpu.memory_space<vmem_shared>> -> memref<10240xf32, #tpu.memory_space<vmem_shared>>
      tpu.wait_indirect_dma semaphore(%arg10 : memref<!tpu.dma_semaphore, #tpu.memory_space<semaphore_mem>>) src(%arg7 : memref<128xf32, #tpu.memory_space<vmem>>) dst(%dma_wait3A_1275 : memref<10240xf32, #tpu.memory_space<vmem_shared>>)
    } else {
    }
    %lt3A_1172 = arith.constant 8 : i32
    %lt3A_1173 = arith.cmpi slt, %add3A, %lt3A_1172 : i32
    %convert_element_type3A_1174 = arith.extui %lt3A_1173 : i1 to i32
    %cond3A_1175 = arith.constant 0 : i32
    %cond3A_1176 = arith.cmpi ne, %convert_element_type3A_1174, %cond3A_1175 : i32
    scf.if %cond3A_1176 {
      %dma_start3A_1180 = arith.constant 0 : i32
      %dma_start3A_1181 = tpu.memref_slice %arg6[%add3A, %dma_start3A_1180] : memref<8x128xi32, #tpu.memory_space<vmem>> -> memref<1x128xi32, #tpu.memory_space<vmem>>
      %dma_start3A_1182 = tpu.memref_squeeze %dma_start3A_1181 : memref<1x128xi32, #tpu.memory_space<vmem>> -> memref<128xi32, #tpu.memory_space<vmem>>
      %dma_start3A_1183 = arith.constant 0 : i32
      %dma_start3A_1184 = tpu.memref_slice %arg9[%dma_start3A_1183] : memref<10240xf32, #tpu.memory_space<vmem_shared>> -> memref<10240xf32, #tpu.memory_space<vmem_shared>>
      tpu.enqueue_indirect_dma source(%arg7 : memref<128xf32, #tpu.memory_space<vmem>>) target(%dma_start3A_1184 : memref<10240xf32, #tpu.memory_space<vmem_shared>>) offsets(%dma_start3A_1182 : memref<128xi32, #tpu.memory_space<vmem>>) semaphore(%arg10 : memref<!tpu.dma_semaphore, #tpu.memory_space<semaphore_mem>>) {add = true}
      %dma_wait3A_1185 = arith.constant 0 : i32
      %dma_wait3A_1186 = tpu.memref_slice %arg6[%add3A, %dma_wait3A_1185] : memref<8x128xi32, #tpu.memory_space<vmem>> -> memref<1x128xi32, #tpu.memory_space<vmem>>
      %dma_wait3A_1187 = tpu.memref_squeeze %dma_wait3A_1186 : memref<1x128xi32, #tpu.memory_space<vmem>> -> memref<128xi32, #tpu.memory_space<vmem>>
      %dma_wait3A_1188 = arith.constant 0 : i32
      %dma_wait3A_1189 = tpu.memref_slice %arg9[%dma_wait3A_1188] : memref<10240xf32, #tpu.memory_space<vmem_shared>> -> memref<10240xf32, #tpu.memory_space<vmem_shared>>
      tpu.wait_indirect_dma semaphore(%arg10 : memref<!tpu.dma_semaphore, #tpu.memory_space<semaphore_mem>>) src(%arg7 : memref<128xf32, #tpu.memory_space<vmem>>) dst(%dma_wait3A_1189 : memref<10240xf32, #tpu.memory_space<vmem_shared>>)
    } else {
    }
    %barrier3A_1177 = arith.constant 0 : index
    tpu.barrier barrier_id(%barrier3A_1177)
    %mul3A_1178 = arith.constant 640 : i32
    %mul3A_1179 = arith.muli %arg1, %mul3A_1178 : i32
    "tpu.region"() ({
      %run_scoped3A_1180 = tpu.sem_alloc : memref<!tpu.dma_semaphore, #tpu.memory_space<semaphore_mem>>
      %dma_start3A_1181 = tpu.memref_slice %arg9[%mul3A_1179] : memref<10240xf32, #tpu.memory_space<vmem_shared>> -> memref<640xf32, #tpu.memory_space<vmem_shared>>
      %dma_start3A_1182 = tpu.memref_slice %arg9[%mul3A_1179] : memref<10240xf32, #tpu.memory_space<vmem_shared>> -> memref<640xf32, #tpu.memory_space<vmem_shared>>
      tpu.enqueue_dma source(%dma_start3A_1182 : memref<640xf32, #tpu.memory_space<vmem_shared>>) target(%arg8 : memref<640xf32, #tpu.memory_space<vmem>>) target_semaphore(%run_scoped3A_1180 : memref<!tpu.dma_semaphore, #tpu.memory_space<semaphore_mem>>)
      %dma_wait3A_1183 = tpu.memref_slice %arg9[%mul3A_1179] : memref<10240xf32, #tpu.memory_space<vmem_shared>> -> memref<640xf32, #tpu.memory_space<vmem_shared>>
      %dma_wait3A_1184 = tpu.memref_slice %arg9[%mul3A_1179] : memref<10240xf32, #tpu.memory_space<vmem_shared>> -> memref<640xf32, #tpu.memory_space<vmem_shared>>
      tpu.wait_dma2 semaphore(%run_scoped3A_1180 : memref<!tpu.dma_semaphore, #tpu.memory_space<semaphore_mem>>) src(%dma_wait3A_1184 : memref<640xf32, #tpu.memory_space<vmem_shared>>) dst(%arg8 : memref<640xf32, #tpu.memory_space<vmem>>)
      tpu.yield
    }) : () -> ()
    "tpu.region"() ({
      %run_scoped3A_1180 = tpu.sem_alloc : memref<!tpu.dma_semaphore, #tpu.memory_space<semaphore_mem>>
      %dma_start3A_1181 = tpu.memref_slice %arg4[%arg0, %mul3A_1179] : memref<2x10240xf32, #tpu.memory_space<hbm>> -> memref<1x640xf32, #tpu.memory_space<hbm>>
      %dma_start3A_1182 = tpu.memref_squeeze %dma_start3A_1181 : memref<1x640xf32, #tpu.memory_space<hbm>> -> memref<640xf32, #tpu.memory_space<hbm>>
      %dma_start3A_1183 = tpu.memref_slice %arg4[%arg0, %mul3A_1179] : memref<2x10240xf32, #tpu.memory_space<hbm>> -> memref<1x640xf32, #tpu.memory_space<hbm>>
      %dma_start3A_1184 = tpu.memref_squeeze %dma_start3A_1183 : memref<1x640xf32, #tpu.memory_space<hbm>> -> memref<640xf32, #tpu.memory_space<hbm>>
      tpu.enqueue_dma source(%arg8 : memref<640xf32, #tpu.memory_space<vmem>>) target(%dma_start3A_1184 : memref<640xf32, #tpu.memory_space<hbm>>) target_semaphore(%run_scoped3A_1180 : memref<!tpu.dma_semaphore, #tpu.memory_space<semaphore_mem>>)
      %dma_wait3A_1185 = tpu.memref_slice %arg4[%arg0, %mul3A_1179] : memref<2x10240xf32, #tpu.memory_space<hbm>> -> memref<1x640xf32, #tpu.memory_space<hbm>>
      %dma_wait3A_1186 = tpu.memref_squeeze %dma_wait3A_1185 : memref<1x640xf32, #tpu.memory_space<hbm>> -> memref<640xf32, #tpu.memory_space<hbm>>
      %dma_wait3A_1187 = tpu.memref_slice %arg4[%arg0, %mul3A_1179] : memref<2x10240xf32, #tpu.memory_space<hbm>> -> memref<1x640xf32, #tpu.memory_space<hbm>>
      %dma_wait3A_1188 = tpu.memref_squeeze %dma_wait3A_1187 : memref<1x640xf32, #tpu.memory_space<hbm>> -> memref<640xf32, #tpu.memory_space<hbm>>
      tpu.wait_dma2 semaphore(%run_scoped3A_1180 : memref<!tpu.dma_semaphore, #tpu.memory_space<semaphore_mem>>) src(%arg8 : memref<640xf32, #tpu.memory_space<vmem>>) dst(%dma_wait3A_1188 : memref<640xf32, #tpu.memory_space<hbm>>)
      tpu.yield
    }) : () -> ()
    return
  }
}

module attributes {stable_mosaic.version = 14 : i64} {
  func.func @_tc_g_body(%arg0: i32, %arg1: memref<1280x128xf32, #tpu.memory_space<vmem>>, %arg2: memref<128x128xf32, #tpu.memory_space<vmem>>, %arg3: memref<2x1280xf32, #tpu.memory_space<vmem>>, %arg4: memref<1280x128xf32, #tpu.memory_space<vmem>>) attributes {dimension_semantics = [#tpu.dimension_semantics<arbitrary>], iteration_bounds = array<i64: 8>, scalar_prefetch = 0 : i64, scratch_operands = 0 : i64, tpu.core_type = #tpu.core_type<tc>, window_params = [{transform_indices = @transform_0, window_bounds = array<i64: 1280, 128>}, {pipeline_mode = #tpu.pipeline_mode<synchronous>, transform_indices = @transform_1, window_bounds = array<i64: 128, 128>}, {transform_indices = @transform_2, window_bounds = array<i64: 2, 1280>}, {transform_indices = @transform_3, window_bounds = array<i64: 1280, 128>}]} {
    %get3A = arith.constant 0 : index
    %get3A_0 = arith.constant 0 : index
    %get3A_1 = vector.load %arg1[%get3A, %get3A_0] : memref<1280x128xf32, #tpu.memory_space<vmem>>, vector<1280x128xf32>
    %get3A_2 = arith.constant 0 : index
    %get3A_3 = arith.constant 0 : index
    %get3A_4 = vector.load %arg2[%get3A_2, %get3A_3] : memref<128x128xf32, #tpu.memory_space<vmem>>, vector<128x128xf32>
    %dot_general3A = arith.constant dense<0.000000e+00> : vector<1280x128xf32>
    %dot_general3A_5 = tpu.matmul %get3A_1, %get3A_4, %dot_general3A {dimension_numbers = #tpu.dot_dimension_numbers<[1], [0], [0], [1], [0, 0, 1, 1], [], []>, transpose_lhs_hint = false} : vector<1280x128xf32>, vector<128x128xf32>, vector<1280x128xf32> -> vector<1280x128xf32>
    %get3A_6 = arith.constant 0 : index
    %get3A_7 = arith.constant 0 : index
    %get3A_8 = vector.load %arg3[%get3A_6, %get3A_7] : memref<2x1280xf32, #tpu.memory_space<vmem>>, vector<1x1280xf32>
    %get3A_9 = vector.shape_cast %get3A_8 : vector<1x1280xf32> to vector<1280xf32>
    %get3A_10 = arith.constant 1 : index
    %get3A_11 = arith.constant 0 : index
    %get3A_12 = vector.load %arg3[%get3A_10, %get3A_11] : memref<2x1280xf32, #tpu.memory_space<vmem>>, vector<1x1280xf32>
    %get3A_13 = vector.shape_cast %get3A_12 : vector<1x1280xf32> to vector<1280xf32>
    %add3A = arith.addf %get3A_9, %get3A_13 : vector<1280xf32>
    %add3A_14 = arith.constant 1.000000e+00 : f32
    %add3A_15 = vector.broadcast %add3A_14 : f32 to vector<1280xf32>
    %add3A_16 = arith.addf %add3A, %add3A_15 : vector<1280xf32>
    %rsqrt3A = math.rsqrt %add3A_16 : vector<1280xf32>
    %broadcast_in_dim3A = vector.shape_cast %rsqrt3A : vector<1280xf32> to vector<1280x1xf32>
    %mul3A = vector.broadcast %broadcast_in_dim3A : vector<1280x1xf32> to vector<1280x128xf32>
    %mul3A_17 = arith.mulf %dot_general3A_5, %mul3A : vector<1280x128xf32>
    %swap3A = arith.constant 0 : index
    %swap3A_18 = arith.constant 0 : index
    %swap3A_19 = vector.load %arg4[%swap3A, %swap3A_18] : memref<1280x128xf32, #tpu.memory_space<vmem>>, vector<1280x128xf32>
    tpu.vector_store %arg4[%swap3A, %swap3A_18], %mul3A_17 {strides = array<i32>} : memref<1280x128xf32, #tpu.memory_space<vmem>>, vector<1280x128xf32>,
    return
  }
  func.func @transform_0(%arg0: i32) -> (i32, i32) {
    %c0_i32 = arith.constant 0 : i32
    %c0_i32_0 = arith.constant 0 : i32
    return %arg0, %c0_i32 : i32, i32
  }
  func.func @transform_1(%arg0: i32) -> (i32, i32) {
    %c0_i32 = arith.constant 0 : i32
    %c0_i32_0 = arith.constant 0 : i32
    %c0_i32_1 = arith.constant 0 : i32
    return %c0_i32, %c0_i32_0 : i32, i32
  }
  func.func @transform_2(%arg0: i32) -> (i32, i32) {
    %c0_i32 = arith.constant 0 : i32
    %c0_i32_0 = arith.constant 0 : i32
    return %c0_i32, %arg0 : i32, i32
  }
  func.func @transform_3(%arg0: i32) -> (i32, i32) {
    %c0_i32 = arith.constant 0 : i32
    %c0_i32_0 = arith.constant 0 : i32
    return %arg0, %c0_i32 : i32, i32
  }
}

module attributes {stable_mosaic.version = 14 : i64} {
  func.func @_tc_out_body(%arg0: i32, %arg1: memref<2x2000x128xf32, #tpu.memory_space<vmem>>, %arg2: memref<2x2000x1xf32, #tpu.memory_space<vmem>>, %arg3: memref<1x128xf32, #tpu.memory_space<vmem>>, %arg4: memref<2000x128xf32, #tpu.memory_space<vmem>>) attributes {dimension_semantics = [#tpu.dimension_semantics<arbitrary>], iteration_bounds = array<i64: 5>, scalar_prefetch = 0 : i64, scratch_operands = 0 : i64, tpu.core_type = #tpu.core_type<tc>, window_params = [{transform_indices = @transform_0, window_bounds = array<i64: 2, 2000, 128>}, {transform_indices = @transform_1, window_bounds = array<i64: 2, 2000, 1>}, {pipeline_mode = #tpu.pipeline_mode<synchronous>, transform_indices = @transform_2, window_bounds = array<i64: 1, 128>}, {transform_indices = @transform_3, window_bounds = array<i64: 2000, 128>}]} {
    %get3A = arith.constant 0 : index
    %get3A_0 = arith.constant 0 : index
    %get3A_1 = arith.constant 0 : index
    %get3A_2 = vector.load %arg2[%get3A, %get3A_0, %get3A_1] : memref<2x2000x1xf32, #tpu.memory_space<vmem>>, vector<1x2000x1xf32>
    %get3A_3 = vector.shape_cast %get3A_2 : vector<1x2000x1xf32> to vector<2000xf32>
    %get3A_4 = arith.constant 1 : index
    %get3A_5 = arith.constant 0 : index
    %get3A_6 = arith.constant 0 : index
    %get3A_7 = vector.load %arg2[%get3A_4, %get3A_5, %get3A_6] : memref<2x2000x1xf32, #tpu.memory_space<vmem>>, vector<1x2000x1xf32>
    %get3A_8 = vector.shape_cast %get3A_7 : vector<1x2000x1xf32> to vector<2000xf32>
    %add3A = arith.addf %get3A_3, %get3A_8 : vector<2000xf32>
    %add3A_9 = arith.constant 1.000000e+00 : f32
    %add3A_10 = vector.broadcast %add3A_9 : f32 to vector<2000xf32>
    %add3A_11 = arith.addf %add3A, %add3A_10 : vector<2000xf32>
    %rsqrt3A = math.rsqrt %add3A_11 : vector<2000xf32>
    %get3A_12 = arith.constant 0 : index
    %get3A_13 = arith.constant 0 : index
    %get3A_14 = arith.constant 0 : index
    %get3A_15 = vector.load %arg1[%get3A_12, %get3A_13, %get3A_14] : memref<2x2000x128xf32, #tpu.memory_space<vmem>>, vector<1x2000x128xf32>
    %get3A_16 = vector.shape_cast %get3A_15 : vector<1x2000x128xf32> to vector<2000x128xf32>
    %get3A_17 = arith.constant 1 : index
    %get3A_18 = arith.constant 0 : index
    %get3A_19 = arith.constant 0 : index
    %get3A_20 = vector.load %arg1[%get3A_17, %get3A_18, %get3A_19] : memref<2x2000x128xf32, #tpu.memory_space<vmem>>, vector<1x2000x128xf32>
    %get3A_21 = vector.shape_cast %get3A_20 : vector<1x2000x128xf32> to vector<2000x128xf32>
    %add3A_22 = arith.addf %get3A_16, %get3A_21 : vector<2000x128xf32>
    %broadcast_in_dim3A = vector.shape_cast %rsqrt3A : vector<2000xf32> to vector<2000x1xf32>
    %mul3A = vector.broadcast %broadcast_in_dim3A : vector<2000x1xf32> to vector<2000x128xf32>
    %mul3A_23 = arith.mulf %mul3A, %add3A_22 : vector<2000x128xf32>
    %get3A_24 = arith.constant 0 : index
    %get3A_25 = arith.constant 0 : index
    %get3A_26 = vector.load %arg3[%get3A_24, %get3A_25] : memref<1x128xf32, #tpu.memory_space<vmem>>, vector<1x128xf32>
    %add3A_27 = vector.broadcast %get3A_26 : vector<1x128xf32> to vector<2000x128xf32>
    %add3A_28 = arith.addf %mul3A_23, %add3A_27 : vector<2000x128xf32>
    %max3A = arith.constant 0.000000e+00 : f32
    %max3A_29 = vector.broadcast %max3A : f32 to vector<2000x128xf32>
    %max3A_30 = arith.maximumf %add3A_28, %max3A_29 : vector<2000x128xf32>
    %swap3A = arith.constant 0 : index
    %swap3A_31 = arith.constant 0 : index
    %swap3A_32 = vector.load %arg4[%swap3A, %swap3A_31] : memref<2000x128xf32, #tpu.memory_space<vmem>>, vector<2000x128xf32>
    tpu.vector_store %arg4[%swap3A, %swap3A_31], %max3A_30 {strides = array<i32>} : memref<2000x128xf32, #tpu.memory_space<vmem>>, vector<2000x128xf32>,
    return
  }
  func.func @transform_0(%arg0: i32) -> (i32, i32, i32) {
    %c0_i32 = arith.constant 0 : i32
    %c0_i32_0 = arith.constant 0 : i32
    %c0_i32_1 = arith.constant 0 : i32
    return %c0_i32, %arg0, %c0_i32_0 : i32, i32, i32
  }
  func.func @transform_1(%arg0: i32) -> (i32, i32, i32) {
    %c0_i32 = arith.constant 0 : i32
    %c0_i32_0 = arith.constant 0 : i32
    %c0_i32_1 = arith.constant 0 : i32
    return %c0_i32, %arg0, %c0_i32_0 : i32, i32, i32
  }
  func.func @transform_2(%arg0: i32) -> (i32, i32) {
    %c0_i32 = arith.constant 0 : i32
    %c0_i32_0 = arith.constant 0 : i32
    %c0_i32_1 = arith.constant 0 : i32
    return %c0_i32, %c0_i32_0 : i32, i32
  }
  func.func @transform_3(%arg0: i32) -> (i32, i32) {
    %c0_i32 = arith.constant 0 : i32
    %c0_i32_0 = arith.constant 0 : i32
    return %arg0, %c0_i32 : i32, i32
  }
}

</mosaic_0001>

<sc_bundles>
// kernel: kernel.6.cloned.1.call-start
scs
__scs_entry_jumppad:
0x0: {  	(pc) =	sbr.rel $0x88, $3  }
0x1: {  	(tag) =	ssettag $0x0;
	lr =	simm.s32 $0x1  }
0x2: {  	[smem:$0x3F9D] =	sst lr;
	_ =	strace $0xD0000000  }
0x3: {  	_ = 	snop  }
0x4: {  	_ = 	snop  }
0x5: {  	_ = 	snop  }
0x6: {  	_ = 	snop  }
0x7: {  	_ = 	snop  }
__scs_overlays_trampoline_lowered:
0x8: {  	[smem:$0x3FAC] =	sst s0  }
0x9: {  	[smem:$0x3FAD] =	sst s1  }
0xa: {  	[smem:$0x3FAE] =	sst s2  }
0xb: {  	[smem:$0x3FAF] =	sst s3  }
0xc: {  	[smem:$0x3FB0] =	sst s4  }
0xd: {  	[smem:$0x3FB1] =	sst s5  }
0xe: {  	[smem:$0x3FB2] =	sst s6  }
0xf: {  	[smem:$0x3FB3] =	sst s7  }
0x10: {  	[smem:$0x3FB4] =	sst s8  }
0x11: {  	[smem:$0x3FB5] =	sst s9;
	s0 =	simm.s32 @!p0 $0x0  }
0x12: {  	s1 =	sld [smem:$0x3F9B];
	s0 =	simm.s32 @p0 $0x1  }
0x13: {  	[smem:$0x3FB6] =	sst s0;
	s0 =	simm.s32 @!p1 $0x0  }
0x14: {  	s2 =	sld [smem:$0x3F9A];
	s0 =	simm.s32 @p1 $0x1  }
0x15: {  	[smem:$0x3FB7] =	sst s0;
	s0 =	simm.s32 @!p2 $0x0  }
0x16: {  	s3 =	sld [smem:$0x3FDB];
	s0 =	simm.s32 @p2 $0x1  }
0x17: {  	s4 =	simm.s32 $0x1BF5;
	[smem:$0x3FB9] =	sst s0  }
0x18: {  	s0 =	sld [smem:$0x3F9C];
	_ =	swait.ge [sflag:s4], $0x0  }
0x19: {  	s7 =	sld [smem:$0x3F9D]  }
0x1a: {  	s8 =	sadd.s32 $0xFFFFE003, lr  }
0x1b: {  	s9 =	sadd.s32 $0xFFFFFEF7, lr;
	s5 =	simm.s32 $0xFFFFFFFF;
	p2 =	slt.u32 s8, $0xFFFFF086  }
0x1c: {  	p1 =	slt.u32 s9, $0xF7A;
	s5 =	simm.s32 @!p2 $0x0  }
0x1d: {  	s5 =	simm.s32 @p1 $0x1;
	p0 =	seq.s32 s7, s2  }
0x1e: {  	s7 =	smul.u32 @!p0 $0xF7A, s2;
	p2 =	seq.s32 @!p0 s5, $0x0  }
0x1f: {  	s9 =	smul.u32 $0xF7A, s1;
	s8 =	simm.s32 @!p0 $0x1BF5;
	p2 =	por !p2, p0  }
0x20: {  	[sflag:s8] =	ssyncset.s32 @!p0 $0xFFFFF086;
	s6 =	sadd.s32 @!p0 s3, s7;
	s7 =	simm.s32 @!p0 $0x108  }
0x21: {  	s3 =	sadd.s32 s3, s9;
	s6 =	sadd.s32 @!p0 $0x88, s6;
	s7 =	simm.s32 @p2 $0x1082  }
0x22: {  	[simem:s7], [sflag:s8] =	dma.local @!p0 [hbm:s6], $0xF7A  }
0x23: {  	s9 =	sor.u32 $0xD0000000, s2;
	s6 =	simm.s32 $0x108;
	_ =	swait.ge @!p0 [sflag:s8], $0x0  }
0x24: {  	s3 =	sadd.s32 $0x88, s3;
	s6 =	simm.s32 @!p1 $0x1082;
	[sflag:s4] =	ssyncset.s32 $0xFFFFF086  }
0x25: {  	[simem:s6], [sflag:s4] =	dma.local [hbm:s3], $0xF7A  }
0x26: {  	[smem:$0x3F9D] =	sst s1;
	(tag) =	ssettag s2;
	_ =	strace s9  }
0x27: {  	s1 =	sld [smem:$0x3FAD]  }
0x28: {  	s2 =	sld [smem:$0x3FAE]  }
0x29: {  	s4 =	sld [smem:$0x3FB0]  }
0x2a: {  	p0 =	seq.s32 s5, $0x0;
	s5 =	sld [smem:$0x3FB1]  }
0x2b: {  	s6 =	sld [smem:$0x3FB2]  }
0x2c: {  	s7 =	sld [smem:$0x3FB3]  }
0x2d: {  	s3 =	simm.s32 $0x108;
	s8 =	sld [smem:$0x3FB4]  }
0x2e: {  	s3 =	simm.s32 @!p0 $0x1082;
	s9 =	sld [smem:$0x3FB5]  }
0x2f: {  	lr =	sadd.s32 s0, s3;
	s0 =	sld [smem:$0x3FAC]  }
0x30: {  	s3 =	sld [smem:$0x3FAF]  }
0x31: {  	[smem:$0x3FB8] =	sst s10  }
0x32: {  	s10 =	sld [smem:$0x3FB6];
	_ =	sdelay $0x3  }
0x33: {  	p0 =	seq.s32 s10, $0x1;
	s10 =	sld [smem:$0x3FB8];
	_ =	sdelay $0x3  }
0x34: {  	[smem:$0x3FB8] =	sst s10  }
0x35: {  	s10 =	sld [smem:$0x3FB7];
	_ =	sdelay $0x3  }
0x36: {  	p1 =	seq.s32 s10, $0x1;
	s10 =	sld [smem:$0x3FB8];
	_ =	sdelay $0x3  }
0x37: {  	[smem:$0x3FB8] =	sst s10  }
0x38: {  	s10 =	sld [smem:$0x3FB9]  }
0x39: {  	_ = 	snop;
	(pc) =	sbr.ind lr, $3  }
0x3a: {  	_ = 	snop  }
0x3b: {  	_ = 	snop  }
0x3c: {  	p2 =	seq.s32 s10, $0x1;
	s10 =	sld [smem:$0x3FB8]  }
0x3d: {  	_ =	shalt  }
0x3e: {  	_ =	shalt  }
0x3f: {  	_ =	shalt  }
0x40: {  	_ =	shalt  }
0x41: {  	_ =	shalt  }
0x42: {  	_ =	shalt  }
0x43: {  	_ =	shalt  }
0x44: {  	_ =	shalt  }
0x45: {  	_ =	shalt  }
0x46: {  	_ =	shalt  }
0x47: {  	_ =	shalt  }
0x48: {  	_ =	shalt  }
0x49: {  	_ =	shalt  }
0x4a: {  	_ =	shalt  }
0x4b: {  	_ =	shalt  }
0x4c: {  	_ =	shalt  }
0x4d: {  	_ =	shalt  }
0x4e: {  	_ =	shalt  }
0x4f: {  	_ =	shalt  }
0x50: {  	_ =	shalt  }
0x51: {  	_ =	shalt  }
0x52: {  	_ =	shalt  }
0x53: {  	_ =	shalt  }
0x54: {  	_ =	shalt  }
0x55: {  	_ =	shalt  }
0x56: {  	_ =	shalt  }
0x57: {  	_ =	shalt  }
0x58: {  	_ =	shalt  }
0x59: {  	_ =	shalt  }
0x5a: {  	_ =	shalt  }
0x5b: {  	_ =	shalt  }
0x5c: {  	_ =	shalt  }
0x5d: {  	_ =	shalt  }
0x5e: {  	_ =	shalt  }
0x5f: {  	_ =	shalt  }
0x60: {  	_ =	shalt  }
0x61: {  	_ =	shalt  }
0x62: {  	_ =	shalt  }
0x63: {  	_ =	shalt  }
0x64: {  	_ =	shalt  }
0x65: {  	_ =	shalt  }
0x66: {  	_ =	shalt  }
0x67: {  	_ =	shalt  }
0x68: {  	_ =	shalt  }
0x69: {  	_ =	shalt  }
0x6a: {  	_ =	shalt  }
0x6b: {  	_ =	shalt  }
0x6c: {  	_ =	shalt  }
0x6d: {  	_ =	shalt  }
0x6e: {  	_ =	shalt  }
0x6f: {  	_ =	shalt  }
0x70: {  	_ =	shalt  }
0x71: {  	_ =	shalt  }
0x72: {  	_ =	shalt  }
0x73: {  	_ =	shalt  }
0x74: {  	_ =	shalt  }
0x75: {  	_ =	shalt  }
0x76: {  	_ =	shalt  }
0x77: {  	_ =	shalt  }
0x78: {  	_ =	shalt  }
0x79: {  	_ =	shalt  }
0x7a: {  	_ =	shalt  }
0x7b: {  	_ =	shalt  }
0x7c: {  	_ =	shalt  }
0x7d: {  	_ =	shalt  }
0x7e: {  	_ =	shalt  }
0x7f: {  	_ =	shalt  }
0x80: {  	_ =	shalt  }
0x81: {  	_ =	shalt  }
0x82: {  	_ =	shalt  }
0x83: {  	_ =	shalt  }
0x84: {  	_ =	shalt  }
0x85: {  	_ =	shalt  }
0x86: {  	_ =	shalt  }
0x87: {  	_ =	shalt  }
.Lfunc_end0:
.L_simem_size_0:
called_computation_lowered:
.L_overlay_start_0:
0x88: {  	s2 =	sld [smem:$0x3FD9]  }
0x89: {  	s3 =	sld [smem:$0x3FFE];
	_ =	sdelay $0x1  }
0x8a: {  	s1 =	srdreg.scid  }
0x8b: {  	s0 =	sand.u32 $0x1, s1  }
0x8c: {  	s16 =	sshll.u32 s0, $0xA;
	s2 =	sadd.s32 s3, s2  }
0x8d: {  	s2 =	sadd.s32 s2, s16  }
0x8e: {  	[smem:$0x3FC4] =	sst s2  }
0x8f: {  	_ = 	snop  }
0x90: {  	(tm) =	ssettm $0x1  }
0x91: {  	s17 =	sld [smem:$0x3FFB];
	_ =	sdelay $0x3  }
0x92: {  	_ =	strace s17  }
0x93: {  	s2 =	sld [smem:$0x3FFC];
	_ =	sdelay $0x3  }
0x94: {  	_ =	strace s2  }
0x95: {  	s2 =	sld [smem:$0x3FFD];
	_ =	sdelay $0x3  }
0x96: {  	_ =	strace s2  }
0x97: {  	_ =	strace $0x8FFFFFFF  }
0x98: {  	s18 =	sld [smem:$0x3FDB];
	_ =	sdelay $0x1  }
0x99: {  	s19 =	simm.s32 $_scs_section_size  }
0x9a: {  	s4 =	simm.s32 $_size__tile_overlayer_lowered;
	s5 =	simm.s32 $_tile_overlayer_lowered  }
0x9b: {  	s22 =	simm.s32 $0x1BFF;
	s21 =	sshll.u32 s5, $0x1;
	s2 =	sadd.s32 s19, s18  }
0x9c: {  	s6 =	simm.s32 $0x0;
	s20 =	sshll.u32 s4, $0x1;
	s4 =	sadd.s32 s21, s2  }
0x9d: {  	[timem:s6], [sflag:s22] =	dma.local [hbm:s4], s20  }
0x9e: {  	_ =	swait.ge [sflag:s22], s20  }
0x9f: {  	s3 =	ssub.s32 $0x0, s20;
	[sflag:s22] =	ssyncset.done $0x0  }
0xa0: {  	[sflag:s22] =	ssyncadd.s32 s3;
	_ =	sdelay $0x1  }
0xa1: {  	s23 =	simm.s32 $0x1B8B  }
0xa2: {  	_ =	swait.ge [sflag:s23], $0x1  }
0xa3: {  	[sflag:s23] =	ssyncset.done $0x0  }
0xa4: {  	s25 =	simm.s32 $0x1B8E;
	s24 =	sld [smem:$0x3FFE];
	[sflag:s23] =	ssyncadd.s32 $0xFFFFFFFF  }
0xa5: {  	s26 =	simm.s32 $execute0_lowered;
	[smem:$0x3FD2] =	sst s25  }
0xa6: {  	s4 =	sshll.u32 s26, $0x1;
	_ =	strace $0x80000046;
	[dreg:$0x1] =	wrdreg $0xFFFFFFFF  }
0xa7: {  	s28 =	simm.s32 $_size_execute0_lowered;
	s2 =	sadd.s32 s2, s4;
	[dreg:$0x0] =	wrdreg $0x0  }
0xa8: {  	s4 =	sshll.u32 s28, $0x1;
	[dreg:$0x2] =	wrdreg s2  }
0xa9: {  	[dreg:$0x3] =	wrdreg s4  }
0xaa: {  	[dreg:$0x4] =	wrdreg $0xC0  }
0xab: {  	_ =	task [dreg:s6], $0x5FFFF  }
0xac: {  	[dreg:$0x1] =	wrdreg $0xFFFFFFFF  }
0xad: {  	[dreg:$0x0] =	wrdreg $0x60  }
0xae: {  	[dreg:$0x2] =	wrdreg s24  }
0xaf: {  	[dreg:$0x3] =	wrdreg $0x2F000  }
0xb0: {  	[dreg:$0x4] =	wrdreg $0x9  }
0xb1: {  	_ =	task.clear_ibuf [dreg:s6], $0x5FFFF;
	_ =	strace $0x90000046  }
0xb2: {  	s29 =	simm.s32 $0x9;
	_ =	strace $0x80000048  }
0xb3: {  	_ =	swait.ge [sflag:s29], $0x1  }
0xb4: {  	[sflag:s29] =	ssyncadd.s32 $0xFFFFFFFF  }
0xb5: {  	_ =	strace $0x90000048  }
0xb6: {  	_ =	sfence  }
0xb7: {  	s30 =	sld [smem:$0x0];
	_ =	sdelay $0x2  }
0xb8: {  	s31 =	sshll.u32 s1, $0xD;
	s1 =	sshrl.u32 s1, $0x2  }
0xb9: {  	s3 =	sand.u32 $0x4000, s31;
	s1 =	sadd.s32 s1, s30  }
0xba: {  	s0 =	sor.u32 s3, s0;
	s1 =	sshll.u32 s1, $0x11  }
0xbb: {  	s0 =	sor.u32 s1, s0  }
0xbc: {  	s0 =	sadd.s32 $0x8F2B, s0  }
0xbd: {  	[sflag:s0] =	ssyncadd.remote.s32 $0x1  }
0xbe: {  	_ =	sfence.sel $0xFFFF  }
0xbf: {  	[dreg:$0x0] =	wrdreg $0xFFFFFFFF;
	(pc) =	sbr.abs _section_cstart, $3  }
0xc0: {  	[dreg:$0x1] =	wrdreg $0xFFFFFFFF  }
0xc1: {  	_ =	task.clear_ibuf [dreg:s6], $0x2FFFF;
	_ =	strace $0x9FFFFFFF  }
0xc2: {  	(tm) =	ssettm $0x7FFFFFFF  }
0xc3: {  	_ =	shalt  }
tec
execute0_lowered:
.L_overlay_start_1:
0x0: {  	(tag) =	ssettag $0x1  }
0x1: {  	s0 =	srdreg.scid  }
0x2: {  	s7 =	sand.u32 $0x1, s0  }
0x3: {  	s8 =	stileid.u32;
	s0 =	sshll.u32 s7, $0x4  }
0x4: {  	s0 =	sor.u32 s8, s0  }
0x5: {  	s4 =	rddreg [dreg:$0x0];
	s1 =	smul.u32 $0x48, s0  }
0x6: {  	s2 =	rddreg [dreg:$0x1];
	s3 =	smul.u32 $0x50, s0  }
0x7: {  	s5 =	smul.u32 $0x500, s8;
	p0 =	slt.u32 s0, $0x18;
	s1 =	sadd.s32 $0xC0, s1  }
0x8: {  	s24 =	sadd.s32 $0x15880, s4;
	s1 =	smov.u32 @p0 s3;
	s3 =	simm.s32 $0x0  }
0x9: {  	s6 =	sshll.u32 s7, $0x7;
	s25 =	sshll.u32 s0, $0x7;
	[smem:$0x7FF] =	sst s3  }
0xa: {  	s26 =	sadd.s32 $0x2800, s25;
	_ =	strace $0x80000047;
	[dreg:$0x5] =	wrdreg s24  }
0xb: {  	s5 =	sor.u32 s6, s5;
	s6 =	simm.s32 $0x200;
	[dreg:$0x6] =	wrdreg s26  }
0xc: {  	s9 =	simm.s32 $0x280;
	[dreg:$0x9] =	wrdreg s6  }
0xd: {  	s10 =	simm.s32 $0x300;
	[dreg:$0xa] =	wrdreg s9  }
0xe: {  	s11 =	simm.s32 $0x380;
	[dreg:$0xb] =	wrdreg s10  }
0xf: {  	s12 =	simm.s32 $0x400;
	[dreg:$0xc] =	wrdreg s11  }
0x10: {  	s13 =	simm.s32 $0x480;
	[dreg:$0xd] =	wrdreg s12  }
0x11: {  	s14 =	simm.s32 $0x500;
	[dreg:$0xe] =	wrdreg s13  }
0x12: {  	s15 =	simm.s32 $0x580;
	[dreg:$0xf] =	wrdreg s14  }
0x13: {  	s16 =	simm.s32 $0x600;
	[dreg:$0x10] =	wrdreg s15  }
0x14: {  	s17 =	simm.s32 $0x680;
	[dreg:$0x11] =	wrdreg s16  }
0x15: {  	s18 =	simm.s32 $0x700;
	[dreg:$0x12] =	wrdreg s17  }
0x16: {  	s19 =	simm.s32 $0x780;
	[dreg:$0x13] =	wrdreg s18  }
0x17: {  	s20 =	simm.s32 $0x800;
	[dreg:$0x14] =	wrdreg s19  }
0x18: {  	s21 =	simm.s32 $0x880;
	[dreg:$0x15] =	wrdreg s20  }
0x19: {  	s22 =	simm.s32 $0x900;
	[dreg:$0x16] =	wrdreg s21  }
0x1a: {  	s25 =	simm.s32 $0xA80;
	[dreg:$0x17] =	wrdreg s22  }
0x1b: {  	s24 =	simm.s32 $0xA00;
	[dreg:$0x1a] =	wrdreg s25  }
0x1c: {  	s26 =	simm.s32 $0xB00;
	[dreg:$0x19] =	wrdreg s24  }
0x1d: {  	s6 =	simm.s32 $0xC80;
	[dreg:$0x1b] =	wrdreg s26  }
0x1e: {  	s9 =	simm.s32 $0xD00;
	[dreg:$0x1e] =	wrdreg s6  }
0x1f: {  	s10 =	simm.s32 $0xD80;
	[dreg:$0x1f] =	wrdreg s9  }
0x20: {  	s11 =	simm.s32 $0xE00;
	[smem:$0x7D5] =	sst s10  }
0x21: {  	s12 =	simm.s32 $0xE80;
	[smem:$0x7D6] =	sst s11  }
0x22: {  	s13 =	simm.s32 $0xF00;
	[smem:$0x7D7] =	sst s12  }
0x23: {  	s14 =	simm.s32 $0xF80;
	[smem:$0x7D8] =	sst s13  }
0x24: {  	s15 =	simm.s32 $0x1000;
	[smem:$0x7D9] =	sst s14  }
0x25: {  	s16 =	simm.s32 $0x1080;
	[smem:$0x7DA] =	sst s15  }
0x26: {  	s17 =	simm.s32 $0x1100;
	[smem:$0x7DB] =	sst s16  }
0x27: {  	v0 =	vimm.f32 $0.0e+00;
	s18 =	simm.s32 $0x1180;
	[smem:$0x7DC] =	sst s17  }
0x28: {  	[tilespmem:$0x2D10] =	vst v0;
	s19 =	simm.s32 $0x1200;
	[smem:$0x7DD] =	sst s18  }
0x29: {  	s5 =	sshrl.u32 s5, $0x3;
	[tilespmem:$0x2D20] =	vst v0;
	s20 =	simm.s32 $0x1280;
	[smem:$0x7DE] =	sst s19  }
0x2a: {  	s1 =	sshll.u32 s1, $0x4;
	[tilespmem:$0x2D30] =	vst v0;
	s21 =	simm.s32 $0x1300;
	[smem:$0x7DF] =	sst s20  }
0x2b: {  	s1 =	sand.u32 $0x1FFFFF80, s1;
	[tilespmem:$0x2D40] =	vst v0;
	s22 =	simm.s32 $0x1380;
	[smem:$0x7E0] =	sst s21  }
0x2c: {  	[tilespmem:$0x2D50] =	vst v0;
	s25 =	simm.s32 $0x1500;
	s1 =	sadd.s32 s1, s4;
	[smem:$0x7E1] =	sst s22  }
0x2d: {  	[tilespmem:$0x2D60] =	vst v0;
	s4 =	sadd.s32 s5, s4;
	s5 =	simm.s32 $0x180;
	[smem:$0x7E4] =	sst s25  }
0x2e: {  	[tilespmem:$0x2D70] =	vst v0;
	s24 =	simm.s32 $0x1480;
	[dreg:$0x8] =	wrdreg s5  }
0x2f: {  	[tilespmem:$0x2D80] =	vst v0;
	s26 =	simm.s32 $0x1580;
	[smem:$0x7E3] =	sst s24  }
0x30: {  	[tilespmem:$0x2D90] =	vst v0;
	s6 =	simm.s32 $0x1700;
	[smem:$0x7E5] =	sst s26  }
0x31: {  	[tilespmem:$0x2DA0] =	vst v0;
	s9 =	simm.s32 $0x1780;
	[smem:$0x7E8] =	sst s6  }
0x32: {  	[tilespmem:$0x2DB0] =	vst v0;
	s10 =	simm.s32 $0x1800;
	[smem:$0x7E9] =	sst s9  }
0x33: {  	[tilespmem:$0x2C80] =	vst v0;
	s11 =	simm.s32 $0x1880;
	[smem:$0x7EA] =	sst s10  }
0x34: {  	[tilespmem:$0x2EF0] =	vst v0;
	s12 =	simm.s32 $0x1900;
	[smem:$0x7EB] =	sst s11  }
0x35: {  	[tilespmem:$0x2EE0] =	vst v0;
	s13 =	simm.s32 $0x1980;
	[smem:$0x7EC] =	sst s12  }
0x36: {  	[tilespmem:$0x2ED0] =	vst v0;
	s14 =	simm.s32 $0x1A00;
	[smem:$0x7ED] =	sst s13  }
0x37: {  	[tilespmem:$0x2EC0] =	vst v0;
	s15 =	simm.s32 $0x1A80;
	[smem:$0x7EE] =	sst s14  }
0x38: {  	[tilespmem:$0x2EB0] =	vst v0;
	s16 =	simm.s32 $0x1B00;
	[smem:$0x7EF] =	sst s15  }
0x39: {  	[tilespmem:$0x2EA0] =	vst v0;
	s17 =	simm.s32 $0x1B80;
	[smem:$0x7F0] =	sst s16  }
0x3a: {  	[tilespmem:$0x2E90] =	vst v0;
	s18 =	simm.s32 $0x1C00;
	[smem:$0x7F1] =	sst s17  }
0x3b: {  	[tilespmem:$0x2E80] =	vst v0;
	s19 =	simm.s32 $0x1C80;
	[smem:$0x7F2] =	sst s18  }
0x3c: {  	[tilespmem:$0x2E70] =	vst v0;
	s20 =	simm.s32 $0x1D00;
	[smem:$0x7F3] =	sst s19  }
0x3d: {  	[tilespmem:$0x2E60] =	vst v0;
	s21 =	simm.s32 $0x1D80;
	[smem:$0x7F4] =	sst s20  }
0x3e: {  	[tilespmem:$0x2E50] =	vst v0;
	s22 =	simm.s32 $0x1E00;
	[smem:$0x7F5] =	sst s21  }
0x3f: {  	[tilespmem:$0x2E40] =	vst v0;
	s25 =	simm.s32 $0x1F80;
	[smem:$0x7F6] =	sst s22  }
0x40: {  	[tilespmem:$0x2E30] =	vst v0;
	s23 =	sadd.s32 $0xBA80, s1;
	[smem:$0x7F9] =	sst s25  }
0x41: {  	[tilespmem:$0x2E20] =	vst v0;
	s1 =	sadd.s32 $0xBF00, s1;
	[dreg:$0x3] =	wrdreg s23  }
0x42: {  	[tilespmem:$0x2E10] =	vst v0;
	s4 =	sadd.s32 $0x15A00, s4;
	[dreg:$0x4] =	wrdreg s1  }
0x43: {  	[tilespmem:$0x2E00] =	vst v0;
	s5 =	simm.s32 $0xC00;
	[dreg:$0x7] =	wrdreg s4  }
0x44: {  	[tilespmem:$0x2DF0] =	vst v0;
	s24 =	simm.s32 $0x1F00;
	[dreg:$0x1d] =	wrdreg s5  }
0x45: {  	[tilespmem:$0x2DE0] =	vst v0;
	s6 =	simm.s32 $0x2080;
	[smem:$0x7F8] =	sst s24  }
0x46: {  	[tilespmem:$0x2DD0] =	vst v0;
	s26 =	smul.u32 $0xA00, s8;
	s8 =	simm.s32 $0x2100;
	[smem:$0x7FB] =	sst s6  }
0x47: {  	[tilespmem:$0x2D00] =	vst v0;
	s9 =	simm.s32 $0x2180;
	[smem:$0x7FC] =	sst s8  }
0x48: {  	[tilespmem:$0x2CF0] =	vst v0;
	s23 =	simm.s32 $0x980;
	[smem:$0x7FD] =	sst s9  }
0x49: {  	[tilespmem:$0x2CE0] =	vst v0;
	s4 =	simm.s32 $0xB80;
	[dreg:$0x18] =	wrdreg s23  }
0x4a: {  	[tilespmem:$0x2CD0] =	vst v0;
	s5 =	simm.s32 $0x1680;
	[dreg:$0x1c] =	wrdreg s4  }
0x4b: {  	[tilespmem:$0x2CC0] =	vst v0;
	s23 =	simm.s32 $0x1400;
	[smem:$0x7E7] =	sst s5  }
0x4c: {  	[tilespmem:$0x2CB0] =	vst v0;
	s4 =	simm.s32 $0x1600;
	[smem:$0x7E2] =	sst s23  }
0x4d: {  	[tilespmem:$0x2CA0] =	vst v0;
	s5 =	simm.s32 $0x2000;
	[smem:$0x7E6] =	sst s4;
	s23 =	simm.s32 $0x1E80  }
0x4e: {  	[tilespmem:$0x2DC0] =	vst v0;
	[smem:$0x7FA] =	sst s5;
	s4 =	sshrl.u32 s26, $0x2;
	s5 =	simm.s32 $0x2C80  }
0x4f: {  	[tilespmem:$0x2C90] =	vst v0;
	[smem:$0x7F7] =	sst s23;
	s6 =	sadd.s32 s4, s2;
	s4 =	simm.s32 $0x2  }
0x50: {  	[spmem:s6] =	stream.linear.scatter [tilespmem:s5], [sflag:$0x2], $0x280, $0x38;
	[tilespmem:$0x3180] =	vst v63  }
0x51: {  	_ =	swait.ge [sflag:s4], $0x280  }
0x52: {  	[sflag:s4] =	ssyncset.done $0x0  }
0x53: {  	v1 =	vimm.f32 $1.000000000e+00;
	[sflag:s4] =	ssyncadd.s32 $0xFFFFFD80  }
0x54: {  	[tilespmem:$0x2C70] =	vst v1  }
0x55: {  	[tilespmem:$0x2C60] =	vst v1  }
0x56: {  	[tilespmem:$0x2C50] =	vst v1  }
0x57: {  	[tilespmem:$0x2C40] =	vst v1  }
0x58: {  	[tilespmem:$0x2C30] =	vst v1  }
0x59: {  	[tilespmem:$0x2C20] =	vst v1  }
0x5a: {  	[tilespmem:$0x2C00] =	vst v1  }
0x5b: {  	p0 =	sgt.u32 s0, $0x17;
	s10 =	rddreg [dreg:$0x3];
	[tilespmem:$0x2C10] =	vst v1  }
0x5c: {  	[tilespmem:s3], [sflag:$0x2] =	stream.linear.gather [hbm4b:s10+s3], $0x2400, $0x38;
	[tilespmem:$0x3180] =	vst v63  }
0x5d: {  	p2 =	sgt.u32 @!p0 s0, $0x7;
	_ =	swait.ge [sflag:s4], $0x2400  }
0x5e: {  	s8 =	simm.s32 @!p0 $0x2400;
	s9 =	simm.s32 @!p0 $0x2;
	[sflag:s4] =	ssyncset.done $0x0  }
0x5f: {  	s10 =	simm.s32 @!p0 $0x0;
	s1 =	rddreg [dreg:$0x4];
	[sflag:s4] =	ssyncadd.s32 $0xFFFFDC00  }
0x60: {  	[tilespmem:s8], [sflag:$0x2] =	stream.linear.gather @!p0 [hbm4b:s1+s10], $0x400, $0x38;
	[tilespmem:$0x3180] =	vst v63  }
0x61: {  	p1 =	por p2, p0;
	_ =	swait.ge @!p0 [sflag:s9], $0x400  }
0x62: {  	s13 =	simm.s32 @!p1 $0x2;
	s1 =	simm.s32 @!p1 $0x0;
	[sflag:s9] =	ssyncset.done @!p0 $0x0  }
0x63: {  	s10 =	simm.s32 @!p1 $0x2800;
	s0 =	rddreg [dreg:$0x5];
	[sflag:s9] =	ssyncadd.s32 @!p0 $0xFFFFFC00  }
0x64: {  	[tilespmem:s10], [sflag:$0x2] =	stream.linear.gather @!p1 [hbm4b:s0+s1], $0x400, $0x38;
	[tilespmem:$0x3180] =	vst v63  }
0x65: {  	_ =	swait.ge @!p1 [sflag:s13], $0x400  }
0x66: {  	[sflag:s13] =	ssyncset.done @!p1 $0x0  }
0x67: {  	[sflag:s13] =	ssyncadd.s32 @!p1 $0xFFFFFC00  }
0x68: {  	s12 =	simm.s32 $0x80;
	s15 =	simm.s32 $0x2C00;
	[bflag:$0x0] =	sbarrier.arrive $0xFFFF  }
0x69: {  	[spmem:s2] =	stream.indirect.scatter.add.f32 [tilespmem:s15], [sflag:$0x1], $0x1, s3, s12, $0xb8;
	[tilespmem:$0x3180] =	vst v63  }
0x6a: {  	_ = 	snop  }
0x6b: {  	[spmem:s2] =	stream.indirect.scatter.add.f32 [tilespmem:s15], [sflag:$0x1], $0x1, s12, s12, $0xb8;
	[tilespmem:$0x3180] =	vst v63  }
0x6c: {  	s14 =	simm.s32 $0x100;
	s11 =	rddreg [dreg:$0x8]  }
0x6d: {  	[spmem:s2] =	stream.indirect.scatter.add.f32 [tilespmem:s15], [sflag:$0x1], $0x1, s14, s12, $0xb8;
	[tilespmem:$0x3180] =	vst v63  }
0x6e: {  	s16 =	rddreg [dreg:$0x9]  }
0x6f: {  	[spmem:s2] =	stream.indirect.scatter.add.f32 [tilespmem:s15], [sflag:$0x1], $0x1, s11, s12, $0xb8;
	[tilespmem:$0x3180] =	vst v63  }
0x70: {  	s17 =	rddreg [dreg:$0xa]  }
0x71: {  	[spmem:s2] =	stream.indirect.scatter.add.f32 [tilespmem:s15], [sflag:$0x1], $0x1, s16, s12, $0xb8;
	[tilespmem:$0x3180] =	vst v63  }
0x72: {  	s18 =	rddreg [dreg:$0xb]  }
0x73: {  	[spmem:s2] =	stream.indirect.scatter.add.f32 [tilespmem:s15], [sflag:$0x1], $0x1, s17, s12, $0xb8;
	[tilespmem:$0x3180] =	vst v63  }
0x74: {  	s19 =	rddreg [dreg:$0xc]  }
0x75: {  	[spmem:s2] =	stream.indirect.scatter.add.f32 [tilespmem:s15], [sflag:$0x1], $0x1, s18, s12, $0xb8;
	[tilespmem:$0x3180] =	vst v63  }
0x76: {  	s20 =	rddreg [dreg:$0xd]  }
0x77: {  	[spmem:s2] =	stream.indirect.scatter.add.f32 [tilespmem:s15], [sflag:$0x1], $0x1, s19, s12, $0xb8;
	[tilespmem:$0x3180] =	vst v63  }
0x78: {  	s21 =	rddreg [dreg:$0xe]  }
0x79: {  	[spmem:s2] =	stream.indirect.scatter.add.f32 [tilespmem:s15], [sflag:$0x1], $0x1, s20, s12, $0xb8;
	[tilespmem:$0x3180] =	vst v63  }
0x7a: {  	s22 =	rddreg [dreg:$0xf]  }
0x7b: {  	[spmem:s2] =	stream.indirect.scatter.add.f32 [tilespmem:s15], [sflag:$0x1], $0x1, s21, s12, $0xb8;
	[tilespmem:$0x3180] =	vst v63  }
0x7c: {  	s23 =	rddreg [dreg:$0x10]  }
0x7d: {  	[spmem:s2] =	stream.indirect.scatter.add.f32 [tilespmem:s15], [sflag:$0x1], $0x1, s22, s12, $0xb8;
	[tilespmem:$0x3180] =	vst v63  }
0x7e: {  	s24 =	rddreg [dreg:$0x11]  }
0x7f: {  	[spmem:s2] =	stream.indirect.scatter.add.f32 [tilespmem:s15], [sflag:$0x1], $0x1, s23, s12, $0xb8;
	[tilespmem:$0x3180] =	vst v63  }
0x80: {  	s25 =	rddreg [dreg:$0x12]  }
0x81: {  	[spmem:s2] =	stream.indirect.scatter.add.f32 [tilespmem:s15], [sflag:$0x1], $0x1, s24, s12, $0xb8;
	[tilespmem:$0x3180] =	vst v63  }
0x82: {  	s26 =	rddreg [dreg:$0x13]  }
0x83: {  	[spmem:s2] =	stream.indirect.scatter.add.f32 [tilespmem:s15], [sflag:$0x1], $0x1, s25, s12, $0xb8;
	[tilespmem:$0x3180] =	vst v63  }
0x84: {  	s10 =	rddreg [dreg:$0x14]  }
0x85: {  	[spmem:s2] =	stream.indirect.scatter.add.f32 [tilespmem:s15], [sflag:$0x1], $0x1, s26, s12, $0xb8;
	[tilespmem:$0x3180] =	vst v63  }
0x86: {  	s11 =	rddreg [dreg:$0x15]  }
0x87: {  	[spmem:s2] =	stream.indirect.scatter.add.f32 [tilespmem:s15], [sflag:$0x1], $0x1, s10, s12, $0xb8;
	[tilespmem:$0x3180] =	vst v63  }
0x88: {  	s16 =	rddreg [dreg:$0x16]  }
0x89: {  	[spmem:s2] =	stream.indirect.scatter.add.f32 [tilespmem:s15], [sflag:$0x1], $0x1, s11, s12, $0xb8;
	[tilespmem:$0x3180] =	vst v63  }
0x8a: {  	s17 =	rddreg [dreg:$0x17]  }
0x8b: {  	[spmem:s2] =	stream.indirect.scatter.add.f32 [tilespmem:s15], [sflag:$0x1], $0x1, s16, s12, $0xb8;
	[tilespmem:$0x3180] =	vst v63  }
0x8c: {  	s18 =	rddreg [dreg:$0x18]  }
0x8d: {  	[spmem:s2] =	stream.indirect.scatter.add.f32 [tilespmem:s15], [sflag:$0x1], $0x1, s17, s12, $0xb8;
	[tilespmem:$0x3180] =	vst v63  }
0x8e: {  	s19 =	rddreg [dreg:$0x19]  }
0x8f: {  	[spmem:s2] =	stream.indirect.scatter.add.f32 [tilespmem:s15], [sflag:$0x1], $0x1, s18, s12, $0xb8;
	[tilespmem:$0x3180] =	vst v63  }
0x90: {  	s20 =	rddreg [dreg:$0x1a]  }
0x91: {  	[spmem:s2] =	stream.indirect.scatter.add.f32 [tilespmem:s15], [sflag:$0x1], $0x1, s19, s12, $0xb8;
	[tilespmem:$0x3180] =	vst v63  }
0x92: {  	s21 =	rddreg [dreg:$0x1b]  }
0x93: {  	[spmem:s2] =	stream.indirect.scatter.add.f32 [tilespmem:s15], [sflag:$0x1], $0x1, s20, s12, $0xb8;
	[tilespmem:$0x3180] =	vst v63  }
0x94: {  	s22 =	rddreg [dreg:$0x1c]  }
0x95: {  	[spmem:s2] =	stream.indirect.scatter.add.f32 [tilespmem:s15], [sflag:$0x1], $0x1, s21, s12, $0xb8;
	[tilespmem:$0x3180] =	vst v63  }
0x96: {  	s23 =	rddreg [dreg:$0x1d]  }
0x97: {  	[spmem:s2] =	stream.indirect.scatter.add.f32 [tilespmem:s15], [sflag:$0x1], $0x1, s22, s12, $0xb8;
	[tilespmem:$0x3180] =	vst v63  }
0x98: {  	s24 =	rddreg [dreg:$0x1e]  }
0x99: {  	[spmem:s2] =	stream.indirect.scatter.add.f32 [tilespmem:s15], [sflag:$0x1], $0x1, s23, s12, $0xb8;
	[tilespmem:$0x3180] =	vst v63  }
0x9a: {  	s25 =	rddreg [dreg:$0x1f]  }
0x9b: {  	[spmem:s2] =	stream.indirect.scatter.add.f32 [tilespmem:s15], [sflag:$0x1], $0x1, s24, s12, $0xb8;
	[tilespmem:$0x3180] =	vst v63  }
0x9c: {  	s26 =	sld [smem:$0x7D5]  }
0x9d: {  	[spmem:s2] =	stream.indirect.scatter.add.f32 [tilespmem:s15], [sflag:$0x1], $0x1, s25, s12, $0xb8;
	[tilespmem:$0x3180] =	vst v63  }
0x9e: {  	s10 =	sld [smem:$0x7D6]  }
0x9f: {  	[spmem:s2] =	stream.indirect.scatter.add.f32 [tilespmem:s15], [sflag:$0x1], $0x1, s26, s12, $0xb8;
	[tilespmem:$0x3180] =	vst v63  }
0xa0: {  	s11 =	sld [smem:$0x7D7]  }
0xa1: {  	[spmem:s2] =	stream.indirect.scatter.add.f32 [tilespmem:s15], [sflag:$0x1], $0x1, s10, s12, $0xb8;
	[tilespmem:$0x3180] =	vst v63  }
0xa2: {  	s16 =	sld [smem:$0x7D8]  }
0xa3: {  	[spmem:s2] =	stream.indirect.scatter.add.f32 [tilespmem:s15], [sflag:$0x1], $0x1, s11, s12, $0xb8;
	[tilespmem:$0x3180] =	vst v63  }
0xa4: {  	s17 =	sld [smem:$0x7D9]  }
0xa5: {  	[spmem:s2] =	stream.indirect.scatter.add.f32 [tilespmem:s15], [sflag:$0x1], $0x1, s16, s12, $0xb8;
	[tilespmem:$0x3180] =	vst v63  }
0xa6: {  	s18 =	sld [smem:$0x7DA]  }
0xa7: {  	[spmem:s2] =	stream.indirect.scatter.add.f32 [tilespmem:s15], [sflag:$0x1], $0x1, s17, s12, $0xb8;
	[tilespmem:$0x3180] =	vst v63  }
0xa8: {  	s19 =	sld [smem:$0x7DB]  }
0xa9: {  	[spmem:s2] =	stream.indirect.scatter.add.f32 [tilespmem:s15], [sflag:$0x1], $0x1, s18, s12, $0xb8;
	[tilespmem:$0x3180] =	vst v63  }
0xaa: {  	s20 =	sld [smem:$0x7DC]  }
0xab: {  	[spmem:s2] =	stream.indirect.scatter.add.f32 [tilespmem:s15], [sflag:$0x1], $0x1, s19, s12, $0xb8;
	[tilespmem:$0x3180] =	vst v63  }
0xac: {  	s21 =	sld [smem:$0x7DD]  }
0xad: {  	[spmem:s2] =	stream.indirect.scatter.add.f32 [tilespmem:s15], [sflag:$0x1], $0x1, s20, s12, $0xb8;
	[tilespmem:$0x3180] =	vst v63  }
0xae: {  	s22 =	sld [smem:$0x7DE]  }
0xaf: {  	[spmem:s2] =	stream.indirect.scatter.add.f32 [tilespmem:s15], [sflag:$0x1], $0x1, s21, s12, $0xb8;
	[tilespmem:$0x3180] =	vst v63  }
0xb0: {  	s23 =	sld [smem:$0x7DF]  }
0xb1: {  	[spmem:s2] =	stream.indirect.scatter.add.f32 [tilespmem:s15], [sflag:$0x1], $0x1, s22, s12, $0xb8;
	[tilespmem:$0x3180] =	vst v63  }
0xb2: {  	s24 =	sld [smem:$0x7E0]  }
0xb3: {  	[spmem:s2] =	stream.indirect.scatter.add.f32 [tilespmem:s15], [sflag:$0x1], $0x1, s23, s12, $0xb8;
	[tilespmem:$0x3180] =	vst v63  }
0xb4: {  	s25 =	sld [smem:$0x7E1]  }
0xb5: {  	[spmem:s2] =	stream.indirect.scatter.add.f32 [tilespmem:s15], [sflag:$0x1], $0x1, s24, s12, $0xb8;
	[tilespmem:$0x3180] =	vst v63  }
0xb6: {  	s26 =	sld [smem:$0x7E2]  }
0xb7: {  	[spmem:s2] =	stream.indirect.scatter.add.f32 [tilespmem:s15], [sflag:$0x1], $0x1, s25, s12, $0xb8;
	[tilespmem:$0x3180] =	vst v63  }
0xb8: {  	s10 =	sld [smem:$0x7E3]  }
0xb9: {  	[spmem:s2] =	stream.indirect.scatter.add.f32 [tilespmem:s15], [sflag:$0x1], $0x1, s26, s12, $0xb8;
	[tilespmem:$0x3180] =	vst v63  }
0xba: {  	s11 =	sld [smem:$0x7E4]  }
0xbb: {  	[spmem:s2] =	stream.indirect.scatter.add.f32 [tilespmem:s15], [sflag:$0x1], $0x1, s10, s12, $0xb8;
	[tilespmem:$0x3180] =	vst v63  }
0xbc: {  	s16 =	sld [smem:$0x7E5]  }
0xbd: {  	[spmem:s2] =	stream.indirect.scatter.add.f32 [tilespmem:s15], [sflag:$0x1], $0x1, s11, s12, $0xb8;
	[tilespmem:$0x3180] =	vst v63  }
0xbe: {  	s17 =	sld [smem:$0x7E6]  }
0xbf: {  	[spmem:s2] =	stream.indirect.scatter.add.f32 [tilespmem:s15], [sflag:$0x1], $0x1, s16, s12, $0xb8;
	[tilespmem:$0x3180] =	vst v63  }
0xc0: {  	s18 =	sld [smem:$0x7E7]  }
0xc1: {  	[spmem:s2] =	stream.indirect.scatter.add.f32 [tilespmem:s15], [sflag:$0x1], $0x1, s17, s12, $0xb8;
	[tilespmem:$0x3180] =	vst v63  }
0xc2: {  	s19 =	sld [smem:$0x7E8]  }
0xc3: {  	[spmem:s2] =	stream.indirect.scatter.add.f32 [tilespmem:s15], [sflag:$0x1], $0x1, s18, s12, $0xb8;
	[tilespmem:$0x3180] =	vst v63  }
0xc4: {  	s20 =	sld [smem:$0x7E9]  }
0xc5: {  	[spmem:s2] =	stream.indirect.scatter.add.f32 [tilespmem:s15], [sflag:$0x1], $0x1, s19, s12, $0xb8;
	[tilespmem:$0x3180] =	vst v63  }
0xc6: {  	s21 =	sld [smem:$0x7EA]  }
0xc7: {  	[spmem:s2] =	stream.indirect.scatter.add.f32 [tilespmem:s15], [sflag:$0x1], $0x1, s20, s12, $0xb8;
	[tilespmem:$0x3180] =	vst v63  }
0xc8: {  	s22 =	sld [smem:$0x7EB]  }
0xc9: {  	[spmem:s2] =	stream.indirect.scatter.add.f32 [tilespmem:s15], [sflag:$0x1], $0x1, s21, s12, $0xb8;
	[tilespmem:$0x3180] =	vst v63  }
0xca: {  	s23 =	sld [smem:$0x7EC]  }
0xcb: {  	[spmem:s2] =	stream.indirect.scatter.add.f32 [tilespmem:s15], [sflag:$0x1], $0x1, s22, s12, $0xb8;
	[tilespmem:$0x3180] =	vst v63  }
0xcc: {  	s24 =	sld [smem:$0x7ED]  }
0xcd: {  	[spmem:s2] =	stream.indirect.scatter.add.f32 [tilespmem:s15], [sflag:$0x1], $0x1, s23, s12, $0xb8;
	[tilespmem:$0x3180] =	vst v63  }
0xce: {  	s25 =	sld [smem:$0x7EE]  }
0xcf: {  	[spmem:s2] =	stream.indirect.scatter.add.f32 [tilespmem:s15], [sflag:$0x1], $0x1, s24, s12, $0xb8;
	[tilespmem:$0x3180] =	vst v63  }
0xd0: {  	s26 =	sld [smem:$0x7EF]  }
0xd1: {  	[spmem:s2] =	stream.indirect.scatter.add.f32 [tilespmem:s15], [sflag:$0x1], $0x1, s25, s12, $0xb8;
	[tilespmem:$0x3180] =	vst v63  }
0xd2: {  	s10 =	sld [smem:$0x7F0]  }
0xd3: {  	[spmem:s2] =	stream.indirect.scatter.add.f32 [tilespmem:s15], [sflag:$0x1], $0x1, s26, s12, $0xb8;
	[tilespmem:$0x3180] =	vst v63  }
0xd4: {  	s11 =	sld [smem:$0x7F1]  }
0xd5: {  	[spmem:s2] =	stream.indirect.scatter.add.f32 [tilespmem:s15], [sflag:$0x1], $0x1, s10, s12, $0xb8;
	[tilespmem:$0x3180] =	vst v63  }
0xd6: {  	s16 =	sld [smem:$0x7F2]  }
0xd7: {  	[spmem:s2] =	stream.indirect.scatter.add.f32 [tilespmem:s15], [sflag:$0x1], $0x1, s11, s12, $0xb8;
	[tilespmem:$0x3180] =	vst v63  }
0xd8: {  	s17 =	sld [smem:$0x7F3]  }
0xd9: {  	[spmem:s2] =	stream.indirect.scatter.add.f32 [tilespmem:s15], [sflag:$0x1], $0x1, s16, s12, $0xb8;
	[tilespmem:$0x3180] =	vst v63  }
0xda: {  	s18 =	sld [smem:$0x7F4]  }
0xdb: {  	[spmem:s2] =	stream.indirect.scatter.add.f32 [tilespmem:s15], [sflag:$0x1], $0x1, s17, s12, $0xb8;
	[tilespmem:$0x3180] =	vst v63  }
0xdc: {  	s19 =	sld [smem:$0x7F5]  }
0xdd: {  	[spmem:s2] =	stream.indirect.scatter.add.f32 [tilespmem:s15], [sflag:$0x1], $0x1, s18, s12, $0xb8;
	[tilespmem:$0x3180] =	vst v63  }
0xde: {  	s20 =	sld [smem:$0x7F6]  }
0xdf: {  	[spmem:s2] =	stream.indirect.scatter.add.f32 [tilespmem:s15], [sflag:$0x1], $0x1, s19, s12, $0xb8;
	[tilespmem:$0x3180] =	vst v63  }
0xe0: {  	s21 =	sld [smem:$0x7F7]  }
0xe1: {  	[spmem:s2] =	stream.indirect.scatter.add.f32 [tilespmem:s15], [sflag:$0x1], $0x1, s20, s12, $0xb8;
	[tilespmem:$0x3180] =	vst v63  }
0xe2: {  	s22 =	sld [smem:$0x7F8]  }
0xe3: {  	[spmem:s2] =	stream.indirect.scatter.add.f32 [tilespmem:s15], [sflag:$0x1], $0x1, s21, s12, $0xb8;
	[tilespmem:$0x3180] =	vst v63  }
0xe4: {  	s23 =	sld [smem:$0x7F9]  }
0xe5: {  	[spmem:s2] =	stream.indirect.scatter.add.f32 [tilespmem:s15], [sflag:$0x1], $0x1, s22, s12, $0xb8;
	[tilespmem:$0x3180] =	vst v63  }
0xe6: {  	s24 =	sld [smem:$0x7FA]  }
0xe7: {  	[spmem:s2] =	stream.indirect.scatter.add.f32 [tilespmem:s15], [sflag:$0x1], $0x1, s23, s12, $0xb8;
	[tilespmem:$0x3180] =	vst v63  }
0xe8: {  	s25 =	sld [smem:$0x7FB]  }
0xe9: {  	[spmem:s2] =	stream.indirect.scatter.add.f32 [tilespmem:s15], [sflag:$0x1], $0x1, s24, s12, $0xb8;
	[tilespmem:$0x3180] =	vst v63  }
0xea: {  	s26 =	sld [smem:$0x7FC]  }
0xeb: {  	[spmem:s2] =	stream.indirect.scatter.add.f32 [tilespmem:s15], [sflag:$0x1], $0x1, s25, s12, $0xb8;
	[tilespmem:$0x3180] =	vst v63  }
0xec: {  	s10 =	sld [smem:$0x7FD]  }
0xed: {  	[spmem:s2] =	stream.indirect.scatter.add.f32 [tilespmem:s15], [sflag:$0x1], $0x1, s26, s12, $0xb8;
	[tilespmem:$0x3180] =	vst v63  }
0xee: {  	_ = 	snop  }
0xef: {  	[spmem:s2] =	stream.indirect.scatter.add.f32 [tilespmem:s15], [sflag:$0x1], $0x1, s10, s12, $0xb8;
	[tilespmem:$0x3180] =	vst v63  }
0xf0: {  	s11 =	simm.s32 $0x2200  }
0xf1: {  	[spmem:s2] =	stream.indirect.scatter.add.f32 [tilespmem:s15], [sflag:$0x1], $0x1, s11, s12, $0xb8;
	[tilespmem:$0x3180] =	vst v63  }
0xf2: {  	s16 =	simm.s32 $0x2280  }
0xf3: {  	[spmem:s2] =	stream.indirect.scatter.add.f32 [tilespmem:s15], [sflag:$0x1], $0x1, s16, s12, $0xb8;
	[tilespmem:$0x3180] =	vst v63  }
0xf4: {  	s18 =	simm.s32 $0x2300  }
0xf5: {  	[spmem:s2] =	stream.indirect.scatter.add.f32 [tilespmem:s15], [sflag:$0x1], $0x1, s18, s12, $0xb8;
	[tilespmem:$0x3180] =	vst v63  }
0xf6: {  	s19 =	simm.s32 $0x2380;
	s20 =	simm.s32 $0x1  }
0xf7: {  	[spmem:s2] =	stream.indirect.scatter.add.f32 [tilespmem:s15], [sflag:$0x1], $0x1, s19, s12, $0xb8;
	[tilespmem:$0x3180] =	vst v63  }
0xf8: {  	_ =	swait.ge [sflag:s20], $0x80  }
0xf9: {  	[sflag:s20] =	ssyncset.done $0x0  }
0xfa: {  	[sflag:s20] =	ssyncadd.s32 $0xFFFFFF80  }
0xfb: {  	_ =	swait.ge [sflag:s20], $0x80  }
0xfc: {  	[sflag:s20] =	ssyncset.done $0x0  }
0xfd: {  	[sflag:s20] =	ssyncadd.s32 $0xFFFFFF80  }
0xfe: {  	_ =	swait.ge [sflag:s20], $0x80  }
0xff: {  	[sflag:s20] =	ssyncset.done $0x0  }
0x100: {  	[sflag:s20] =	ssyncadd.s32 $0xFFFFFF80  }
0x101: {  	_ =	swait.ge [sflag:s20], $0x80  }
0x102: {  	[sflag:s20] =	ssyncset.done $0x0  }
0x103: {  	[sflag:s20] =	ssyncadd.s32 $0xFFFFFF80  }
0x104: {  	_ =	swait.ge [sflag:s20], $0x80  }
0x105: {  	[sflag:s20] =	ssyncset.done $0x0  }
0x106: {  	[sflag:s20] =	ssyncadd.s32 $0xFFFFFF80  }
0x107: {  	_ =	swait.ge [sflag:s20], $0x80  }
0x108: {  	[sflag:s20] =	ssyncset.done $0x0  }
0x109: {  	[sflag:s20] =	ssyncadd.s32 $0xFFFFFF80  }
0x10a: {  	_ =	swait.ge [sflag:s20], $0x80  }
0x10b: {  	[sflag:s20] =	ssyncset.done $0x0  }
0x10c: {  	[sflag:s20] =	ssyncadd.s32 $0xFFFFFF80  }
0x10d: {  	_ =	swait.ge [sflag:s20], $0x80  }
0x10e: {  	[sflag:s20] =	ssyncset.done $0x0  }
0x10f: {  	[sflag:s20] =	ssyncadd.s32 $0xFFFFFF80  }
0x110: {  	_ =	swait.ge [sflag:s20], $0x80  }
0x111: {  	[sflag:s20] =	ssyncset.done $0x0  }
0x112: {  	[sflag:s20] =	ssyncadd.s32 $0xFFFFFF80  }
0x113: {  	_ =	swait.ge [sflag:s20], $0x80  }
0x114: {  	[sflag:s20] =	ssyncset.done $0x0  }
0x115: {  	[sflag:s20] =	ssyncadd.s32 $0xFFFFFF80  }
0x116: {  	_ =	swait.ge [sflag:s20], $0x80  }
0x117: {  	[sflag:s20] =	ssyncset.done $0x0  }
0x118: {  	[sflag:s20] =	ssyncadd.s32 $0xFFFFFF80  }
0x119: {  	_ =	swait.ge [sflag:s20], $0x80  }
0x11a: {  	[sflag:s20] =	ssyncset.done $0x0  }
0x11b: {  	[sflag:s20] =	ssyncadd.s32 $0xFFFFFF80  }
0x11c: {  	_ =	swait.ge [sflag:s20], $0x80  }
0x11d: {  	[sflag:s20] =	ssyncset.done $0x0  }
0x11e: {  	[sflag:s20] =	ssyncadd.s32 $0xFFFFFF80  }
0x11f: {  	_ =	swait.ge [sflag:s20], $0x80  }
0x120: {  	[sflag:s20] =	ssyncset.done $0x0  }
0x121: {  	[sflag:s20] =	ssyncadd.s32 $0xFFFFFF80  }
0x122: {  	_ =	swait.ge [sflag:s20], $0x80  }
0x123: {  	[sflag:s20] =	ssyncset.done $0x0  }
0x124: {  	[sflag:s20] =	ssyncadd.s32 $0xFFFFFF80  }
0x125: {  	_ =	swait.ge [sflag:s20], $0x80  }
0x126: {  	[sflag:s20] =	ssyncset.done $0x0  }
0x127: {  	[sflag:s20] =	ssyncadd.s32 $0xFFFFFF80  }
0x128: {  	_ =	swait.ge [sflag:s20], $0x80  }
0x129: {  	[sflag:s20] =	ssyncset.done $0x0  }
0x12a: {  	[sflag:s20] =	ssyncadd.s32 $0xFFFFFF80  }
0x12b: {  	_ =	swait.ge [sflag:s20], $0x80  }
0x12c: {  	[sflag:s20] =	ssyncset.done $0x0  }
0x12d: {  	[sflag:s20] =	ssyncadd.s32 $0xFFFFFF80  }
0x12e: {  	_ =	swait.ge [sflag:s20], $0x80  }
0x12f: {  	[sflag:s20] =	ssyncset.done $0x0  }
0x130: {  	[sflag:s20] =	ssyncadd.s32 $0xFFFFFF80  }
0x131: {  	_ =	swait.ge [sflag:s20], $0x80  }
0x132: {  	[sflag:s20] =	ssyncset.done $0x0  }
0x133: {  	[sflag:s20] =	ssyncadd.s32 $0xFFFFFF80  }
0x134: {  	_ =	swait.ge [sflag:s20], $0x80  }
0x135: {  	[sflag:s20] =	ssyncset.done $0x0  }
0x136: {  	[sflag:s20] =	ssyncadd.s32 $0xFFFFFF80  }
0x137: {  	_ =	swait.ge [sflag:s20], $0x80  }
0x138: {  	[sflag:s20] =	ssyncset.done $0x0  }
0x139: {  	[sflag:s20] =	ssyncadd.s32 $0xFFFFFF80  }
0x13a: {  	_ =	swait.ge [sflag:s20], $0x80  }
0x13b: {  	[sflag:s20] =	ssyncset.done $0x0  }
0x13c: {  	[sflag:s20] =	ssyncadd.s32 $0xFFFFFF80  }
0x13d: {  	_ =	swait.ge [sflag:s20], $0x80  }
0x13e: {  	[sflag:s20] =	ssyncset.done $0x0  }
0x13f: {  	[sflag:s20] =	ssyncadd.s32 $0xFFFFFF80  }
0x140: {  	_ =	swait.ge [sflag:s20], $0x80  }
0x141: {  	[sflag:s20] =	ssyncset.done $0x0  }
0x142: {  	[sflag:s20] =	ssyncadd.s32 $0xFFFFFF80  }
0x143: {  	_ =	swait.ge [sflag:s20], $0x80  }
0x144: {  	[sflag:s20] =	ssyncset.done $0x0  }
0x145: {  	[sflag:s20] =	ssyncadd.s32 $0xFFFFFF80  }
0x146: {  	_ =	swait.ge [sflag:s20], $0x80  }
0x147: {  	[sflag:s20] =	ssyncset.done $0x0  }
0x148: {  	[sflag:s20] =	ssyncadd.s32 $0xFFFFFF80  }
0x149: {  	_ =	swait.ge [sflag:s20], $0x80  }
0x14a: {  	[sflag:s20] =	ssyncset.done $0x0  }
0x14b: {  	[sflag:s20] =	ssyncadd.s32 $0xFFFFFF80  }
0x14c: {  	_ =	swait.ge [sflag:s20], $0x80  }
0x14d: {  	[sflag:s20] =	ssyncset.done $0x0  }
0x14e: {  	[sflag:s20] =	ssyncadd.s32 $0xFFFFFF80  }
0x14f: {  	_ =	swait.ge [sflag:s20], $0x80  }
0x150: {  	[sflag:s20] =	ssyncset.done $0x0  }
0x151: {  	[sflag:s20] =	ssyncadd.s32 $0xFFFFFF80  }
0x152: {  	_ =	swait.ge [sflag:s20], $0x80  }
0x153: {  	[sflag:s20] =	ssyncset.done $0x0  }
0x154: {  	[sflag:s20] =	ssyncadd.s32 $0xFFFFFF80  }
0x155: {  	_ =	swait.ge [sflag:s20], $0x80  }
0x156: {  	[sflag:s20] =	ssyncset.done $0x0  }
0x157: {  	[sflag:s20] =	ssyncadd.s32 $0xFFFFFF80  }
0x158: {  	_ =	swait.ge [sflag:s20], $0x80  }
0x159: {  	[sflag:s20] =	ssyncset.done $0x0  }
0x15a: {  	[sflag:s20] =	ssyncadd.s32 $0xFFFFFF80  }
0x15b: {  	_ =	swait.ge [sflag:s20], $0x80  }
0x15c: {  	[sflag:s20] =	ssyncset.done $0x0  }
0x15d: {  	[sflag:s20] =	ssyncadd.s32 $0xFFFFFF80  }
0x15e: {  	_ =	swait.ge [sflag:s20], $0x80  }
0x15f: {  	[sflag:s20] =	ssyncset.done $0x0  }
0x160: {  	[sflag:s20] =	ssyncadd.s32 $0xFFFFFF80  }
0x161: {  	_ =	swait.ge [sflag:s20], $0x80  }
0x162: {  	[sflag:s20] =	ssyncset.done $0x0  }
0x163: {  	[sflag:s20] =	ssyncadd.s32 $0xFFFFFF80  }
0x164: {  	_ =	swait.ge [sflag:s20], $0x80  }
0x165: {  	[sflag:s20] =	ssyncset.done $0x0  }
0x166: {  	[sflag:s20] =	ssyncadd.s32 $0xFFFFFF80  }
0x167: {  	_ =	swait.ge [sflag:s20], $0x80  }
0x168: {  	[sflag:s20] =	ssyncset.done $0x0  }
0x169: {  	[sflag:s20] =	ssyncadd.s32 $0xFFFFFF80  }
0x16a: {  	_ =	swait.ge [sflag:s20], $0x80  }
0x16b: {  	[sflag:s20] =	ssyncset.done $0x0  }
0x16c: {  	[sflag:s20] =	ssyncadd.s32 $0xFFFFFF80  }
0x16d: {  	_ =	swait.ge [sflag:s20], $0x80  }
0x16e: {  	[sflag:s20] =	ssyncset.done $0x0  }
0x16f: {  	[sflag:s20] =	ssyncadd.s32 $0xFFFFFF80  }
0x170: {  	_ =	swait.ge [sflag:s20], $0x80  }
0x171: {  	[sflag:s20] =	ssyncset.done $0x0  }
0x172: {  	[sflag:s20] =	ssyncadd.s32 $0xFFFFFF80  }
0x173: {  	_ =	swait.ge [sflag:s20], $0x80  }
0x174: {  	[sflag:s20] =	ssyncset.done $0x0  }
0x175: {  	[sflag:s20] =	ssyncadd.s32 $0xFFFFFF80  }
0x176: {  	_ =	swait.ge [sflag:s20], $0x80  }
0x177: {  	[sflag:s20] =	ssyncset.done $0x0  }
0x178: {  	[sflag:s20] =	ssyncadd.s32 $0xFFFFFF80  }
0x179: {  	_ =	swait.ge [sflag:s20], $0x80  }
0x17a: {  	[sflag:s20] =	ssyncset.done $0x0  }
0x17b: {  	[sflag:s20] =	ssyncadd.s32 $0xFFFFFF80  }
0x17c: {  	_ =	swait.ge [sflag:s20], $0x80  }
0x17d: {  	[sflag:s20] =	ssyncset.done $0x0  }
0x17e: {  	[sflag:s20] =	ssyncadd.s32 $0xFFFFFF80  }
0x17f: {  	_ =	swait.ge [sflag:s20], $0x80  }
0x180: {  	[sflag:s20] =	ssyncset.done $0x0  }
0x181: {  	[sflag:s20] =	ssyncadd.s32 $0xFFFFFF80  }
0x182: {  	_ =	swait.ge [sflag:s20], $0x80  }
0x183: {  	[sflag:s20] =	ssyncset.done $0x0  }
0x184: {  	[sflag:s20] =	ssyncadd.s32 $0xFFFFFF80  }
0x185: {  	_ =	swait.ge [sflag:s20], $0x80  }
0x186: {  	[sflag:s20] =	ssyncset.done $0x0  }
0x187: {  	[sflag:s20] =	ssyncadd.s32 $0xFFFFFF80  }
0x188: {  	_ =	swait.ge [sflag:s20], $0x80  }
0x189: {  	[sflag:s20] =	ssyncset.done $0x0  }
0x18a: {  	[sflag:s20] =	ssyncadd.s32 $0xFFFFFF80  }
0x18b: {  	_ =	swait.ge [sflag:s20], $0x80  }
0x18c: {  	[sflag:s20] =	ssyncset.done $0x0  }
0x18d: {  	[sflag:s20] =	ssyncadd.s32 $0xFFFFFF80  }
0x18e: {  	_ =	swait.ge [sflag:s20], $0x80  }
0x18f: {  	[sflag:s20] =	ssyncset.done $0x0  }
0x190: {  	[sflag:s20] =	ssyncadd.s32 $0xFFFFFF80  }
0x191: {  	_ =	swait.ge [sflag:s20], $0x80  }
0x192: {  	[sflag:s20] =	ssyncset.done $0x0  }
0x193: {  	[sflag:s20] =	ssyncadd.s32 $0xFFFFFF80  }
0x194: {  	_ =	swait.ge [sflag:s20], $0x80  }
0x195: {  	[sflag:s20] =	ssyncset.done $0x0  }
0x196: {  	[sflag:s20] =	ssyncadd.s32 $0xFFFFFF80  }
0x197: {  	_ =	swait.ge [sflag:s20], $0x80  }
0x198: {  	[sflag:s20] =	ssyncset.done $0x0  }
0x199: {  	[sflag:s20] =	ssyncadd.s32 $0xFFFFFF80  }
0x19a: {  	_ =	swait.ge [sflag:s20], $0x80  }
0x19b: {  	[sflag:s20] =	ssyncset.done $0x0  }
0x19c: {  	[sflag:s20] =	ssyncadd.s32 $0xFFFFFF80  }
0x19d: {  	_ =	swait.ge [sflag:s20], $0x80  }
0x19e: {  	[sflag:s20] =	ssyncset.done $0x0  }
0x19f: {  	[sflag:s20] =	ssyncadd.s32 $0xFFFFFF80  }
0x1a0: {  	_ =	swait.ge [sflag:s20], $0x80  }
0x1a1: {  	[sflag:s20] =	ssyncset.done $0x0  }
0x1a2: {  	[sflag:s20] =	ssyncadd.s32 $0xFFFFFF80  }
0x1a3: {  	_ =	swait.ge [sflag:s20], $0x80  }
0x1a4: {  	[sflag:s20] =	ssyncset.done $0x0  }
0x1a5: {  	[sflag:s20] =	ssyncadd.s32 $0xFFFFFF80  }
0x1a6: {  	_ =	swait.ge [sflag:s20], $0x80  }
0x1a7: {  	[sflag:s20] =	ssyncset.done $0x0  }
0x1a8: {  	[sflag:s20] =	ssyncadd.s32 $0xFFFFFF80  }
0x1a9: {  	_ =	swait.ge [sflag:s20], $0x80  }
0x1aa: {  	[sflag:s20] =	ssyncset.done $0x0  }
0x1ab: {  	[sflag:s20] =	ssyncadd.s32 $0xFFFFFF80  }
0x1ac: {  	_ =	swait.ge [sflag:s20], $0x80  }
0x1ad: {  	[sflag:s20] =	ssyncset.done $0x0  }
0x1ae: {  	[sflag:s20] =	ssyncadd.s32 $0xFFFFFF80  }
0x1af: {  	_ =	swait.ge [sflag:s20], $0x80  }
0x1b0: {  	[sflag:s20] =	ssyncset.done $0x0  }
0x1b1: {  	[sflag:s20] =	ssyncadd.s32 $0xFFFFFF80  }
0x1b2: {  	_ =	swait.ge [sflag:s20], $0x80  }
0x1b3: {  	[sflag:s20] =	ssyncset.done $0x0  }
0x1b4: {  	[sflag:s20] =	ssyncadd.s32 $0xFFFFFF80  }
0x1b5: {  	_ =	swait.ge [sflag:s20], $0x80  }
0x1b6: {  	[sflag:s20] =	ssyncset.done $0x0  }
0x1b7: {  	[sflag:s20] =	ssyncadd.s32 $0xFFFFFF80  }
0x1b8: {  	_ =	swait.ge [sflag:s20], $0x80  }
0x1b9: {  	[sflag:s20] =	ssyncset.done $0x0  }
0x1ba: {  	[sflag:s20] =	ssyncadd.s32 $0xFFFFFF80  }
0x1bb: {  	_ =	swait.ge [sflag:s20], $0x80  }
0x1bc: {  	[sflag:s20] =	ssyncset.done $0x0  }
0x1bd: {  	[sflag:s20] =	ssyncadd.s32 $0xFFFFFF80  }
0x1be: {  	_ =	swait.ge [sflag:s20], $0x80  }
0x1bf: {  	[sflag:s20] =	ssyncset.done $0x0  }
0x1c0: {  	[sflag:s20] =	ssyncadd.s32 $0xFFFFFF80  }
0x1c1: {  	_ =	swait.ge [sflag:s20], $0x80  }
0x1c2: {  	[sflag:s20] =	ssyncset.done $0x0  }
0x1c3: {  	[sflag:s20] =	ssyncadd.s32 $0xFFFFFF80  }
0x1c4: {  	_ =	swait.ge [sflag:s20], $0x80  }
0x1c5: {  	[sflag:s20] =	ssyncset.done $0x0  }
0x1c6: {  	[sflag:s20] =	ssyncadd.s32 $0xFFFFFF80  }
0x1c7: {  	_ =	swait.ge [sflag:s20], $0x80  }
0x1c8: {  	[sflag:s20] =	ssyncset.done $0x0  }
0x1c9: {  	[sflag:s20] =	ssyncadd.s32 $0xFFFFFF80  }
0x1ca: {  	_ =	swait.ge [sflag:s20], $0x80  }
0x1cb: {  	[sflag:s20] =	ssyncset.done $0x0  }
0x1cc: {  	[sflag:s20] =	ssyncadd.s32 $0xFFFFFF80  }
0x1cd: {  	_ =	swait.ge [sflag:s20], $0x80  }
0x1ce: {  	[sflag:s20] =	ssyncset.done $0x0  }
0x1cf: {  	s21 =	simm.s32 @!p0 $0x80;
	s22 =	simm.s32 @!p0 $0x2C00;
	[sflag:s20] =	ssyncadd.s32 $0xFFFFFF80  }
0x1d0: {  	[spmem:s2] =	stream.indirect.scatter.add.f32 @!p0 [tilespmem:s22], [sflag:$0x1], $0x1, s8, s21, $0xb8;
	[tilespmem:$0x3180] =	vst v63  }
0x1d1: {  	s23 =	simm.s32 @!p0 $0x2480  }
0x1d2: {  	[spmem:s2] =	stream.indirect.scatter.add.f32 @!p0 [tilespmem:s22], [sflag:$0x1], $0x1, s23, s21, $0xb8;
	[tilespmem:$0x3180] =	vst v63  }
0x1d3: {  	s24 =	simm.s32 @!p0 $0x2500  }
0x1d4: {  	[spmem:s2] =	stream.indirect.scatter.add.f32 @!p0 [tilespmem:s22], [sflag:$0x1], $0x1, s24, s21, $0xb8;
	[tilespmem:$0x3180] =	vst v63  }
0x1d5: {  	s25 =	simm.s32 @!p0 $0x2580  }
0x1d6: {  	[spmem:s2] =	stream.indirect.scatter.add.f32 @!p0 [tilespmem:s22], [sflag:$0x1], $0x1, s25, s21, $0xb8;
	[tilespmem:$0x3180] =	vst v63  }
0x1d7: {  	s26 =	simm.s32 @!p0 $0x2600  }
0x1d8: {  	[spmem:s2] =	stream.indirect.scatter.add.f32 @!p0 [tilespmem:s22], [sflag:$0x1], $0x1, s26, s21, $0xb8;
	[tilespmem:$0x3180] =	vst v63  }
0x1d9: {  	s28 =	simm.s32 @!p0 $0x2680  }
0x1da: {  	[spmem:s2] =	stream.indirect.scatter.add.f32 @!p0 [tilespmem:s22], [sflag:$0x1], $0x1, s28, s21, $0xb8;
	[tilespmem:$0x3180] =	vst v63  }
0x1db: {  	s29 =	simm.s32 @!p0 $0x2700  }
0x1dc: {  	[spmem:s2] =	stream.indirect.scatter.add.f32 @!p0 [tilespmem:s22], [sflag:$0x1], $0x1, s29, s21, $0xb8;
	[tilespmem:$0x3180] =	vst v63  }
0x1dd: {  	s30 =	simm.s32 @!p0 $0x2780;
	s31 =	simm.s32 @!p0 $0x1  }
0x1de: {  	[spmem:s2] =	stream.indirect.scatter.add.f32 @!p0 [tilespmem:s22], [sflag:$0x1], $0x1, s30, s21, $0xb8;
	[tilespmem:$0x3180] =	vst v63  }
0x1df: {  	_ =	swait.ge @!p0 [sflag:s31], $0x80  }
0x1e0: {  	[sflag:s31] =	ssyncset.done @!p0 $0x0  }
0x1e1: {  	[sflag:s31] =	ssyncadd.s32 @!p0 $0xFFFFFF80  }
0x1e2: {  	_ =	swait.ge @!p0 [sflag:s31], $0x80  }
0x1e3: {  	[sflag:s31] =	ssyncset.done @!p0 $0x0  }
0x1e4: {  	[sflag:s31] =	ssyncadd.s32 @!p0 $0xFFFFFF80  }
0x1e5: {  	_ =	swait.ge @!p0 [sflag:s31], $0x80  }
0x1e6: {  	[sflag:s31] =	ssyncset.done @!p0 $0x0  }
0x1e7: {  	[sflag:s31] =	ssyncadd.s32 @!p0 $0xFFFFFF80  }
0x1e8: {  	_ =	swait.ge @!p0 [sflag:s31], $0x80  }
0x1e9: {  	[sflag:s31] =	ssyncset.done @!p0 $0x0  }
0x1ea: {  	[sflag:s31] =	ssyncadd.s32 @!p0 $0xFFFFFF80  }
0x1eb: {  	_ =	swait.ge @!p0 [sflag:s31], $0x80  }
0x1ec: {  	[sflag:s31] =	ssyncset.done @!p0 $0x0  }
0x1ed: {  	[sflag:s31] =	ssyncadd.s32 @!p0 $0xFFFFFF80  }
0x1ee: {  	_ =	swait.ge @!p0 [sflag:s31], $0x80  }
0x1ef: {  	[sflag:s31] =	ssyncset.done @!p0 $0x0  }
0x1f0: {  	p4 =	por @!p0 $0x0, $0x0;
	[sflag:s31] =	ssyncadd.s32 @!p0 $0xFFFFFF80  }
0x1f1: {  	p3 =	por !p2, p0;
	p5 =	por @!p1 $0x1, $0x1;
	_ =	swait.ge @!p0 [sflag:s31], $0x80  }
0x1f2: {  	p2 =	por $0x0, $0x0;
	p5 =	por @!p3 p4, p4;
	[sflag:s31] =	ssyncset.done @!p0 $0x0  }
0x1f3: {  	p2 =	por @!p0 p5, p5;
	[sflag:s31] =	ssyncadd.s32 @!p0 $0xFFFFFF80  }
0x1f4: {  	s1 =	simm.s32 @p2 $0x80;
	_ =	swait.ge @!p0 [sflag:s31], $0x80  }
0x1f5: {  	s0 =	simm.s32 @p2 $0x2C00;
	s11 =	ssub.s32 $0x2, s7;
	[sflag:s31] =	ssyncset.done @!p0 $0x0  }
0x1f6: {  	s17 =	sshrl.u32 s11, $0x1;
	s10 =	rddreg [dreg:$0x6];
	[sflag:s31] =	ssyncadd.s32 @!p0 $0xFFFFFF80  }
0x1f7: {  	[spmem:s2] =	stream.indirect.scatter.add.f32 @p2 [tilespmem:s0], [sflag:$0x1], $0x1, s10, s1, $0xb8;
	[tilespmem:$0x3180] =	vst v63  }
0x1f8: {  	s10 =	ssub.s32 s11, s17  }
0x1f9: {  	s10 =	smax.u32 s10, $0x1  }
0x1fa: {  	s10 =	sadd.s32 $0xFFFFFFFF, s10  }
0x1fb: {  	s7 =	simm.s32 @p2 $0x1;
	p3 =	sne.s32 s10, $0x0  }
.Ltmp0:
0x1fc: {  	_ =	swait.ge @p2 [sflag:s7], $0x80;
	(pc) =	sbr.rel @!p3 .LBB2_2-.Ltmp0, $4  }
0x1fd: {  	[sflag:s7] =	ssyncset.done @p2 $0x0  }
0x1fe: {  	[sflag:s7] =	ssyncadd.s32 @p2 $0xFFFFFF80  }
0x1ff: {  	[bflag:$0x0] =	sbarrier.arrive $0xFFFF  }
0x200: {  	[tilespmem:s5], [sflag:$0x2] =	stream.linear.gather [spmem:s6], $0x280, $0x38;
	[tilespmem:$0x3180] =	vst v63  }
.LBB2_1:
0x201: {  	_ =	swait.ge [sflag:s4], $0x280  }
0x202: {  	[sflag:s4] =	ssyncset.done $0x0  }
0x203: {  	s11 =	rddreg [dreg:$0x7];
	[sflag:s4] =	ssyncadd.s32 $0xFFFFFD80  }
0x204: {  	[hbm4b:s11+s12] =	stream.strided.scatter [tilespmem:s5], [sflag:$0x2], $0x280, s14, s12, $0x38;
	[tilespmem:$0x3180] =	vst v63  }
0x205: {  	_ =	swait.ge [sflag:s4], $0x280  }
0x206: {  	[sflag:s4] =	ssyncset.done $0x0  }
0x207: {  	[sflag:s4] =	ssyncadd.s32 $0xFFFFFD80  }
0x208: {  	[tilespmem:$0x2D10] =	vst v0  }
0x209: {  	[tilespmem:$0x2D20] =	vst v0  }
0x20a: {  	[tilespmem:$0x2D30] =	vst v0  }
0x20b: {  	[tilespmem:$0x2D40] =	vst v0  }
0x20c: {  	[tilespmem:$0x2D50] =	vst v0  }
0x20d: {  	[tilespmem:$0x2D60] =	vst v0  }
0x20e: {  	[tilespmem:$0x2D70] =	vst v0  }
0x20f: {  	[tilespmem:$0x2D80] =	vst v0  }
0x210: {  	[tilespmem:$0x2D90] =	vst v0  }
0x211: {  	[tilespmem:$0x2DA0] =	vst v0  }
0x212: {  	[tilespmem:$0x2DB0] =	vst v0  }
0x213: {  	[tilespmem:$0x2C80] =	vst v0  }
0x214: {  	[tilespmem:$0x2EF0] =	vst v0  }
0x215: {  	[tilespmem:$0x2EE0] =	vst v0  }
0x216: {  	[tilespmem:$0x2ED0] =	vst v0  }
0x217: {  	[tilespmem:$0x2EC0] =	vst v0  }
0x218: {  	[tilespmem:$0x2EB0] =	vst v0  }
0x219: {  	[tilespmem:$0x2EA0] =	vst v0  }
0x21a: {  	[tilespmem:$0x2E90] =	vst v0  }
0x21b: {  	[tilespmem:$0x2E80] =	vst v0  }
0x21c: {  	[tilespmem:$0x2E70] =	vst v0  }
0x21d: {  	[tilespmem:$0x2E60] =	vst v0  }
0x21e: {  	[tilespmem:$0x2E50] =	vst v0  }
0x21f: {  	[tilespmem:$0x2E40] =	vst v0  }
0x220: {  	[tilespmem:$0x2E30] =	vst v0  }
0x221: {  	[tilespmem:$0x2E20] =	vst v0  }
0x222: {  	[tilespmem:$0x2E10] =	vst v0  }
0x223: {  	[tilespmem:$0x2E00] =	vst v0  }
0x224: {  	[tilespmem:$0x2DF0] =	vst v0  }
0x225: {  	[tilespmem:$0x2DE0] =	vst v0  }
0x226: {  	[tilespmem:$0x2DD0] =	vst v0  }
0x227: {  	[tilespmem:$0x2D00] =	vst v0  }
0x228: {  	[tilespmem:$0x2CF0] =	vst v0  }
0x229: {  	[tilespmem:$0x2CE0] =	vst v0  }
0x22a: {  	[tilespmem:$0x2CD0] =	vst v0  }
0x22b: {  	[tilespmem:$0x2CC0] =	vst v0  }
0x22c: {  	[tilespmem:$0x2CB0] =	vst v0  }
0x22d: {  	[tilespmem:$0x2CA0] =	vst v0  }
0x22e: {  	[tilespmem:$0x2DC0] =	vst v0  }
0x22f: {  	[tilespmem:$0x2C90] =	vst v0  }
0x230: {  	[spmem:s6] =	stream.linear.scatter [tilespmem:s5], [sflag:$0x2], $0x280, $0x38;
	[tilespmem:$0x3180] =	vst v63  }
0x231: {  	_ =	swait.ge [sflag:s4], $0x280  }
0x232: {  	[sflag:s4] =	ssyncset.done $0x0  }
0x233: {  	[sflag:s4] =	ssyncadd.s32 $0xFFFFFD80  }
0x234: {  	[tilespmem:$0x2C70] =	vst v1  }
0x235: {  	[tilespmem:$0x2C60] =	vst v1  }
0x236: {  	[tilespmem:$0x2C50] =	vst v1  }
0x237: {  	[tilespmem:$0x2C40] =	vst v1  }
0x238: {  	[tilespmem:$0x2C30] =	vst v1  }
0x239: {  	[tilespmem:$0x2C20] =	vst v1  }
0x23a: {  	[tilespmem:$0x2C00] =	vst v1  }
0x23b: {  	s17 =	rddreg [dreg:$0x3];
	[tilespmem:$0x2C10] =	vst v1  }
0x23c: {  	[tilespmem:s3], [sflag:$0x2] =	stream.linear.gather [hbm4b:s17+s3], $0x2400, $0x38;
	[tilespmem:$0x3180] =	vst v63  }
0x23d: {  	_ =	swait.ge [sflag:s4], $0x2400  }
0x23e: {  	[sflag:s4] =	ssyncset.done $0x0  }
0x23f: {  	s16 =	simm.s32 @!p0 $0x0;
	s11 =	rddreg [dreg:$0x4];
	[sflag:s4] =	ssyncadd.s32 $0xFFFFDC00  }
0x240: {  	[tilespmem:s8], [sflag:$0x2] =	stream.linear.gather @!p0 [hbm4b:s11+s16], $0x400, $0x38;
	[tilespmem:$0x3180] =	vst v63  }
0x241: {  	_ =	swait.ge @!p0 [sflag:s9], $0x400  }
0x242: {  	s17 =	simm.s32 @!p1 $0x2800;
	[sflag:s9] =	ssyncset.done @!p0 $0x0  }
0x243: {  	s16 =	simm.s32 @!p1 $0x0;
	s11 =	rddreg [dreg:$0x5];
	[sflag:s9] =	ssyncadd.s32 @!p0 $0xFFFFFC00  }
0x244: {  	[tilespmem:s17], [sflag:$0x2] =	stream.linear.gather @!p1 [hbm4b:s11+s16], $0x400, $0x38;
	[tilespmem:$0x3180] =	vst v63  }
0x245: {  	_ =	swait.ge @!p1 [sflag:s13], $0x400  }
0x246: {  	[sflag:s13] =	ssyncset.done @!p1 $0x0  }
0x247: {  	[sflag:s13] =	ssyncadd.s32 @!p1 $0xFFFFFC00  }
0x248: {  	[bflag:$0x0] =	sbarrier.arrive $0xFFFF  }
0x249: {  	[spmem:s2] =	stream.indirect.scatter.add.f32 [tilespmem:s15], [sflag:$0x1], $0x1, s3, s12, $0xb8;
	[tilespmem:$0x3180] =	vst v63  }
0x24a: {  	_ = 	snop  }
0x24b: {  	[spmem:s2] =	stream.indirect.scatter.add.f32 [tilespmem:s15], [sflag:$0x1], $0x1, s12, s12, $0xb8;
	[tilespmem:$0x3180] =	vst v63  }
0x24c: {  	s11 =	rddreg [dreg:$0x8]  }
0x24d: {  	[spmem:s2] =	stream.indirect.scatter.add.f32 [tilespmem:s15], [sflag:$0x1], $0x1, s14, s12, $0xb8;
	[tilespmem:$0x3180] =	vst v63  }
0x24e: {  	s16 =	rddreg [dreg:$0x9]  }
0x24f: {  	[spmem:s2] =	stream.indirect.scatter.add.f32 [tilespmem:s15], [sflag:$0x1], $0x1, s11, s12, $0xb8;
	[tilespmem:$0x3180] =	vst v63  }
0x250: {  	s17 =	rddreg [dreg:$0xa]  }
0x251: {  	[spmem:s2] =	stream.indirect.scatter.add.f32 [tilespmem:s15], [sflag:$0x1], $0x1, s16, s12, $0xb8;
	[tilespmem:$0x3180] =	vst v63  }
0x252: {  	s11 =	rddreg [dreg:$0xb]  }
0x253: {  	[spmem:s2] =	stream.indirect.scatter.add.f32 [tilespmem:s15], [sflag:$0x1], $0x1, s17, s12, $0xb8;
	[tilespmem:$0x3180] =	vst v63  }
0x254: {  	s16 =	rddreg [dreg:$0xc]  }
0x255: {  	[spmem:s2] =	stream.indirect.scatter.add.f32 [tilespmem:s15], [sflag:$0x1], $0x1, s11, s12, $0xb8;
	[tilespmem:$0x3180] =	vst v63  }
0x256: {  	s17 =	rddreg [dreg:$0xd]  }
0x257: {  	[spmem:s2] =	stream.indirect.scatter.add.f32 [tilespmem:s15], [sflag:$0x1], $0x1, s16, s12, $0xb8;
	[tilespmem:$0x3180] =	vst v63  }
0x258: {  	s11 =	rddreg [dreg:$0xe]  }
0x259: {  	[spmem:s2] =	stream.indirect.scatter.add.f32 [tilespmem:s15], [sflag:$0x1], $0x1, s17, s12, $0xb8;
	[tilespmem:$0x3180] =	vst v63  }
0x25a: {  	s16 =	rddreg [dreg:$0xf]  }
0x25b: {  	[spmem:s2] =	stream.indirect.scatter.add.f32 [tilespmem:s15], [sflag:$0x1], $0x1, s11, s12, $0xb8;
	[tilespmem:$0x3180] =	vst v63  }
0x25c: {  	s17 =	rddreg [dreg:$0x10]  }
0x25d: {  	[spmem:s2] =	stream.indirect.scatter.add.f32 [tilespmem:s15], [sflag:$0x1], $0x1, s16, s12, $0xb8;
	[tilespmem:$0x3180] =	vst v63  }
0x25e: {  	s11 =	rddreg [dreg:$0x11]  }
0x25f: {  	[spmem:s2] =	stream.indirect.scatter.add.f32 [tilespmem:s15], [sflag:$0x1], $0x1, s17, s12, $0xb8;
	[tilespmem:$0x3180] =	vst v63  }
0x260: {  	s16 =	rddreg [dreg:$0x12]  }
0x261: {  	[spmem:s2] =	stream.indirect.scatter.add.f32 [tilespmem:s15], [sflag:$0x1], $0x1, s11, s12, $0xb8;
	[tilespmem:$0x3180] =	vst v63  }
0x262: {  	s17 =	rddreg [dreg:$0x13]  }
0x263: {  	[spmem:s2] =	stream.indirect.scatter.add.f32 [tilespmem:s15], [sflag:$0x1], $0x1, s16, s12, $0xb8;
	[tilespmem:$0x3180] =	vst v63  }
0x264: {  	s11 =	rddreg [dreg:$0x14]  }
0x265: {  	[spmem:s2] =	stream.indirect.scatter.add.f32 [tilespmem:s15], [sflag:$0x1], $0x1, s17, s12, $0xb8;
	[tilespmem:$0x3180] =	vst v63  }
0x266: {  	s16 =	rddreg [dreg:$0x15]  }
0x267: {  	[spmem:s2] =	stream.indirect.scatter.add.f32 [tilespmem:s15], [sflag:$0x1], $0x1, s11, s12, $0xb8;
	[tilespmem:$0x3180] =	vst v63  }
0x268: {  	s17 =	rddreg [dreg:$0x16]  }
0x269: {  	[spmem:s2] =	stream.indirect.scatter.add.f32 [tilespmem:s15], [sflag:$0x1], $0x1, s16, s12, $0xb8;
	[tilespmem:$0x3180] =	vst v63  }
0x26a: {  	s11 =	rddreg [dreg:$0x17]  }
0x26b: {  	[spmem:s2] =	stream.indirect.scatter.add.f32 [tilespmem:s15], [sflag:$0x1], $0x1, s17, s12, $0xb8;
	[tilespmem:$0x3180] =	vst v63  }
0x26c: {  	s16 =	rddreg [dreg:$0x18]  }
0x26d: {  	[spmem:s2] =	stream.indirect.scatter.add.f32 [tilespmem:s15], [sflag:$0x1], $0x1, s11, s12, $0xb8;
	[tilespmem:$0x3180] =	vst v63  }
0x26e: {  	s17 =	rddreg [dreg:$0x19]  }
0x26f: {  	[spmem:s2] =	stream.indirect.scatter.add.f32 [tilespmem:s15], [sflag:$0x1], $0x1, s16, s12, $0xb8;
	[tilespmem:$0x3180] =	vst v63  }
0x270: {  	s11 =	rddreg [dreg:$0x1a]  }
0x271: {  	[spmem:s2] =	stream.indirect.scatter.add.f32 [tilespmem:s15], [sflag:$0x1], $0x1, s17, s12, $0xb8;
	[tilespmem:$0x3180] =	vst v63  }
0x272: {  	s16 =	rddreg [dreg:$0x1b]  }
0x273: {  	[spmem:s2] =	stream.indirect.scatter.add.f32 [tilespmem:s15], [sflag:$0x1], $0x1, s11, s12, $0xb8;
	[tilespmem:$0x3180] =	vst v63  }
0x274: {  	s17 =	rddreg [dreg:$0x1c]  }
0x275: {  	[spmem:s2] =	stream.indirect.scatter.add.f32 [tilespmem:s15], [sflag:$0x1], $0x1, s16, s12, $0xb8;
	[tilespmem:$0x3180] =	vst v63  }
0x276: {  	s11 =	rddreg [dreg:$0x1d]  }
0x277: {  	[spmem:s2] =	stream.indirect.scatter.add.f32 [tilespmem:s15], [sflag:$0x1], $0x1, s17, s12, $0xb8;
	[tilespmem:$0x3180] =	vst v63  }
0x278: {  	s16 =	rddreg [dreg:$0x1e]  }
0x279: {  	[spmem:s2] =	stream.indirect.scatter.add.f32 [tilespmem:s15], [sflag:$0x1], $0x1, s11, s12, $0xb8;
	[tilespmem:$0x3180] =	vst v63  }
0x27a: {  	s17 =	rddreg [dreg:$0x1f]  }
0x27b: {  	[spmem:s2] =	stream.indirect.scatter.add.f32 [tilespmem:s15], [sflag:$0x1], $0x1, s16, s12, $0xb8;
	[tilespmem:$0x3180] =	vst v63  }
0x27c: {  	s11 =	sld [smem:$0x7D5]  }
0x27d: {  	[spmem:s2] =	stream.indirect.scatter.add.f32 [tilespmem:s15], [sflag:$0x1], $0x1, s17, s12, $0xb8;
	[tilespmem:$0x3180] =	vst v63  }
0x27e: {  	s16 =	sld [smem:$0x7D6]  }
0x27f: {  	[spmem:s2] =	stream.indirect.scatter.add.f32 [tilespmem:s15], [sflag:$0x1], $0x1, s11, s12, $0xb8;
	[tilespmem:$0x3180] =	vst v63  }
0x280: {  	s17 =	sld [smem:$0x7D7]  }
0x281: {  	[spmem:s2] =	stream.indirect.scatter.add.f32 [tilespmem:s15], [sflag:$0x1], $0x1, s16, s12, $0xb8;
	[tilespmem:$0x3180] =	vst v63  }
0x282: {  	s11 =	sld [smem:$0x7D8]  }
0x283: {  	[spmem:s2] =	stream.indirect.scatter.add.f32 [tilespmem:s15], [sflag:$0x1], $0x1, s17, s12, $0xb8;
	[tilespmem:$0x3180] =	vst v63  }
0x284: {  	s16 =	sld [smem:$0x7D9]  }
0x285: {  	[spmem:s2] =	stream.indirect.scatter.add.f32 [tilespmem:s15], [sflag:$0x1], $0x1, s11, s12, $0xb8;
	[tilespmem:$0x3180] =	vst v63  }
0x286: {  	s17 =	sld [smem:$0x7DA]  }
0x287: {  	[spmem:s2] =	stream.indirect.scatter.add.f32 [tilespmem:s15], [sflag:$0x1], $0x1, s16, s12, $0xb8;
	[tilespmem:$0x3180] =	vst v63  }
0x288: {  	s11 =	sld [smem:$0x7DB]  }
0x289: {  	[spmem:s2] =	stream.indirect.scatter.add.f32 [tilespmem:s15], [sflag:$0x1], $0x1, s17, s12, $0xb8;
	[tilespmem:$0x3180] =	vst v63  }
0x28a: {  	s16 =	sld [smem:$0x7DC]  }
0x28b: {  	[spmem:s2] =	stream.indirect.scatter.add.f32 [tilespmem:s15], [sflag:$0x1], $0x1, s11, s12, $0xb8;
	[tilespmem:$0x3180] =	vst v63  }
0x28c: {  	s17 =	sld [smem:$0x7DD]  }
0x28d: {  	[spmem:s2] =	stream.indirect.scatter.add.f32 [tilespmem:s15], [sflag:$0x1], $0x1, s16, s12, $0xb8;
	[tilespmem:$0x3180] =	vst v63  }
0x28e: {  	s11 =	sld [smem:$0x7DE]  }
0x28f: {  	[spmem:s2] =	stream.indirect.scatter.add.f32 [tilespmem:s15], [sflag:$0x1], $0x1, s17, s12, $0xb8;
	[tilespmem:$0x3180] =	vst v63  }
0x290: {  	s16 =	sld [smem:$0x7DF]  }
0x291: {  	[spmem:s2] =	stream.indirect.scatter.add.f32 [tilespmem:s15], [sflag:$0x1], $0x1, s11, s12, $0xb8;
	[tilespmem:$0x3180] =	vst v63  }
0x292: {  	s17 =	sld [smem:$0x7E0]  }
0x293: {  	[spmem:s2] =	stream.indirect.scatter.add.f32 [tilespmem:s15], [sflag:$0x1], $0x1, s16, s12, $0xb8;
	[tilespmem:$0x3180] =	vst v63  }
0x294: {  	s11 =	sld [smem:$0x7E1]  }
0x295: {  	[spmem:s2] =	stream.indirect.scatter.add.f32 [tilespmem:s15], [sflag:$0x1], $0x1, s17, s12, $0xb8;
	[tilespmem:$0x3180] =	vst v63  }
0x296: {  	s16 =	sld [smem:$0x7E2]  }
0x297: {  	[spmem:s2] =	stream.indirect.scatter.add.f32 [tilespmem:s15], [sflag:$0x1], $0x1, s11, s12, $0xb8;
	[tilespmem:$0x3180] =	vst v63  }
0x298: {  	s17 =	sld [smem:$0x7E3]  }
0x299: {  	[spmem:s2] =	stream.indirect.scatter.add.f32 [tilespmem:s15], [sflag:$0x1], $0x1, s16, s12, $0xb8;
	[tilespmem:$0x3180] =	vst v63  }
0x29a: {  	s11 =	sld [smem:$0x7E4]  }
0x29b: {  	[spmem:s2] =	stream.indirect.scatter.add.f32 [tilespmem:s15], [sflag:$0x1], $0x1, s17, s12, $0xb8;
	[tilespmem:$0x3180] =	vst v63  }
0x29c: {  	s16 =	sld [smem:$0x7E5]  }
0x29d: {  	[spmem:s2] =	stream.indirect.scatter.add.f32 [tilespmem:s15], [sflag:$0x1], $0x1, s11, s12, $0xb8;
	[tilespmem:$0x3180] =	vst v63  }
0x29e: {  	s17 =	sld [smem:$0x7E6]  }
0x29f: {  	[spmem:s2] =	stream.indirect.scatter.add.f32 [tilespmem:s15], [sflag:$0x1], $0x1, s16, s12, $0xb8;
	[tilespmem:$0x3180] =	vst v63  }
0x2a0: {  	s11 =	sld [smem:$0x7E7]  }
0x2a1: {  	[spmem:s2] =	stream.indirect.scatter.add.f32 [tilespmem:s15], [sflag:$0x1], $0x1, s17, s12, $0xb8;
	[tilespmem:$0x3180] =	vst v63  }
0x2a2: {  	s16 =	sld [smem:$0x7E8]  }
0x2a3: {  	[spmem:s2] =	stream.indirect.scatter.add.f32 [tilespmem:s15], [sflag:$0x1], $0x1, s11, s12, $0xb8;
	[tilespmem:$0x3180] =	vst v63  }
0x2a4: {  	s17 =	sld [smem:$0x7E9]  }
0x2a5: {  	[spmem:s2] =	stream.indirect.scatter.add.f32 [tilespmem:s15], [sflag:$0x1], $0x1, s16, s12, $0xb8;
	[tilespmem:$0x3180] =	vst v63  }
0x2a6: {  	s11 =	sld [smem:$0x7EA]  }
0x2a7: {  	[spmem:s2] =	stream.indirect.scatter.add.f32 [tilespmem:s15], [sflag:$0x1], $0x1, s17, s12, $0xb8;
	[tilespmem:$0x3180] =	vst v63  }
0x2a8: {  	s16 =	sld [smem:$0x7EB]  }
0x2a9: {  	[spmem:s2] =	stream.indirect.scatter.add.f32 [tilespmem:s15], [sflag:$0x1], $0x1, s11, s12, $0xb8;
	[tilespmem:$0x3180] =	vst v63  }
0x2aa: {  	s17 =	sld [smem:$0x7EC]  }
0x2ab: {  	[spmem:s2] =	stream.indirect.scatter.add.f32 [tilespmem:s15], [sflag:$0x1], $0x1, s16, s12, $0xb8;
	[tilespmem:$0x3180] =	vst v63  }
0x2ac: {  	s11 =	sld [smem:$0x7ED]  }
0x2ad: {  	[spmem:s2] =	stream.indirect.scatter.add.f32 [tilespmem:s15], [sflag:$0x1], $0x1, s17, s12, $0xb8;
	[tilespmem:$0x3180] =	vst v63  }
0x2ae: {  	s16 =	sld [smem:$0x7EE]  }
0x2af: {  	[spmem:s2] =	stream.indirect.scatter.add.f32 [tilespmem:s15], [sflag:$0x1], $0x1, s11, s12, $0xb8;
	[tilespmem:$0x3180] =	vst v63  }
0x2b0: {  	s17 =	sld [smem:$0x7EF]  }
0x2b1: {  	[spmem:s2] =	stream.indirect.scatter.add.f32 [tilespmem:s15], [sflag:$0x1], $0x1, s16, s12, $0xb8;
	[tilespmem:$0x3180] =	vst v63  }
0x2b2: {  	s11 =	sld [smem:$0x7F0]  }
0x2b3: {  	[spmem:s2] =	stream.indirect.scatter.add.f32 [tilespmem:s15], [sflag:$0x1], $0x1, s17, s12, $0xb8;
	[tilespmem:$0x3180] =	vst v63  }
0x2b4: {  	s16 =	sld [smem:$0x7F1]  }
0x2b5: {  	[spmem:s2] =	stream.indirect.scatter.add.f32 [tilespmem:s15], [sflag:$0x1], $0x1, s11, s12, $0xb8;
	[tilespmem:$0x3180] =	vst v63  }
0x2b6: {  	s17 =	sld [smem:$0x7F2]  }
0x2b7: {  	[spmem:s2] =	stream.indirect.scatter.add.f32 [tilespmem:s15], [sflag:$0x1], $0x1, s16, s12, $0xb8;
	[tilespmem:$0x3180] =	vst v63  }
0x2b8: {  	s11 =	sld [smem:$0x7F3]  }
0x2b9: {  	[spmem:s2] =	stream.indirect.scatter.add.f32 [tilespmem:s15], [sflag:$0x1], $0x1, s17, s12, $0xb8;
	[tilespmem:$0x3180] =	vst v63  }
0x2ba: {  	s16 =	sld [smem:$0x7F4]  }
0x2bb: {  	[spmem:s2] =	stream.indirect.scatter.add.f32 [tilespmem:s15], [sflag:$0x1], $0x1, s11, s12, $0xb8;
	[tilespmem:$0x3180] =	vst v63  }
0x2bc: {  	s17 =	sld [smem:$0x7F5]  }
0x2bd: {  	[spmem:s2] =	stream.indirect.scatter.add.f32 [tilespmem:s15], [sflag:$0x1], $0x1, s16, s12, $0xb8;
	[tilespmem:$0x3180] =	vst v63  }
0x2be: {  	s11 =	sld [smem:$0x7F6]  }
0x2bf: {  	[spmem:s2] =	stream.indirect.scatter.add.f32 [tilespmem:s15], [sflag:$0x1], $0x1, s17, s12, $0xb8;
	[tilespmem:$0x3180] =	vst v63  }
0x2c0: {  	s16 =	sld [smem:$0x7F7]  }
0x2c1: {  	[spmem:s2] =	stream.indirect.scatter.add.f32 [tilespmem:s15], [sflag:$0x1], $0x1, s11, s12, $0xb8;
	[tilespmem:$0x3180] =	vst v63  }
0x2c2: {  	s17 =	sld [smem:$0x7F8]  }
0x2c3: {  	[spmem:s2] =	stream.indirect.scatter.add.f32 [tilespmem:s15], [sflag:$0x1], $0x1, s16, s12, $0xb8;
	[tilespmem:$0x3180] =	vst v63  }
0x2c4: {  	s11 =	sld [smem:$0x7F9]  }
0x2c5: {  	[spmem:s2] =	stream.indirect.scatter.add.f32 [tilespmem:s15], [sflag:$0x1], $0x1, s17, s12, $0xb8;
	[tilespmem:$0x3180] =	vst v63  }
0x2c6: {  	s16 =	sld [smem:$0x7FA]  }
0x2c7: {  	[spmem:s2] =	stream.indirect.scatter.add.f32 [tilespmem:s15], [sflag:$0x1], $0x1, s11, s12, $0xb8;
	[tilespmem:$0x3180] =	vst v63  }
0x2c8: {  	s17 =	sld [smem:$0x7FB]  }
0x2c9: {  	[spmem:s2] =	stream.indirect.scatter.add.f32 [tilespmem:s15], [sflag:$0x1], $0x1, s16, s12, $0xb8;
	[tilespmem:$0x3180] =	vst v63  }
0x2ca: {  	s11 =	sld [smem:$0x7FC]  }
0x2cb: {  	[spmem:s2] =	stream.indirect.scatter.add.f32 [tilespmem:s15], [sflag:$0x1], $0x1, s17, s12, $0xb8;
	[tilespmem:$0x3180] =	vst v63  }
0x2cc: {  	s16 =	sld [smem:$0x7FD]  }
0x2cd: {  	[spmem:s2] =	stream.indirect.scatter.add.f32 [tilespmem:s15], [sflag:$0x1], $0x1, s11, s12, $0xb8;
	[tilespmem:$0x3180] =	vst v63  }
0x2ce: {  	_ = 	snop  }
0x2cf: {  	[spmem:s2] =	stream.indirect.scatter.add.f32 [tilespmem:s15], [sflag:$0x1], $0x1, s16, s12, $0xb8;
	[tilespmem:$0x3180] =	vst v63  }
0x2d0: {  	s16 =	simm.s32 $0x2200  }
0x2d1: {  	[spmem:s2] =	stream.indirect.scatter.add.f32 [tilespmem:s15], [sflag:$0x1], $0x1, s16, s12, $0xb8;
	[tilespmem:$0x3180] =	vst v63  }
0x2d2: {  	s17 =	simm.s32 $0x2280  }
0x2d3: {  	[spmem:s2] =	stream.indirect.scatter.add.f32 [tilespmem:s15], [sflag:$0x1], $0x1, s17, s12, $0xb8;
	[tilespmem:$0x3180] =	vst v63  }
0x2d4: {  	_ = 	snop  }
0x2d5: {  	[spmem:s2] =	stream.indirect.scatter.add.f32 [tilespmem:s15], [sflag:$0x1], $0x1, s18, s12, $0xb8;
	[tilespmem:$0x3180] =	vst v63  }
0x2d6: {  	_ = 	snop  }
0x2d7: {  	[spmem:s2] =	stream.indirect.scatter.add.f32 [tilespmem:s15], [sflag:$0x1], $0x1, s19, s12, $0xb8;
	[tilespmem:$0x3180] =	vst v63  }
0x2d8: {  	_ =	swait.ge [sflag:s20], $0x80  }
0x2d9: {  	[sflag:s20] =	ssyncset.done $0x0  }
0x2da: {  	[sflag:s20] =	ssyncadd.s32 $0xFFFFFF80  }
0x2db: {  	_ =	swait.ge [sflag:s20], $0x80  }
0x2dc: {  	[sflag:s20] =	ssyncset.done $0x0  }
0x2dd: {  	[sflag:s20] =	ssyncadd.s32 $0xFFFFFF80  }
0x2de: {  	_ =	swait.ge [sflag:s20], $0x80  }
0x2df: {  	[sflag:s20] =	ssyncset.done $0x0  }
0x2e0: {  	[sflag:s20] =	ssyncadd.s32 $0xFFFFFF80  }
0x2e1: {  	_ =	swait.ge [sflag:s20], $0x80  }
0x2e2: {  	[sflag:s20] =	ssyncset.done $0x0  }
0x2e3: {  	[sflag:s20] =	ssyncadd.s32 $0xFFFFFF80  }
0x2e4: {  	_ =	swait.ge [sflag:s20], $0x80  }
0x2e5: {  	[sflag:s20] =	ssyncset.done $0x0  }
0x2e6: {  	[sflag:s20] =	ssyncadd.s32 $0xFFFFFF80  }
0x2e7: {  	_ =	swait.ge [sflag:s20], $0x80  }
0x2e8: {  	[sflag:s20] =	ssyncset.done $0x0  }
0x2e9: {  	[sflag:s20] =	ssyncadd.s32 $0xFFFFFF80  }
0x2ea: {  	_ =	swait.ge [sflag:s20], $0x80  }
0x2eb: {  	[sflag:s20] =	ssyncset.done $0x0  }
0x2ec: {  	[sflag:s20] =	ssyncadd.s32 $0xFFFFFF80  }
0x2ed: {  	_ =	swait.ge [sflag:s20], $0x80  }
0x2ee: {  	[sflag:s20] =	ssyncset.done $0x0  }
0x2ef: {  	[sflag:s20] =	ssyncadd.s32 $0xFFFFFF80  }
0x2f0: {  	_ =	swait.ge [sflag:s20], $0x80  }
0x2f1: {  	[sflag:s20] =	ssyncset.done $0x0  }
0x2f2: {  	[sflag:s20] =	ssyncadd.s32 $0xFFFFFF80  }
0x2f3: {  	_ =	swait.ge [sflag:s20], $0x80  }
0x2f4: {  	[sflag:s20] =	ssyncset.done $0x0  }
0x2f5: {  	[sflag:s20] =	ssyncadd.s32 $0xFFFFFF80  }
0x2f6: {  	_ =	swait.ge [sflag:s20], $0x80  }
0x2f7: {  	[sflag:s20] =	ssyncset.done $0x0  }
0x2f8: {  	[sflag:s20] =	ssyncadd.s32 $0xFFFFFF80  }
0x2f9: {  	_ =	swait.ge [sflag:s20], $0x80  }
0x2fa: {  	[sflag:s20] =	ssyncset.done $0x0  }
0x2fb: {  	[sflag:s20] =	ssyncadd.s32 $0xFFFFFF80  }
0x2fc: {  	_ =	swait.ge [sflag:s20], $0x80  }
0x2fd: {  	[sflag:s20] =	ssyncset.done $0x0  }
0x2fe: {  	[sflag:s20] =	ssyncadd.s32 $0xFFFFFF80  }
0x2ff: {  	_ =	swait.ge [sflag:s20], $0x80  }
0x300: {  	[sflag:s20] =	ssyncset.done $0x0  }
0x301: {  	[sflag:s20] =	ssyncadd.s32 $0xFFFFFF80  }
0x302: {  	_ =	swait.ge [sflag:s20], $0x80  }
0x303: {  	[sflag:s20] =	ssyncset.done $0x0  }
0x304: {  	[sflag:s20] =	ssyncadd.s32 $0xFFFFFF80  }
0x305: {  	_ =	swait.ge [sflag:s20], $0x80  }
0x306: {  	[sflag:s20] =	ssyncset.done $0x0  }
0x307: {  	[sflag:s20] =	ssyncadd.s32 $0xFFFFFF80  }
0x308: {  	_ =	swait.ge [sflag:s20], $0x80  }
0x309: {  	[sflag:s20] =	ssyncset.done $0x0  }
0x30a: {  	[sflag:s20] =	ssyncadd.s32 $0xFFFFFF80  }
0x30b: {  	_ =	swait.ge [sflag:s20], $0x80  }
0x30c: {  	[sflag:s20] =	ssyncset.done $0x0  }
0x30d: {  	[sflag:s20] =	ssyncadd.s32 $0xFFFFFF80  }
0x30e: {  	_ =	swait.ge [sflag:s20], $0x80  }
0x30f: {  	[sflag:s20] =	ssyncset.done $0x0  }
0x310: {  	[sflag:s20] =	ssyncadd.s32 $0xFFFFFF80  }
0x311: {  	_ =	swait.ge [sflag:s20], $0x80  }
0x312: {  	[sflag:s20] =	ssyncset.done $0x0  }
0x313: {  	[sflag:s20] =	ssyncadd.s32 $0xFFFFFF80  }
0x314: {  	_ =	swait.ge [sflag:s20], $0x80  }
0x315: {  	[sflag:s20] =	ssyncset.done $0x0  }
0x316: {  	[sflag:s20] =	ssyncadd.s32 $0xFFFFFF80  }
0x317: {  	_ =	swait.ge [sflag:s20], $0x80  }
0x318: {  	[sflag:s20] =	ssyncset.done $0x0  }
0x319: {  	[sflag:s20] =	ssyncadd.s32 $0xFFFFFF80  }
0x31a: {  	_ =	swait.ge [sflag:s20], $0x80  }
0x31b: {  	[sflag:s20] =	ssyncset.done $0x0  }
0x31c: {  	[sflag:s20] =	ssyncadd.s32 $0xFFFFFF80  }
0x31d: {  	_ =	swait.ge [sflag:s20], $0x80  }
0x31e: {  	[sflag:s20] =	ssyncset.done $0x0  }
0x31f: {  	[sflag:s20] =	ssyncadd.s32 $0xFFFFFF80  }
0x320: {  	_ =	swait.ge [sflag:s20], $0x80  }
0x321: {  	[sflag:s20] =	ssyncset.done $0x0  }
0x322: {  	[sflag:s20] =	ssyncadd.s32 $0xFFFFFF80  }
0x323: {  	_ =	swait.ge [sflag:s20], $0x80  }
0x324: {  	[sflag:s20] =	ssyncset.done $0x0  }
0x325: {  	[sflag:s20] =	ssyncadd.s32 $0xFFFFFF80  }
0x326: {  	_ =	swait.ge [sflag:s20], $0x80  }
0x327: {  	[sflag:s20] =	ssyncset.done $0x0  }
0x328: {  	[sflag:s20] =	ssyncadd.s32 $0xFFFFFF80  }
0x329: {  	_ =	swait.ge [sflag:s20], $0x80  }
0x32a: {  	[sflag:s20] =	ssyncset.done $0x0  }
0x32b: {  	[sflag:s20] =	ssyncadd.s32 $0xFFFFFF80  }
0x32c: {  	_ =	swait.ge [sflag:s20], $0x80  }
0x32d: {  	[sflag:s20] =	ssyncset.done $0x0  }
0x32e: {  	[sflag:s20] =	ssyncadd.s32 $0xFFFFFF80  }
0x32f: {  	_ =	swait.ge [sflag:s20], $0x80  }
0x330: {  	[sflag:s20] =	ssyncset.done $0x0  }
0x331: {  	[sflag:s20] =	ssyncadd.s32 $0xFFFFFF80  }
0x332: {  	_ =	swait.ge [sflag:s20], $0x80  }
0x333: {  	[sflag:s20] =	ssyncset.done $0x0  }
0x334: {  	[sflag:s20] =	ssyncadd.s32 $0xFFFFFF80  }
0x335: {  	_ =	swait.ge [sflag:s20], $0x80  }
0x336: {  	[sflag:s20] =	ssyncset.done $0x0  }
0x337: {  	[sflag:s20] =	ssyncadd.s32 $0xFFFFFF80  }
0x338: {  	_ =	swait.ge [sflag:s20], $0x80  }
0x339: {  	[sflag:s20] =	ssyncset.done $0x0  }
0x33a: {  	[sflag:s20] =	ssyncadd.s32 $0xFFFFFF80  }
0x33b: {  	_ =	swait.ge [sflag:s20], $0x80  }
0x33c: {  	[sflag:s20] =	ssyncset.done $0x0  }
0x33d: {  	[sflag:s20] =	ssyncadd.s32 $0xFFFFFF80  }
0x33e: {  	_ =	swait.ge [sflag:s20], $0x80  }
0x33f: {  	[sflag:s20] =	ssyncset.done $0x0  }
0x340: {  	[sflag:s20] =	ssyncadd.s32 $0xFFFFFF80  }
0x341: {  	_ =	swait.ge [sflag:s20], $0x80  }
0x342: {  	[sflag:s20] =	ssyncset.done $0x0  }
0x343: {  	[sflag:s20] =	ssyncadd.s32 $0xFFFFFF80  }
0x344: {  	_ =	swait.ge [sflag:s20], $0x80  }
0x345: {  	[sflag:s20] =	ssyncset.done $0x0  }
0x346: {  	[sflag:s20] =	ssyncadd.s32 $0xFFFFFF80  }
0x347: {  	_ =	swait.ge [sflag:s20], $0x80  }
0x348: {  	[sflag:s20] =	ssyncset.done $0x0  }
0x349: {  	[sflag:s20] =	ssyncadd.s32 $0xFFFFFF80  }
0x34a: {  	_ =	swait.ge [sflag:s20], $0x80  }
0x34b: {  	[sflag:s20] =	ssyncset.done $0x0  }
0x34c: {  	[sflag:s20] =	ssyncadd.s32 $0xFFFFFF80  }
0x34d: {  	_ =	swait.ge [sflag:s20], $0x80  }
0x34e: {  	[sflag:s20] =	ssyncset.done $0x0  }
0x34f: {  	[sflag:s20] =	ssyncadd.s32 $0xFFFFFF80  }
0x350: {  	_ =	swait.ge [sflag:s20], $0x80  }
0x351: {  	[sflag:s20] =	ssyncset.done $0x0  }
0x352: {  	[sflag:s20] =	ssyncadd.s32 $0xFFFFFF80  }
0x353: {  	_ =	swait.ge [sflag:s20], $0x80  }
0x354: {  	[sflag:s20] =	ssyncset.done $0x0  }
0x355: {  	[sflag:s20] =	ssyncadd.s32 $0xFFFFFF80  }
0x356: {  	_ =	swait.ge [sflag:s20], $0x80  }
0x357: {  	[sflag:s20] =	ssyncset.done $0x0  }
0x358: {  	[sflag:s20] =	ssyncadd.s32 $0xFFFFFF80  }
0x359: {  	_ =	swait.ge [sflag:s20], $0x80  }
0x35a: {  	[sflag:s20] =	ssyncset.done $0x0  }
0x35b: {  	[sflag:s20] =	ssyncadd.s32 $0xFFFFFF80  }
0x35c: {  	_ =	swait.ge [sflag:s20], $0x80  }
0x35d: {  	[sflag:s20] =	ssyncset.done $0x0  }
0x35e: {  	[sflag:s20] =	ssyncadd.s32 $0xFFFFFF80  }
0x35f: {  	_ =	swait.ge [sflag:s20], $0x80  }
0x360: {  	[sflag:s20] =	ssyncset.done $0x0  }
0x361: {  	[sflag:s20] =	ssyncadd.s32 $0xFFFFFF80  }
0x362: {  	_ =	swait.ge [sflag:s20], $0x80  }
0x363: {  	[sflag:s20] =	ssyncset.done $0x0  }
0x364: {  	[sflag:s20] =	ssyncadd.s32 $0xFFFFFF80  }
0x365: {  	_ =	swait.ge [sflag:s20], $0x80  }
0x366: {  	[sflag:s20] =	ssyncset.done $0x0  }
0x367: {  	[sflag:s20] =	ssyncadd.s32 $0xFFFFFF80  }
0x368: {  	_ =	swait.ge [sflag:s20], $0x80  }
0x369: {  	[sflag:s20] =	ssyncset.done $0x0  }
0x36a: {  	[sflag:s20] =	ssyncadd.s32 $0xFFFFFF80  }
0x36b: {  	_ =	swait.ge [sflag:s20], $0x80  }
0x36c: {  	[sflag:s20] =	ssyncset.done $0x0  }
0x36d: {  	[sflag:s20] =	ssyncadd.s32 $0xFFFFFF80  }
0x36e: {  	_ =	swait.ge [sflag:s20], $0x80  }
0x36f: {  	[sflag:s20] =	ssyncset.done $0x0  }
0x370: {  	[sflag:s20] =	ssyncadd.s32 $0xFFFFFF80  }
0x371: {  	_ =	swait.ge [sflag:s20], $0x80  }
0x372: {  	[sflag:s20] =	ssyncset.done $0x0  }
0x373: {  	[sflag:s20] =	ssyncadd.s32 $0xFFFFFF80  }
0x374: {  	_ =	swait.ge [sflag:s20], $0x80  }
0x375: {  	[sflag:s20] =	ssyncset.done $0x0  }
0x376: {  	[sflag:s20] =	ssyncadd.s32 $0xFFFFFF80  }
0x377: {  	_ =	swait.ge [sflag:s20], $0x80  }
0x378: {  	[sflag:s20] =	ssyncset.done $0x0  }
0x379: {  	[sflag:s20] =	ssyncadd.s32 $0xFFFFFF80  }
0x37a: {  	_ =	swait.ge [sflag:s20], $0x80  }
0x37b: {  	[sflag:s20] =	ssyncset.done $0x0  }
0x37c: {  	[sflag:s20] =	ssyncadd.s32 $0xFFFFFF80  }
0x37d: {  	_ =	swait.ge [sflag:s20], $0x80  }
0x37e: {  	[sflag:s20] =	ssyncset.done $0x0  }
0x37f: {  	[sflag:s20] =	ssyncadd.s32 $0xFFFFFF80  }
0x380: {  	_ =	swait.ge [sflag:s20], $0x80  }
0x381: {  	[sflag:s20] =	ssyncset.done $0x0  }
0x382: {  	[sflag:s20] =	ssyncadd.s32 $0xFFFFFF80  }
0x383: {  	_ =	swait.ge [sflag:s20], $0x80  }
0x384: {  	[sflag:s20] =	ssyncset.done $0x0  }
0x385: {  	[sflag:s20] =	ssyncadd.s32 $0xFFFFFF80  }
0x386: {  	_ =	swait.ge [sflag:s20], $0x80  }
0x387: {  	[sflag:s20] =	ssyncset.done $0x0  }
0x388: {  	[sflag:s20] =	ssyncadd.s32 $0xFFFFFF80  }
0x389: {  	_ =	swait.ge [sflag:s20], $0x80  }
0x38a: {  	[sflag:s20] =	ssyncset.done $0x0  }
0x38b: {  	[sflag:s20] =	ssyncadd.s32 $0xFFFFFF80  }
0x38c: {  	_ =	swait.ge [sflag:s20], $0x80  }
0x38d: {  	[sflag:s20] =	ssyncset.done $0x0  }
0x38e: {  	[sflag:s20] =	ssyncadd.s32 $0xFFFFFF80  }
0x38f: {  	_ =	swait.ge [sflag:s20], $0x80  }
0x390: {  	[sflag:s20] =	ssyncset.done $0x0  }
0x391: {  	[sflag:s20] =	ssyncadd.s32 $0xFFFFFF80  }
0x392: {  	_ =	swait.ge [sflag:s20], $0x80  }
0x393: {  	[sflag:s20] =	ssyncset.done $0x0  }
0x394: {  	[sflag:s20] =	ssyncadd.s32 $0xFFFFFF80  }
0x395: {  	_ =	swait.ge [sflag:s20], $0x80  }
0x396: {  	[sflag:s20] =	ssyncset.done $0x0  }
0x397: {  	[sflag:s20] =	ssyncadd.s32 $0xFFFFFF80  }
0x398: {  	_ =	swait.ge [sflag:s20], $0x80  }
0x399: {  	[sflag:s20] =	ssyncset.done $0x0  }
0x39a: {  	[sflag:s20] =	ssyncadd.s32 $0xFFFFFF80  }
0x39b: {  	_ =	swait.ge [sflag:s20], $0x80  }
0x39c: {  	[sflag:s20] =	ssyncset.done $0x0  }
0x39d: {  	[sflag:s20] =	ssyncadd.s32 $0xFFFFFF80  }
0x39e: {  	_ =	swait.ge [sflag:s20], $0x80  }
0x39f: {  	[sflag:s20] =	ssyncset.done $0x0  }
0x3a0: {  	[sflag:s20] =	ssyncadd.s32 $0xFFFFFF80  }
0x3a1: {  	_ =	swait.ge [sflag:s20], $0x80  }
0x3a2: {  	[sflag:s20] =	ssyncset.done $0x0  }
0x3a3: {  	[sflag:s20] =	ssyncadd.s32 $0xFFFFFF80  }
0x3a4: {  	_ =	swait.ge [sflag:s20], $0x80  }
0x3a5: {  	[sflag:s20] =	ssyncset.done $0x0  }
0x3a6: {  	[sflag:s20] =	ssyncadd.s32 $0xFFFFFF80  }
0x3a7: {  	_ =	swait.ge [sflag:s20], $0x80  }
0x3a8: {  	[sflag:s20] =	ssyncset.done $0x0  }
0x3a9: {  	[sflag:s20] =	ssyncadd.s32 $0xFFFFFF80  }
0x3aa: {  	_ =	swait.ge [sflag:s20], $0x80  }
0x3ab: {  	[sflag:s20] =	ssyncset.done $0x0  }
0x3ac: {  	[sflag:s20] =	ssyncadd.s32 $0xFFFFFF80  }
0x3ad: {  	_ =	swait.ge [sflag:s20], $0x80  }
0x3ae: {  	[sflag:s20] =	ssyncset.done $0x0  }
0x3af: {  	[sflag:s20] =	ssyncadd.s32 $0xFFFFFF80  }
0x3b0: {  	[spmem:s2] =	stream.indirect.scatter.add.f32 @!p0 [tilespmem:s22], [sflag:$0x1], $0x1, s8, s21, $0xb8;
	[tilespmem:$0x3180] =	vst v63  }
0x3b1: {  	_ = 	snop  }
0x3b2: {  	[spmem:s2] =	stream.indirect.scatter.add.f32 @!p0 [tilespmem:s22], [sflag:$0x1], $0x1, s23, s21, $0xb8;
	[tilespmem:$0x3180] =	vst v63  }
0x3b3: {  	_ = 	snop  }
0x3b4: {  	[spmem:s2] =	stream.indirect.scatter.add.f32 @!p0 [tilespmem:s22], [sflag:$0x1], $0x1, s24, s21, $0xb8;
	[tilespmem:$0x3180] =	vst v63  }
0x3b5: {  	_ = 	snop  }
0x3b6: {  	[spmem:s2] =	stream.indirect.scatter.add.f32 @!p0 [tilespmem:s22], [sflag:$0x1], $0x1, s25, s21, $0xb8;
	[tilespmem:$0x3180] =	vst v63  }
0x3b7: {  	_ = 	snop  }
0x3b8: {  	[spmem:s2] =	stream.indirect.scatter.add.f32 @!p0 [tilespmem:s22], [sflag:$0x1], $0x1, s26, s21, $0xb8;
	[tilespmem:$0x3180] =	vst v63  }
0x3b9: {  	_ = 	snop  }
0x3ba: {  	[spmem:s2] =	stream.indirect.scatter.add.f32 @!p0 [tilespmem:s22], [sflag:$0x1], $0x1, s28, s21, $0xb8;
	[tilespmem:$0x3180] =	vst v63  }
0x3bb: {  	_ = 	snop  }
0x3bc: {  	[spmem:s2] =	stream.indirect.scatter.add.f32 @!p0 [tilespmem:s22], [sflag:$0x1], $0x1, s29, s21, $0xb8;
	[tilespmem:$0x3180] =	vst v63  }
0x3bd: {  	_ = 	snop  }
0x3be: {  	[spmem:s2] =	stream.indirect.scatter.add.f32 @!p0 [tilespmem:s22], [sflag:$0x1], $0x1, s30, s21, $0xb8;
	[tilespmem:$0x3180] =	vst v63  }
0x3bf: {  	_ =	swait.ge @!p0 [sflag:s31], $0x80  }
0x3c0: {  	[sflag:s31] =	ssyncset.done @!p0 $0x0  }
0x3c1: {  	[sflag:s31] =	ssyncadd.s32 @!p0 $0xFFFFFF80  }
0x3c2: {  	_ =	swait.ge @!p0 [sflag:s31], $0x80  }
0x3c3: {  	[sflag:s31] =	ssyncset.done @!p0 $0x0  }
0x3c4: {  	[sflag:s31] =	ssyncadd.s32 @!p0 $0xFFFFFF80  }
0x3c5: {  	_ =	swait.ge @!p0 [sflag:s31], $0x80  }
0x3c6: {  	[sflag:s31] =	ssyncset.done @!p0 $0x0  }
0x3c7: {  	[sflag:s31] =	ssyncadd.s32 @!p0 $0xFFFFFF80  }
0x3c8: {  	_ =	swait.ge @!p0 [sflag:s31], $0x80  }
0x3c9: {  	[sflag:s31] =	ssyncset.done @!p0 $0x0  }
0x3ca: {  	[sflag:s31] =	ssyncadd.s32 @!p0 $0xFFFFFF80  }
0x3cb: {  	_ =	swait.ge @!p0 [sflag:s31], $0x80  }
0x3cc: {  	[sflag:s31] =	ssyncset.done @!p0 $0x0  }
0x3cd: {  	[sflag:s31] =	ssyncadd.s32 @!p0 $0xFFFFFF80  }
0x3ce: {  	_ =	swait.ge @!p0 [sflag:s31], $0x80  }
0x3cf: {  	[sflag:s31] =	ssyncset.done @!p0 $0x0  }
0x3d0: {  	[sflag:s31] =	ssyncadd.s32 @!p0 $0xFFFFFF80  }
0x3d1: {  	_ =	swait.ge @!p0 [sflag:s31], $0x80  }
0x3d2: {  	[sflag:s31] =	ssyncset.done @!p0 $0x0  }
0x3d3: {  	[sflag:s31] =	ssyncadd.s32 @!p0 $0xFFFFFF80  }
0x3d4: {  	_ =	swait.ge @!p0 [sflag:s31], $0x80  }
0x3d5: {  	s10 =	sadd.s32 $0xFFFFFFFF, s10;
	[sflag:s31] =	ssyncset.done @!p0 $0x0  }
0x3d6: {  	p3 =	sne.s32 s10, $0x0;
	s11 =	rddreg [dreg:$0x6];
	[sflag:s31] =	ssyncadd.s32 @!p0 $0xFFFFFF80  }
0x3d7: {  	[spmem:s2] =	stream.indirect.scatter.add.f32 @p2 [tilespmem:s0], [sflag:$0x1], $0x1, s11, s1, $0xb8;
	[tilespmem:$0x3180] =	vst v63  }
.Ltmp1:
0x3d8: {  	_ =	swait.ge @p2 [sflag:s7], $0x80;
	(pc) =	sbr.rel @p3 .LBB2_1-.Ltmp1, $4  }
0x3d9: {  	[sflag:s7] =	ssyncset.done @p2 $0x0  }
0x3da: {  	[sflag:s7] =	ssyncadd.s32 @p2 $0xFFFFFF80  }
0x3db: {  	[bflag:$0x0] =	sbarrier.arrive $0xFFFF  }
0x3dc: {  	[tilespmem:s5], [sflag:$0x2] =	stream.linear.gather [spmem:s6], $0x280, $0x38;
	[tilespmem:$0x3180] =	vst v63  }
.LBB2_2:
0x3dd: {  	_ =	swait.ge [sflag:s4], $0x280  }
0x3de: {  	[sflag:s4] =	ssyncset.done $0x0  }
0x3df: {  	s0 =	rddreg [dreg:$0x7];
	[sflag:s4] =	ssyncadd.s32 $0xFFFFFD80  }
0x3e0: {  	[hbm4b:s0+s12] =	stream.strided.scatter [tilespmem:s5], [sflag:$0x2], $0x280, s14, s12, $0x38;
	[tilespmem:$0x3180] =	vst v63  }
0x3e1: {  	_ =	swait.ge [sflag:s4], $0x280  }
0x3e2: {  	[sflag:s4] =	ssyncset.done $0x0  }
0x3e3: {  	[sflag:s4] =	ssyncadd.s32 $0xFFFFFD80  }
0x3e4: {  	_ =	sfence.sel $0x180000  }
0x3e5: {  	[bflag:$0x0] =	sbarrier.arrive $0xFFFF  }
0x3e6: {  	_ =	strace $0x90000047  }
0x3e7: {  	s31 =	stileid.u32;
	[bflag:$0x2] =	sbarrier.arrive $0xFFFF  }
0x3e8: {  	p0 =	sne.s32 s31, $0x0;
	s0 =	rddreg [dreg:$0x2]  }
0x3e9: {  	s0 =	sadd.s32 @!p0 $0x100000, s0  }
0x3ea: {  	[sflag:s0] =	ssyncadd.tile.s32 @!p0 $0x1;
	_ =	shalt  }
.Lfunc_end2:
_tile_overlayer_lowered:
.L_overlay_start_2:
0x3eb: {  	(tag) =	ssettag $0x2  }
0x3ec: {  	s0 =	rddreg [dreg:$0x0];
	s2 =	stileid.u32  }
0x3ed: {  	s1 =	rddreg [dreg:$0x1];
	p0 =	sne.s32 s2, $0x0  }
0x3ee: {  	s3 =	rddreg [dreg:$0x2];
	[bflag:$0x3] =	sbarrier.arrive $0xFFFF;
	s2 =	simm.s32 @!p0 $0x1C02  }
0x3ef: {  	[timem:s3], [sflag:s2] =	dma.local @!p0 [hbm:s0], s1  }
0x3f0: {  	s0 =	simm.s32 @!p0 $0x2  }
0x3f1: {  	_ =	swait.ge @!p0 [sflag:s0], s1  }
0x3f2: {  	s1 =	ssub.s32 @!p0 $0x0, s1;
	[sflag:s0] =	ssyncset.done @!p0 $0x0  }
0x3f3: {  	[sflag:s0] =	ssyncadd.s32 @!p0 s1  }
0x3f4: {  	[bflag:$0x3] =	sbarrier.arrive $0xFFFF  }
0x3f5: {  	_ =	shalt  }

// kernel: kernel.9.cloned.1.call-start
scs
__scs_entry_jumppad:
0x0: {  	(pc) =	sbr.rel $0x88, $3  }
0x1: {  	(tag) =	ssettag $0x0;
	lr =	simm.s32 $0x1  }
0x2: {  	[smem:$0x3F9D] =	sst lr;
	_ =	strace $0xD0000000  }
0x3: {  	_ = 	snop  }
0x4: {  	_ = 	snop  }
0x5: {  	_ = 	snop  }
0x6: {  	_ = 	snop  }
0x7: {  	_ = 	snop  }
__scs_overlays_trampoline_lowered:
0x8: {  	[smem:$0x3FAC] =	sst s0  }
0x9: {  	[smem:$0x3FAD] =	sst s1  }
0xa: {  	[smem:$0x3FAE] =	sst s2  }
0xb: {  	[smem:$0x3FAF] =	sst s3  }
0xc: {  	[smem:$0x3FB0] =	sst s4  }
0xd: {  	[smem:$0x3FB1] =	sst s5  }
0xe: {  	[smem:$0x3FB2] =	sst s6  }
0xf: {  	[smem:$0x3FB3] =	sst s7  }
0x10: {  	[smem:$0x3FB4] =	sst s8  }
0x11: {  	[smem:$0x3FB5] =	sst s9;
	s0 =	simm.s32 @!p0 $0x0  }
0x12: {  	s1 =	sld [smem:$0x3F9B];
	s0 =	simm.s32 @p0 $0x1  }
0x13: {  	[smem:$0x3FB6] =	sst s0;
	s0 =	simm.s32 @!p1 $0x0  }
0x14: {  	s2 =	sld [smem:$0x3F9A];
	s0 =	simm.s32 @p1 $0x1  }
0x15: {  	[smem:$0x3FB7] =	sst s0;
	s0 =	simm.s32 @!p2 $0x0  }
0x16: {  	s3 =	sld [smem:$0x3FDB];
	s0 =	simm.s32 @p2 $0x1  }
0x17: {  	s4 =	simm.s32 $0x1BF5;
	[smem:$0x3FB9] =	sst s0  }
0x18: {  	s0 =	sld [smem:$0x3F9C];
	_ =	swait.ge [sflag:s4], $0x0  }
0x19: {  	s7 =	sld [smem:$0x3F9D]  }
0x1a: {  	s8 =	sadd.s32 $0xFFFFE003, lr  }
0x1b: {  	s9 =	sadd.s32 $0xFFFFFEF7, lr;
	s5 =	simm.s32 $0xFFFFFFFF;
	p2 =	slt.u32 s8, $0xFFFFF086  }
0x1c: {  	p1 =	slt.u32 s9, $0xF7A;
	s5 =	simm.s32 @!p2 $0x0  }
0x1d: {  	s5 =	simm.s32 @p1 $0x1;
	p0 =	seq.s32 s7, s2  }
0x1e: {  	s7 =	smul.u32 @!p0 $0xF7A, s2;
	p2 =	seq.s32 @!p0 s5, $0x0  }
0x1f: {  	s9 =	smul.u32 $0xF7A, s1;
	s8 =	simm.s32 @!p0 $0x1BF5;
	p2 =	por !p2, p0  }
0x20: {  	[sflag:s8] =	ssyncset.s32 @!p0 $0xFFFFF086;
	s6 =	sadd.s32 @!p0 s3, s7;
	s7 =	simm.s32 @!p0 $0x108  }
0x21: {  	s3 =	sadd.s32 s3, s9;
	s6 =	sadd.s32 @!p0 $0x88, s6;
	s7 =	simm.s32 @p2 $0x1082  }
0x22: {  	[simem:s7], [sflag:s8] =	dma.local @!p0 [hbm:s6], $0xF7A  }
0x23: {  	s9 =	sor.u32 $0xD0000000, s2;
	s6 =	simm.s32 $0x108;
	_ =	swait.ge @!p0 [sflag:s8], $0x0  }
0x24: {  	s3 =	sadd.s32 $0x88, s3;
	s6 =	simm.s32 @!p1 $0x1082;
	[sflag:s4] =	ssyncset.s32 $0xFFFFF086  }
0x25: {  	[simem:s6], [sflag:s4] =	dma.local [hbm:s3], $0xF7A  }
0x26: {  	[smem:$0x3F9D] =	sst s1;
	(tag) =	ssettag s2;
	_ =	strace s9  }
0x27: {  	s1 =	sld [smem:$0x3FAD]  }
0x28: {  	s2 =	sld [smem:$0x3FAE]  }
0x29: {  	s4 =	sld [smem:$0x3FB0]  }
0x2a: {  	p0 =	seq.s32 s5, $0x0;
	s5 =	sld [smem:$0x3FB1]  }
0x2b: {  	s6 =	sld [smem:$0x3FB2]  }
0x2c: {  	s7 =	sld [smem:$0x3FB3]  }
0x2d: {  	s3 =	simm.s32 $0x108;
	s8 =	sld [smem:$0x3FB4]  }
0x2e: {  	s3 =	simm.s32 @!p0 $0x1082;
	s9 =	sld [smem:$0x3FB5]  }
0x2f: {  	lr =	sadd.s32 s0, s3;
	s0 =	sld [smem:$0x3FAC]  }
0x30: {  	s3 =	sld [smem:$0x3FAF]  }
0x31: {  	[smem:$0x3FB8] =	sst s10  }
0x32: {  	s10 =	sld [smem:$0x3FB6];
	_ =	sdelay $0x3  }
0x33: {  	p0 =	seq.s32 s10, $0x1;
	s10 =	sld [smem:$0x3FB8];
	_ =	sdelay $0x3  }
0x34: {  	[smem:$0x3FB8] =	sst s10  }
0x35: {  	s10 =	sld [smem:$0x3FB7];
	_ =	sdelay $0x3  }
0x36: {  	p1 =	seq.s32 s10, $0x1;
	s10 =	sld [smem:$0x3FB8];
	_ =	sdelay $0x3  }
0x37: {  	[smem:$0x3FB8] =	sst s10  }
0x38: {  	s10 =	sld [smem:$0x3FB9]  }
0x39: {  	_ = 	snop;
	(pc) =	sbr.ind lr, $3  }
0x3a: {  	_ = 	snop  }
0x3b: {  	_ = 	snop  }
0x3c: {  	p2 =	seq.s32 s10, $0x1;
	s10 =	sld [smem:$0x3FB8]  }
0x3d: {  	_ =	shalt  }
0x3e: {  	_ =	shalt  }
0x3f: {  	_ =	shalt  }
0x40: {  	_ =	shalt  }
0x41: {  	_ =	shalt  }
0x42: {  	_ =	shalt  }
0x43: {  	_ =	shalt  }
0x44: {  	_ =	shalt  }
0x45: {  	_ =	shalt  }
0x46: {  	_ =	shalt  }
0x47: {  	_ =	shalt  }
0x48: {  	_ =	shalt  }
0x49: {  	_ =	shalt  }
0x4a: {  	_ =	shalt  }
0x4b: {  	_ =	shalt  }
0x4c: {  	_ =	shalt  }
0x4d: {  	_ =	shalt  }
0x4e: {  	_ =	shalt  }
0x4f: {  	_ =	shalt  }
0x50: {  	_ =	shalt  }
0x51: {  	_ =	shalt  }
0x52: {  	_ =	shalt  }
0x53: {  	_ =	shalt  }
0x54: {  	_ =	shalt  }
0x55: {  	_ =	shalt  }
0x56: {  	_ =	shalt  }
0x57: {  	_ =	shalt  }
0x58: {  	_ =	shalt  }
0x59: {  	_ =	shalt  }
0x5a: {  	_ =	shalt  }
0x5b: {  	_ =	shalt  }
0x5c: {  	_ =	shalt  }
0x5d: {  	_ =	shalt  }
0x5e: {  	_ =	shalt  }
0x5f: {  	_ =	shalt  }
0x60: {  	_ =	shalt  }
0x61: {  	_ =	shalt  }
0x62: {  	_ =	shalt  }
0x63: {  	_ =	shalt  }
0x64: {  	_ =	shalt  }
0x65: {  	_ =	shalt  }
0x66: {  	_ =	shalt  }
0x67: {  	_ =	shalt  }
0x68: {  	_ =	shalt  }
0x69: {  	_ =	shalt  }
0x6a: {  	_ =	shalt  }
0x6b: {  	_ =	shalt  }
0x6c: {  	_ =	shalt  }
0x6d: {  	_ =	shalt  }
0x6e: {  	_ =	shalt  }
0x6f: {  	_ =	shalt  }
0x70: {  	_ =	shalt  }
0x71: {  	_ =	shalt  }
0x72: {  	_ =	shalt  }
0x73: {  	_ =	shalt  }
0x74: {  	_ =	shalt  }
0x75: {  	_ =	shalt  }
0x76: {  	_ =	shalt  }
0x77: {  	_ =	shalt  }
0x78: {  	_ =	shalt  }
0x79: {  	_ =	shalt  }
0x7a: {  	_ =	shalt  }
0x7b: {  	_ =	shalt  }
0x7c: {  	_ =	shalt  }
0x7d: {  	_ =	shalt  }
0x7e: {  	_ =	shalt  }
0x7f: {  	_ =	shalt  }
0x80: {  	_ =	shalt  }
0x81: {  	_ =	shalt  }
0x82: {  	_ =	shalt  }
0x83: {  	_ =	shalt  }
0x84: {  	_ =	shalt  }
0x85: {  	_ =	shalt  }
0x86: {  	_ =	shalt  }
0x87: {  	_ =	shalt  }
.Lfunc_end0:
.L_simem_size_0:
called_computation.1_lowered:
.L_overlay_start_0:
0x88: {  	s2 =	sld [smem:$0x3FD9]  }
0x89: {  	s3 =	sld [smem:$0x3FFE];
	_ =	sdelay $0x1  }
0x8a: {  	s1 =	srdreg.scid  }
0x8b: {  	s0 =	sand.u32 $0x1, s1  }
0x8c: {  	s17 =	sshll.u32 s0, $0xA;
	s2 =	sadd.s32 s3, s2  }
0x8d: {  	s2 =	sadd.s32 s2, s17  }
0x8e: {  	[smem:$0x3FC4] =	sst s2  }
0x8f: {  	_ = 	snop  }
0x90: {  	s2 =	sld [smem:$0x3FD0];
	(tm) =	ssettm $0x1  }
0x91: {  	s18 =	sld [smem:$0x3FFB];
	_ =	sdelay $0x3  }
0x92: {  	_ =	strace s18  }
0x93: {  	s3 =	sld [smem:$0x3FFC];
	_ =	sdelay $0x3  }
0x94: {  	_ =	strace s3  }
0x95: {  	s3 =	sld [smem:$0x3FFD];
	_ =	sdelay $0x3  }
0x96: {  	_ =	strace s3  }
0x97: {  	_ =	strace $0x8FFFFFFF  }
0x98: {  	s19 =	sld [smem:$0x3FDB];
	_ =	sdelay $0x1  }
0x99: {  	s4 =	simm.s32 $_scs_section_size  }
0x9a: {  	s5 =	simm.s32 $_size__tile_overlayer_lowered;
	s6 =	simm.s32 $_tile_overlayer_lowered  }
0x9b: {  	s22 =	simm.s32 $0x1BFF;
	s21 =	sshll.u32 s6, $0x1;
	s3 =	sadd.s32 s4, s19  }
0x9c: {  	s7 =	simm.s32 $0x0;
	s20 =	sshll.u32 s5, $0x1;
	s5 =	sadd.s32 s21, s3  }
0x9d: {  	[timem:s7], [sflag:s22] =	dma.local [hbm:s5], s20  }
0x9e: {  	_ =	swait.ge [sflag:s22], s20  }
0x9f: {  	s4 =	ssub.s32 $0x0, s20;
	[sflag:s22] =	ssyncset.done $0x0  }
0xa0: {  	[sflag:s22] =	ssyncadd.s32 s4;
	_ =	sdelay $0x1  }
0xa1: {  	s23 =	simm.s32 $0x1B8B  }
0xa2: {  	_ =	swait.ge [sflag:s23], $0x1  }
0xa3: {  	[sflag:s23] =	ssyncset.done $0x0  }
0xa4: {  	s25 =	simm.s32 $0x1B8E;
	s24 =	sld [smem:$0x3FFE];
	[sflag:s23] =	ssyncadd.s32 $0xFFFFFFFF  }
0xa5: {  	s26 =	simm.s32 $execute0_lowered;
	[smem:$0x3FD2] =	sst s25  }
0xa6: {  	s5 =	sshll.u32 s26, $0x1;
	_ =	strace $0x80000049;
	[dreg:$0x1] =	wrdreg $0xFFFFFFFF  }
0xa7: {  	s28 =	simm.s32 $_size_execute0_lowered;
	s3 =	sadd.s32 s3, s5;
	[dreg:$0x0] =	wrdreg $0x0  }
0xa8: {  	s5 =	sshll.u32 s28, $0x1;
	[dreg:$0x2] =	wrdreg s3  }
0xa9: {  	[dreg:$0x3] =	wrdreg s5  }
0xaa: {  	[dreg:$0x4] =	wrdreg $0xC0  }
0xab: {  	_ =	task [dreg:s7], $0x5FFFF  }
0xac: {  	[dreg:$0x1] =	wrdreg $0xFFFFFFFF  }
0xad: {  	[dreg:$0x0] =	wrdreg $0x60  }
0xae: {  	[dreg:$0x2] =	wrdreg s24  }
0xaf: {  	[dreg:$0x3] =	wrdreg s2  }
0xb0: {  	[dreg:$0x4] =	wrdreg $0xA8000  }
0xb1: {  	[dreg:$0x5] =	wrdreg $0x9  }
0xb2: {  	_ =	task.clear_ibuf [dreg:s7], $0x6FFFF;
	_ =	strace $0x90000049  }
0xb3: {  	s29 =	simm.s32 $0x9;
	_ =	strace $0x8000004B  }
0xb4: {  	_ =	swait.ge [sflag:s29], $0x1  }
0xb5: {  	[sflag:s29] =	ssyncadd.s32 $0xFFFFFFFF  }
0xb6: {  	_ =	strace $0x9000004B  }
0xb7: {  	_ =	sfence  }
0xb8: {  	s30 =	sld [smem:$0x0];
	_ =	sdelay $0x2  }
0xb9: {  	s31 =	sshll.u32 s1, $0xD;
	s1 =	sshrl.u32 s1, $0x2  }
0xba: {  	s3 =	sand.u32 $0x4000, s31;
	s1 =	sadd.s32 s1, s30  }
0xbb: {  	s0 =	sor.u32 s3, s0;
	s1 =	sshll.u32 s1, $0x11  }
0xbc: {  	s0 =	sor.u32 s1, s0  }
0xbd: {  	s0 =	sadd.s32 $0x8F2B, s0  }
0xbe: {  	[sflag:s0] =	ssyncadd.remote.s32 $0x1  }
0xbf: {  	_ =	sfence.sel $0xFFFF  }
0xc0: {  	[dreg:$0x0] =	wrdreg $0xFFFFFFFF;
	(pc) =	sbr.abs _section_cstart, $3  }
0xc1: {  	[dreg:$0x1] =	wrdreg $0xFFFFFFFF  }
0xc2: {  	_ =	task.clear_ibuf [dreg:s7], $0x2FFFF;
	_ =	strace $0x9FFFFFFF  }
0xc3: {  	(tm) =	ssettm $0x7FFFFFFF  }
tec
execute0_lowered:
.L_overlay_start_1:
0x0: {  	(tag) =	ssettag $0x1  }
0x1: {  	s0 =	rddreg [dreg:$0x0]  }
0x2: {  	s2 =	rddreg [dreg:$0x1]  }
0x3: {  	s1 =	rddreg [dreg:$0x2];
	s3 =	simm.s32 $0x0;
	s18 =	stileid.u32  }
0x4: {  	s5 =	srdreg.scid;
	s31 =	simm.s32 $0x5;
	s7 =	smul.u32 $0x280, s18  }
0x5: {  	[smem:$0x7FF] =	sst s3;
	s4 =	sadd.s32 $0x1E00, s0;
	s8 =	smul.u32 $0x2800, s18  }
0x6: {  	s5 =	sand.u32 $0x1, s5;
	s9 =	sadd.s32 $0x29E00, s0;
	s12 =	smul.u32 $0x50000, s18  }
0x7: {  	s0 =	sadd.s32 $0x29600, s0;
	_ =	strace $0x8000004A;
	s6 =	ssub.s32 $0x2, s5  }
0x8: {  	s11 =	sshll.u32 s5, $0x4;
	p0 =	seq.s32 s5, $0x1;
	s5 =	smul.u32 $0x140000, s5  }
0x9: {  	[dreg:$0xa] =	wrdreg s0;
	s10 =	sshrl.u32 s6, $0x1;
	s11 =	sor.u32 s18, s11  }
0xa: {  	s14 =	sadd.s32 s4, s8;
	s15 =	sshrl.u32 s12, $0x2;
	s16 =	sadd.s32 $0x80, s7  }
0xb: {  	s20 =	sadd.s32 $0x100, s7;
	s18 =	smul.u32 $0x14000, s18;
	s13 =	ssub.s32 s6, s10  }
0xc: {  	[dreg:$0x4] =	wrdreg s14;
	s6 =	sadd.s32 s15, s1;
	s17 =	sshll.u32 s16, $0x4  }
0xd: {  	s14 =	sshll.u32 s16, $0x7;
	s21 =	sshll.u32 s20, $0x4;
	s15 =	sshll.u32 s20, $0x7  }
0xe: {  	s16 =	sadd.s32 $0x180, s7;
	s11 =	smul.u32 $0x2800, s11;
	s7 =	sadd.s32 $0x200, s7  }
0xf: {  	s19 =	sadd.s32 s4, s17;
	s8 =	sadd.s32 s14, s1;
	s22 =	sadd.s32 s4, s21  }
0x10: {  	s10 =	sadd.s32 s15, s1;
	s23 =	sshll.u32 s16, $0x4;
	s17 =	sshll.u32 s16, $0x7  }
0x11: {  	s24 =	sshll.u32 s7, $0x4;
	s7 =	sshll.u32 s7, $0x7;
	[dreg:$0x5] =	wrdreg s19  }
0x12: {  	s26 =	sadd.s32 s18, s5;
	s14 =	sadd.s32 s5, s14;
	[dreg:$0x6] =	wrdreg s22  }
0x13: {  	s12 =	sadd.s32 s4, s23;
	s16 =	sadd.s32 s4, s24;
	s22 =	sadd.s32 s7, s1  }
0x14: {  	s25 =	sshrl.u32 s11, $0x3;
	s14 =	sshrl.u32 s14, $0x3;
	s11 =	sadd.s32 $0x10000, s6  }
0x15: {  	s19 =	sadd.s32 s5, s15;
	s20 =	sadd.s32 s5, s17;
	s5 =	sadd.s32 s5, s7  }
0x16: {  	s24 =	sadd.s32 $0x4000, s6;
	s7 =	simm.s32 $0x6800;
	[dreg:$0x7] =	wrdreg s12  }
0x17: {  	s15 =	simm.s32 $0x4;
	s12 =	sadd.s32 s17, s1;
	[dreg:$0x8] =	wrdreg s16  }
0x18: {  	s16 =	sadd.s32 s2, s25;
	s2 =	sshrl.u32 s26, $0x3;
	[dreg:$0x9] =	wrdreg s22  }
0x19: {  	s18 =	sadd.s32 s9, s14;
	s5 =	sshrl.u32 s5, $0x3;
	[dreg:$0x10] =	wrdreg s24  }
0x1a: {  	s22 =	smov.u32 @p0 s11;
	s25 =	sadd.s32 $0x8000, s6;
	s26 =	smax.u32 s13, $0x1  }
0x1b: {  	s11 =	simm.s32 $0x3;
	s13 =	simm.s32 $0x2;
	s17 =	simm.s32 $0x1380  }
0x1c: {  	s14 =	simm.s32 $0x2780;
	s0 =	sadd.s32 s9, s2;
	[dreg:$0xc] =	wrdreg s18  }
0x1d: {  	s2 =	sshrl.u32 s20, $0x3;
	s23 =	sadd.s32 s9, s5;
	[dreg:$0x11] =	wrdreg s25  }
0x1e: {  	[dreg:$0x12] =	wrdreg s26;
	s26 =	sadd.s32 $0xC000, s6;
	s28 =	sadd.s32 $0xA000, s16  }
0x1f: {  	s29 =	sadd.s32 $0x280, s16;
	s30 =	sadd.s32 $0xA280, s16;
	s5 =	simm.s32 $0x80  }
0x20: {  	s18 =	simm.s32 $0x2700;
	[dreg:$0xb] =	wrdreg s0;
	s0 =	sshrl.u32 s19, $0x3  }
0x21: {  	s21 =	sadd.s32 s9, s2;
	[dreg:$0xf] =	wrdreg s23;
	s2 =	simm.s32 $0x1400  }
0x22: {  	s19 =	simm.s32 $0x0;
	s0 =	sadd.s32 s9, s0;
	[dreg:$0xe] =	wrdreg s21  }
0x23: {  	s9 =	simm.s32 $0x1;
	[dreg:$0xd] =	wrdreg s0;
	s0 =	simm.s32 $0x2800  }
.LBB2_1:
0x24: {  	s20 =	simm.s32 @p0 $0x0;
	s21 =	simm.s32 @p0 $0x2800;
	s23 =	rddreg [dreg:$0xa]  }
0x25: {  	[tilespmem:s21], [sflag:$0x5] =	stream.linear.gather @p0 [hbm4b:s23+s20], $0x4000, $0x38;
	[tilespmem:$0x1E800] =	vst v63  }
0x26: {  	s20 =	simm.s32 @p0 $0x5  }
0x27: {  	_ =	swait.ge @p0 [sflag:s20], $0x4000  }
0x28: {  	[sflag:s20] =	ssyncset.done @p0 $0x0  }
0x29: {  	[sflag:s20] =	ssyncadd.s32 @p0 $0xFFFFC000  }
0x2a: {  	[spmem:s6] =	stream.linear.scatter @p0 [tilespmem:s21], [sflag:$0x5], $0x4000, $0x38;
	[tilespmem:$0x1E800] =	vst v63  }
0x2b: {  	_ =	swait.ge @p0 [sflag:s20], $0x4000  }
0x2c: {  	[sflag:s20] =	ssyncset.done @p0 $0x0  }
0x2d: {  	s23 =	rddreg [dreg:$0x10];
	[sflag:s20] =	ssyncadd.s32 @p0 $0xFFFFC000  }
0x2e: {  	[spmem:s23] =	stream.linear.scatter @p0 [tilespmem:s21], [sflag:$0x5], $0x4000, $0x38;
	[tilespmem:$0x1E800] =	vst v63  }
0x2f: {  	_ =	swait.ge @p0 [sflag:s20], $0x4000  }
0x30: {  	[sflag:s20] =	ssyncset.done @p0 $0x0  }
0x31: {  	s23 =	rddreg [dreg:$0x11];
	[sflag:s20] =	ssyncadd.s32 @p0 $0xFFFFC000  }
0x32: {  	[spmem:s23] =	stream.linear.scatter @p0 [tilespmem:s21], [sflag:$0x5], $0x4000, $0x38;
	[tilespmem:$0x1E800] =	vst v63  }
0x33: {  	_ =	swait.ge @p0 [sflag:s20], $0x4000  }
0x34: {  	[sflag:s20] =	ssyncset.done @p0 $0x0  }
0x35: {  	[sflag:s20] =	ssyncadd.s32 @p0 $0xFFFFC000  }
0x36: {  	[spmem:s26] =	stream.linear.scatter @p0 [tilespmem:s21], [sflag:$0x5], $0x4000, $0x38;
	[tilespmem:$0x1E800] =	vst v63  }
0x37: {  	s23 =	rddreg [dreg:$0x4];
	s20 =	simm.s32 @!p0 $0x0;
	s21 =	simm.s32 @!p0 $0x2800  }
0x38: {  	[tilespmem:s21], [sflag:$0x5] =	stream.linear.gather @!p0 [hbm4b:s23+s20], $0x4000, $0x38;
	[tilespmem:$0x1E800] =	vst v63  }
0x39: {  	s23 =	simm.s32 @!p0 $0x5  }
0x3a: {  	_ =	swait.ge @!p0 [sflag:s23], $0x4000  }
0x3b: {  	[sflag:s23] =	ssyncset.done @!p0 $0x0  }
0x3c: {  	[sflag:s23] =	ssyncadd.s32 @!p0 $0xFFFFC000  }
0x3d: {  	[spmem:s6] =	stream.linear.scatter @!p0 [tilespmem:s21], [sflag:$0x5], $0x4000, $0x38;
	[tilespmem:$0x1E800] =	vst v63  }
0x3e: {  	_ =	swait.ge @!p0 [sflag:s23], $0x4000  }
0x3f: {  	[sflag:s23] =	ssyncset.done @!p0 $0x0  }
0x40: {  	s24 =	rddreg [dreg:$0x5];
	[sflag:s23] =	ssyncadd.s32 @!p0 $0xFFFFC000  }
0x41: {  	[tilespmem:s21], [sflag:$0x5] =	stream.linear.gather @!p0 [hbm4b:s24+s20], $0x4000, $0x38;
	[tilespmem:$0x1E800] =	vst v63  }
0x42: {  	_ =	swait.ge @!p0 [sflag:s23], $0x4000  }
0x43: {  	[sflag:s23] =	ssyncset.done @!p0 $0x0  }
0x44: {  	[sflag:s23] =	ssyncadd.s32 @!p0 $0xFFFFC000  }
0x45: {  	[spmem:s8] =	stream.linear.scatter @!p0 [tilespmem:s21], [sflag:$0x5], $0x4000, $0x38;
	[tilespmem:$0x1E800] =	vst v63  }
0x46: {  	_ =	swait.ge @!p0 [sflag:s23], $0x4000  }
0x47: {  	[sflag:s23] =	ssyncset.done @!p0 $0x0  }
0x48: {  	s24 =	rddreg [dreg:$0x6];
	[sflag:s23] =	ssyncadd.s32 @!p0 $0xFFFFC000  }
0x49: {  	[tilespmem:s21], [sflag:$0x5] =	stream.linear.gather @!p0 [hbm4b:s24+s20], $0x4000, $0x38;
	[tilespmem:$0x1E800] =	vst v63  }
0x4a: {  	_ =	swait.ge @!p0 [sflag:s23], $0x4000  }
0x4b: {  	[sflag:s23] =	ssyncset.done @!p0 $0x0  }
0x4c: {  	[sflag:s23] =	ssyncadd.s32 @!p0 $0xFFFFC000  }
0x4d: {  	[spmem:s10] =	stream.linear.scatter @!p0 [tilespmem:s21], [sflag:$0x5], $0x4000, $0x38;
	[tilespmem:$0x1E800] =	vst v63  }
0x4e: {  	_ =	swait.ge @!p0 [sflag:s23], $0x4000  }
0x4f: {  	[sflag:s23] =	ssyncset.done @!p0 $0x0  }
0x50: {  	s24 =	rddreg [dreg:$0x7];
	[sflag:s23] =	ssyncadd.s32 @!p0 $0xFFFFC000  }
0x51: {  	[tilespmem:s21], [sflag:$0x5] =	stream.linear.gather @!p0 [hbm4b:s24+s20], $0x4000, $0x38;
	[tilespmem:$0x1E800] =	vst v63  }
0x52: {  	_ =	swait.ge @!p0 [sflag:s23], $0x4000  }
0x53: {  	[sflag:s23] =	ssyncset.done @!p0 $0x0  }
0x54: {  	[sflag:s23] =	ssyncadd.s32 @!p0 $0xFFFFC000  }
0x55: {  	[spmem:s12] =	stream.linear.scatter @!p0 [tilespmem:s21], [sflag:$0x5], $0x4000, $0x38;
	[tilespmem:$0x1E800] =	vst v63  }
0x56: {  	_ =	swait.ge @!p0 [sflag:s23], $0x4000  }
0x57: {  	[sflag:s23] =	ssyncset.done @!p0 $0x0  }
0x58: {  	[sflag:s23] =	ssyncadd.s32 @!p0 $0xFFFFC000;
	s23 =	rddreg [dreg:$0x8]  }
0x59: {  	[tilespmem:s21], [sflag:$0x5] =	stream.linear.gather @!p0 [hbm4b:s23+s20], $0x4000, $0x38;
	[tilespmem:$0x1E800] =	vst v63  }
0x5a: {  	_ =	swait.ge [sflag:s31], $0x4000  }
0x5b: {  	[sflag:s31] =	ssyncset.done $0x0  }
0x5c: {  	[sflag:s31] =	ssyncadd.s32 $0xFFFFC000  }
0x5d: {  	[spmem:s22] =	stream.linear.scatter [tilespmem:s0], [sflag:$0x5], $0x4000, $0x38;
	[tilespmem:$0x1E800] =	vst v63  }
0x5e: {  	_ =	swait.ge [sflag:s31], $0x4000  }
0x5f: {  	[sflag:s31] =	ssyncset.done $0x0  }
0x60: {  	[sflag:s31] =	ssyncadd.s32 $0xFFFFC000  }
0x61: {  	[bflag:$0x0] =	sbarrier.arrive $0xFFFF  }
0x62: {  	[tilespmem:s3], [sflag:$0x5] =	stream.linear.gather [hbm4b:s16+s3], $0x1400, $0x38;
	[tilespmem:$0x1E800] =	vst v63  }
0x63: {  	_ =	swait.ge [sflag:s31], $0x1400  }
0x64: {  	[sflag:s31] =	ssyncset.done $0x0  }
0x65: {  	[sflag:s31] =	ssyncadd.s32 $0xFFFFEC00  }
0x66: {  	[tilespmem:s2], [sflag:$0x5] =	stream.linear.gather [hbm4b:s28+s3], $0x1400, $0x38;
	[tilespmem:$0x1E800] =	vst v63  }
0x67: {  	_ =	swait.ge [sflag:s31], $0x1400  }
0x68: {  	[sflag:s31] =	ssyncset.done $0x0  }
0x69: {  	[sflag:s31] =	ssyncadd.s32 $0xFFFFEC00  }
0x6a: {  	[tilespmem:s0], [sflag:$0x1] =	stream.indirect.gather [hbm4b:s4+s5], $0x80, s3, s5, $0xb8;
	[tilespmem:$0x1E800] =	vst v63  }
0x6b: {  	s21 =	simm.s32 $0x80  }
0x6c: {  	[tilespmem:s7], [sflag:$0x2] =	stream.indirect.gather [hbm4b:s4+s5], $0x80, s21, s5, $0xb8;
	[tilespmem:$0x1E800] =	vst v63  }
0x6d: {  	_ =	swait.ge [sflag:s9], $0x4000  }
0x6e: {  	[sflag:s9] =	ssyncset.done $0x0  }
0x6f: {  	s23 =	simm.s32 $0x1400;
	[sflag:s9] =	ssyncadd.s32 $0xFFFFC000  }
0x70: {  	[spmem:s1] =	stream.indirect.scatter.add.f32 [tilespmem:s0], [sflag:$0x3], $0x80, s23, s5, $0xb8;
	[tilespmem:$0x1E800] =	vst v63  }
0x71: {  	_ =	swait.ge [sflag:s11], $0x4000  }
0x72: {  	[sflag:s11] =	ssyncset.done $0x0  }
0x73: {  	s24 =	simm.s32 $0x100;
	[sflag:s11] =	ssyncadd.s32 $0xFFFFC000  }
0x74: {  	[tilespmem:s0], [sflag:$0x1] =	stream.indirect.gather [hbm4b:s4+s5], $0x80, s24, s5, $0xb8;
	[tilespmem:$0x1E800] =	vst v63  }
0x75: {  	_ =	swait.ge [sflag:s13], $0x4000  }
0x76: {  	[sflag:s13] =	ssyncset.done $0x0  }
0x77: {  	s25 =	simm.s32 $0x1480;
	[sflag:s13] =	ssyncadd.s32 $0xFFFFC000  }
0x78: {  	[spmem:s1] =	stream.indirect.scatter.add.f32 [tilespmem:s7], [sflag:$0x4], $0x80, s25, s5, $0xb8;
	[tilespmem:$0x1E800] =	vst v63  }
0x79: {  	_ =	swait.ge [sflag:s15], $0x4000  }
0x7a: {  	s20 =	simm.s32 $0x100;
	s21 =	simm.s32 $0x800;
	[sflag:s15] =	ssyncset.done $0x0  }
.LBB2_2:
0x7b: {  	s23 =	sadd.s32 $0x80, s20  }
0x7c: {  	[sflag:s15] =	ssyncadd.s32 $0xFFFFC000;
	s24 =	smov.u32 s21;
	s25 =	sadd.s32 $0x400, s21  }
0x7d: {  	[tilespmem:s7], [sflag:$0x2] =	stream.indirect.gather [hbm4b:s4+s5], $0x80, s23, s5, $0xb8;
	[tilespmem:$0x1E800] =	vst v63  }
0x7e: {  	p1 =	sne.s32 s21, $0x4800;
	_ =	swait.ge [sflag:s9], $0x4000  }
0x7f: {  	[sflag:s9] =	ssyncset.done $0x0  }
0x80: {  	s21 =	sadd.s32 $0x1400, s20;
	[sflag:s9] =	ssyncadd.s32 $0xFFFFC000  }
0x81: {  	[spmem:s1] =	stream.indirect.scatter.add.f32 [tilespmem:s0], [sflag:$0x3], $0x80, s21, s5, $0xb8;
	[tilespmem:$0x1E800] =	vst v63  }
0x82: {  	_ =	swait.ge [sflag:s11], $0x4000  }
0x83: {  	[sflag:s11] =	ssyncset.done $0x0  }
0x84: {  	s21 =	sadd.s32 $0x100, s20;
	[sflag:s11] =	ssyncadd.s32 $0xFFFFC000  }
0x85: {  	[tilespmem:s0], [sflag:$0x1] =	stream.indirect.gather [hbm4b:s4+s5], $0x80, s21, s5, $0xb8;
	[tilespmem:$0x1E800] =	vst v63  }
0x86: {  	_ =	swait.ge [sflag:s13], $0x4000  }
.Ltmp0:
0x87: {  	[sflag:s13] =	ssyncset.done $0x0;
	(pc) =	sbr.rel @p1 .LBB2_2-.Ltmp0, $4  }
0x88: {  	s20 =	sadd.s32 $0x1480, s20;
	[sflag:s13] =	ssyncadd.s32 $0xFFFFC000  }
0x89: {  	[spmem:s1] =	stream.indirect.scatter.add.f32 [tilespmem:s7], [sflag:$0x4], $0x80, s20, s5, $0xb8;
	[tilespmem:$0x1E800] =	vst v63  }
0x8a: {  	_ =	swait.ge [sflag:s15], $0x4000  }
0x8b: {  	s21 =	smov.u32 s25;
	s20 =	sshra.s32 s24, $0x2;
	[sflag:s15] =	ssyncset.done $0x0  }
0x8c: {  	s21 =	sadd.s32 $0x80, s20;
	[sflag:s15] =	ssyncadd.s32 $0xFFFFC000  }
0x8d: {  	[tilespmem:s7], [sflag:$0x2] =	stream.indirect.gather [hbm4b:s4+s5], $0x80, s21, s5, $0xb8;
	[tilespmem:$0x1E800] =	vst v63  }
0x8e: {  	_ =	swait.ge [sflag:s9], $0x4000  }
0x8f: {  	[sflag:s9] =	ssyncset.done $0x0  }
0x90: {  	s25 =	sadd.s32 $0x1400, s20;
	[sflag:s9] =	ssyncadd.s32 $0xFFFFC000  }
0x91: {  	[spmem:s1] =	stream.indirect.scatter.add.f32 [tilespmem:s0], [sflag:$0x3], $0x80, s25, s5, $0xb8;
	[tilespmem:$0x1E800] =	vst v63  }
0x92: {  	_ =	swait.ge [sflag:s11], $0x4000  }
0x93: {  	[sflag:s11] =	ssyncset.done $0x0  }
0x94: {  	s23 =	sadd.s32 $0x100, s20;
	[sflag:s11] =	ssyncadd.s32 $0xFFFFC000  }
0x95: {  	[tilespmem:s0], [sflag:$0x1] =	stream.indirect.gather [hbm4b:s4+s5], $0x80, s23, s5, $0xb8;
	[tilespmem:$0x1E800] =	vst v63  }
0x96: {  	_ =	swait.ge [sflag:s13], $0x4000  }
0x97: {  	[sflag:s13] =	ssyncset.done $0x0  }
0x98: {  	s24 =	sadd.s32 $0x1480, s20;
	[sflag:s13] =	ssyncadd.s32 $0xFFFFC000  }
0x99: {  	[spmem:s1] =	stream.indirect.scatter.add.f32 [tilespmem:s7], [sflag:$0x4], $0x80, s24, s5, $0xb8;
	[tilespmem:$0x1E800] =	vst v63  }
0x9a: {  	_ =	swait.ge [sflag:s15], $0x4000  }
0x9b: {  	[sflag:s15] =	ssyncset.done $0x0  }
0x9c: {  	[sflag:s15] =	ssyncadd.s32 $0xFFFFC000  }
0x9d: {  	[tilespmem:s7], [sflag:$0x2] =	stream.indirect.gather [hbm4b:s4+s5], $0x80, s17, s5, $0xb8;
	[tilespmem:$0x1E800] =	vst v63  }
0x9e: {  	_ =	swait.ge [sflag:s9], $0x4000  }
0x9f: {  	[sflag:s9] =	ssyncset.done $0x0  }
0xa0: {  	[sflag:s9] =	ssyncadd.s32 $0xFFFFC000  }
0xa1: {  	[spmem:s1] =	stream.indirect.scatter.add.f32 [tilespmem:s0], [sflag:$0x3], $0x80, s18, s5, $0xb8;
	[tilespmem:$0x1E800] =	vst v63  }
0xa2: {  	_ =	swait.ge [sflag:s11], $0x4000  }
0xa3: {  	[sflag:s11] =	ssyncset.done $0x0  }
0xa4: {  	[sflag:s11] =	ssyncadd.s32 $0xFFFFC000  }
0xa5: {  	_ =	swait.ge [sflag:s13], $0x4000  }
0xa6: {  	[sflag:s13] =	ssyncset.done $0x0  }
0xa7: {  	[sflag:s13] =	ssyncadd.s32 $0xFFFFC000  }
0xa8: {  	[spmem:s1] =	stream.indirect.scatter.add.f32 [tilespmem:s7], [sflag:$0x4], $0x80, s14, s5, $0xb8;
	[tilespmem:$0x1E800] =	vst v63  }
0xa9: {  	_ =	swait.ge [sflag:s15], $0x4000  }
0xaa: {  	[sflag:s15] =	ssyncset.done $0x0  }
0xab: {  	s25 =	simm.s32 $0x0;
	[sflag:s15] =	ssyncadd.s32 $0xFFFFC000  }
0xac: {  	[tilespmem:s25], [sflag:$0x5] =	stream.linear.gather [hbm4b:s29+s25], $0x1400, $0x38;
	[tilespmem:$0x1E800] =	vst v63  }
0xad: {  	_ =	swait.ge [sflag:s31], $0x1400  }
0xae: {  	[sflag:s31] =	ssyncset.done $0x0  }
0xaf: {  	[sflag:s31] =	ssyncadd.s32 $0xFFFFEC00  }
0xb0: {  	[tilespmem:s2], [sflag:$0x5] =	stream.linear.gather [hbm4b:s30+s25], $0x1400, $0x38;
	[tilespmem:$0x1E800] =	vst v63  }
0xb1: {  	_ =	swait.ge [sflag:s31], $0x1400  }
0xb2: {  	[sflag:s31] =	ssyncset.done $0x0  }
0xb3: {  	[sflag:s31] =	ssyncadd.s32 $0xFFFFEC00  }
0xb4: {  	[tilespmem:s0], [sflag:$0x1] =	stream.indirect.gather [hbm4b:s4+s5], $0x80, s25, s5, $0xb8;
	[tilespmem:$0x1E800] =	vst v63  }
0xb5: {  	s21 =	simm.s32 $0x80  }
0xb6: {  	[tilespmem:s7], [sflag:$0x2] =	stream.indirect.gather [hbm4b:s4+s5], $0x80, s21, s5, $0xb8;
	[tilespmem:$0x1E800] =	vst v63  }
0xb7: {  	_ =	swait.ge [sflag:s9], $0x4000  }
0xb8: {  	[sflag:s9] =	ssyncset.done $0x0  }
0xb9: {  	s23 =	simm.s32 $0x1400;
	[sflag:s9] =	ssyncadd.s32 $0xFFFFC000  }
0xba: {  	[spmem:s1] =	stream.indirect.scatter.add.f32 [tilespmem:s0], [sflag:$0x3], $0x80, s23, s5, $0xb8;
	[tilespmem:$0x1E800] =	vst v63  }
0xbb: {  	_ =	swait.ge [sflag:s11], $0x4000  }
0xbc: {  	[sflag:s11] =	ssyncset.done $0x0  }
0xbd: {  	s24 =	simm.s32 $0x100;
	[sflag:s11] =	ssyncadd.s32 $0xFFFFC000  }
0xbe: {  	[tilespmem:s0], [sflag:$0x1] =	stream.indirect.gather [hbm4b:s4+s5], $0x80, s24, s5, $0xb8;
	[tilespmem:$0x1E800] =	vst v63  }
0xbf: {  	_ =	swait.ge [sflag:s13], $0x4000  }
0xc0: {  	[sflag:s13] =	ssyncset.done $0x0  }
0xc1: {  	s25 =	simm.s32 $0x1480;
	[sflag:s13] =	ssyncadd.s32 $0xFFFFC000  }
0xc2: {  	[spmem:s1] =	stream.indirect.scatter.add.f32 [tilespmem:s7], [sflag:$0x4], $0x80, s25, s5, $0xb8;
	[tilespmem:$0x1E800] =	vst v63  }
0xc3: {  	_ =	swait.ge [sflag:s15], $0x4000  }
0xc4: {  	s20 =	simm.s32 $0x100;
	s21 =	simm.s32 $0x800;
	[sflag:s15] =	ssyncset.done $0x0  }
.LBB2_4:
0xc5: {  	s23 =	sadd.s32 $0x80, s20  }
0xc6: {  	[sflag:s15] =	ssyncadd.s32 $0xFFFFC000;
	s24 =	smov.u32 s21;
	s25 =	sadd.s32 $0x400, s21  }
0xc7: {  	[tilespmem:s7], [sflag:$0x2] =	stream.indirect.gather [hbm4b:s4+s5], $0x80, s23, s5, $0xb8;
	[tilespmem:$0x1E800] =	vst v63  }
0xc8: {  	p1 =	sne.s32 s21, $0x4800;
	_ =	swait.ge [sflag:s9], $0x4000  }
0xc9: {  	[sflag:s9] =	ssyncset.done $0x0  }
0xca: {  	s21 =	sadd.s32 $0x1400, s20;
	[sflag:s9] =	ssyncadd.s32 $0xFFFFC000  }
0xcb: {  	[spmem:s1] =	stream.indirect.scatter.add.f32 [tilespmem:s0], [sflag:$0x3], $0x80, s21, s5, $0xb8;
	[tilespmem:$0x1E800] =	vst v63  }
0xcc: {  	_ =	swait.ge [sflag:s11], $0x4000  }
0xcd: {  	[sflag:s11] =	ssyncset.done $0x0  }
0xce: {  	s21 =	sadd.s32 $0x100, s20;
	[sflag:s11] =	ssyncadd.s32 $0xFFFFC000  }
0xcf: {  	[tilespmem:s0], [sflag:$0x1] =	stream.indirect.gather [hbm4b:s4+s5], $0x80, s21, s5, $0xb8;
	[tilespmem:$0x1E800] =	vst v63  }
0xd0: {  	_ =	swait.ge [sflag:s13], $0x4000  }
.Ltmp1:
0xd1: {  	[sflag:s13] =	ssyncset.done $0x0;
	(pc) =	sbr.rel @p1 .LBB2_4-.Ltmp1, $4  }
0xd2: {  	s20 =	sadd.s32 $0x1480, s20;
	[sflag:s13] =	ssyncadd.s32 $0xFFFFC000  }
0xd3: {  	[spmem:s1] =	stream.indirect.scatter.add.f32 [tilespmem:s7], [sflag:$0x4], $0x80, s20, s5, $0xb8;
	[tilespmem:$0x1E800] =	vst v63  }
0xd4: {  	_ =	swait.ge [sflag:s15], $0x4000  }
0xd5: {  	s21 =	smov.u32 s25;
	s20 =	sshra.s32 s24, $0x2;
	[sflag:s15] =	ssyncset.done $0x0  }
0xd6: {  	s21 =	sadd.s32 $0x80, s20;
	[sflag:s15] =	ssyncadd.s32 $0xFFFFC000  }
0xd7: {  	[tilespmem:s7], [sflag:$0x2] =	stream.indirect.gather [hbm4b:s4+s5], $0x80, s21, s5, $0xb8;
	[tilespmem:$0x1E800] =	vst v63  }
0xd8: {  	_ =	swait.ge [sflag:s9], $0x4000  }
0xd9: {  	[sflag:s9] =	ssyncset.done $0x0  }
0xda: {  	s24 =	sadd.s32 $0x1400, s20;
	[sflag:s9] =	ssyncadd.s32 $0xFFFFC000  }
0xdb: {  	[spmem:s1] =	stream.indirect.scatter.add.f32 [tilespmem:s0], [sflag:$0x3], $0x80, s24, s5, $0xb8;
	[tilespmem:$0x1E800] =	vst v63  }
0xdc: {  	_ =	swait.ge [sflag:s11], $0x4000  }
0xdd: {  	[sflag:s11] =	ssyncset.done $0x0  }
0xde: {  	s25 =	sadd.s32 $0x100, s20;
	[sflag:s11] =	ssyncadd.s32 $0xFFFFC000  }
0xdf: {  	[tilespmem:s0], [sflag:$0x1] =	stream.indirect.gather [hbm4b:s4+s5], $0x80, s25, s5, $0xb8;
	[tilespmem:$0x1E800] =	vst v63  }
0xe0: {  	_ =	swait.ge [sflag:s13], $0x4000  }
0xe1: {  	[sflag:s13] =	ssyncset.done $0x0  }
0xe2: {  	s21 =	sadd.s32 $0x1480, s20;
	[sflag:s13] =	ssyncadd.s32 $0xFFFFC000  }
0xe3: {  	[spmem:s1] =	stream.indirect.scatter.add.f32 [tilespmem:s7], [sflag:$0x4], $0x80, s21, s5, $0xb8;
	[tilespmem:$0x1E800] =	vst v63  }
0xe4: {  	_ =	swait.ge [sflag:s15], $0x4000  }
0xe5: {  	[sflag:s15] =	ssyncset.done $0x0  }
0xe6: {  	[sflag:s15] =	ssyncadd.s32 $0xFFFFC000  }
0xe7: {  	[tilespmem:s7], [sflag:$0x2] =	stream.indirect.gather [hbm4b:s4+s5], $0x80, s17, s5, $0xb8;
	[tilespmem:$0x1E800] =	vst v63  }
0xe8: {  	_ =	swait.ge [sflag:s9], $0x4000  }
0xe9: {  	[sflag:s9] =	ssyncset.done $0x0  }
0xea: {  	[sflag:s9] =	ssyncadd.s32 $0xFFFFC000  }
0xeb: {  	[spmem:s1] =	stream.indirect.scatter.add.f32 [tilespmem:s0], [sflag:$0x3], $0x80, s18, s5, $0xb8;
	[tilespmem:$0x1E800] =	vst v63  }
0xec: {  	_ =	swait.ge [sflag:s11], $0x4000  }
0xed: {  	[sflag:s11] =	ssyncset.done $0x0  }
0xee: {  	[sflag:s11] =	ssyncadd.s32 $0xFFFFC000  }
0xef: {  	_ =	swait.ge [sflag:s13], $0x4000  }
0xf0: {  	[sflag:s13] =	ssyncset.done $0x0  }
0xf1: {  	[sflag:s13] =	ssyncadd.s32 $0xFFFFC000  }
0xf2: {  	[spmem:s1] =	stream.indirect.scatter.add.f32 [tilespmem:s7], [sflag:$0x4], $0x80, s14, s5, $0xb8;
	[tilespmem:$0x1E800] =	vst v63  }
0xf3: {  	_ =	swait.ge [sflag:s15], $0x4000  }
0xf4: {  	[sflag:s15] =	ssyncset.done $0x0  }
0xf5: {  	[sflag:s15] =	ssyncadd.s32 $0xFFFFC000  }
0xf6: {  	[bflag:$0x0] =	sbarrier.arrive $0xFFFF  }
0xf7: {  	[tilespmem:s0], [sflag:$0x5] =	stream.linear.gather [spmem:s6], $0x4000, $0x38;
	[tilespmem:$0x1E800] =	vst v63  }
0xf8: {  	_ =	swait.ge [sflag:s31], $0x4000  }
0xf9: {  	[sflag:s31] =	ssyncset.done $0x0  }
0xfa: {  	s23 =	rddreg [dreg:$0xb];
	[sflag:s31] =	ssyncadd.s32 $0xFFFFC000  }
0xfb: {  	[hbm4b:s23+s3] =	stream.linear.scatter [tilespmem:s0], [sflag:$0x5], $0x4000, $0x38;
	[tilespmem:$0x1E800] =	vst v63  }
0xfc: {  	_ =	swait.ge [sflag:s31], $0x4000  }
0xfd: {  	[sflag:s31] =	ssyncset.done $0x0  }
0xfe: {  	[sflag:s31] =	ssyncadd.s32 $0xFFFFC000  }
0xff: {  	[tilespmem:s0], [sflag:$0x5] =	stream.linear.gather [spmem:s8], $0x4000, $0x38;
	[tilespmem:$0x1E800] =	vst v63  }
0x100: {  	_ =	swait.ge [sflag:s31], $0x4000  }
0x101: {  	[sflag:s31] =	ssyncset.done $0x0  }
0x102: {  	s24 =	rddreg [dreg:$0xc];
	[sflag:s31] =	ssyncadd.s32 $0xFFFFC000  }
0x103: {  	[hbm4b:s24+s3] =	stream.linear.scatter [tilespmem:s0], [sflag:$0x5], $0x4000, $0x38;
	[tilespmem:$0x1E800] =	vst v63  }
0x104: {  	_ =	swait.ge [sflag:s31], $0x4000  }
0x105: {  	[sflag:s31] =	ssyncset.done $0x0  }
0x106: {  	[sflag:s31] =	ssyncadd.s32 $0xFFFFC000  }
0x107: {  	[tilespmem:s0], [sflag:$0x5] =	stream.linear.gather [spmem:s10], $0x4000, $0x38;
	[tilespmem:$0x1E800] =	vst v63  }
0x108: {  	_ =	swait.ge [sflag:s31], $0x4000  }
0x109: {  	[sflag:s31] =	ssyncset.done $0x0  }
0x10a: {  	s25 =	rddreg [dreg:$0xd];
	[sflag:s31] =	ssyncadd.s32 $0xFFFFC000  }
0x10b: {  	[hbm4b:s25+s3] =	stream.linear.scatter [tilespmem:s0], [sflag:$0x5], $0x4000, $0x38;
	[tilespmem:$0x1E800] =	vst v63  }
0x10c: {  	_ =	swait.ge [sflag:s31], $0x4000  }
0x10d: {  	[sflag:s31] =	ssyncset.done $0x0  }
0x10e: {  	[sflag:s31] =	ssyncadd.s32 $0xFFFFC000  }
0x10f: {  	[tilespmem:s0], [sflag:$0x5] =	stream.linear.gather [spmem:s12], $0x4000, $0x38;
	[tilespmem:$0x1E800] =	vst v63  }
0x110: {  	_ =	swait.ge [sflag:s31], $0x4000  }
0x111: {  	[sflag:s31] =	ssyncset.done $0x0  }
0x112: {  	s21 =	rddreg [dreg:$0xe];
	[sflag:s31] =	ssyncadd.s32 $0xFFFFC000  }
0x113: {  	[hbm4b:s21+s3] =	stream.linear.scatter [tilespmem:s0], [sflag:$0x5], $0x4000, $0x38;
	[tilespmem:$0x1E800] =	vst v63  }
0x114: {  	_ =	swait.ge [sflag:s31], $0x4000  }
0x115: {  	[sflag:s31] =	ssyncset.done $0x0  }
0x116: {  	s23 =	rddreg [dreg:$0x9];
	[sflag:s31] =	ssyncadd.s32 $0xFFFFC000  }
0x117: {  	[tilespmem:s0], [sflag:$0x5] =	stream.linear.gather [spmem:s23], $0x4000, $0x38;
	[tilespmem:$0x1E800] =	vst v63  }
0x118: {  	_ =	swait.ge [sflag:s31], $0x4000  }
0x119: {  	[sflag:s31] =	ssyncset.done $0x0  }
0x11a: {  	s24 =	rddreg [dreg:$0xf];
	[sflag:s31] =	ssyncadd.s32 $0xFFFFC000  }
0x11b: {  	[hbm4b:s24+s3] =	stream.linear.scatter [tilespmem:s0], [sflag:$0x5], $0x4000, $0x38;
	[tilespmem:$0x1E800] =	vst v63  }
0x11c: {  	_ =	swait.ge [sflag:s31], $0x4000  }
0x11d: {  	s19 =	sadd.s32 $0x1, s19;
	s25 =	rddreg [dreg:$0x12]  }
0x11e: {  	p1 =	sne.s32 s19, s25  }
.Ltmp2:
0x11f: {  	_ = 	snop;
	(pc) =	sbr.rel @p1 .LBB2_1-.Ltmp2, $3  }
0x120: {  	_ =	sdelay $0x1  }
0x121: {  	[sflag:s31] =	ssyncset.done $0x0  }
0x122: {  	[sflag:s31] =	ssyncadd.s32 $0xFFFFC000  }
0x123: {  	_ =	sfence.sel $0x180000  }
0x124: {  	[bflag:$0x0] =	sbarrier.arrive $0xFFFF  }
0x125: {  	_ =	strace $0x9000004A  }
0x126: {  	s0 =	stileid.u32;
	[bflag:$0x2] =	sbarrier.arrive $0xFFFF  }
0x127: {  	p0 =	sne.s32 s0, $0x0;
	s0 =	rddreg [dreg:$0x3]  }
0x128: {  	s0 =	sadd.s32 @!p0 $0x100000, s0  }
0x129: {  	[sflag:s0] =	ssyncadd.tile.s32 @!p0 $0x1;
	_ =	shalt  }
.Lfunc_end2:
_tile_overlayer_lowered:
.L_overlay_start_2:
0x12a: {  	(tag) =	ssettag $0x2  }
0x12b: {  	s0 =	rddreg [dreg:$0x0];
	s2 =	stileid.u32  }
0x12c: {  	s1 =	rddreg [dreg:$0x1];
	p0 =	sne.s32 s2, $0x0  }
0x12d: {  	s3 =	rddreg [dreg:$0x2];
	[bflag:$0x3] =	sbarrier.arrive $0xFFFF;
	s2 =	simm.s32 @!p0 $0x1C05  }
0x12e: {  	[timem:s3], [sflag:s2] =	dma.local @!p0 [hbm:s0], s1  }
0x12f: {  	s0 =	simm.s32 @!p0 $0x5  }
0x130: {  	_ =	swait.ge @!p0 [sflag:s0], s1  }
0x131: {  	s1 =	ssub.s32 @!p0 $0x0, s1;
	[sflag:s0] =	ssyncset.done @!p0 $0x0  }
0x132: {  	[sflag:s0] =	ssyncadd.s32 @!p0 s1  }
0x133: {  	[bflag:$0x3] =	sbarrier.arrive $0xFFFF  }
0x134: {  	_ =	shalt  }

</sc_bundles>
